<compile_context>
chip_gen: v7x
topology: tpu7x:2x2x1
jax: 0.10.2.dev20260603
libtpu: 0.0.44.dev20260713+nightly
codegen_flags: <defaults>
</compile_context>

<pallas_src>
import jax
import jax.numpy as jnp
import numpy as np
from jax import lax
from jax.experimental import pallas as pl
from jax.experimental.pallas import tpu as pltpu
from jax.experimental.pallas import tpu_sc as plsc

B, R, G, D = 4, 8, 10000, 128
DP = D
NC, NS, L = 2, 16, 16
NW = NC * NS
CG = 50
CHUNKS_PER_B = G // CG
CHUNKS = B * CHUNKS_PER_B
BASE_CHUNKS = CHUNKS // NW
EXTRA = CHUNKS % NW
PAIRS = (BASE_CHUNKS + 2) // 2
UNROLL = 1


def _chunk_coords(c):
    b = c // CHUNKS_PER_B
    g0 = (c % CHUNKS_PER_B) * CG
    return b, g0


def _issue_in(x_hbm, c, buf, sem):
    b, g0 = _chunk_coords(c)
    for r in range(R):
        pltpu.async_copy(
            x_hbm.at[b, r, pl.ds(g0, CG)], buf.at[r, :, pl.ds(0, D)], sem
        )


def _wait_in(x_hbm, c, buf, sem):
    b, g0 = _chunk_coords(c)
    for r in range(R):
        pltpu.make_async_copy(
            x_hbm.at[b, r, pl.ds(g0, CG)], buf.at[r, :, pl.ds(0, D)], sem
        ).wait()


def _out_copy(out_hbm, c, outbuf, sem):
    b, g0 = _chunk_coords(c)
    return pltpu.make_async_copy(
        outbuf.at[:, pl.ds(0, D)], out_hbm.at[b, pl.ds(g0, CG)], sem
    )


def _compute_chunk(buf, outbuf):
    lane_xor = [lax.iota(jnp.int32, L) ^ off for off in (8, 4, 2, 1)]

    @plsc.parallel_loop(0, CG, 1, unroll=UNROLL)
    def g_body(g):
        best = jnp.full((L,), -1.0, jnp.float32)
        best_r = jnp.zeros((L,), jnp.int32)
        for r in range(R):
            q = []
            for k in range(D // L):
                v = buf[r, g, pl.ds(k * L, L)]
                q.append(v * v)
            a = [q[k] + q[k + 4] for k in range(4)]
            b = [a[k] + a[k + 2] for k in range(2)]
            c = b[0] + b[1]
            for idx in lane_xor:
                c = c + c.at[idx].get(mode="promise_in_bounds")
            upd = c > best
            best = jnp.where(upd, c, best)
            best_r = jnp.where(upd, jnp.full((L,), r, jnp.int32), best_r)
        w = best_r[0]
        for k in range(D // L):
            outbuf[g, pl.ds(k * L, L)] = buf[w, g, pl.ds(k * L, L)]


def _body(x_hbm, out_hbm, buf0, buf1, outbuf0, outbuf1,
          sem_i0, sem_i1, sem_o0, sem_o1):
    wid = lax.axis_index("s") * NC + lax.axis_index("c")
    n = jnp.where(wid < EXTRA, BASE_CHUNKS + 1, BASE_CHUNKS)

    _issue_in(x_hbm, wid, buf0, sem_i0)

    def pair_body(k, carry):
        c0 = wid + (2 * k) * NW
        c1 = wid + (2 * k + 1) * NW

        _wait_in(x_hbm, c0, buf0, sem_i0)

        @pl.when(2 * k + 1 < n)
        def _():
            _issue_in(x_hbm, c1, buf1, sem_i1)

        @pl.when(k >= 1)
        def _():
            _out_copy(out_hbm, c0 - 2 * NW, outbuf0, sem_o0).wait()

        _compute_chunk(buf0, outbuf0)
        _out_copy(out_hbm, c0, outbuf0, sem_o0).start()

        @pl.when(2 * k + 1 < n)
        def _():
            _wait_in(x_hbm, c1, buf1, sem_i1)

            @pl.when(2 * k + 2 < n)
            def _():
                _issue_in(x_hbm, c1 + NW, buf0, sem_i0)

            @pl.when(k >= 1)
            def _():
                _out_copy(out_hbm, c1 - 2 * NW, outbuf1, sem_o1).wait()

            _compute_chunk(buf1, outbuf1)
            _out_copy(out_hbm, c1, outbuf1, sem_o1).start()

        return carry

    lax.fori_loop(0, PAIRS, pair_body, 0)

    _out_copy(out_hbm, wid, outbuf0, sem_o0).wait()
    _out_copy(out_hbm, wid, outbuf1, sem_o1).wait()


@jax.jit
def kernel(inputs):
    mesh = plsc.VectorSubcoreMesh(core_axis_name="c", subcore_axis_name="s")
    f = pl.kernel(
        _body,
        out_type=jax.ShapeDtypeStruct((B, G, D), jnp.float32),
        mesh=mesh,
        scratch_types=[
            pltpu.VMEM((R, CG, DP), jnp.float32),
            pltpu.VMEM((R, CG, DP), jnp.float32),
            pltpu.VMEM((CG, DP), jnp.float32),
            pltpu.VMEM((CG, DP), jnp.float32),
            pltpu.SemaphoreType.DMA,
            pltpu.SemaphoreType.DMA,
            pltpu.SemaphoreType.DMA,
            pltpu.SemaphoreType.DMA,
        ],
        compiler_params=pltpu.CompilerParams(
            use_tc_tiling_on_sc=False, needs_layout_passes=False
        ),
    )
    return f(inputs)

# --- scband reference (transcript-rebuilt; emitter-appended) ---
"""Pipeline reference for scband-angular-max-pooling-74749610819722 (READ-ONLY COPY).

The authoritative reference and input builder live on the scoring server;
editing this copy changes nothing except your own understanding.
"""

import jax, jax.numpy as jnp
import numpy as np


def setup_inputs(seed: int = 0) -> dict:
    key = jax.random.key(seed)
    inputs = jax.random.normal(key, (4, 8, 10000, 128), dtype=jnp.float32)
    return {"inputs": inputs}


def reference(inputs):
    # rotation_norms: euclidean norm over feature axis -> [B, R, G]
    rotation_norms = jnp.linalg.norm(inputs, axis=-1)
    # winner rotation per (batch, gpc_system): argmax over rotation axis -> [B, G]
    winner_rotation = jnp.argmax(rotation_norms, axis=1).astype(jnp.int32)
    # gather inputs[b, winner[b, g], g, :] -> [B, G, D]
    gathered = jnp.take_along_axis(
        inputs, winner_rotation[:, None, :, None].astype(jnp.int64), axis=1
    )
    return gathered.squeeze(axis=1)

if __name__ == "__main__":
    import jax
    _d = setup_inputs()
    print(jax.jit(kernel)(*tuple(_d.values())))

</pallas_src>

<mosaic_0001>
#map = affine_map<(d0, d1) -> (0, 0, 0, 0)>
#map1 = affine_map<(d0, d1) -> (0, 0, 0)>
module attributes {stable_mosaic.version = 14 : i64} {
  func.func @_body(%arg0: i32, %arg1: i32, %arg2: memref<4x8x10000x128xf32, #tpu.memory_space<hbm>>, %arg3: memref<4x10000x128xf32, #tpu.memory_space<hbm>>, %arg4: memref<8x50x128xf32, #tpu.memory_space<vmem>>, %arg5: memref<8x50x128xf32, #tpu.memory_space<vmem>>, %arg6: memref<50x128xf32, #tpu.memory_space<vmem>>, %arg7: memref<50x128xf32, #tpu.memory_space<vmem>>, %arg8: memref<!tpu.dma_semaphore, #tpu.memory_space<semaphore_mem>>, %arg9: memref<!tpu.dma_semaphore, #tpu.memory_space<semaphore_mem>>, %arg10: memref<!tpu.dma_semaphore, #tpu.memory_space<semaphore_mem>>, %arg11: memref<!tpu.dma_semaphore, #tpu.memory_space<semaphore_mem>>) attributes {dimension_semantics = [#tpu.dimension_semantics<core_parallel>, #tpu.dimension_semantics<subcore_parallel>], iteration_bounds = array<i64: 2, 16>, scalar_prefetch = 0 : i64, scratch_operands = 8 : i64, tpu.core_type = #tpu.core_type<sc_vector_subcore>, window_params = [{transform_indices = #map}, {transform_indices = #map1}]} {
    %mul3A = arith.constant 2 : i32
    %mul3A_0 = arith.muli %arg1, %mul3A : i32
    %add3A = arith.addi %mul3A_0, %arg0 : i32
    %lt3A = arith.constant 0 : i32
    %lt3A_1 = arith.cmpi slt, %add3A, %lt3A : i32
    %jit3A = arith.constant 26 : i32
    %jit3A_2 = arith.constant 25 : i32
    %select_n3A = arith.select %lt3A_1, %jit3A, %jit3A_2 : i32
    %jit3A_3 = arith.constant 200 : i32
    %div3A = arith.divsi %add3A, %jit3A_3 : i32
    %sign3A = arith.constant 0 : i32
    %sign3A_4 = arith.cmpi sgt, %add3A, %sign3A : i32
    %sign3A_5 = arith.extui %sign3A_4 : i1 to i32
    %sign3A_6 = arith.constant 0 : i32
    %sign3A_7 = arith.cmpi slt, %add3A, %sign3A_6 : i32
    %sign3A_8 = arith.extui %sign3A_7 : i1 to i32
    %sign3A_9 = arith.subi %sign3A_5, %sign3A_8 : i32
    %sign3A_10 = arith.constant 0 : i32
    %sign3A_11 = arith.cmpi sgt, %jit3A_3, %sign3A_10 : i32
    %sign3A_12 = arith.extui %sign3A_11 : i1 to i32
    %sign3A_13 = arith.constant 0 : i32
    %sign3A_14 = arith.cmpi slt, %jit3A_3, %sign3A_13 : i32
    %sign3A_15 = arith.extui %sign3A_14 : i1 to i32
    %sign3A_16 = arith.subi %sign3A_12, %sign3A_15 : i32
    %ne3A = arith.cmpi ne, %sign3A_9, %sign3A_16 : i32
    %rem3A = arith.remsi %add3A, %jit3A_3 : i32
    %ne3A_17 = arith.constant 0 : i32
    %ne3A_18 = arith.cmpi ne, %rem3A, %ne3A_17 : i32
    %and3A = arith.andi %ne3A, %ne3A_18 : i1
    %sub3A = arith.constant 1 : i32
    %sub3A_19 = arith.subi %div3A, %sub3A : i32
    %select_n3A_20 = arith.select %and3A, %sub3A_19, %div3A : i32
    %jit3A_21 = arith.constant 200 : i32
    %eq3A = arith.constant 0 : i32
    %eq3A_22 = arith.cmpi eq, %jit3A_21, %eq3A : i32
    %jit3A_23 = arith.constant 1 : i32
    %select_n3A_24 = arith.select %eq3A_22, %jit3A_23, %jit3A_21 : i32
    %rem3A_25 = arith.remsi %add3A, %select_n3A_24 : i32
    %ne3A_26 = arith.constant 0 : i32
    %ne3A_27 = arith.cmpi ne, %rem3A_25, %ne3A_26 : i32
    %lt3A_28 = arith.constant 0 : i32
    %lt3A_29 = arith.cmpi slt, %rem3A_25, %lt3A_28 : i32
    %lt3A_30 = arith.constant 0 : i32
    %lt3A_31 = arith.cmpi slt, %select_n3A_24, %lt3A_30 : i32
    %ne3A_32 = arith.xori %lt3A_29, %lt3A_31 : i1
    %and3A_33 = arith.andi %ne3A_32, %ne3A_27 : i1
    %add3A_34 = arith.addi %rem3A_25, %select_n3A_24 : i32
    %select_n3A_35 = arith.select %and3A_33, %add3A_34, %rem3A_25 : i32
    %mul3A_36 = arith.constant 50 : i32
    %mul3A_37 = arith.muli %select_n3A_35, %mul3A_36 : i32
    %dma_start3A = arith.constant 0 : i32
    %dma_start3A_38 = arith.constant 0 : i32
    %dma_start3A_39 = arith.constant 0 : i32
    %dma_start3A_40 = arith.constant 0 : i32
    %dma_start3A_41 = tpu.memref_slice %arg4[%dma_start3A_38, %dma_start3A_39, %dma_start3A_40] : memref<8x50x128xf32, #tpu.memory_space<vmem>> -> memref<1x50x128xf32, #tpu.memory_space<vmem>>
    %dma_start3A_42 = tpu.memref_squeeze %dma_start3A_41 : memref<1x50x128xf32, #tpu.memory_space<vmem>> -> memref<50x128xf32, #tpu.memory_space<vmem>>
    %dma_start3A_43 = arith.constant 0 : i32
    %dma_start3A_44 = tpu.memref_slice %arg2[%select_n3A_20, %dma_start3A, %mul3A_37, %dma_start3A_43] : memref<4x8x10000x128xf32, #tpu.memory_space<hbm>> -> memref<1x1x50x128xf32, #tpu.memory_space<hbm>>
    %dma_start3A_45 = tpu.memref_squeeze %dma_start3A_44 : memref<1x1x50x128xf32, #tpu.memory_space<hbm>> -> memref<50x128xf32, #tpu.memory_space<hbm>>
    %dma_start3A_46 = arith.constant 0 : i32
    %dma_start3A_47 = arith.constant 0 : i32
    %dma_start3A_48 = tpu.memref_slice %arg4[%dma_start3A_38, %dma_start3A_46, %dma_start3A_47] : memref<8x50x128xf32, #tpu.memory_space<vmem>> -> memref<1x50x128xf32, #tpu.memory_space<vmem>>
    %dma_start3A_49 = tpu.memref_squeeze %dma_start3A_48 : memref<1x50x128xf32, #tpu.memory_space<vmem>> -> memref<50x128xf32, #tpu.memory_space<vmem>>
    %dma_start3A_50 = arith.constant 0 : i32
    %dma_start3A_51 = tpu.memref_slice %arg2[%select_n3A_20, %dma_start3A, %mul3A_37, %dma_start3A_50] : memref<4x8x10000x128xf32, #tpu.memory_space<hbm>> -> memref<1x1x50x128xf32, #tpu.memory_space<hbm>>
    %dma_start3A_52 = tpu.memref_squeeze %dma_start3A_51 : memref<1x1x50x128xf32, #tpu.memory_space<hbm>> -> memref<50x128xf32, #tpu.memory_space<hbm>>
    tpu.enqueue_dma source(%dma_start3A_52 : memref<50x128xf32, #tpu.memory_space<hbm>>) target(%dma_start3A_49 : memref<50x128xf32, #tpu.memory_space<vmem>>) target_semaphore(%arg8 : memref<!tpu.dma_semaphore, #tpu.memory_space<semaphore_mem>>)
    %dma_start3A_53 = arith.constant 1 : i32
    %dma_start3A_54 = arith.constant 1 : i32
    %dma_start3A_55 = arith.constant 0 : i32
    %dma_start3A_56 = arith.constant 0 : i32
    %dma_start3A_57 = tpu.memref_slice %arg4[%dma_start3A_54, %dma_start3A_55, %dma_start3A_56] : memref<8x50x128xf32, #tpu.memory_space<vmem>> -> memref<1x50x128xf32, #tpu.memory_space<vmem>>
    %dma_start3A_58 = tpu.memref_squeeze %dma_start3A_57 : memref<1x50x128xf32, #tpu.memory_space<vmem>> -> memref<50x128xf32, #tpu.memory_space<vmem>>
    %dma_start3A_59 = arith.constant 0 : i32
    %dma_start3A_60 = tpu.memref_slice %arg2[%select_n3A_20, %dma_start3A_53, %mul3A_37, %dma_start3A_59] : memref<4x8x10000x128xf32, #tpu.memory_space<hbm>> -> memref<1x1x50x128xf32, #tpu.memory_space<hbm>>
    %dma_start3A_61 = tpu.memref_squeeze %dma_start3A_60 : memref<1x1x50x128xf32, #tpu.memory_space<hbm>> -> memref<50x128xf32, #tpu.memory_space<hbm>>
    %dma_start3A_62 = arith.constant 0 : i32
    %dma_start3A_63 = arith.constant 0 : i32
    %dma_start3A_64 = tpu.memref_slice %arg4[%dma_start3A_54, %dma_start3A_62, %dma_start3A_63] : memref<8x50x128xf32, #tpu.memory_space<vmem>> -> memref<1x50x128xf32, #tpu.memory_space<vmem>>
    %dma_start3A_65 = tpu.memref_squeeze %dma_start3A_64 : memref<1x50x128xf32, #tpu.memory_space<vmem>> -> memref<50x128xf32, #tpu.memory_space<vmem>>
    %dma_start3A_66 = arith.constant 0 : i32
    %dma_start3A_67 = tpu.memref_slice %arg2[%select_n3A_20, %dma_start3A_53, %mul3A_37, %dma_start3A_66] : memref<4x8x10000x128xf32, #tpu.memory_space<hbm>> -> memref<1x1x50x128xf32, #tpu.memory_space<hbm>>
    %dma_start3A_68 = tpu.memref_squeeze %dma_start3A_67 : memref<1x1x50x128xf32, #tpu.memory_space<hbm>> -> memref<50x128xf32, #tpu.memory_space<hbm>>
    tpu.enqueue_dma source(%dma_start3A_68 : memref<50x128xf32, #tpu.memory_space<hbm>>) target(%dma_start3A_65 : memref<50x128xf32, #tpu.memory_space<vmem>>) target_semaphore(%arg8 : memref<!tpu.dma_semaphore, #tpu.memory_space<semaphore_mem>>)
    %dma_start3A_69 = arith.constant 2 : i32
    %dma_start3A_70 = arith.constant 2 : i32
    %dma_start3A_71 = arith.constant 0 : i32
    %dma_start3A_72 = arith.constant 0 : i32
    %dma_start3A_73 = tpu.memref_slice %arg4[%dma_start3A_70, %dma_start3A_71, %dma_start3A_72] : memref<8x50x128xf32, #tpu.memory_space<vmem>> -> memref<1x50x128xf32, #tpu.memory_space<vmem>>
    %dma_start3A_74 = tpu.memref_squeeze %dma_start3A_73 : memref<1x50x128xf32, #tpu.memory_space<vmem>> -> memref<50x128xf32, #tpu.memory_space<vmem>>
    %dma_start3A_75 = arith.constant 0 : i32
    %dma_start3A_76 = tpu.memref_slice %arg2[%select_n3A_20, %dma_start3A_69, %mul3A_37, %dma_start3A_75] : memref<4x8x10000x128xf32, #tpu.memory_space<hbm>> -> memref<1x1x50x128xf32, #tpu.memory_space<hbm>>
    %dma_start3A_77 = tpu.memref_squeeze %dma_start3A_76 : memref<1x1x50x128xf32, #tpu.memory_space<hbm>> -> memref<50x128xf32, #tpu.memory_space<hbm>>
    %dma_start3A_78 = arith.constant 0 : i32
    %dma_start3A_79 = arith.constant 0 : i32
    %dma_start3A_80 = tpu.memref_slice %arg4[%dma_start3A_70, %dma_start3A_78, %dma_start3A_79] : memref<8x50x128xf32, #tpu.memory_space<vmem>> -> memref<1x50x128xf32, #tpu.memory_space<vmem>>
    %dma_start3A_81 = tpu.memref_squeeze %dma_start3A_80 : memref<1x50x128xf32, #tpu.memory_space<vmem>> -> memref<50x128xf32, #tpu.memory_space<vmem>>
    %dma_start3A_82 = arith.constant 0 : i32
    %dma_start3A_83 = tpu.memref_slice %arg2[%select_n3A_20, %dma_start3A_69, %mul3A_37, %dma_start3A_82] : memref<4x8x10000x128xf32, #tpu.memory_space<hbm>> -> memref<1x1x50x128xf32, #tpu.memory_space<hbm>>
    %dma_start3A_84 = tpu.memref_squeeze %dma_start3A_83 : memref<1x1x50x128xf32, #tpu.memory_space<hbm>> -> memref<50x128xf32, #tpu.memory_space<hbm>>
    tpu.enqueue_dma source(%dma_start3A_84 : memref<50x128xf32, #tpu.memory_space<hbm>>) target(%dma_start3A_81 : memref<50x128xf32, #tpu.memory_space<vmem>>) target_semaphore(%arg8 : memref<!tpu.dma_semaphore, #tpu.memory_space<semaphore_mem>>)
    %dma_start3A_85 = arith.constant 3 : i32
    %dma_start3A_86 = arith.constant 3 : i32
    %dma_start3A_87 = arith.constant 0 : i32
    %dma_start3A_88 = arith.constant 0 : i32
    %dma_start3A_89 = tpu.memref_slice %arg4[%dma_start3A_86, %dma_start3A_87, %dma_start3A_88] : memref<8x50x128xf32, #tpu.memory_space<vmem>> -> memref<1x50x128xf32, #tpu.memory_space<vmem>>
    %dma_start3A_90 = tpu.memref_squeeze %dma_start3A_89 : memref<1x50x128xf32, #tpu.memory_space<vmem>> -> memref<50x128xf32, #tpu.memory_space<vmem>>
    %dma_start3A_91 = arith.constant 0 : i32
    %dma_start3A_92 = tpu.memref_slice %arg2[%select_n3A_20, %dma_start3A_85, %mul3A_37, %dma_start3A_91] : memref<4x8x10000x128xf32, #tpu.memory_space<hbm>> -> memref<1x1x50x128xf32, #tpu.memory_space<hbm>>
    %dma_start3A_93 = tpu.memref_squeeze %dma_start3A_92 : memref<1x1x50x128xf32, #tpu.memory_space<hbm>> -> memref<50x128xf32, #tpu.memory_space<hbm>>
    %dma_start3A_94 = arith.constant 0 : i32
    %dma_start3A_95 = arith.constant 0 : i32
    %dma_start3A_96 = tpu.memref_slice %arg4[%dma_start3A_86, %dma_start3A_94, %dma_start3A_95] : memref<8x50x128xf32, #tpu.memory_space<vmem>> -> memref<1x50x128xf32, #tpu.memory_space<vmem>>
    %dma_start3A_97 = tpu.memref_squeeze %dma_start3A_96 : memref<1x50x128xf32, #tpu.memory_space<vmem>> -> memref<50x128xf32, #tpu.memory_space<vmem>>
    %dma_start3A_98 = arith.constant 0 : i32
    %dma_start3A_99 = tpu.memref_slice %arg2[%select_n3A_20, %dma_start3A_85, %mul3A_37, %dma_start3A_98] : memref<4x8x10000x128xf32, #tpu.memory_space<hbm>> -> memref<1x1x50x128xf32, #tpu.memory_space<hbm>>
    %dma_start3A_100 = tpu.memref_squeeze %dma_start3A_99 : memref<1x1x50x128xf32, #tpu.memory_space<hbm>> -> memref<50x128xf32, #tpu.memory_space<hbm>>
    tpu.enqueue_dma source(%dma_start3A_100 : memref<50x128xf32, #tpu.memory_space<hbm>>) target(%dma_start3A_97 : memref<50x128xf32, #tpu.memory_space<vmem>>) target_semaphore(%arg8 : memref<!tpu.dma_semaphore, #tpu.memory_space<semaphore_mem>>)
    %dma_start3A_101 = arith.constant 4 : i32
    %dma_start3A_102 = arith.constant 4 : i32
    %dma_start3A_103 = arith.constant 0 : i32
    %dma_start3A_104 = arith.constant 0 : i32
    %dma_start3A_105 = tpu.memref_slice %arg4[%dma_start3A_102, %dma_start3A_103, %dma_start3A_104] : memref<8x50x128xf32, #tpu.memory_space<vmem>> -> memref<1x50x128xf32, #tpu.memory_space<vmem>>
    %dma_start3A_106 = tpu.memref_squeeze %dma_start3A_105 : memref<1x50x128xf32, #tpu.memory_space<vmem>> -> memref<50x128xf32, #tpu.memory_space<vmem>>
    %dma_start3A_107 = arith.constant 0 : i32
    %dma_start3A_108 = tpu.memref_slice %arg2[%select_n3A_20, %dma_start3A_101, %mul3A_37, %dma_start3A_107] : memref<4x8x10000x128xf32, #tpu.memory_space<hbm>> -> memref<1x1x50x128xf32, #tpu.memory_space<hbm>>
    %dma_start3A_109 = tpu.memref_squeeze %dma_start3A_108 : memref<1x1x50x128xf32, #tpu.memory_space<hbm>> -> memref<50x128xf32, #tpu.memory_space<hbm>>
    %dma_start3A_110 = arith.constant 0 : i32
    %dma_start3A_111 = arith.constant 0 : i32
    %dma_start3A_112 = tpu.memref_slice %arg4[%dma_start3A_102, %dma_start3A_110, %dma_start3A_111] : memref<8x50x128xf32, #tpu.memory_space<vmem>> -> memref<1x50x128xf32, #tpu.memory_space<vmem>>
    %dma_start3A_113 = tpu.memref_squeeze %dma_start3A_112 : memref<1x50x128xf32, #tpu.memory_space<vmem>> -> memref<50x128xf32, #tpu.memory_space<vmem>>
    %dma_start3A_114 = arith.constant 0 : i32
    %dma_start3A_115 = tpu.memref_slice %arg2[%select_n3A_20, %dma_start3A_101, %mul3A_37, %dma_start3A_114] : memref<4x8x10000x128xf32, #tpu.memory_space<hbm>> -> memref<1x1x50x128xf32, #tpu.memory_space<hbm>>
    %dma_start3A_116 = tpu.memref_squeeze %dma_start3A_115 : memref<1x1x50x128xf32, #tpu.memory_space<hbm>> -> memref<50x128xf32, #tpu.memory_space<hbm>>
    tpu.enqueue_dma source(%dma_start3A_116 : memref<50x128xf32, #tpu.memory_space<hbm>>) target(%dma_start3A_113 : memref<50x128xf32, #tpu.memory_space<vmem>>) target_semaphore(%arg8 : memref<!tpu.dma_semaphore, #tpu.memory_space<semaphore_mem>>)
    %dma_start3A_117 = arith.constant 5 : i32
    %dma_start3A_118 = arith.constant 5 : i32
    %dma_start3A_119 = arith.constant 0 : i32
    %dma_start3A_120 = arith.constant 0 : i32
    %dma_start3A_121 = tpu.memref_slice %arg4[%dma_start3A_118, %dma_start3A_119, %dma_start3A_120] : memref<8x50x128xf32, #tpu.memory_space<vmem>> -> memref<1x50x128xf32, #tpu.memory_space<vmem>>
    %dma_start3A_122 = tpu.memref_squeeze %dma_start3A_121 : memref<1x50x128xf32, #tpu.memory_space<vmem>> -> memref<50x128xf32, #tpu.memory_space<vmem>>
    %dma_start3A_123 = arith.constant 0 : i32
    %dma_start3A_124 = tpu.memref_slice %arg2[%select_n3A_20, %dma_start3A_117, %mul3A_37, %dma_start3A_123] : memref<4x8x10000x128xf32, #tpu.memory_space<hbm>> -> memref<1x1x50x128xf32, #tpu.memory_space<hbm>>
    %dma_start3A_125 = tpu.memref_squeeze %dma_start3A_124 : memref<1x1x50x128xf32, #tpu.memory_space<hbm>> -> memref<50x128xf32, #tpu.memory_space<hbm>>
    %dma_start3A_126 = arith.constant 0 : i32
    %dma_start3A_127 = arith.constant 0 : i32
    %dma_start3A_128 = tpu.memref_slice %arg4[%dma_start3A_118, %dma_start3A_126, %dma_start3A_127] : memref<8x50x128xf32, #tpu.memory_space<vmem>> -> memref<1x50x128xf32, #tpu.memory_space<vmem>>
    %dma_start3A_129 = tpu.memref_squeeze %dma_start3A_128 : memref<1x50x128xf32, #tpu.memory_space<vmem>> -> memref<50x128xf32, #tpu.memory_space<vmem>>
    %dma_start3A_130 = arith.constant 0 : i32
    %dma_start3A_131 = tpu.memref_slice %arg2[%select_n3A_20, %dma_start3A_117, %mul3A_37, %dma_start3A_130] : memref<4x8x10000x128xf32, #tpu.memory_space<hbm>> -> memref<1x1x50x128xf32, #tpu.memory_space<hbm>>
    %dma_start3A_132 = tpu.memref_squeeze %dma_start3A_131 : memref<1x1x50x128xf32, #tpu.memory_space<hbm>> -> memref<50x128xf32, #tpu.memory_space<hbm>>
    tpu.enqueue_dma source(%dma_start3A_132 : memref<50x128xf32, #tpu.memory_space<hbm>>) target(%dma_start3A_129 : memref<50x128xf32, #tpu.memory_space<vmem>>) target_semaphore(%arg8 : memref<!tpu.dma_semaphore, #tpu.memory_space<semaphore_mem>>)
    %dma_start3A_133 = arith.constant 6 : i32
    %dma_start3A_134 = arith.constant 6 : i32
    %dma_start3A_135 = arith.constant 0 : i32
    %dma_start3A_136 = arith.constant 0 : i32
    %dma_start3A_137 = tpu.memref_slice %arg4[%dma_start3A_134, %dma_start3A_135, %dma_start3A_136] : memref<8x50x128xf32, #tpu.memory_space<vmem>> -> memref<1x50x128xf32, #tpu.memory_space<vmem>>
    %dma_start3A_138 = tpu.memref_squeeze %dma_start3A_137 : memref<1x50x128xf32, #tpu.memory_space<vmem>> -> memref<50x128xf32, #tpu.memory_space<vmem>>
    %dma_start3A_139 = arith.constant 0 : i32
    %dma_start3A_140 = tpu.memref_slice %arg2[%select_n3A_20, %dma_start3A_133, %mul3A_37, %dma_start3A_139] : memref<4x8x10000x128xf32, #tpu.memory_space<hbm>> -> memref<1x1x50x128xf32, #tpu.memory_space<hbm>>
    %dma_start3A_141 = tpu.memref_squeeze %dma_start3A_140 : memref<1x1x50x128xf32, #tpu.memory_space<hbm>> -> memref<50x128xf32, #tpu.memory_space<hbm>>
    %dma_start3A_142 = arith.constant 0 : i32
    %dma_start3A_143 = arith.constant 0 : i32
    %dma_start3A_144 = tpu.memref_slice %arg4[%dma_start3A_134, %dma_start3A_142, %dma_start3A_143] : memref<8x50x128xf32, #tpu.memory_space<vmem>> -> memref<1x50x128xf32, #tpu.memory_space<vmem>>
    %dma_start3A_145 = tpu.memref_squeeze %dma_start3A_144 : memref<1x50x128xf32, #tpu.memory_space<vmem>> -> memref<50x128xf32, #tpu.memory_space<vmem>>
    %dma_start3A_146 = arith.constant 0 : i32
    %dma_start3A_147 = tpu.memref_slice %arg2[%select_n3A_20, %dma_start3A_133, %mul3A_37, %dma_start3A_146] : memref<4x8x10000x128xf32, #tpu.memory_space<hbm>> -> memref<1x1x50x128xf32, #tpu.memory_space<hbm>>
    %dma_start3A_148 = tpu.memref_squeeze %dma_start3A_147 : memref<1x1x50x128xf32, #tpu.memory_space<hbm>> -> memref<50x128xf32, #tpu.memory_space<hbm>>
    tpu.enqueue_dma source(%dma_start3A_148 : memref<50x128xf32, #tpu.memory_space<hbm>>) target(%dma_start3A_145 : memref<50x128xf32, #tpu.memory_space<vmem>>) target_semaphore(%arg8 : memref<!tpu.dma_semaphore, #tpu.memory_space<semaphore_mem>>)
    %dma_start3A_149 = arith.constant 7 : i32
    %dma_start3A_150 = arith.constant 7 : i32
    %dma_start3A_151 = arith.constant 0 : i32
    %dma_start3A_152 = arith.constant 0 : i32
    %dma_start3A_153 = tpu.memref_slice %arg4[%dma_start3A_150, %dma_start3A_151, %dma_start3A_152] : memref<8x50x128xf32, #tpu.memory_space<vmem>> -> memref<1x50x128xf32, #tpu.memory_space<vmem>>
    %dma_start3A_154 = tpu.memref_squeeze %dma_start3A_153 : memref<1x50x128xf32, #tpu.memory_space<vmem>> -> memref<50x128xf32, #tpu.memory_space<vmem>>
    %dma_start3A_155 = arith.constant 0 : i32
    %dma_start3A_156 = tpu.memref_slice %arg2[%select_n3A_20, %dma_start3A_149, %mul3A_37, %dma_start3A_155] : memref<4x8x10000x128xf32, #tpu.memory_space<hbm>> -> memref<1x1x50x128xf32, #tpu.memory_space<hbm>>
    %dma_start3A_157 = tpu.memref_squeeze %dma_start3A_156 : memref<1x1x50x128xf32, #tpu.memory_space<hbm>> -> memref<50x128xf32, #tpu.memory_space<hbm>>
    %dma_start3A_158 = arith.constant 0 : i32
    %dma_start3A_159 = arith.constant 0 : i32
    %dma_start3A_160 = tpu.memref_slice %arg4[%dma_start3A_150, %dma_start3A_158, %dma_start3A_159] : memref<8x50x128xf32, #tpu.memory_space<vmem>> -> memref<1x50x128xf32, #tpu.memory_space<vmem>>
    %dma_start3A_161 = tpu.memref_squeeze %dma_start3A_160 : memref<1x50x128xf32, #tpu.memory_space<vmem>> -> memref<50x128xf32, #tpu.memory_space<vmem>>
    %dma_start3A_162 = arith.constant 0 : i32
    %dma_start3A_163 = tpu.memref_slice %arg2[%select_n3A_20, %dma_start3A_149, %mul3A_37, %dma_start3A_162] : memref<4x8x10000x128xf32, #tpu.memory_space<hbm>> -> memref<1x1x50x128xf32, #tpu.memory_space<hbm>>
    %dma_start3A_164 = tpu.memref_squeeze %dma_start3A_163 : memref<1x1x50x128xf32, #tpu.memory_space<hbm>> -> memref<50x128xf32, #tpu.memory_space<hbm>>
    tpu.enqueue_dma source(%dma_start3A_164 : memref<50x128xf32, #tpu.memory_space<hbm>>) target(%dma_start3A_161 : memref<50x128xf32, #tpu.memory_space<vmem>>) target_semaphore(%arg8 : memref<!tpu.dma_semaphore, #tpu.memory_space<semaphore_mem>>)
    %scan3A = arith.constant 0 : i32
    %scan3A_165 = arith.constant 0 : i32
    %scan3A_166 = arith.constant 13 : i32
    %scan3A_167 = arith.addi %scan3A_165, %scan3A_166 : i32
    %scan3A_168 = arith.constant 1 : i32
    scf.for %scan3A_277 = %scan3A_165 to %scan3A_167 step %scan3A_168  : i32 {
      %mul3A_278 = arith.constant 2 : i32
      %mul3A_279 = arith.muli %mul3A_278, %scan3A_277 : i32
      %mul3A_280 = arith.constant 32 : i32
      %mul3A_281 = arith.muli %mul3A_279, %mul3A_280 : i32
      %add3A_282 = arith.addi %add3A, %mul3A_281 : i32
      %mul3A_283 = arith.constant 2 : i32
      %mul3A_284 = arith.muli %mul3A_283, %scan3A_277 : i32
      %add3A_285 = arith.constant 1 : i32
      %add3A_286 = arith.addi %mul3A_284, %add3A_285 : i32
      %mul3A_287 = arith.constant 32 : i32
      %mul3A_288 = arith.muli %add3A_286, %mul3A_287 : i32
      %add3A_289 = arith.addi %add3A, %mul3A_288 : i32
      %jit3A_290 = arith.constant 200 : i32
      %div3A_291 = arith.divsi %add3A_282, %jit3A_290 : i32
      %sign3A_292 = arith.constant 0 : i32
      %sign3A_293 = arith.cmpi sgt, %add3A_282, %sign3A_292 : i32
      %sign3A_294 = arith.extui %sign3A_293 : i1 to i32
      %sign3A_295 = arith.constant 0 : i32
      %sign3A_296 = arith.cmpi slt, %add3A_282, %sign3A_295 : i32
      %sign3A_297 = arith.extui %sign3A_296 : i1 to i32
      %sign3A_298 = arith.subi %sign3A_294, %sign3A_297 : i32
      %sign3A_299 = arith.constant 0 : i32
      %sign3A_300 = arith.cmpi sgt, %jit3A_290, %sign3A_299 : i32
      %sign3A_301 = arith.extui %sign3A_300 : i1 to i32
      %sign3A_302 = arith.constant 0 : i32
      %sign3A_303 = arith.cmpi slt, %jit3A_290, %sign3A_302 : i32
      %sign3A_304 = arith.extui %sign3A_303 : i1 to i32
      %sign3A_305 = arith.subi %sign3A_301, %sign3A_304 : i32
      %ne3A_306 = arith.cmpi ne, %sign3A_298, %sign3A_305 : i32
      %rem3A_307 = arith.remsi %add3A_282, %jit3A_290 : i32
      %ne3A_308 = arith.constant 0 : i32
      %ne3A_309 = arith.cmpi ne, %rem3A_307, %ne3A_308 : i32
      %and3A_310 = arith.andi %ne3A_306, %ne3A_309 : i1
      %sub3A_311 = arith.constant 1 : i32
      %sub3A_312 = arith.subi %div3A_291, %sub3A_311 : i32
      %select_n3A_313 = arith.select %and3A_310, %sub3A_312, %div3A_291 : i32
      %jit3A_314 = arith.constant 200 : i32
      %eq3A_315 = arith.constant 0 : i32
      %eq3A_316 = arith.cmpi eq, %jit3A_314, %eq3A_315 : i32
      %jit3A_317 = arith.constant 1 : i32
      %select_n3A_318 = arith.select %eq3A_316, %jit3A_317, %jit3A_314 : i32
      %rem3A_319 = arith.remsi %add3A_282, %select_n3A_318 : i32
      %ne3A_320 = arith.constant 0 : i32
      %ne3A_321 = arith.cmpi ne, %rem3A_319, %ne3A_320 : i32
      %lt3A_322 = arith.constant 0 : i32
      %lt3A_323 = arith.cmpi slt, %rem3A_319, %lt3A_322 : i32
      %lt3A_324 = arith.constant 0 : i32
      %lt3A_325 = arith.cmpi slt, %select_n3A_318, %lt3A_324 : i32
      %ne3A_326 = arith.xori %lt3A_323, %lt3A_325 : i1
      %and3A_327 = arith.andi %ne3A_326, %ne3A_321 : i1
      %add3A_328 = arith.addi %rem3A_319, %select_n3A_318 : i32
      %select_n3A_329 = arith.select %and3A_327, %add3A_328, %rem3A_319 : i32
      %mul3A_330 = arith.constant 50 : i32
      %mul3A_331 = arith.muli %select_n3A_329, %mul3A_330 : i32
      %dma_wait3A_332 = arith.constant 0 : i32
      %dma_wait3A_333 = arith.constant 0 : i32
      %dma_wait3A_334 = arith.constant 0 : i32
      %dma_wait3A_335 = arith.constant 0 : i32
      %dma_wait3A_336 = tpu.memref_slice %arg4[%dma_wait3A_333, %dma_wait3A_334, %dma_wait3A_335] : memref<8x50x128xf32, #tpu.memory_space<vmem>> -> memref<1x50x128xf32, #tpu.memory_space<vmem>>
      %dma_wait3A_337 = tpu.memref_squeeze %dma_wait3A_336 : memref<1x50x128xf32, #tpu.memory_space<vmem>> -> memref<50x128xf32, #tpu.memory_space<vmem>>
      %dma_wait3A_338 = arith.constant 0 : i32
      %dma_wait3A_339 = tpu.memref_slice %arg2[%select_n3A_313, %dma_wait3A_332, %mul3A_331, %dma_wait3A_338] : memref<4x8x10000x128xf32, #tpu.memory_space<hbm>> -> memref<1x1x50x128xf32, #tpu.memory_space<hbm>>
      %dma_wait3A_340 = tpu.memref_squeeze %dma_wait3A_339 : memref<1x1x50x128xf32, #tpu.memory_space<hbm>> -> memref<50x128xf32, #tpu.memory_space<hbm>>
      %dma_wait3A_341 = arith.constant 0 : i32
      %dma_wait3A_342 = arith.constant 0 : i32
      %dma_wait3A_343 = tpu.memref_slice %arg4[%dma_wait3A_333, %dma_wait3A_341, %dma_wait3A_342] : memref<8x50x128xf32, #tpu.memory_space<vmem>> -> memref<1x50x128xf32, #tpu.memory_space<vmem>>
      %dma_wait3A_344 = tpu.memref_squeeze %dma_wait3A_343 : memref<1x50x128xf32, #tpu.memory_space<vmem>> -> memref<50x128xf32, #tpu.memory_space<vmem>>
      %dma_wait3A_345 = arith.constant 0 : i32
      %dma_wait3A_346 = tpu.memref_slice %arg2[%select_n3A_313, %dma_wait3A_332, %mul3A_331, %dma_wait3A_345] : memref<4x8x10000x128xf32, #tpu.memory_space<hbm>> -> memref<1x1x50x128xf32, #tpu.memory_space<hbm>>
      %dma_wait3A_347 = tpu.memref_squeeze %dma_wait3A_346 : memref<1x1x50x128xf32, #tpu.memory_space<hbm>> -> memref<50x128xf32, #tpu.memory_space<hbm>>
      tpu.wait_dma2 semaphore(%arg8 : memref<!tpu.dma_semaphore, #tpu.memory_space<semaphore_mem>>) src(%dma_wait3A_347 : memref<50x128xf32, #tpu.memory_space<hbm>>) dst(%dma_wait3A_344 : memref<50x128xf32, #tpu.memory_space<vmem>>)
      %dma_wait3A_348 = arith.constant 1 : i32
      %dma_wait3A_349 = arith.constant 1 : i32
      %dma_wait3A_350 = arith.constant 0 : i32
      %dma_wait3A_351 = arith.constant 0 : i32
      %dma_wait3A_352 = tpu.memref_slice %arg4[%dma_wait3A_349, %dma_wait3A_350, %dma_wait3A_351] : memref<8x50x128xf32, #tpu.memory_space<vmem>> -> memref<1x50x128xf32, #tpu.memory_space<vmem>>
      %dma_wait3A_353 = tpu.memref_squeeze %dma_wait3A_352 : memref<1x50x128xf32, #tpu.memory_space<vmem>> -> memref<50x128xf32, #tpu.memory_space<vmem>>
      %dma_wait3A_354 = arith.constant 0 : i32
      %dma_wait3A_355 = tpu.memref_slice %arg2[%select_n3A_313, %dma_wait3A_348, %mul3A_331, %dma_wait3A_354] : memref<4x8x10000x128xf32, #tpu.memory_space<hbm>> -> memref<1x1x50x128xf32, #tpu.memory_space<hbm>>
      %dma_wait3A_356 = tpu.memref_squeeze %dma_wait3A_355 : memref<1x1x50x128xf32, #tpu.memory_space<hbm>> -> memref<50x128xf32, #tpu.memory_space<hbm>>
      %dma_wait3A_357 = arith.constant 0 : i32
      %dma_wait3A_358 = arith.constant 0 : i32
      %dma_wait3A_359 = tpu.memref_slice %arg4[%dma_wait3A_349, %dma_wait3A_357, %dma_wait3A_358] : memref<8x50x128xf32, #tpu.memory_space<vmem>> -> memref<1x50x128xf32, #tpu.memory_space<vmem>>
      %dma_wait3A_360 = tpu.memref_squeeze %dma_wait3A_359 : memref<1x50x128xf32, #tpu.memory_space<vmem>> -> memref<50x128xf32, #tpu.memory_space<vmem>>
      %dma_wait3A_361 = arith.constant 0 : i32
      %dma_wait3A_362 = tpu.memref_slice %arg2[%select_n3A_313, %dma_wait3A_348, %mul3A_331, %dma_wait3A_361] : memref<4x8x10000x128xf32, #tpu.memory_space<hbm>> -> memref<1x1x50x128xf32, #tpu.memory_space<hbm>>
      %dma_wait3A_363 = tpu.memref_squeeze %dma_wait3A_362 : memref<1x1x50x128xf32, #tpu.memory_space<hbm>> -> memref<50x128xf32, #tpu.memory_space<hbm>>
      tpu.wait_dma2 semaphore(%arg8 : memref<!tpu.dma_semaphore, #tpu.memory_space<semaphore_mem>>) src(%dma_wait3A_363 : memref<50x128xf32, #tpu.memory_space<hbm>>) dst(%dma_wait3A_360 : memref<50x128xf32, #tpu.memory_space<vmem>>)
      %dma_wait3A_364 = arith.constant 2 : i32
      %dma_wait3A_365 = arith.constant 2 : i32
      %dma_wait3A_366 = arith.constant 0 : i32
      %dma_wait3A_367 = arith.constant 0 : i32
      %dma_wait3A_368 = tpu.memref_slice %arg4[%dma_wait3A_365, %dma_wait3A_366, %dma_wait3A_367] : memref<8x50x128xf32, #tpu.memory_space<vmem>> -> memref<1x50x128xf32, #tpu.memory_space<vmem>>
      %dma_wait3A_369 = tpu.memref_squeeze %dma_wait3A_368 : memref<1x50x128xf32, #tpu.memory_space<vmem>> -> memref<50x128xf32, #tpu.memory_space<vmem>>
      %dma_wait3A_370 = arith.constant 0 : i32
      %dma_wait3A_371 = tpu.memref_slice %arg2[%select_n3A_313, %dma_wait3A_364, %mul3A_331, %dma_wait3A_370] : memref<4x8x10000x128xf32, #tpu.memory_space<hbm>> -> memref<1x1x50x128xf32, #tpu.memory_space<hbm>>
      %dma_wait3A_372 = tpu.memref_squeeze %dma_wait3A_371 : memref<1x1x50x128xf32, #tpu.memory_space<hbm>> -> memref<50x128xf32, #tpu.memory_space<hbm>>
      %dma_wait3A_373 = arith.constant 0 : i32
      %dma_wait3A_374 = arith.constant 0 : i32
      %dma_wait3A_375 = tpu.memref_slice %arg4[%dma_wait3A_365, %dma_wait3A_373, %dma_wait3A_374] : memref<8x50x128xf32, #tpu.memory_space<vmem>> -> memref<1x50x128xf32, #tpu.memory_space<vmem>>
      %dma_wait3A_376 = tpu.memref_squeeze %dma_wait3A_375 : memref<1x50x128xf32, #tpu.memory_space<vmem>> -> memref<50x128xf32, #tpu.memory_space<vmem>>
      %dma_wait3A_377 = arith.constant 0 : i32
      %dma_wait3A_378 = tpu.memref_slice %arg2[%select_n3A_313, %dma_wait3A_364, %mul3A_331, %dma_wait3A_377] : memref<4x8x10000x128xf32, #tpu.memory_space<hbm>> -> memref<1x1x50x128xf32, #tpu.memory_space<hbm>>
      %dma_wait3A_379 = tpu.memref_squeeze %dma_wait3A_378 : memref<1x1x50x128xf32, #tpu.memory_space<hbm>> -> memref<50x128xf32, #tpu.memory_space<hbm>>
      tpu.wait_dma2 semaphore(%arg8 : memref<!tpu.dma_semaphore, #tpu.memory_space<semaphore_mem>>) src(%dma_wait3A_379 : memref<50x128xf32, #tpu.memory_space<hbm>>) dst(%dma_wait3A_376 : memref<50x128xf32, #tpu.memory_space<vmem>>)
      %dma_wait3A_380 = arith.constant 3 : i32
      %dma_wait3A_381 = arith.constant 3 : i32
      %dma_wait3A_382 = arith.constant 0 : i32
      %dma_wait3A_383 = arith.constant 0 : i32
      %dma_wait3A_384 = tpu.memref_slice %arg4[%dma_wait3A_381, %dma_wait3A_382, %dma_wait3A_383] : memref<8x50x128xf32, #tpu.memory_space<vmem>> -> memref<1x50x128xf32, #tpu.memory_space<vmem>>
      %dma_wait3A_385 = tpu.memref_squeeze %dma_wait3A_384 : memref<1x50x128xf32, #tpu.memory_space<vmem>> -> memref<50x128xf32, #tpu.memory_space<vmem>>
      %dma_wait3A_386 = arith.constant 0 : i32
      %dma_wait3A_387 = tpu.memref_slice %arg2[%select_n3A_313, %dma_wait3A_380, %mul3A_331, %dma_wait3A_386] : memref<4x8x10000x128xf32, #tpu.memory_space<hbm>> -> memref<1x1x50x128xf32, #tpu.memory_space<hbm>>
      %dma_wait3A_388 = tpu.memref_squeeze %dma_wait3A_387 : memref<1x1x50x128xf32, #tpu.memory_space<hbm>> -> memref<50x128xf32, #tpu.memory_space<hbm>>
      %dma_wait3A_389 = arith.constant 0 : i32
      %dma_wait3A_390 = arith.constant 0 : i32
      %dma_wait3A_391 = tpu.memref_slice %arg4[%dma_wait3A_381, %dma_wait3A_389, %dma_wait3A_390] : memref<8x50x128xf32, #tpu.memory_space<vmem>> -> memref<1x50x128xf32, #tpu.memory_space<vmem>>
      %dma_wait3A_392 = tpu.memref_squeeze %dma_wait3A_391 : memref<1x50x128xf32, #tpu.memory_space<vmem>> -> memref<50x128xf32, #tpu.memory_space<vmem>>
      %dma_wait3A_393 = arith.constant 0 : i32
      %dma_wait3A_394 = tpu.memref_slice %arg2[%select_n3A_313, %dma_wait3A_380, %mul3A_331, %dma_wait3A_393] : memref<4x8x10000x128xf32, #tpu.memory_space<hbm>> -> memref<1x1x50x128xf32, #tpu.memory_space<hbm>>
      %dma_wait3A_395 = tpu.memref_squeeze %dma_wait3A_394 : memref<1x1x50x128xf32, #tpu.memory_space<hbm>> -> memref<50x128xf32, #tpu.memory_space<hbm>>
      tpu.wait_dma2 semaphore(%arg8 : memref<!tpu.dma_semaphore, #tpu.memory_space<semaphore_mem>>) src(%dma_wait3A_395 : memref<50x128xf32, #tpu.memory_space<hbm>>) dst(%dma_wait3A_392 : memref<50x128xf32, #tpu.memory_space<vmem>>)
      %dma_wait3A_396 = arith.constant 4 : i32
      %dma_wait3A_397 = arith.constant 4 : i32
      %dma_wait3A_398 = arith.constant 0 : i32
      %dma_wait3A_399 = arith.constant 0 : i32
      %dma_wait3A_400 = tpu.memref_slice %arg4[%dma_wait3A_397, %dma_wait3A_398, %dma_wait3A_399] : memref<8x50x128xf32, #tpu.memory_space<vmem>> -> memref<1x50x128xf32, #tpu.memory_space<vmem>>
      %dma_wait3A_401 = tpu.memref_squeeze %dma_wait3A_400 : memref<1x50x128xf32, #tpu.memory_space<vmem>> -> memref<50x128xf32, #tpu.memory_space<vmem>>
      %dma_wait3A_402 = arith.constant 0 : i32
      %dma_wait3A_403 = tpu.memref_slice %arg2[%select_n3A_313, %dma_wait3A_396, %mul3A_331, %dma_wait3A_402] : memref<4x8x10000x128xf32, #tpu.memory_space<hbm>> -> memref<1x1x50x128xf32, #tpu.memory_space<hbm>>
      %dma_wait3A_404 = tpu.memref_squeeze %dma_wait3A_403 : memref<1x1x50x128xf32, #tpu.memory_space<hbm>> -> memref<50x128xf32, #tpu.memory_space<hbm>>
      %dma_wait3A_405 = arith.constant 0 : i32
      %dma_wait3A_406 = arith.constant 0 : i32
      %dma_wait3A_407 = tpu.memref_slice %arg4[%dma_wait3A_397, %dma_wait3A_405, %dma_wait3A_406] : memref<8x50x128xf32, #tpu.memory_space<vmem>> -> memref<1x50x128xf32, #tpu.memory_space<vmem>>
      %dma_wait3A_408 = tpu.memref_squeeze %dma_wait3A_407 : memref<1x50x128xf32, #tpu.memory_space<vmem>> -> memref<50x128xf32, #tpu.memory_space<vmem>>
      %dma_wait3A_409 = arith.constant 0 : i32
      %dma_wait3A_410 = tpu.memref_slice %arg2[%select_n3A_313, %dma_wait3A_396, %mul3A_331, %dma_wait3A_409] : memref<4x8x10000x128xf32, #tpu.memory_space<hbm>> -> memref<1x1x50x128xf32, #tpu.memory_space<hbm>>
      %dma_wait3A_411 = tpu.memref_squeeze %dma_wait3A_410 : memref<1x1x50x128xf32, #tpu.memory_space<hbm>> -> memref<50x128xf32, #tpu.memory_space<hbm>>
      tpu.wait_dma2 semaphore(%arg8 : memref<!tpu.dma_semaphore, #tpu.memory_space<semaphore_mem>>) src(%dma_wait3A_411 : memref<50x128xf32, #tpu.memory_space<hbm>>) dst(%dma_wait3A_408 : memref<50x128xf32, #tpu.memory_space<vmem>>)
      %dma_wait3A_412 = arith.constant 5 : i32
      %dma_wait3A_413 = arith.constant 5 : i32
      %dma_wait3A_414 = arith.constant 0 : i32
      %dma_wait3A_415 = arith.constant 0 : i32
      %dma_wait3A_416 = tpu.memref_slice %arg4[%dma_wait3A_413, %dma_wait3A_414, %dma_wait3A_415] : memref<8x50x128xf32, #tpu.memory_space<vmem>> -> memref<1x50x128xf32, #tpu.memory_space<vmem>>
      %dma_wait3A_417 = tpu.memref_squeeze %dma_wait3A_416 : memref<1x50x128xf32, #tpu.memory_space<vmem>> -> memref<50x128xf32, #tpu.memory_space<vmem>>
      %dma_wait3A_418 = arith.constant 0 : i32
      %dma_wait3A_419 = tpu.memref_slice %arg2[%select_n3A_313, %dma_wait3A_412, %mul3A_331, %dma_wait3A_418] : memref<4x8x10000x128xf32, #tpu.memory_space<hbm>> -> memref<1x1x50x128xf32, #tpu.memory_space<hbm>>
      %dma_wait3A_420 = tpu.memref_squeeze %dma_wait3A_419 : memref<1x1x50x128xf32, #tpu.memory_space<hbm>> -> memref<50x128xf32, #tpu.memory_space<hbm>>
      %dma_wait3A_421 = arith.constant 0 : i32
      %dma_wait3A_422 = arith.constant 0 : i32
      %dma_wait3A_423 = tpu.memref_slice %arg4[%dma_wait3A_413, %dma_wait3A_421, %dma_wait3A_422] : memref<8x50x128xf32, #tpu.memory_space<vmem>> -> memref<1x50x128xf32, #tpu.memory_space<vmem>>
      %dma_wait3A_424 = tpu.memref_squeeze %dma_wait3A_423 : memref<1x50x128xf32, #tpu.memory_space<vmem>> -> memref<50x128xf32, #tpu.memory_space<vmem>>
      %dma_wait3A_425 = arith.constant 0 : i32
      %dma_wait3A_426 = tpu.memref_slice %arg2[%select_n3A_313, %dma_wait3A_412, %mul3A_331, %dma_wait3A_425] : memref<4x8x10000x128xf32, #tpu.memory_space<hbm>> -> memref<1x1x50x128xf32, #tpu.memory_space<hbm>>
      %dma_wait3A_427 = tpu.memref_squeeze %dma_wait3A_426 : memref<1x1x50x128xf32, #tpu.memory_space<hbm>> -> memref<50x128xf32, #tpu.memory_space<hbm>>
      tpu.wait_dma2 semaphore(%arg8 : memref<!tpu.dma_semaphore, #tpu.memory_space<semaphore_mem>>) src(%dma_wait3A_427 : memref<50x128xf32, #tpu.memory_space<hbm>>) dst(%dma_wait3A_424 : memref<50x128xf32, #tpu.memory_space<vmem>>)
      %dma_wait3A_428 = arith.constant 6 : i32
      %dma_wait3A_429 = arith.constant 6 : i32
      %dma_wait3A_430 = arith.constant 0 : i32
      %dma_wait3A_431 = arith.constant 0 : i32
      %dma_wait3A_432 = tpu.memref_slice %arg4[%dma_wait3A_429, %dma_wait3A_430, %dma_wait3A_431] : memref<8x50x128xf32, #tpu.memory_space<vmem>> -> memref<1x50x128xf32, #tpu.memory_space<vmem>>
      %dma_wait3A_433 = tpu.memref_squeeze %dma_wait3A_432 : memref<1x50x128xf32, #tpu.memory_space<vmem>> -> memref<50x128xf32, #tpu.memory_space<vmem>>
      %dma_wait3A_434 = arith.constant 0 : i32
      %dma_wait3A_435 = tpu.memref_slice %arg2[%select_n3A_313, %dma_wait3A_428, %mul3A_331, %dma_wait3A_434] : memref<4x8x10000x128xf32, #tpu.memory_space<hbm>> -> memref<1x1x50x128xf32, #tpu.memory_space<hbm>>
      %dma_wait3A_436 = tpu.memref_squeeze %dma_wait3A_435 : memref<1x1x50x128xf32, #tpu.memory_space<hbm>> -> memref<50x128xf32, #tpu.memory_space<hbm>>
      %dma_wait3A_437 = arith.constant 0 : i32
      %dma_wait3A_438 = arith.constant 0 : i32
      %dma_wait3A_439 = tpu.memref_slice %arg4[%dma_wait3A_429, %dma_wait3A_437, %dma_wait3A_438] : memref<8x50x128xf32, #tpu.memory_space<vmem>> -> memref<1x50x128xf32, #tpu.memory_space<vmem>>
      %dma_wait3A_440 = tpu.memref_squeeze %dma_wait3A_439 : memref<1x50x128xf32, #tpu.memory_space<vmem>> -> memref<50x128xf32, #tpu.memory_space<vmem>>
      %dma_wait3A_441 = arith.constant 0 : i32
      %dma_wait3A_442 = tpu.memref_slice %arg2[%select_n3A_313, %dma_wait3A_428, %mul3A_331, %dma_wait3A_441] : memref<4x8x10000x128xf32, #tpu.memory_space<hbm>> -> memref<1x1x50x128xf32, #tpu.memory_space<hbm>>
      %dma_wait3A_443 = tpu.memref_squeeze %dma_wait3A_442 : memref<1x1x50x128xf32, #tpu.memory_space<hbm>> -> memref<50x128xf32, #tpu.memory_space<hbm>>
      tpu.wait_dma2 semaphore(%arg8 : memref<!tpu.dma_semaphore, #tpu.memory_space<semaphore_mem>>) src(%dma_wait3A_443 : memref<50x128xf32, #tpu.memory_space<hbm>>) dst(%dma_wait3A_440 : memref<50x128xf32, #tpu.memory_space<vmem>>)
      %dma_wait3A_444 = arith.constant 7 : i32
      %dma_wait3A_445 = arith.constant 7 : i32
      %dma_wait3A_446 = arith.constant 0 : i32
      %dma_wait3A_447 = arith.constant 0 : i32
      %dma_wait3A_448 = tpu.memref_slice %arg4[%dma_wait3A_445, %dma_wait3A_446, %dma_wait3A_447] : memref<8x50x128xf32, #tpu.memory_space<vmem>> -> memref<1x50x128xf32, #tpu.memory_space<vmem>>
      %dma_wait3A_449 = tpu.memref_squeeze %dma_wait3A_448 : memref<1x50x128xf32, #tpu.memory_space<vmem>> -> memref<50x128xf32, #tpu.memory_space<vmem>>
      %dma_wait3A_450 = arith.constant 0 : i32
      %dma_wait3A_451 = tpu.memref_slice %arg2[%select_n3A_313, %dma_wait3A_444, %mul3A_331, %dma_wait3A_450] : memref<4x8x10000x128xf32, #tpu.memory_space<hbm>> -> memref<1x1x50x128xf32, #tpu.memory_space<hbm>>
      %dma_wait3A_452 = tpu.memref_squeeze %dma_wait3A_451 : memref<1x1x50x128xf32, #tpu.memory_space<hbm>> -> memref<50x128xf32, #tpu.memory_space<hbm>>
      %dma_wait3A_453 = arith.constant 0 : i32
      %dma_wait3A_454 = arith.constant 0 : i32
      %dma_wait3A_455 = tpu.memref_slice %arg4[%dma_wait3A_445, %dma_wait3A_453, %dma_wait3A_454] : memref<8x50x128xf32, #tpu.memory_space<vmem>> -> memref<1x50x128xf32, #tpu.memory_space<vmem>>
      %dma_wait3A_456 = tpu.memref_squeeze %dma_wait3A_455 : memref<1x50x128xf32, #tpu.memory_space<vmem>> -> memref<50x128xf32, #tpu.memory_space<vmem>>
      %dma_wait3A_457 = arith.constant 0 : i32
      %dma_wait3A_458 = tpu.memref_slice %arg2[%select_n3A_313, %dma_wait3A_444, %mul3A_331, %dma_wait3A_457] : memref<4x8x10000x128xf32, #tpu.memory_space<hbm>> -> memref<1x1x50x128xf32, #tpu.memory_space<hbm>>
      %dma_wait3A_459 = tpu.memref_squeeze %dma_wait3A_458 : memref<1x1x50x128xf32, #tpu.memory_space<hbm>> -> memref<50x128xf32, #tpu.memory_space<hbm>>
      tpu.wait_dma2 semaphore(%arg8 : memref<!tpu.dma_semaphore, #tpu.memory_space<semaphore_mem>>) src(%dma_wait3A_459 : memref<50x128xf32, #tpu.memory_space<hbm>>) dst(%dma_wait3A_456 : memref<50x128xf32, #tpu.memory_space<vmem>>)
      %mul3A_460 = arith.constant 2 : i32
      %mul3A_461 = arith.muli %mul3A_460, %scan3A_277 : i32
      %add3A_462 = arith.constant 1 : i32
      %add3A_463 = arith.addi %mul3A_461, %add3A_462 : i32
      %lt3A_464 = arith.cmpi slt, %add3A_463, %select_n3A : i32
      %convert_element_type3A = arith.extui %lt3A_464 : i1 to i32
      %cond3A = arith.constant 0 : i32
      %cond3A_465 = arith.cmpi ne, %convert_element_type3A, %cond3A : i32
      scf.if %cond3A_465 {
        %jit3A_548 = arith.constant 200 : i32
        %div3A_549 = arith.divsi %add3A_289, %jit3A_548 : i32
        %sign3A_550 = arith.constant 0 : i32
        %sign3A_551 = arith.cmpi sgt, %add3A_289, %sign3A_550 : i32
        %sign3A_552 = arith.extui %sign3A_551 : i1 to i32
        %sign3A_553 = arith.constant 0 : i32
        %sign3A_554 = arith.cmpi slt, %add3A_289, %sign3A_553 : i32
        %sign3A_555 = arith.extui %sign3A_554 : i1 to i32
        %sign3A_556 = arith.subi %sign3A_552, %sign3A_555 : i32
        %sign3A_557 = arith.constant 0 : i32
        %sign3A_558 = arith.cmpi sgt, %jit3A_548, %sign3A_557 : i32
        %sign3A_559 = arith.extui %sign3A_558 : i1 to i32
        %sign3A_560 = arith.constant 0 : i32
        %sign3A_561 = arith.cmpi slt, %jit3A_548, %sign3A_560 : i32
        %sign3A_562 = arith.extui %sign3A_561 : i1 to i32
        %sign3A_563 = arith.subi %sign3A_559, %sign3A_562 : i32
        %ne3A_564 = arith.cmpi ne, %sign3A_556, %sign3A_563 : i32
        %rem3A_565 = arith.remsi %add3A_289, %jit3A_548 : i32
        %ne3A_566 = arith.constant 0 : i32
        %ne3A_567 = arith.cmpi ne, %rem3A_565, %ne3A_566 : i32
        %and3A_568 = arith.andi %ne3A_564, %ne3A_567 : i1
        %sub3A_569 = arith.constant 1 : i32
        %sub3A_570 = arith.subi %div3A_549, %sub3A_569 : i32
        %select_n3A_571 = arith.select %and3A_568, %sub3A_570, %div3A_549 : i32
        %jit3A_572 = arith.constant 200 : i32
        %eq3A_573 = arith.constant 0 : i32
        %eq3A_574 = arith.cmpi eq, %jit3A_572, %eq3A_573 : i32
        %jit3A_575 = arith.constant 1 : i32
        %select_n3A_576 = arith.select %eq3A_574, %jit3A_575, %jit3A_572 : i32
        %rem3A_577 = arith.remsi %add3A_289, %select_n3A_576 : i32
        %ne3A_578 = arith.constant 0 : i32
        %ne3A_579 = arith.cmpi ne, %rem3A_577, %ne3A_578 : i32
        %lt3A_580 = arith.constant 0 : i32
        %lt3A_581 = arith.cmpi slt, %rem3A_577, %lt3A_580 : i32
        %lt3A_582 = arith.constant 0 : i32
        %lt3A_583 = arith.cmpi slt, %select_n3A_576, %lt3A_582 : i32
        %ne3A_584 = arith.xori %lt3A_581, %lt3A_583 : i1
        %and3A_585 = arith.andi %ne3A_584, %ne3A_579 : i1
        %add3A_586 = arith.addi %rem3A_577, %select_n3A_576 : i32
        %select_n3A_587 = arith.select %and3A_585, %add3A_586, %rem3A_577 : i32
        %mul3A_588 = arith.constant 50 : i32
        %mul3A_589 = arith.muli %select_n3A_587, %mul3A_588 : i32
        %dma_start3A_590 = arith.constant 0 : i32
        %dma_start3A_591 = arith.constant 0 : i32
        %dma_start3A_592 = arith.constant 0 : i32
        %dma_start3A_593 = arith.constant 0 : i32
        %dma_start3A_594 = tpu.memref_slice %arg5[%dma_start3A_591, %dma_start3A_592, %dma_start3A_593] : memref<8x50x128xf32, #tpu.memory_space<vmem>> -> memref<1x50x128xf32, #tpu.memory_space<vmem>>
        %dma_start3A_595 = tpu.memref_squeeze %dma_start3A_594 : memref<1x50x128xf32, #tpu.memory_space<vmem>> -> memref<50x128xf32, #tpu.memory_space<vmem>>
        %dma_start3A_596 = arith.constant 0 : i32
        %dma_start3A_597 = tpu.memref_slice %arg2[%select_n3A_571, %dma_start3A_590, %mul3A_589, %dma_start3A_596] : memref<4x8x10000x128xf32, #tpu.memory_space<hbm>> -> memref<1x1x50x128xf32, #tpu.memory_space<hbm>>
        %dma_start3A_598 = tpu.memref_squeeze %dma_start3A_597 : memref<1x1x50x128xf32, #tpu.memory_space<hbm>> -> memref<50x128xf32, #tpu.memory_space<hbm>>
        %dma_start3A_599 = arith.constant 0 : i32
        %dma_start3A_600 = arith.constant 0 : i32
        %dma_start3A_601 = tpu.memref_slice %arg5[%dma_start3A_591, %dma_start3A_599, %dma_start3A_600] : memref<8x50x128xf32, #tpu.memory_space<vmem>> -> memref<1x50x128xf32, #tpu.memory_space<vmem>>
        %dma_start3A_602 = tpu.memref_squeeze %dma_start3A_601 : memref<1x50x128xf32, #tpu.memory_space<vmem>> -> memref<50x128xf32, #tpu.memory_space<vmem>>
        %dma_start3A_603 = arith.constant 0 : i32
        %dma_start3A_604 = tpu.memref_slice %arg2[%select_n3A_571, %dma_start3A_590, %mul3A_589, %dma_start3A_603] : memref<4x8x10000x128xf32, #tpu.memory_space<hbm>> -> memref<1x1x50x128xf32, #tpu.memory_space<hbm>>
        %dma_start3A_605 = tpu.memref_squeeze %dma_start3A_604 : memref<1x1x50x128xf32, #tpu.memory_space<hbm>> -> memref<50x128xf32, #tpu.memory_space<hbm>>
        tpu.enqueue_dma source(%dma_start3A_605 : memref<50x128xf32, #tpu.memory_space<hbm>>) target(%dma_start3A_602 : memref<50x128xf32, #tpu.memory_space<vmem>>) target_semaphore(%arg9 : memref<!tpu.dma_semaphore, #tpu.memory_space<semaphore_mem>>)
        %dma_start3A_606 = arith.constant 1 : i32
        %dma_start3A_607 = arith.constant 1 : i32
        %dma_start3A_608 = arith.constant 0 : i32
        %dma_start3A_609 = arith.constant 0 : i32
        %dma_start3A_610 = tpu.memref_slice %arg5[%dma_start3A_607, %dma_start3A_608, %dma_start3A_609] : memref<8x50x128xf32, #tpu.memory_space<vmem>> -> memref<1x50x128xf32, #tpu.memory_space<vmem>>
        %dma_start3A_611 = tpu.memref_squeeze %dma_start3A_610 : memref<1x50x128xf32, #tpu.memory_space<vmem>> -> memref<50x128xf32, #tpu.memory_space<vmem>>
        %dma_start3A_612 = arith.constant 0 : i32
        %dma_start3A_613 = tpu.memref_slice %arg2[%select_n3A_571, %dma_start3A_606, %mul3A_589, %dma_start3A_612] : memref<4x8x10000x128xf32, #tpu.memory_space<hbm>> -> memref<1x1x50x128xf32, #tpu.memory_space<hbm>>
        %dma_start3A_614 = tpu.memref_squeeze %dma_start3A_613 : memref<1x1x50x128xf32, #tpu.memory_space<hbm>> -> memref<50x128xf32, #tpu.memory_space<hbm>>
        %dma_start3A_615 = arith.constant 0 : i32
        %dma_start3A_616 = arith.constant 0 : i32
        %dma_start3A_617 = tpu.memref_slice %arg5[%dma_start3A_607, %dma_start3A_615, %dma_start3A_616] : memref<8x50x128xf32, #tpu.memory_space<vmem>> -> memref<1x50x128xf32, #tpu.memory_space<vmem>>
        %dma_start3A_618 = tpu.memref_squeeze %dma_start3A_617 : memref<1x50x128xf32, #tpu.memory_space<vmem>> -> memref<50x128xf32, #tpu.memory_space<vmem>>
        %dma_start3A_619 = arith.constant 0 : i32
        %dma_start3A_620 = tpu.memref_slice %arg2[%select_n3A_571, %dma_start3A_606, %mul3A_589, %dma_start3A_619] : memref<4x8x10000x128xf32, #tpu.memory_space<hbm>> -> memref<1x1x50x128xf32, #tpu.memory_space<hbm>>
        %dma_start3A_621 = tpu.memref_squeeze %dma_start3A_620 : memref<1x1x50x128xf32, #tpu.memory_space<hbm>> -> memref<50x128xf32, #tpu.memory_space<hbm>>
        tpu.enqueue_dma source(%dma_start3A_621 : memref<50x128xf32, #tpu.memory_space<hbm>>) target(%dma_start3A_618 : memref<50x128xf32, #tpu.memory_space<vmem>>) target_semaphore(%arg9 : memref<!tpu.dma_semaphore, #tpu.memory_space<semaphore_mem>>)
        %dma_start3A_622 = arith.constant 2 : i32
        %dma_start3A_623 = arith.constant 2 : i32
        %dma_start3A_624 = arith.constant 0 : i32
        %dma_start3A_625 = arith.constant 0 : i32
        %dma_start3A_626 = tpu.memref_slice %arg5[%dma_start3A_623, %dma_start3A_624, %dma_start3A_625] : memref<8x50x128xf32, #tpu.memory_space<vmem>> -> memref<1x50x128xf32, #tpu.memory_space<vmem>>
        %dma_start3A_627 = tpu.memref_squeeze %dma_start3A_626 : memref<1x50x128xf32, #tpu.memory_space<vmem>> -> memref<50x128xf32, #tpu.memory_space<vmem>>
        %dma_start3A_628 = arith.constant 0 : i32
        %dma_start3A_629 = tpu.memref_slice %arg2[%select_n3A_571, %dma_start3A_622, %mul3A_589, %dma_start3A_628] : memref<4x8x10000x128xf32, #tpu.memory_space<hbm>> -> memref<1x1x50x128xf32, #tpu.memory_space<hbm>>
        %dma_start3A_630 = tpu.memref_squeeze %dma_start3A_629 : memref<1x1x50x128xf32, #tpu.memory_space<hbm>> -> memref<50x128xf32, #tpu.memory_space<hbm>>
        %dma_start3A_631 = arith.constant 0 : i32
        %dma_start3A_632 = arith.constant 0 : i32
        %dma_start3A_633 = tpu.memref_slice %arg5[%dma_start3A_623, %dma_start3A_631, %dma_start3A_632] : memref<8x50x128xf32, #tpu.memory_space<vmem>> -> memref<1x50x128xf32, #tpu.memory_space<vmem>>
        %dma_start3A_634 = tpu.memref_squeeze %dma_start3A_633 : memref<1x50x128xf32, #tpu.memory_space<vmem>> -> memref<50x128xf32, #tpu.memory_space<vmem>>
        %dma_start3A_635 = arith.constant 0 : i32
        %dma_start3A_636 = tpu.memref_slice %arg2[%select_n3A_571, %dma_start3A_622, %mul3A_589, %dma_start3A_635] : memref<4x8x10000x128xf32, #tpu.memory_space<hbm>> -> memref<1x1x50x128xf32, #tpu.memory_space<hbm>>
        %dma_start3A_637 = tpu.memref_squeeze %dma_start3A_636 : memref<1x1x50x128xf32, #tpu.memory_space<hbm>> -> memref<50x128xf32, #tpu.memory_space<hbm>>
        tpu.enqueue_dma source(%dma_start3A_637 : memref<50x128xf32, #tpu.memory_space<hbm>>) target(%dma_start3A_634 : memref<50x128xf32, #tpu.memory_space<vmem>>) target_semaphore(%arg9 : memref<!tpu.dma_semaphore, #tpu.memory_space<semaphore_mem>>)
        %dma_start3A_638 = arith.constant 3 : i32
        %dma_start3A_639 = arith.constant 3 : i32
        %dma_start3A_640 = arith.constant 0 : i32
        %dma_start3A_641 = arith.constant 0 : i32
        %dma_start3A_642 = tpu.memref_slice %arg5[%dma_start3A_639, %dma_start3A_640, %dma_start3A_641] : memref<8x50x128xf32, #tpu.memory_space<vmem>> -> memref<1x50x128xf32, #tpu.memory_space<vmem>>
        %dma_start3A_643 = tpu.memref_squeeze %dma_start3A_642 : memref<1x50x128xf32, #tpu.memory_space<vmem>> -> memref<50x128xf32, #tpu.memory_space<vmem>>
        %dma_start3A_644 = arith.constant 0 : i32
        %dma_start3A_645 = tpu.memref_slice %arg2[%select_n3A_571, %dma_start3A_638, %mul3A_589, %dma_start3A_644] : memref<4x8x10000x128xf32, #tpu.memory_space<hbm>> -> memref<1x1x50x128xf32, #tpu.memory_space<hbm>>
        %dma_start3A_646 = tpu.memref_squeeze %dma_start3A_645 : memref<1x1x50x128xf32, #tpu.memory_space<hbm>> -> memref<50x128xf32, #tpu.memory_space<hbm>>
        %dma_start3A_647 = arith.constant 0 : i32
        %dma_start3A_648 = arith.constant 0 : i32
        %dma_start3A_649 = tpu.memref_slice %arg5[%dma_start3A_639, %dma_start3A_647, %dma_start3A_648] : memref<8x50x128xf32, #tpu.memory_space<vmem>> -> memref<1x50x128xf32, #tpu.memory_space<vmem>>
        %dma_start3A_650 = tpu.memref_squeeze %dma_start3A_649 : memref<1x50x128xf32, #tpu.memory_space<vmem>> -> memref<50x128xf32, #tpu.memory_space<vmem>>
        %dma_start3A_651 = arith.constant 0 : i32
        %dma_start3A_652 = tpu.memref_slice %arg2[%select_n3A_571, %dma_start3A_638, %mul3A_589, %dma_start3A_651] : memref<4x8x10000x128xf32, #tpu.memory_space<hbm>> -> memref<1x1x50x128xf32, #tpu.memory_space<hbm>>
        %dma_start3A_653 = tpu.memref_squeeze %dma_start3A_652 : memref<1x1x50x128xf32, #tpu.memory_space<hbm>> -> memref<50x128xf32, #tpu.memory_space<hbm>>
        tpu.enqueue_dma source(%dma_start3A_653 : memref<50x128xf32, #tpu.memory_space<hbm>>) target(%dma_start3A_650 : memref<50x128xf32, #tpu.memory_space<vmem>>) target_semaphore(%arg9 : memref<!tpu.dma_semaphore, #tpu.memory_space<semaphore_mem>>)
        %dma_start3A_654 = arith.constant 4 : i32
        %dma_start3A_655 = arith.constant 4 : i32
        %dma_start3A_656 = arith.constant 0 : i32
        %dma_start3A_657 = arith.constant 0 : i32
        %dma_start3A_658 = tpu.memref_slice %arg5[%dma_start3A_655, %dma_start3A_656, %dma_start3A_657] : memref<8x50x128xf32, #tpu.memory_space<vmem>> -> memref<1x50x128xf32, #tpu.memory_space<vmem>>
        %dma_start3A_659 = tpu.memref_squeeze %dma_start3A_658 : memref<1x50x128xf32, #tpu.memory_space<vmem>> -> memref<50x128xf32, #tpu.memory_space<vmem>>
        %dma_start3A_660 = arith.constant 0 : i32
        %dma_start3A_661 = tpu.memref_slice %arg2[%select_n3A_571, %dma_start3A_654, %mul3A_589, %dma_start3A_660] : memref<4x8x10000x128xf32, #tpu.memory_space<hbm>> -> memref<1x1x50x128xf32, #tpu.memory_space<hbm>>
        %dma_start3A_662 = tpu.memref_squeeze %dma_start3A_661 : memref<1x1x50x128xf32, #tpu.memory_space<hbm>> -> memref<50x128xf32, #tpu.memory_space<hbm>>
        %dma_start3A_663 = arith.constant 0 : i32
        %dma_start3A_664 = arith.constant 0 : i32
        %dma_start3A_665 = tpu.memref_slice %arg5[%dma_start3A_655, %dma_start3A_663, %dma_start3A_664] : memref<8x50x128xf32, #tpu.memory_space<vmem>> -> memref<1x50x128xf32, #tpu.memory_space<vmem>>
        %dma_start3A_666 = tpu.memref_squeeze %dma_start3A_665 : memref<1x50x128xf32, #tpu.memory_space<vmem>> -> memref<50x128xf32, #tpu.memory_space<vmem>>
        %dma_start3A_667 = arith.constant 0 : i32
        %dma_start3A_668 = tpu.memref_slice %arg2[%select_n3A_571, %dma_start3A_654, %mul3A_589, %dma_start3A_667] : memref<4x8x10000x128xf32, #tpu.memory_space<hbm>> -> memref<1x1x50x128xf32, #tpu.memory_space<hbm>>
        %dma_start3A_669 = tpu.memref_squeeze %dma_start3A_668 : memref<1x1x50x128xf32, #tpu.memory_space<hbm>> -> memref<50x128xf32, #tpu.memory_space<hbm>>
        tpu.enqueue_dma source(%dma_start3A_669 : memref<50x128xf32, #tpu.memory_space<hbm>>) target(%dma_start3A_666 : memref<50x128xf32, #tpu.memory_space<vmem>>) target_semaphore(%arg9 : memref<!tpu.dma_semaphore, #tpu.memory_space<semaphore_mem>>)
        %dma_start3A_670 = arith.constant 5 : i32
        %dma_start3A_671 = arith.constant 5 : i32
        %dma_start3A_672 = arith.constant 0 : i32
        %dma_start3A_673 = arith.constant 0 : i32
        %dma_start3A_674 = tpu.memref_slice %arg5[%dma_start3A_671, %dma_start3A_672, %dma_start3A_673] : memref<8x50x128xf32, #tpu.memory_space<vmem>> -> memref<1x50x128xf32, #tpu.memory_space<vmem>>
        %dma_start3A_675 = tpu.memref_squeeze %dma_start3A_674 : memref<1x50x128xf32, #tpu.memory_space<vmem>> -> memref<50x128xf32, #tpu.memory_space<vmem>>
        %dma_start3A_676 = arith.constant 0 : i32
        %dma_start3A_677 = tpu.memref_slice %arg2[%select_n3A_571, %dma_start3A_670, %mul3A_589, %dma_start3A_676] : memref<4x8x10000x128xf32, #tpu.memory_space<hbm>> -> memref<1x1x50x128xf32, #tpu.memory_space<hbm>>
        %dma_start3A_678 = tpu.memref_squeeze %dma_start3A_677 : memref<1x1x50x128xf32, #tpu.memory_space<hbm>> -> memref<50x128xf32, #tpu.memory_space<hbm>>
        %dma_start3A_679 = arith.constant 0 : i32
        %dma_start3A_680 = arith.constant 0 : i32
        %dma_start3A_681 = tpu.memref_slice %arg5[%dma_start3A_671, %dma_start3A_679, %dma_start3A_680] : memref<8x50x128xf32, #tpu.memory_space<vmem>> -> memref<1x50x128xf32, #tpu.memory_space<vmem>>
        %dma_start3A_682 = tpu.memref_squeeze %dma_start3A_681 : memref<1x50x128xf32, #tpu.memory_space<vmem>> -> memref<50x128xf32, #tpu.memory_space<vmem>>
        %dma_start3A_683 = arith.constant 0 : i32
        %dma_start3A_684 = tpu.memref_slice %arg2[%select_n3A_571, %dma_start3A_670, %mul3A_589, %dma_start3A_683] : memref<4x8x10000x128xf32, #tpu.memory_space<hbm>> -> memref<1x1x50x128xf32, #tpu.memory_space<hbm>>
        %dma_start3A_685 = tpu.memref_squeeze %dma_start3A_684 : memref<1x1x50x128xf32, #tpu.memory_space<hbm>> -> memref<50x128xf32, #tpu.memory_space<hbm>>
        tpu.enqueue_dma source(%dma_start3A_685 : memref<50x128xf32, #tpu.memory_space<hbm>>) target(%dma_start3A_682 : memref<50x128xf32, #tpu.memory_space<vmem>>) target_semaphore(%arg9 : memref<!tpu.dma_semaphore, #tpu.memory_space<semaphore_mem>>)
        %dma_start3A_686 = arith.constant 6 : i32
        %dma_start3A_687 = arith.constant 6 : i32
        %dma_start3A_688 = arith.constant 0 : i32
        %dma_start3A_689 = arith.constant 0 : i32
        %dma_start3A_690 = tpu.memref_slice %arg5[%dma_start3A_687, %dma_start3A_688, %dma_start3A_689] : memref<8x50x128xf32, #tpu.memory_space<vmem>> -> memref<1x50x128xf32, #tpu.memory_space<vmem>>
        %dma_start3A_691 = tpu.memref_squeeze %dma_start3A_690 : memref<1x50x128xf32, #tpu.memory_space<vmem>> -> memref<50x128xf32, #tpu.memory_space<vmem>>
        %dma_start3A_692 = arith.constant 0 : i32
        %dma_start3A_693 = tpu.memref_slice %arg2[%select_n3A_571, %dma_start3A_686, %mul3A_589, %dma_start3A_692] : memref<4x8x10000x128xf32, #tpu.memory_space<hbm>> -> memref<1x1x50x128xf32, #tpu.memory_space<hbm>>
        %dma_start3A_694 = tpu.memref_squeeze %dma_start3A_693 : memref<1x1x50x128xf32, #tpu.memory_space<hbm>> -> memref<50x128xf32, #tpu.memory_space<hbm>>
        %dma_start3A_695 = arith.constant 0 : i32
        %dma_start3A_696 = arith.constant 0 : i32
        %dma_start3A_697 = tpu.memref_slice %arg5[%dma_start3A_687, %dma_start3A_695, %dma_start3A_696] : memref<8x50x128xf32, #tpu.memory_space<vmem>> -> memref<1x50x128xf32, #tpu.memory_space<vmem>>
        %dma_start3A_698 = tpu.memref_squeeze %dma_start3A_697 : memref<1x50x128xf32, #tpu.memory_space<vmem>> -> memref<50x128xf32, #tpu.memory_space<vmem>>
        %dma_start3A_699 = arith.constant 0 : i32
        %dma_start3A_700 = tpu.memref_slice %arg2[%select_n3A_571, %dma_start3A_686, %mul3A_589, %dma_start3A_699] : memref<4x8x10000x128xf32, #tpu.memory_space<hbm>> -> memref<1x1x50x128xf32, #tpu.memory_space<hbm>>
        %dma_start3A_701 = tpu.memref_squeeze %dma_start3A_700 : memref<1x1x50x128xf32, #tpu.memory_space<hbm>> -> memref<50x128xf32, #tpu.memory_space<hbm>>
        tpu.enqueue_dma source(%dma_start3A_701 : memref<50x128xf32, #tpu.memory_space<hbm>>) target(%dma_start3A_698 : memref<50x128xf32, #tpu.memory_space<vmem>>) target_semaphore(%arg9 : memref<!tpu.dma_semaphore, #tpu.memory_space<semaphore_mem>>)
        %dma_start3A_702 = arith.constant 7 : i32
        %dma_start3A_703 = arith.constant 7 : i32
        %dma_start3A_704 = arith.constant 0 : i32
        %dma_start3A_705 = arith.constant 0 : i32
        %dma_start3A_706 = tpu.memref_slice %arg5[%dma_start3A_703, %dma_start3A_704, %dma_start3A_705] : memref<8x50x128xf32, #tpu.memory_space<vmem>> -> memref<1x50x128xf32, #tpu.memory_space<vmem>>
        %dma_start3A_707 = tpu.memref_squeeze %dma_start3A_706 : memref<1x50x128xf32, #tpu.memory_space<vmem>> -> memref<50x128xf32, #tpu.memory_space<vmem>>
        %dma_start3A_708 = arith.constant 0 : i32
        %dma_start3A_709 = tpu.memref_slice %arg2[%select_n3A_571, %dma_start3A_702, %mul3A_589, %dma_start3A_708] : memref<4x8x10000x128xf32, #tpu.memory_space<hbm>> -> memref<1x1x50x128xf32, #tpu.memory_space<hbm>>
        %dma_start3A_710 = tpu.memref_squeeze %dma_start3A_709 : memref<1x1x50x128xf32, #tpu.memory_space<hbm>> -> memref<50x128xf32, #tpu.memory_space<hbm>>
        %dma_start3A_711 = arith.constant 0 : i32
        %dma_start3A_712 = arith.constant 0 : i32
        %dma_start3A_713 = tpu.memref_slice %arg5[%dma_start3A_703, %dma_start3A_711, %dma_start3A_712] : memref<8x50x128xf32, #tpu.memory_space<vmem>> -> memref<1x50x128xf32, #tpu.memory_space<vmem>>
        %dma_start3A_714 = tpu.memref_squeeze %dma_start3A_713 : memref<1x50x128xf32, #tpu.memory_space<vmem>> -> memref<50x128xf32, #tpu.memory_space<vmem>>
        %dma_start3A_715 = arith.constant 0 : i32
        %dma_start3A_716 = tpu.memref_slice %arg2[%select_n3A_571, %dma_start3A_702, %mul3A_589, %dma_start3A_715] : memref<4x8x10000x128xf32, #tpu.memory_space<hbm>> -> memref<1x1x50x128xf32, #tpu.memory_space<hbm>>
        %dma_start3A_717 = tpu.memref_squeeze %dma_start3A_716 : memref<1x1x50x128xf32, #tpu.memory_space<hbm>> -> memref<50x128xf32, #tpu.memory_space<hbm>>
        tpu.enqueue_dma source(%dma_start3A_717 : memref<50x128xf32, #tpu.memory_space<hbm>>) target(%dma_start3A_714 : memref<50x128xf32, #tpu.memory_space<vmem>>) target_semaphore(%arg9 : memref<!tpu.dma_semaphore, #tpu.memory_space<semaphore_mem>>)
      } else {
      }
      %ge3A = arith.constant 1 : i32
      %ge3A_466 = arith.cmpi sge, %scan3A_277, %ge3A : i32
      %convert_element_type3A_467 = arith.extui %ge3A_466 : i1 to i32
      %cond3A_468 = arith.constant 0 : i32
      %cond3A_469 = arith.cmpi ne, %convert_element_type3A_467, %cond3A_468 : i32
      scf.if %cond3A_469 {
        %sub3A_548 = arith.constant 64 : i32
        %sub3A_549 = arith.subi %add3A_282, %sub3A_548 : i32
        %jit3A_550 = arith.constant 200 : i32
        %div3A_551 = arith.divsi %sub3A_549, %jit3A_550 : i32
        %sign3A_552 = arith.constant 0 : i32
        %sign3A_553 = arith.cmpi sgt, %sub3A_549, %sign3A_552 : i32
        %sign3A_554 = arith.extui %sign3A_553 : i1 to i32
        %sign3A_555 = arith.constant 0 : i32
        %sign3A_556 = arith.cmpi slt, %sub3A_549, %sign3A_555 : i32
        %sign3A_557 = arith.extui %sign3A_556 : i1 to i32
        %sign3A_558 = arith.subi %sign3A_554, %sign3A_557 : i32
        %sign3A_559 = arith.constant 0 : i32
        %sign3A_560 = arith.cmpi sgt, %jit3A_550, %sign3A_559 : i32
        %sign3A_561 = arith.extui %sign3A_560 : i1 to i32
        %sign3A_562 = arith.constant 0 : i32
        %sign3A_563 = arith.cmpi slt, %jit3A_550, %sign3A_562 : i32
        %sign3A_564 = arith.extui %sign3A_563 : i1 to i32
        %sign3A_565 = arith.subi %sign3A_561, %sign3A_564 : i32
        %ne3A_566 = arith.cmpi ne, %sign3A_558, %sign3A_565 : i32
        %rem3A_567 = arith.remsi %sub3A_549, %jit3A_550 : i32
        %ne3A_568 = arith.constant 0 : i32
        %ne3A_569 = arith.cmpi ne, %rem3A_567, %ne3A_568 : i32
        %and3A_570 = arith.andi %ne3A_566, %ne3A_569 : i1
        %sub3A_571 = arith.constant 1 : i32
        %sub3A_572 = arith.subi %div3A_551, %sub3A_571 : i32
        %select_n3A_573 = arith.select %and3A_570, %sub3A_572, %div3A_551 : i32
        %jit3A_574 = arith.constant 200 : i32
        %eq3A_575 = arith.constant 0 : i32
        %eq3A_576 = arith.cmpi eq, %jit3A_574, %eq3A_575 : i32
        %jit3A_577 = arith.constant 1 : i32
        %select_n3A_578 = arith.select %eq3A_576, %jit3A_577, %jit3A_574 : i32
        %rem3A_579 = arith.remsi %sub3A_549, %select_n3A_578 : i32
        %ne3A_580 = arith.constant 0 : i32
        %ne3A_581 = arith.cmpi ne, %rem3A_579, %ne3A_580 : i32
        %lt3A_582 = arith.constant 0 : i32
        %lt3A_583 = arith.cmpi slt, %rem3A_579, %lt3A_582 : i32
        %lt3A_584 = arith.constant 0 : i32
        %lt3A_585 = arith.cmpi slt, %select_n3A_578, %lt3A_584 : i32
        %ne3A_586 = arith.xori %lt3A_583, %lt3A_585 : i1
        %and3A_587 = arith.andi %ne3A_586, %ne3A_581 : i1
        %add3A_588 = arith.addi %rem3A_579, %select_n3A_578 : i32
        %select_n3A_589 = arith.select %and3A_587, %add3A_588, %rem3A_579 : i32
        %mul3A_590 = arith.constant 50 : i32
        %mul3A_591 = arith.muli %select_n3A_589, %mul3A_590 : i32
        %dma_wait3A_592 = arith.constant 0 : i32
        %dma_wait3A_593 = arith.constant 0 : i32
        %dma_wait3A_594 = tpu.memref_slice %arg6[%dma_wait3A_592, %dma_wait3A_593] : memref<50x128xf32, #tpu.memory_space<vmem>> -> memref<50x128xf32, #tpu.memory_space<vmem>>
        %dma_wait3A_595 = arith.constant 0 : i32
        %dma_wait3A_596 = tpu.memref_slice %arg3[%select_n3A_573, %mul3A_591, %dma_wait3A_595] : memref<4x10000x128xf32, #tpu.memory_space<hbm>> -> memref<1x50x128xf32, #tpu.memory_space<hbm>>
        %dma_wait3A_597 = tpu.memref_squeeze %dma_wait3A_596 : memref<1x50x128xf32, #tpu.memory_space<hbm>> -> memref<50x128xf32, #tpu.memory_space<hbm>>
        %dma_wait3A_598 = arith.constant 0 : i32
        %dma_wait3A_599 = tpu.memref_slice %arg3[%select_n3A_573, %mul3A_591, %dma_wait3A_598] : memref<4x10000x128xf32, #tpu.memory_space<hbm>> -> memref<1x50x128xf32, #tpu.memory_space<hbm>>
        %dma_wait3A_600 = tpu.memref_squeeze %dma_wait3A_599 : memref<1x50x128xf32, #tpu.memory_space<hbm>> -> memref<50x128xf32, #tpu.memory_space<hbm>>
        %dma_wait3A_601 = arith.constant 0 : i32
        %dma_wait3A_602 = arith.constant 0 : i32
        %dma_wait3A_603 = tpu.memref_slice %arg6[%dma_wait3A_601, %dma_wait3A_602] : memref<50x128xf32, #tpu.memory_space<vmem>> -> memref<50x128xf32, #tpu.memory_space<vmem>>
        tpu.wait_dma2 semaphore(%arg10 : memref<!tpu.dma_semaphore, #tpu.memory_space<semaphore_mem>>) src(%dma_wait3A_603 : memref<50x128xf32, #tpu.memory_space<vmem>>) dst(%dma_wait3A_600 : memref<50x128xf32, #tpu.memory_space<hbm>>)
      } else {
      }
      %iota3A = tpu.iota {dimensions = array<i32: 0>} : vector<16xi32>
      %xor3A = arith.constant 8 : i32
      %xor3A_470 = vector.broadcast %xor3A : i32 to vector<16xi32>
      %xor3A_471 = arith.xori %iota3A, %xor3A_470 : vector<16xi32>
      %iota3A_472 = tpu.iota {dimensions = array<i32: 0>} : vector<16xi32>
      %xor3A_473 = arith.constant 4 : i32
      %xor3A_474 = vector.broadcast %xor3A_473 : i32 to vector<16xi32>
      %xor3A_475 = arith.xori %iota3A_472, %xor3A_474 : vector<16xi32>
      %iota3A_476 = tpu.iota {dimensions = array<i32: 0>} : vector<16xi32>
      %xor3A_477 = arith.constant 2 : i32
      %xor3A_478 = vector.broadcast %xor3A_477 : i32 to vector<16xi32>
      %xor3A_479 = arith.xori %iota3A_476, %xor3A_478 : vector<16xi32>
      %iota3A_480 = tpu.iota {dimensions = array<i32: 0>} : vector<16xi32>
      %xor3A_481 = arith.constant 1 : i32
      %xor3A_482 = vector.broadcast %xor3A_481 : i32 to vector<16xi32>
      %xor3A_483 = arith.xori %iota3A_480, %xor3A_482 : vector<16xi32>
      %parallel_loop3A = arith.constant 0 : i32
      %parallel_loop3A_484 = arith.constant 50 : i32
      %parallel_loop3A_485 = arith.constant 1 : i32
      scf.for %parallel_loop3A_548 = %parallel_loop3A to %parallel_loop3A_484 step %parallel_loop3A_485  : i32 {
        %parallel_loop3A_549 = arith.constant -1.000000e+00 : f32
        %parallel_loop3A_550 = vector.broadcast %parallel_loop3A_549 : f32 to vector<16xf32>
        %parallel_loop3A_551 = arith.constant 0 : i32
        %parallel_loop3A_552 = vector.broadcast %parallel_loop3A_551 : i32 to vector<16xi32>
        %parallel_loop3A_553 = arith.constant 0 : i32
        %parallel_loop3A_554 = arith.index_cast %parallel_loop3A_553 : i32 to index
        %parallel_loop3A_555 = arith.index_cast %parallel_loop3A_548 : i32 to index
        %parallel_loop3A_556 = arith.constant 0 : index
        %parallel_loop3A_557 = tpu.vector_load %arg4[%parallel_loop3A_554, %parallel_loop3A_555, %parallel_loop3A_556] {strides = array<i32>} : memref<8x50x128xf32, #tpu.memory_space<vmem>>, vector<16xf32>,
        %parallel_loop3A_558 = arith.mulf %parallel_loop3A_557, %parallel_loop3A_557 : vector<16xf32>
        %parallel_loop3A_559 = arith.constant 0 : i32
        %parallel_loop3A_560 = arith.index_cast %parallel_loop3A_559 : i32 to index
        %parallel_loop3A_561 = arith.index_cast %parallel_loop3A_548 : i32 to index
        %parallel_loop3A_562 = arith.constant 16 : index
        %parallel_loop3A_563 = tpu.vector_load %arg4[%parallel_loop3A_560, %parallel_loop3A_561, %parallel_loop3A_562] {strides = array<i32>} : memref<8x50x128xf32, #tpu.memory_space<vmem>>, vector<16xf32>,
        %parallel_loop3A_564 = arith.mulf %parallel_loop3A_563, %parallel_loop3A_563 : vector<16xf32>
        %parallel_loop3A_565 = arith.constant 0 : i32
        %parallel_loop3A_566 = arith.index_cast %parallel_loop3A_565 : i32 to index
        %parallel_loop3A_567 = arith.index_cast %parallel_loop3A_548 : i32 to index
        %parallel_loop3A_568 = arith.constant 32 : index
        %parallel_loop3A_569 = tpu.vector_load %arg4[%parallel_loop3A_566, %parallel_loop3A_567, %parallel_loop3A_568] {strides = array<i32>} : memref<8x50x128xf32, #tpu.memory_space<vmem>>, vector<16xf32>,
        %parallel_loop3A_570 = arith.mulf %parallel_loop3A_569, %parallel_loop3A_569 : vector<16xf32>
        %parallel_loop3A_571 = arith.constant 0 : i32
        %parallel_loop3A_572 = arith.index_cast %parallel_loop3A_571 : i32 to index
        %parallel_loop3A_573 = arith.index_cast %parallel_loop3A_548 : i32 to index
        %parallel_loop3A_574 = arith.constant 48 : index
        %parallel_loop3A_575 = tpu.vector_load %arg4[%parallel_loop3A_572, %parallel_loop3A_573, %parallel_loop3A_574] {strides = array<i32>} : memref<8x50x128xf32, #tpu.memory_space<vmem>>, vector<16xf32>,
        %parallel_loop3A_576 = arith.mulf %parallel_loop3A_575, %parallel_loop3A_575 : vector<16xf32>
        %parallel_loop3A_577 = arith.constant 0 : i32
        %parallel_loop3A_578 = arith.index_cast %parallel_loop3A_577 : i32 to index
        %parallel_loop3A_579 = arith.index_cast %parallel_loop3A_548 : i32 to index
        %parallel_loop3A_580 = arith.constant 64 : index
        %parallel_loop3A_581 = tpu.vector_load %arg4[%parallel_loop3A_578, %parallel_loop3A_579, %parallel_loop3A_580] {strides = array<i32>} : memref<8x50x128xf32, #tpu.memory_space<vmem>>, vector<16xf32>,
        %parallel_loop3A_582 = arith.mulf %parallel_loop3A_581, %parallel_loop3A_581 : vector<16xf32>
        %parallel_loop3A_583 = arith.constant 0 : i32
        %parallel_loop3A_584 = arith.index_cast %parallel_loop3A_583 : i32 to index
        %parallel_loop3A_585 = arith.index_cast %parallel_loop3A_548 : i32 to index
        %parallel_loop3A_586 = arith.constant 80 : index
        %parallel_loop3A_587 = tpu.vector_load %arg4[%parallel_loop3A_584, %parallel_loop3A_585, %parallel_loop3A_586] {strides = array<i32>} : memref<8x50x128xf32, #tpu.memory_space<vmem>>, vector<16xf32>,
        %parallel_loop3A_588 = arith.mulf %parallel_loop3A_587, %parallel_loop3A_587 : vector<16xf32>
        %parallel_loop3A_589 = arith.constant 0 : i32
        %parallel_loop3A_590 = arith.index_cast %parallel_loop3A_589 : i32 to index
        %parallel_loop3A_591 = arith.index_cast %parallel_loop3A_548 : i32 to index
        %parallel_loop3A_592 = arith.constant 96 : index
        %parallel_loop3A_593 = tpu.vector_load %arg4[%parallel_loop3A_590, %parallel_loop3A_591, %parallel_loop3A_592] {strides = array<i32>} : memref<8x50x128xf32, #tpu.memory_space<vmem>>, vector<16xf32>,
        %parallel_loop3A_594 = arith.mulf %parallel_loop3A_593, %parallel_loop3A_593 : vector<16xf32>
        %parallel_loop3A_595 = arith.constant 0 : i32
        %parallel_loop3A_596 = arith.index_cast %parallel_loop3A_595 : i32 to index
        %parallel_loop3A_597 = arith.index_cast %parallel_loop3A_548 : i32 to index
        %parallel_loop3A_598 = arith.constant 112 : index
        %parallel_loop3A_599 = tpu.vector_load %arg4[%parallel_loop3A_596, %parallel_loop3A_597, %parallel_loop3A_598] {strides = array<i32>} : memref<8x50x128xf32, #tpu.memory_space<vmem>>, vector<16xf32>,
        %parallel_loop3A_600 = arith.mulf %parallel_loop3A_599, %parallel_loop3A_599 : vector<16xf32>
        %parallel_loop3A_601 = arith.addf %parallel_loop3A_558, %parallel_loop3A_582 : vector<16xf32>
        %parallel_loop3A_602 = arith.addf %parallel_loop3A_564, %parallel_loop3A_588 : vector<16xf32>
        %parallel_loop3A_603 = arith.addf %parallel_loop3A_570, %parallel_loop3A_594 : vector<16xf32>
        %parallel_loop3A_604 = arith.addf %parallel_loop3A_576, %parallel_loop3A_600 : vector<16xf32>
        %parallel_loop3A_605 = arith.addf %parallel_loop3A_601, %parallel_loop3A_603 : vector<16xf32>
        %parallel_loop3A_606 = arith.addf %parallel_loop3A_602, %parallel_loop3A_604 : vector<16xf32>
        %parallel_loop3A_607 = arith.addf %parallel_loop3A_605, %parallel_loop3A_606 : vector<16xf32>
        %parallel_loop3A_608 = arith.constant 0 : i32
        %parallel_loop3A_609 = vector.broadcast %parallel_loop3A_608 : i32 to vector<16xi32>
        %parallel_loop3A_610 = arith.cmpi slt, %xor3A_471, %parallel_loop3A_609 : vector<16xi32>
        %parallel_loop3A_611 = arith.constant 16 : i32
        %parallel_loop3A_612 = vector.broadcast %parallel_loop3A_611 : i32 to vector<16xi32>
        %parallel_loop3A_613 = arith.addi %xor3A_471, %parallel_loop3A_612 : vector<16xi32>
        %parallel_loop3A_614 = arith.select %parallel_loop3A_610, %parallel_loop3A_613, %xor3A_471 : vector<16xi1>, vector<16xi32>
        %parallel_loop3A_615 = vector.shape_cast %parallel_loop3A_614 : vector<16xi32> to vector<16x1xi32>
        %parallel_loop3A_616 = vector.shape_cast %parallel_loop3A_615 : vector<16x1xi32> to vector<16xi32>
        %parallel_loop3A_617 = tpu.dynamic_gather %parallel_loop3A_607[%parallel_loop3A_616] in [0] : vector<16xf32>, vector<16xi32> -> vector<16xf32>
        %parallel_loop3A_618 = arith.addf %parallel_loop3A_607, %parallel_loop3A_617 : vector<16xf32>
        %parallel_loop3A_619 = arith.constant 0 : i32
        %parallel_loop3A_620 = vector.broadcast %parallel_loop3A_619 : i32 to vector<16xi32>
        %parallel_loop3A_621 = arith.cmpi slt, %xor3A_475, %parallel_loop3A_620 : vector<16xi32>
        %parallel_loop3A_622 = arith.constant 16 : i32
        %parallel_loop3A_623 = vector.broadcast %parallel_loop3A_622 : i32 to vector<16xi32>
        %parallel_loop3A_624 = arith.addi %xor3A_475, %parallel_loop3A_623 : vector<16xi32>
        %parallel_loop3A_625 = arith.select %parallel_loop3A_621, %parallel_loop3A_624, %xor3A_475 : vector<16xi1>, vector<16xi32>
        %parallel_loop3A_626 = vector.shape_cast %parallel_loop3A_625 : vector<16xi32> to vector<16x1xi32>
        %parallel_loop3A_627 = vector.shape_cast %parallel_loop3A_626 : vector<16x1xi32> to vector<16xi32>
        %parallel_loop3A_628 = tpu.dynamic_gather %parallel_loop3A_618[%parallel_loop3A_627] in [0] : vector<16xf32>, vector<16xi32> -> vector<16xf32>
        %parallel_loop3A_629 = arith.addf %parallel_loop3A_618, %parallel_loop3A_628 : vector<16xf32>
        %parallel_loop3A_630 = arith.constant 0 : i32
        %parallel_loop3A_631 = vector.broadcast %parallel_loop3A_630 : i32 to vector<16xi32>
        %parallel_loop3A_632 = arith.cmpi slt, %xor3A_479, %parallel_loop3A_631 : vector<16xi32>
        %parallel_loop3A_633 = arith.constant 16 : i32
        %parallel_loop3A_634 = vector.broadcast %parallel_loop3A_633 : i32 to vector<16xi32>
        %parallel_loop3A_635 = arith.addi %xor3A_479, %parallel_loop3A_634 : vector<16xi32>
        %parallel_loop3A_636 = arith.select %parallel_loop3A_632, %parallel_loop3A_635, %xor3A_479 : vector<16xi1>, vector<16xi32>
        %parallel_loop3A_637 = vector.shape_cast %parallel_loop3A_636 : vector<16xi32> to vector<16x1xi32>
        %parallel_loop3A_638 = vector.shape_cast %parallel_loop3A_637 : vector<16x1xi32> to vector<16xi32>
        %parallel_loop3A_639 = tpu.dynamic_gather %parallel_loop3A_629[%parallel_loop3A_638] in [0] : vector<16xf32>, vector<16xi32> -> vector<16xf32>
        %parallel_loop3A_640 = arith.addf %parallel_loop3A_629, %parallel_loop3A_639 : vector<16xf32>
        %parallel_loop3A_641 = arith.constant 0 : i32
        %parallel_loop3A_642 = vector.broadcast %parallel_loop3A_641 : i32 to vector<16xi32>
        %parallel_loop3A_643 = arith.cmpi slt, %xor3A_483, %parallel_loop3A_642 : vector<16xi32>
        %parallel_loop3A_644 = arith.constant 16 : i32
        %parallel_loop3A_645 = vector.broadcast %parallel_loop3A_644 : i32 to vector<16xi32>
        %parallel_loop3A_646 = arith.addi %xor3A_483, %parallel_loop3A_645 : vector<16xi32>
        %parallel_loop3A_647 = arith.select %parallel_loop3A_643, %parallel_loop3A_646, %xor3A_483 : vector<16xi1>, vector<16xi32>
        %parallel_loop3A_648 = vector.shape_cast %parallel_loop3A_647 : vector<16xi32> to vector<16x1xi32>
        %parallel_loop3A_649 = vector.shape_cast %parallel_loop3A_648 : vector<16x1xi32> to vector<16xi32>
        %parallel_loop3A_650 = tpu.dynamic_gather %parallel_loop3A_640[%parallel_loop3A_649] in [0] : vector<16xf32>, vector<16xi32> -> vector<16xf32>
        %parallel_loop3A_651 = arith.addf %parallel_loop3A_640, %parallel_loop3A_650 : vector<16xf32>
        %parallel_loop3A_652 = arith.cmpf ogt, %parallel_loop3A_651, %parallel_loop3A_550 : vector<16xf32>
        %parallel_loop3A_653 = arith.select %parallel_loop3A_652, %parallel_loop3A_651, %parallel_loop3A_550 : vector<16xi1>, vector<16xf32>
        %parallel_loop3A_654 = arith.constant 0 : i32
        %parallel_loop3A_655 = vector.broadcast %parallel_loop3A_654 : i32 to vector<16xi32>
        %parallel_loop3A_656 = arith.select %parallel_loop3A_652, %parallel_loop3A_655, %parallel_loop3A_552 : vector<16xi1>, vector<16xi32>
        %parallel_loop3A_657 = arith.constant 1 : i32
        %parallel_loop3A_658 = arith.index_cast %parallel_loop3A_657 : i32 to index
        %parallel_loop3A_659 = arith.index_cast %parallel_loop3A_548 : i32 to index
        %parallel_loop3A_660 = arith.constant 0 : index
        %parallel_loop3A_661 = tpu.vector_load %arg4[%parallel_loop3A_658, %parallel_loop3A_659, %parallel_loop3A_660] {strides = array<i32>} : memref<8x50x128xf32, #tpu.memory_space<vmem>>, vector<16xf32>,
        %parallel_loop3A_662 = arith.mulf %parallel_loop3A_661, %parallel_loop3A_661 : vector<16xf32>
        %parallel_loop3A_663 = arith.constant 1 : i32
        %parallel_loop3A_664 = arith.index_cast %parallel_loop3A_663 : i32 to index
        %parallel_loop3A_665 = arith.index_cast %parallel_loop3A_548 : i32 to index
        %parallel_loop3A_666 = arith.constant 16 : index
        %parallel_loop3A_667 = tpu.vector_load %arg4[%parallel_loop3A_664, %parallel_loop3A_665, %parallel_loop3A_666] {strides = array<i32>} : memref<8x50x128xf32, #tpu.memory_space<vmem>>, vector<16xf32>,
        %parallel_loop3A_668 = arith.mulf %parallel_loop3A_667, %parallel_loop3A_667 : vector<16xf32>
        %parallel_loop3A_669 = arith.constant 1 : i32
        %parallel_loop3A_670 = arith.index_cast %parallel_loop3A_669 : i32 to index
        %parallel_loop3A_671 = arith.index_cast %parallel_loop3A_548 : i32 to index
        %parallel_loop3A_672 = arith.constant 32 : index
        %parallel_loop3A_673 = tpu.vector_load %arg4[%parallel_loop3A_670, %parallel_loop3A_671, %parallel_loop3A_672] {strides = array<i32>} : memref<8x50x128xf32, #tpu.memory_space<vmem>>, vector<16xf32>,
        %parallel_loop3A_674 = arith.mulf %parallel_loop3A_673, %parallel_loop3A_673 : vector<16xf32>
        %parallel_loop3A_675 = arith.constant 1 : i32
        %parallel_loop3A_676 = arith.index_cast %parallel_loop3A_675 : i32 to index
        %parallel_loop3A_677 = arith.index_cast %parallel_loop3A_548 : i32 to index
        %parallel_loop3A_678 = arith.constant 48 : index
        %parallel_loop3A_679 = tpu.vector_load %arg4[%parallel_loop3A_676, %parallel_loop3A_677, %parallel_loop3A_678] {strides = array<i32>} : memref<8x50x128xf32, #tpu.memory_space<vmem>>, vector<16xf32>,
        %parallel_loop3A_680 = arith.mulf %parallel_loop3A_679, %parallel_loop3A_679 : vector<16xf32>
        %parallel_loop3A_681 = arith.constant 1 : i32
        %parallel_loop3A_682 = arith.index_cast %parallel_loop3A_681 : i32 to index
        %parallel_loop3A_683 = arith.index_cast %parallel_loop3A_548 : i32 to index
        %parallel_loop3A_684 = arith.constant 64 : index
        %parallel_loop3A_685 = tpu.vector_load %arg4[%parallel_loop3A_682, %parallel_loop3A_683, %parallel_loop3A_684] {strides = array<i32>} : memref<8x50x128xf32, #tpu.memory_space<vmem>>, vector<16xf32>,
        %parallel_loop3A_686 = arith.mulf %parallel_loop3A_685, %parallel_loop3A_685 : vector<16xf32>
        %parallel_loop3A_687 = arith.constant 1 : i32
        %parallel_loop3A_688 = arith.index_cast %parallel_loop3A_687 : i32 to index
        %parallel_loop3A_689 = arith.index_cast %parallel_loop3A_548 : i32 to index
        %parallel_loop3A_690 = arith.constant 80 : index
        %parallel_loop3A_691 = tpu.vector_load %arg4[%parallel_loop3A_688, %parallel_loop3A_689, %parallel_loop3A_690] {strides = array<i32>} : memref<8x50x128xf32, #tpu.memory_space<vmem>>, vector<16xf32>,
        %parallel_loop3A_692 = arith.mulf %parallel_loop3A_691, %parallel_loop3A_691 : vector<16xf32>
        %parallel_loop3A_693 = arith.constant 1 : i32
        %parallel_loop3A_694 = arith.index_cast %parallel_loop3A_693 : i32 to index
        %parallel_loop3A_695 = arith.index_cast %parallel_loop3A_548 : i32 to index
        %parallel_loop3A_696 = arith.constant 96 : index
        %parallel_loop3A_697 = tpu.vector_load %arg4[%parallel_loop3A_694, %parallel_loop3A_695, %parallel_loop3A_696] {strides = array<i32>} : memref<8x50x128xf32, #tpu.memory_space<vmem>>, vector<16xf32>,
        %parallel_loop3A_698 = arith.mulf %parallel_loop3A_697, %parallel_loop3A_697 : vector<16xf32>
        %parallel_loop3A_699 = arith.constant 1 : i32
        %parallel_loop3A_700 = arith.index_cast %parallel_loop3A_699 : i32 to index
        %parallel_loop3A_701 = arith.index_cast %parallel_loop3A_548 : i32 to index
        %parallel_loop3A_702 = arith.constant 112 : index
        %parallel_loop3A_703 = tpu.vector_load %arg4[%parallel_loop3A_700, %parallel_loop3A_701, %parallel_loop3A_702] {strides = array<i32>} : memref<8x50x128xf32, #tpu.memory_space<vmem>>, vector<16xf32>,
        %parallel_loop3A_704 = arith.mulf %parallel_loop3A_703, %parallel_loop3A_703 : vector<16xf32>
        %parallel_loop3A_705 = arith.addf %parallel_loop3A_662, %parallel_loop3A_686 : vector<16xf32>
        %parallel_loop3A_706 = arith.addf %parallel_loop3A_668, %parallel_loop3A_692 : vector<16xf32>
        %parallel_loop3A_707 = arith.addf %parallel_loop3A_674, %parallel_loop3A_698 : vector<16xf32>
        %parallel_loop3A_708 = arith.addf %parallel_loop3A_680, %parallel_loop3A_704 : vector<16xf32>
        %parallel_loop3A_709 = arith.addf %parallel_loop3A_705, %parallel_loop3A_707 : vector<16xf32>
        %parallel_loop3A_710 = arith.addf %parallel_loop3A_706, %parallel_loop3A_708 : vector<16xf32>
        %parallel_loop3A_711 = arith.addf %parallel_loop3A_709, %parallel_loop3A_710 : vector<16xf32>
        %parallel_loop3A_712 = arith.constant 0 : i32
        %parallel_loop3A_713 = vector.broadcast %parallel_loop3A_712 : i32 to vector<16xi32>
        %parallel_loop3A_714 = arith.cmpi slt, %xor3A_471, %parallel_loop3A_713 : vector<16xi32>
        %parallel_loop3A_715 = arith.constant 16 : i32
        %parallel_loop3A_716 = vector.broadcast %parallel_loop3A_715 : i32 to vector<16xi32>
        %parallel_loop3A_717 = arith.addi %xor3A_471, %parallel_loop3A_716 : vector<16xi32>
        %parallel_loop3A_718 = arith.select %parallel_loop3A_714, %parallel_loop3A_717, %xor3A_471 : vector<16xi1>, vector<16xi32>
        %parallel_loop3A_719 = vector.shape_cast %parallel_loop3A_718 : vector<16xi32> to vector<16x1xi32>
        %parallel_loop3A_720 = vector.shape_cast %parallel_loop3A_719 : vector<16x1xi32> to vector<16xi32>
        %parallel_loop3A_721 = tpu.dynamic_gather %parallel_loop3A_711[%parallel_loop3A_720] in [0] : vector<16xf32>, vector<16xi32> -> vector<16xf32>
        %parallel_loop3A_722 = arith.addf %parallel_loop3A_711, %parallel_loop3A_721 : vector<16xf32>
        %parallel_loop3A_723 = arith.constant 0 : i32
        %parallel_loop3A_724 = vector.broadcast %parallel_loop3A_723 : i32 to vector<16xi32>
        %parallel_loop3A_725 = arith.cmpi slt, %xor3A_475, %parallel_loop3A_724 : vector<16xi32>
        %parallel_loop3A_726 = arith.constant 16 : i32
        %parallel_loop3A_727 = vector.broadcast %parallel_loop3A_726 : i32 to vector<16xi32>
        %parallel_loop3A_728 = arith.addi %xor3A_475, %parallel_loop3A_727 : vector<16xi32>
        %parallel_loop3A_729 = arith.select %parallel_loop3A_725, %parallel_loop3A_728, %xor3A_475 : vector<16xi1>, vector<16xi32>
        %parallel_loop3A_730 = vector.shape_cast %parallel_loop3A_729 : vector<16xi32> to vector<16x1xi32>
        %parallel_loop3A_731 = vector.shape_cast %parallel_loop3A_730 : vector<16x1xi32> to vector<16xi32>
        %parallel_loop3A_732 = tpu.dynamic_gather %parallel_loop3A_722[%parallel_loop3A_731] in [0] : vector<16xf32>, vector<16xi32> -> vector<16xf32>
        %parallel_loop3A_733 = arith.addf %parallel_loop3A_722, %parallel_loop3A_732 : vector<16xf32>
        %parallel_loop3A_734 = arith.constant 0 : i32
        %parallel_loop3A_735 = vector.broadcast %parallel_loop3A_734 : i32 to vector<16xi32>
        %parallel_loop3A_736 = arith.cmpi slt, %xor3A_479, %parallel_loop3A_735 : vector<16xi32>
        %parallel_loop3A_737 = arith.constant 16 : i32
        %parallel_loop3A_738 = vector.broadcast %parallel_loop3A_737 : i32 to vector<16xi32>
        %parallel_loop3A_739 = arith.addi %xor3A_479, %parallel_loop3A_738 : vector<16xi32>
        %parallel_loop3A_740 = arith.select %parallel_loop3A_736, %parallel_loop3A_739, %xor3A_479 : vector<16xi1>, vector<16xi32>
        %parallel_loop3A_741 = vector.shape_cast %parallel_loop3A_740 : vector<16xi32> to vector<16x1xi32>
        %parallel_loop3A_742 = vector.shape_cast %parallel_loop3A_741 : vector<16x1xi32> to vector<16xi32>
        %parallel_loop3A_743 = tpu.dynamic_gather %parallel_loop3A_733[%parallel_loop3A_742] in [0] : vector<16xf32>, vector<16xi32> -> vector<16xf32>
        %parallel_loop3A_744 = arith.addf %parallel_loop3A_733, %parallel_loop3A_743 : vector<16xf32>
        %parallel_loop3A_745 = arith.constant 0 : i32
        %parallel_loop3A_746 = vector.broadcast %parallel_loop3A_745 : i32 to vector<16xi32>
        %parallel_loop3A_747 = arith.cmpi slt, %xor3A_483, %parallel_loop3A_746 : vector<16xi32>
        %parallel_loop3A_748 = arith.constant 16 : i32
        %parallel_loop3A_749 = vector.broadcast %parallel_loop3A_748 : i32 to vector<16xi32>
        %parallel_loop3A_750 = arith.addi %xor3A_483, %parallel_loop3A_749 : vector<16xi32>
        %parallel_loop3A_751 = arith.select %parallel_loop3A_747, %parallel_loop3A_750, %xor3A_483 : vector<16xi1>, vector<16xi32>
        %parallel_loop3A_752 = vector.shape_cast %parallel_loop3A_751 : vector<16xi32> to vector<16x1xi32>
        %parallel_loop3A_753 = vector.shape_cast %parallel_loop3A_752 : vector<16x1xi32> to vector<16xi32>
        %parallel_loop3A_754 = tpu.dynamic_gather %parallel_loop3A_744[%parallel_loop3A_753] in [0] : vector<16xf32>, vector<16xi32> -> vector<16xf32>
        %parallel_loop3A_755 = arith.addf %parallel_loop3A_744, %parallel_loop3A_754 : vector<16xf32>
        %parallel_loop3A_756 = arith.cmpf ogt, %parallel_loop3A_755, %parallel_loop3A_653 : vector<16xf32>
        %parallel_loop3A_757 = arith.select %parallel_loop3A_756, %parallel_loop3A_755, %parallel_loop3A_653 : vector<16xi1>, vector<16xf32>
        %parallel_loop3A_758 = arith.constant 1 : i32
        %parallel_loop3A_759 = vector.broadcast %parallel_loop3A_758 : i32 to vector<16xi32>
        %parallel_loop3A_760 = arith.select %parallel_loop3A_756, %parallel_loop3A_759, %parallel_loop3A_656 : vector<16xi1>, vector<16xi32>
        %parallel_loop3A_761 = arith.constant 2 : i32
        %parallel_loop3A_762 = arith.index_cast %parallel_loop3A_761 : i32 to index
        %parallel_loop3A_763 = arith.index_cast %parallel_loop3A_548 : i32 to index
        %parallel_loop3A_764 = arith.constant 0 : index
        %parallel_loop3A_765 = tpu.vector_load %arg4[%parallel_loop3A_762, %parallel_loop3A_763, %parallel_loop3A_764] {strides = array<i32>} : memref<8x50x128xf32, #tpu.memory_space<vmem>>, vector<16xf32>,
        %parallel_loop3A_766 = arith.mulf %parallel_loop3A_765, %parallel_loop3A_765 : vector<16xf32>
        %parallel_loop3A_767 = arith.constant 2 : i32
        %parallel_loop3A_768 = arith.index_cast %parallel_loop3A_767 : i32 to index
        %parallel_loop3A_769 = arith.index_cast %parallel_loop3A_548 : i32 to index
        %parallel_loop3A_770 = arith.constant 16 : index
        %parallel_loop3A_771 = tpu.vector_load %arg4[%parallel_loop3A_768, %parallel_loop3A_769, %parallel_loop3A_770] {strides = array<i32>} : memref<8x50x128xf32, #tpu.memory_space<vmem>>, vector<16xf32>,
        %parallel_loop3A_772 = arith.mulf %parallel_loop3A_771, %parallel_loop3A_771 : vector<16xf32>
        %parallel_loop3A_773 = arith.constant 2 : i32
        %parallel_loop3A_774 = arith.index_cast %parallel_loop3A_773 : i32 to index
        %parallel_loop3A_775 = arith.index_cast %parallel_loop3A_548 : i32 to index
        %parallel_loop3A_776 = arith.constant 32 : index
        %parallel_loop3A_777 = tpu.vector_load %arg4[%parallel_loop3A_774, %parallel_loop3A_775, %parallel_loop3A_776] {strides = array<i32>} : memref<8x50x128xf32, #tpu.memory_space<vmem>>, vector<16xf32>,
        %parallel_loop3A_778 = arith.mulf %parallel_loop3A_777, %parallel_loop3A_777 : vector<16xf32>
        %parallel_loop3A_779 = arith.constant 2 : i32
        %parallel_loop3A_780 = arith.index_cast %parallel_loop3A_779 : i32 to index
        %parallel_loop3A_781 = arith.index_cast %parallel_loop3A_548 : i32 to index
        %parallel_loop3A_782 = arith.constant 48 : index
        %parallel_loop3A_783 = tpu.vector_load %arg4[%parallel_loop3A_780, %parallel_loop3A_781, %parallel_loop3A_782] {strides = array<i32>} : memref<8x50x128xf32, #tpu.memory_space<vmem>>, vector<16xf32>,
        %parallel_loop3A_784 = arith.mulf %parallel_loop3A_783, %parallel_loop3A_783 : vector<16xf32>
        %parallel_loop3A_785 = arith.constant 2 : i32
        %parallel_loop3A_786 = arith.index_cast %parallel_loop3A_785 : i32 to index
        %parallel_loop3A_787 = arith.index_cast %parallel_loop3A_548 : i32 to index
        %parallel_loop3A_788 = arith.constant 64 : index
        %parallel_loop3A_789 = tpu.vector_load %arg4[%parallel_loop3A_786, %parallel_loop3A_787, %parallel_loop3A_788] {strides = array<i32>} : memref<8x50x128xf32, #tpu.memory_space<vmem>>, vector<16xf32>,
        %parallel_loop3A_790 = arith.mulf %parallel_loop3A_789, %parallel_loop3A_789 : vector<16xf32>
        %parallel_loop3A_791 = arith.constant 2 : i32
        %parallel_loop3A_792 = arith.index_cast %parallel_loop3A_791 : i32 to index
        %parallel_loop3A_793 = arith.index_cast %parallel_loop3A_548 : i32 to index
        %parallel_loop3A_794 = arith.constant 80 : index
        %parallel_loop3A_795 = tpu.vector_load %arg4[%parallel_loop3A_792, %parallel_loop3A_793, %parallel_loop3A_794] {strides = array<i32>} : memref<8x50x128xf32, #tpu.memory_space<vmem>>, vector<16xf32>,
        %parallel_loop3A_796 = arith.mulf %parallel_loop3A_795, %parallel_loop3A_795 : vector<16xf32>
        %parallel_loop3A_797 = arith.constant 2 : i32
        %parallel_loop3A_798 = arith.index_cast %parallel_loop3A_797 : i32 to index
        %parallel_loop3A_799 = arith.index_cast %parallel_loop3A_548 : i32 to index
        %parallel_loop3A_800 = arith.constant 96 : index
        %parallel_loop3A_801 = tpu.vector_load %arg4[%parallel_loop3A_798, %parallel_loop3A_799, %parallel_loop3A_800] {strides = array<i32>} : memref<8x50x128xf32, #tpu.memory_space<vmem>>, vector<16xf32>,
        %parallel_loop3A_802 = arith.mulf %parallel_loop3A_801, %parallel_loop3A_801 : vector<16xf32>
        %parallel_loop3A_803 = arith.constant 2 : i32
        %parallel_loop3A_804 = arith.index_cast %parallel_loop3A_803 : i32 to index
        %parallel_loop3A_805 = arith.index_cast %parallel_loop3A_548 : i32 to index
        %parallel_loop3A_806 = arith.constant 112 : index
        %parallel_loop3A_807 = tpu.vector_load %arg4[%parallel_loop3A_804, %parallel_loop3A_805, %parallel_loop3A_806] {strides = array<i32>} : memref<8x50x128xf32, #tpu.memory_space<vmem>>, vector<16xf32>,
        %parallel_loop3A_808 = arith.mulf %parallel_loop3A_807, %parallel_loop3A_807 : vector<16xf32>
        %parallel_loop3A_809 = arith.addf %parallel_loop3A_766, %parallel_loop3A_790 : vector<16xf32>
        %parallel_loop3A_810 = arith.addf %parallel_loop3A_772, %parallel_loop3A_796 : vector<16xf32>
        %parallel_loop3A_811 = arith.addf %parallel_loop3A_778, %parallel_loop3A_802 : vector<16xf32>
        %parallel_loop3A_812 = arith.addf %parallel_loop3A_784, %parallel_loop3A_808 : vector<16xf32>
        %parallel_loop3A_813 = arith.addf %parallel_loop3A_809, %parallel_loop3A_811 : vector<16xf32>
        %parallel_loop3A_814 = arith.addf %parallel_loop3A_810, %parallel_loop3A_812 : vector<16xf32>
        %parallel_loop3A_815 = arith.addf %parallel_loop3A_813, %parallel_loop3A_814 : vector<16xf32>
        %parallel_loop3A_816 = arith.constant 0 : i32
        %parallel_loop3A_817 = vector.broadcast %parallel_loop3A_816 : i32 to vector<16xi32>
        %parallel_loop3A_818 = arith.cmpi slt, %xor3A_471, %parallel_loop3A_817 : vector<16xi32>
        %parallel_loop3A_819 = arith.constant 16 : i32
        %parallel_loop3A_820 = vector.broadcast %parallel_loop3A_819 : i32 to vector<16xi32>
        %parallel_loop3A_821 = arith.addi %xor3A_471, %parallel_loop3A_820 : vector<16xi32>
        %parallel_loop3A_822 = arith.select %parallel_loop3A_818, %parallel_loop3A_821, %xor3A_471 : vector<16xi1>, vector<16xi32>
        %parallel_loop3A_823 = vector.shape_cast %parallel_loop3A_822 : vector<16xi32> to vector<16x1xi32>
        %parallel_loop3A_824 = vector.shape_cast %parallel_loop3A_823 : vector<16x1xi32> to vector<16xi32>
        %parallel_loop3A_825 = tpu.dynamic_gather %parallel_loop3A_815[%parallel_loop3A_824] in [0] : vector<16xf32>, vector<16xi32> -> vector<16xf32>
        %parallel_loop3A_826 = arith.addf %parallel_loop3A_815, %parallel_loop3A_825 : vector<16xf32>
        %parallel_loop3A_827 = arith.constant 0 : i32
        %parallel_loop3A_828 = vector.broadcast %parallel_loop3A_827 : i32 to vector<16xi32>
        %parallel_loop3A_829 = arith.cmpi slt, %xor3A_475, %parallel_loop3A_828 : vector<16xi32>
        %parallel_loop3A_830 = arith.constant 16 : i32
        %parallel_loop3A_831 = vector.broadcast %parallel_loop3A_830 : i32 to vector<16xi32>
        %parallel_loop3A_832 = arith.addi %xor3A_475, %parallel_loop3A_831 : vector<16xi32>
        %parallel_loop3A_833 = arith.select %parallel_loop3A_829, %parallel_loop3A_832, %xor3A_475 : vector<16xi1>, vector<16xi32>
        %parallel_loop3A_834 = vector.shape_cast %parallel_loop3A_833 : vector<16xi32> to vector<16x1xi32>
        %parallel_loop3A_835 = vector.shape_cast %parallel_loop3A_834 : vector<16x1xi32> to vector<16xi32>
        %parallel_loop3A_836 = tpu.dynamic_gather %parallel_loop3A_826[%parallel_loop3A_835] in [0] : vector<16xf32>, vector<16xi32> -> vector<16xf32>
        %parallel_loop3A_837 = arith.addf %parallel_loop3A_826, %parallel_loop3A_836 : vector<16xf32>
        %parallel_loop3A_838 = arith.constant 0 : i32
        %parallel_loop3A_839 = vector.broadcast %parallel_loop3A_838 : i32 to vector<16xi32>
        %parallel_loop3A_840 = arith.cmpi slt, %xor3A_479, %parallel_loop3A_839 : vector<16xi32>
        %parallel_loop3A_841 = arith.constant 16 : i32
        %parallel_loop3A_842 = vector.broadcast %parallel_loop3A_841 : i32 to vector<16xi32>
        %parallel_loop3A_843 = arith.addi %xor3A_479, %parallel_loop3A_842 : vector<16xi32>
        %parallel_loop3A_844 = arith.select %parallel_loop3A_840, %parallel_loop3A_843, %xor3A_479 : vector<16xi1>, vector<16xi32>
        %parallel_loop3A_845 = vector.shape_cast %parallel_loop3A_844 : vector<16xi32> to vector<16x1xi32>
        %parallel_loop3A_846 = vector.shape_cast %parallel_loop3A_845 : vector<16x1xi32> to vector<16xi32>
        %parallel_loop3A_847 = tpu.dynamic_gather %parallel_loop3A_837[%parallel_loop3A_846] in [0] : vector<16xf32>, vector<16xi32> -> vector<16xf32>
        %parallel_loop3A_848 = arith.addf %parallel_loop3A_837, %parallel_loop3A_847 : vector<16xf32>
        %parallel_loop3A_849 = arith.constant 0 : i32
        %parallel_loop3A_850 = vector.broadcast %parallel_loop3A_849 : i32 to vector<16xi32>
        %parallel_loop3A_851 = arith.cmpi slt, %xor3A_483, %parallel_loop3A_850 : vector<16xi32>
        %parallel_loop3A_852 = arith.constant 16 : i32
        %parallel_loop3A_853 = vector.broadcast %parallel_loop3A_852 : i32 to vector<16xi32>
        %parallel_loop3A_854 = arith.addi %xor3A_483, %parallel_loop3A_853 : vector<16xi32>
        %parallel_loop3A_855 = arith.select %parallel_loop3A_851, %parallel_loop3A_854, %xor3A_483 : vector<16xi1>, vector<16xi32>
        %parallel_loop3A_856 = vector.shape_cast %parallel_loop3A_855 : vector<16xi32> to vector<16x1xi32>
        %parallel_loop3A_857 = vector.shape_cast %parallel_loop3A_856 : vector<16x1xi32> to vector<16xi32>
        %parallel_loop3A_858 = tpu.dynamic_gather %parallel_loop3A_848[%parallel_loop3A_857] in [0] : vector<16xf32>, vector<16xi32> -> vector<16xf32>
        %parallel_loop3A_859 = arith.addf %parallel_loop3A_848, %parallel_loop3A_858 : vector<16xf32>
        %parallel_loop3A_860 = arith.cmpf ogt, %parallel_loop3A_859, %parallel_loop3A_757 : vector<16xf32>
        %parallel_loop3A_861 = arith.select %parallel_loop3A_860, %parallel_loop3A_859, %parallel_loop3A_757 : vector<16xi1>, vector<16xf32>
        %parallel_loop3A_862 = arith.constant 2 : i32
        %parallel_loop3A_863 = vector.broadcast %parallel_loop3A_862 : i32 to vector<16xi32>
        %parallel_loop3A_864 = arith.select %parallel_loop3A_860, %parallel_loop3A_863, %parallel_loop3A_760 : vector<16xi1>, vector<16xi32>
        %parallel_loop3A_865 = arith.constant 3 : i32
        %parallel_loop3A_866 = arith.index_cast %parallel_loop3A_865 : i32 to index
        %parallel_loop3A_867 = arith.index_cast %parallel_loop3A_548 : i32 to index
        %parallel_loop3A_868 = arith.constant 0 : index
        %parallel_loop3A_869 = tpu.vector_load %arg4[%parallel_loop3A_866, %parallel_loop3A_867, %parallel_loop3A_868] {strides = array<i32>} : memref<8x50x128xf32, #tpu.memory_space<vmem>>, vector<16xf32>,
        %parallel_loop3A_870 = arith.mulf %parallel_loop3A_869, %parallel_loop3A_869 : vector<16xf32>
        %parallel_loop3A_871 = arith.constant 3 : i32
        %parallel_loop3A_872 = arith.index_cast %parallel_loop3A_871 : i32 to index
        %parallel_loop3A_873 = arith.index_cast %parallel_loop3A_548 : i32 to index
        %parallel_loop3A_874 = arith.constant 16 : index
        %parallel_loop3A_875 = tpu.vector_load %arg4[%parallel_loop3A_872, %parallel_loop3A_873, %parallel_loop3A_874] {strides = array<i32>} : memref<8x50x128xf32, #tpu.memory_space<vmem>>, vector<16xf32>,
        %parallel_loop3A_876 = arith.mulf %parallel_loop3A_875, %parallel_loop3A_875 : vector<16xf32>
        %parallel_loop3A_877 = arith.constant 3 : i32
        %parallel_loop3A_878 = arith.index_cast %parallel_loop3A_877 : i32 to index
        %parallel_loop3A_879 = arith.index_cast %parallel_loop3A_548 : i32 to index
        %parallel_loop3A_880 = arith.constant 32 : index
        %parallel_loop3A_881 = tpu.vector_load %arg4[%parallel_loop3A_878, %parallel_loop3A_879, %parallel_loop3A_880] {strides = array<i32>} : memref<8x50x128xf32, #tpu.memory_space<vmem>>, vector<16xf32>,
        %parallel_loop3A_882 = arith.mulf %parallel_loop3A_881, %parallel_loop3A_881 : vector<16xf32>
        %parallel_loop3A_883 = arith.constant 3 : i32
        %parallel_loop3A_884 = arith.index_cast %parallel_loop3A_883 : i32 to index
        %parallel_loop3A_885 = arith.index_cast %parallel_loop3A_548 : i32 to index
        %parallel_loop3A_886 = arith.constant 48 : index
        %parallel_loop3A_887 = tpu.vector_load %arg4[%parallel_loop3A_884, %parallel_loop3A_885, %parallel_loop3A_886] {strides = array<i32>} : memref<8x50x128xf32, #tpu.memory_space<vmem>>, vector<16xf32>,
        %parallel_loop3A_888 = arith.mulf %parallel_loop3A_887, %parallel_loop3A_887 : vector<16xf32>
        %parallel_loop3A_889 = arith.constant 3 : i32
        %parallel_loop3A_890 = arith.index_cast %parallel_loop3A_889 : i32 to index
        %parallel_loop3A_891 = arith.index_cast %parallel_loop3A_548 : i32 to index
        %parallel_loop3A_892 = arith.constant 64 : index
        %parallel_loop3A_893 = tpu.vector_load %arg4[%parallel_loop3A_890, %parallel_loop3A_891, %parallel_loop3A_892] {strides = array<i32>} : memref<8x50x128xf32, #tpu.memory_space<vmem>>, vector<16xf32>,
        %parallel_loop3A_894 = arith.mulf %parallel_loop3A_893, %parallel_loop3A_893 : vector<16xf32>
        %parallel_loop3A_895 = arith.constant 3 : i32
        %parallel_loop3A_896 = arith.index_cast %parallel_loop3A_895 : i32 to index
        %parallel_loop3A_897 = arith.index_cast %parallel_loop3A_548 : i32 to index
        %parallel_loop3A_898 = arith.constant 80 : index
        %parallel_loop3A_899 = tpu.vector_load %arg4[%parallel_loop3A_896, %parallel_loop3A_897, %parallel_loop3A_898] {strides = array<i32>} : memref<8x50x128xf32, #tpu.memory_space<vmem>>, vector<16xf32>,
        %parallel_loop3A_900 = arith.mulf %parallel_loop3A_899, %parallel_loop3A_899 : vector<16xf32>
        %parallel_loop3A_901 = arith.constant 3 : i32
        %parallel_loop3A_902 = arith.index_cast %parallel_loop3A_901 : i32 to index
        %parallel_loop3A_903 = arith.index_cast %parallel_loop3A_548 : i32 to index
        %parallel_loop3A_904 = arith.constant 96 : index
        %parallel_loop3A_905 = tpu.vector_load %arg4[%parallel_loop3A_902, %parallel_loop3A_903, %parallel_loop3A_904] {strides = array<i32>} : memref<8x50x128xf32, #tpu.memory_space<vmem>>, vector<16xf32>,
        %parallel_loop3A_906 = arith.mulf %parallel_loop3A_905, %parallel_loop3A_905 : vector<16xf32>
        %parallel_loop3A_907 = arith.constant 3 : i32
        %parallel_loop3A_908 = arith.index_cast %parallel_loop3A_907 : i32 to index
        %parallel_loop3A_909 = arith.index_cast %parallel_loop3A_548 : i32 to index
        %parallel_loop3A_910 = arith.constant 112 : index
        %parallel_loop3A_911 = tpu.vector_load %arg4[%parallel_loop3A_908, %parallel_loop3A_909, %parallel_loop3A_910] {strides = array<i32>} : memref<8x50x128xf32, #tpu.memory_space<vmem>>, vector<16xf32>,
        %parallel_loop3A_912 = arith.mulf %parallel_loop3A_911, %parallel_loop3A_911 : vector<16xf32>
        %parallel_loop3A_913 = arith.addf %parallel_loop3A_870, %parallel_loop3A_894 : vector<16xf32>
        %parallel_loop3A_914 = arith.addf %parallel_loop3A_876, %parallel_loop3A_900 : vector<16xf32>
        %parallel_loop3A_915 = arith.addf %parallel_loop3A_882, %parallel_loop3A_906 : vector<16xf32>
        %parallel_loop3A_916 = arith.addf %parallel_loop3A_888, %parallel_loop3A_912 : vector<16xf32>
        %parallel_loop3A_917 = arith.addf %parallel_loop3A_913, %parallel_loop3A_915 : vector<16xf32>
        %parallel_loop3A_918 = arith.addf %parallel_loop3A_914, %parallel_loop3A_916 : vector<16xf32>
        %parallel_loop3A_919 = arith.addf %parallel_loop3A_917, %parallel_loop3A_918 : vector<16xf32>
        %parallel_loop3A_920 = arith.constant 0 : i32
        %parallel_loop3A_921 = vector.broadcast %parallel_loop3A_920 : i32 to vector<16xi32>
        %parallel_loop3A_922 = arith.cmpi slt, %xor3A_471, %parallel_loop3A_921 : vector<16xi32>
        %parallel_loop3A_923 = arith.constant 16 : i32
        %parallel_loop3A_924 = vector.broadcast %parallel_loop3A_923 : i32 to vector<16xi32>
        %parallel_loop3A_925 = arith.addi %xor3A_471, %parallel_loop3A_924 : vector<16xi32>
        %parallel_loop3A_926 = arith.select %parallel_loop3A_922, %parallel_loop3A_925, %xor3A_471 : vector<16xi1>, vector<16xi32>
        %parallel_loop3A_927 = vector.shape_cast %parallel_loop3A_926 : vector<16xi32> to vector<16x1xi32>
        %parallel_loop3A_928 = vector.shape_cast %parallel_loop3A_927 : vector<16x1xi32> to vector<16xi32>
        %parallel_loop3A_929 = tpu.dynamic_gather %parallel_loop3A_919[%parallel_loop3A_928] in [0] : vector<16xf32>, vector<16xi32> -> vector<16xf32>
        %parallel_loop3A_930 = arith.addf %parallel_loop3A_919, %parallel_loop3A_929 : vector<16xf32>
        %parallel_loop3A_931 = arith.constant 0 : i32
        %parallel_loop3A_932 = vector.broadcast %parallel_loop3A_931 : i32 to vector<16xi32>
        %parallel_loop3A_933 = arith.cmpi slt, %xor3A_475, %parallel_loop3A_932 : vector<16xi32>
        %parallel_loop3A_934 = arith.constant 16 : i32
        %parallel_loop3A_935 = vector.broadcast %parallel_loop3A_934 : i32 to vector<16xi32>
        %parallel_loop3A_936 = arith.addi %xor3A_475, %parallel_loop3A_935 : vector<16xi32>
        %parallel_loop3A_937 = arith.select %parallel_loop3A_933, %parallel_loop3A_936, %xor3A_475 : vector<16xi1>, vector<16xi32>
        %parallel_loop3A_938 = vector.shape_cast %parallel_loop3A_937 : vector<16xi32> to vector<16x1xi32>
        %parallel_loop3A_939 = vector.shape_cast %parallel_loop3A_938 : vector<16x1xi32> to vector<16xi32>
        %parallel_loop3A_940 = tpu.dynamic_gather %parallel_loop3A_930[%parallel_loop3A_939] in [0] : vector<16xf32>, vector<16xi32> -> vector<16xf32>
        %parallel_loop3A_941 = arith.addf %parallel_loop3A_930, %parallel_loop3A_940 : vector<16xf32>
        %parallel_loop3A_942 = arith.constant 0 : i32
        %parallel_loop3A_943 = vector.broadcast %parallel_loop3A_942 : i32 to vector<16xi32>
        %parallel_loop3A_944 = arith.cmpi slt, %xor3A_479, %parallel_loop3A_943 : vector<16xi32>
        %parallel_loop3A_945 = arith.constant 16 : i32
        %parallel_loop3A_946 = vector.broadcast %parallel_loop3A_945 : i32 to vector<16xi32>
        %parallel_loop3A_947 = arith.addi %xor3A_479, %parallel_loop3A_946 : vector<16xi32>
        %parallel_loop3A_948 = arith.select %parallel_loop3A_944, %parallel_loop3A_947, %xor3A_479 : vector<16xi1>, vector<16xi32>
        %parallel_loop3A_949 = vector.shape_cast %parallel_loop3A_948 : vector<16xi32> to vector<16x1xi32>
        %parallel_loop3A_950 = vector.shape_cast %parallel_loop3A_949 : vector<16x1xi32> to vector<16xi32>
        %parallel_loop3A_951 = tpu.dynamic_gather %parallel_loop3A_941[%parallel_loop3A_950] in [0] : vector<16xf32>, vector<16xi32> -> vector<16xf32>
        %parallel_loop3A_952 = arith.addf %parallel_loop3A_941, %parallel_loop3A_951 : vector<16xf32>
        %parallel_loop3A_953 = arith.constant 0 : i32
        %parallel_loop3A_954 = vector.broadcast %parallel_loop3A_953 : i32 to vector<16xi32>
        %parallel_loop3A_955 = arith.cmpi slt, %xor3A_483, %parallel_loop3A_954 : vector<16xi32>
        %parallel_loop3A_956 = arith.constant 16 : i32
        %parallel_loop3A_957 = vector.broadcast %parallel_loop3A_956 : i32 to vector<16xi32>
        %parallel_loop3A_958 = arith.addi %xor3A_483, %parallel_loop3A_957 : vector<16xi32>
        %parallel_loop3A_959 = arith.select %parallel_loop3A_955, %parallel_loop3A_958, %xor3A_483 : vector<16xi1>, vector<16xi32>
        %parallel_loop3A_960 = vector.shape_cast %parallel_loop3A_959 : vector<16xi32> to vector<16x1xi32>
        %parallel_loop3A_961 = vector.shape_cast %parallel_loop3A_960 : vector<16x1xi32> to vector<16xi32>
        %parallel_loop3A_962 = tpu.dynamic_gather %parallel_loop3A_952[%parallel_loop3A_961] in [0] : vector<16xf32>, vector<16xi32> -> vector<16xf32>
        %parallel_loop3A_963 = arith.addf %parallel_loop3A_952, %parallel_loop3A_962 : vector<16xf32>
        %parallel_loop3A_964 = arith.cmpf ogt, %parallel_loop3A_963, %parallel_loop3A_861 : vector<16xf32>
        %parallel_loop3A_965 = arith.select %parallel_loop3A_964, %parallel_loop3A_963, %parallel_loop3A_861 : vector<16xi1>, vector<16xf32>
        %parallel_loop3A_966 = arith.constant 3 : i32
        %parallel_loop3A_967 = vector.broadcast %parallel_loop3A_966 : i32 to vector<16xi32>
        %parallel_loop3A_968 = arith.select %parallel_loop3A_964, %parallel_loop3A_967, %parallel_loop3A_864 : vector<16xi1>, vector<16xi32>
        %parallel_loop3A_969 = arith.constant 4 : i32
        %parallel_loop3A_970 = arith.index_cast %parallel_loop3A_969 : i32 to index
        %parallel_loop3A_971 = arith.index_cast %parallel_loop3A_548 : i32 to index
        %parallel_loop3A_972 = arith.constant 0 : index
        %parallel_loop3A_973 = tpu.vector_load %arg4[%parallel_loop3A_970, %parallel_loop3A_971, %parallel_loop3A_972] {strides = array<i32>} : memref<8x50x128xf32, #tpu.memory_space<vmem>>, vector<16xf32>,
        %parallel_loop3A_974 = arith.mulf %parallel_loop3A_973, %parallel_loop3A_973 : vector<16xf32>
        %parallel_loop3A_975 = arith.constant 4 : i32
        %parallel_loop3A_976 = arith.index_cast %parallel_loop3A_975 : i32 to index
        %parallel_loop3A_977 = arith.index_cast %parallel_loop3A_548 : i32 to index
        %parallel_loop3A_978 = arith.constant 16 : index
        %parallel_loop3A_979 = tpu.vector_load %arg4[%parallel_loop3A_976, %parallel_loop3A_977, %parallel_loop3A_978] {strides = array<i32>} : memref<8x50x128xf32, #tpu.memory_space<vmem>>, vector<16xf32>,
        %parallel_loop3A_980 = arith.mulf %parallel_loop3A_979, %parallel_loop3A_979 : vector<16xf32>
        %parallel_loop3A_981 = arith.constant 4 : i32
        %parallel_loop3A_982 = arith.index_cast %parallel_loop3A_981 : i32 to index
        %parallel_loop3A_983 = arith.index_cast %parallel_loop3A_548 : i32 to index
        %parallel_loop3A_984 = arith.constant 32 : index
        %parallel_loop3A_985 = tpu.vector_load %arg4[%parallel_loop3A_982, %parallel_loop3A_983, %parallel_loop3A_984] {strides = array<i32>} : memref<8x50x128xf32, #tpu.memory_space<vmem>>, vector<16xf32>,
        %parallel_loop3A_986 = arith.mulf %parallel_loop3A_985, %parallel_loop3A_985 : vector<16xf32>
        %parallel_loop3A_987 = arith.constant 4 : i32
        %parallel_loop3A_988 = arith.index_cast %parallel_loop3A_987 : i32 to index
        %parallel_loop3A_989 = arith.index_cast %parallel_loop3A_548 : i32 to index
        %parallel_loop3A_990 = arith.constant 48 : index
        %parallel_loop3A_991 = tpu.vector_load %arg4[%parallel_loop3A_988, %parallel_loop3A_989, %parallel_loop3A_990] {strides = array<i32>} : memref<8x50x128xf32, #tpu.memory_space<vmem>>, vector<16xf32>,
        %parallel_loop3A_992 = arith.mulf %parallel_loop3A_991, %parallel_loop3A_991 : vector<16xf32>
        %parallel_loop3A_993 = arith.constant 4 : i32
        %parallel_loop3A_994 = arith.index_cast %parallel_loop3A_993 : i32 to index
        %parallel_loop3A_995 = arith.index_cast %parallel_loop3A_548 : i32 to index
        %parallel_loop3A_996 = arith.constant 64 : index
        %parallel_loop3A_997 = tpu.vector_load %arg4[%parallel_loop3A_994, %parallel_loop3A_995, %parallel_loop3A_996] {strides = array<i32>} : memref<8x50x128xf32, #tpu.memory_space<vmem>>, vector<16xf32>,
        %parallel_loop3A_998 = arith.mulf %parallel_loop3A_997, %parallel_loop3A_997 : vector<16xf32>
        %parallel_loop3A_999 = arith.constant 4 : i32
        %parallel_loop3A_1000 = arith.index_cast %parallel_loop3A_999 : i32 to index
        %parallel_loop3A_1001 = arith.index_cast %parallel_loop3A_548 : i32 to index
        %parallel_loop3A_1002 = arith.constant 80 : index
        %parallel_loop3A_1003 = tpu.vector_load %arg4[%parallel_loop3A_1000, %parallel_loop3A_1001, %parallel_loop3A_1002] {strides = array<i32>} : memref<8x50x128xf32, #tpu.memory_space<vmem>>, vector<16xf32>,
        %parallel_loop3A_1004 = arith.mulf %parallel_loop3A_1003, %parallel_loop3A_1003 : vector<16xf32>
        %parallel_loop3A_1005 = arith.constant 4 : i32
        %parallel_loop3A_1006 = arith.index_cast %parallel_loop3A_1005 : i32 to index
        %parallel_loop3A_1007 = arith.index_cast %parallel_loop3A_548 : i32 to index
        %parallel_loop3A_1008 = arith.constant 96 : index
        %parallel_loop3A_1009 = tpu.vector_load %arg4[%parallel_loop3A_1006, %parallel_loop3A_1007, %parallel_loop3A_1008] {strides = array<i32>} : memref<8x50x128xf32, #tpu.memory_space<vmem>>, vector<16xf32>,
        %parallel_loop3A_1010 = arith.mulf %parallel_loop3A_1009, %parallel_loop3A_1009 : vector<16xf32>
        %parallel_loop3A_1011 = arith.constant 4 : i32
        %parallel_loop3A_1012 = arith.index_cast %parallel_loop3A_1011 : i32 to index
        %parallel_loop3A_1013 = arith.index_cast %parallel_loop3A_548 : i32 to index
        %parallel_loop3A_1014 = arith.constant 112 : index
        %parallel_loop3A_1015 = tpu.vector_load %arg4[%parallel_loop3A_1012, %parallel_loop3A_1013, %parallel_loop3A_1014] {strides = array<i32>} : memref<8x50x128xf32, #tpu.memory_space<vmem>>, vector<16xf32>,
        %parallel_loop3A_1016 = arith.mulf %parallel_loop3A_1015, %parallel_loop3A_1015 : vector<16xf32>
        %parallel_loop3A_1017 = arith.addf %parallel_loop3A_974, %parallel_loop3A_998 : vector<16xf32>
        %parallel_loop3A_1018 = arith.addf %parallel_loop3A_980, %parallel_loop3A_1004 : vector<16xf32>
        %parallel_loop3A_1019 = arith.addf %parallel_loop3A_986, %parallel_loop3A_1010 : vector<16xf32>
        %parallel_loop3A_1020 = arith.addf %parallel_loop3A_992, %parallel_loop3A_1016 : vector<16xf32>
        %parallel_loop3A_1021 = arith.addf %parallel_loop3A_1017, %parallel_loop3A_1019 : vector<16xf32>
        %parallel_loop3A_1022 = arith.addf %parallel_loop3A_1018, %parallel_loop3A_1020 : vector<16xf32>
        %parallel_loop3A_1023 = arith.addf %parallel_loop3A_1021, %parallel_loop3A_1022 : vector<16xf32>
        %parallel_loop3A_1024 = arith.constant 0 : i32
        %parallel_loop3A_1025 = vector.broadcast %parallel_loop3A_1024 : i32 to vector<16xi32>
        %parallel_loop3A_1026 = arith.cmpi slt, %xor3A_471, %parallel_loop3A_1025 : vector<16xi32>
        %parallel_loop3A_1027 = arith.constant 16 : i32
        %parallel_loop3A_1028 = vector.broadcast %parallel_loop3A_1027 : i32 to vector<16xi32>
        %parallel_loop3A_1029 = arith.addi %xor3A_471, %parallel_loop3A_1028 : vector<16xi32>
        %parallel_loop3A_1030 = arith.select %parallel_loop3A_1026, %parallel_loop3A_1029, %xor3A_471 : vector<16xi1>, vector<16xi32>
        %parallel_loop3A_1031 = vector.shape_cast %parallel_loop3A_1030 : vector<16xi32> to vector<16x1xi32>
        %parallel_loop3A_1032 = vector.shape_cast %parallel_loop3A_1031 : vector<16x1xi32> to vector<16xi32>
        %parallel_loop3A_1033 = tpu.dynamic_gather %parallel_loop3A_1023[%parallel_loop3A_1032] in [0] : vector<16xf32>, vector<16xi32> -> vector<16xf32>
        %parallel_loop3A_1034 = arith.addf %parallel_loop3A_1023, %parallel_loop3A_1033 : vector<16xf32>
        %parallel_loop3A_1035 = arith.constant 0 : i32
        %parallel_loop3A_1036 = vector.broadcast %parallel_loop3A_1035 : i32 to vector<16xi32>
        %parallel_loop3A_1037 = arith.cmpi slt, %xor3A_475, %parallel_loop3A_1036 : vector<16xi32>
        %parallel_loop3A_1038 = arith.constant 16 : i32
        %parallel_loop3A_1039 = vector.broadcast %parallel_loop3A_1038 : i32 to vector<16xi32>
        %parallel_loop3A_1040 = arith.addi %xor3A_475, %parallel_loop3A_1039 : vector<16xi32>
        %parallel_loop3A_1041 = arith.select %parallel_loop3A_1037, %parallel_loop3A_1040, %xor3A_475 : vector<16xi1>, vector<16xi32>
        %parallel_loop3A_1042 = vector.shape_cast %parallel_loop3A_1041 : vector<16xi32> to vector<16x1xi32>
        %parallel_loop3A_1043 = vector.shape_cast %parallel_loop3A_1042 : vector<16x1xi32> to vector<16xi32>
        %parallel_loop3A_1044 = tpu.dynamic_gather %parallel_loop3A_1034[%parallel_loop3A_1043] in [0] : vector<16xf32>, vector<16xi32> -> vector<16xf32>
        %parallel_loop3A_1045 = arith.addf %parallel_loop3A_1034, %parallel_loop3A_1044 : vector<16xf32>
        %parallel_loop3A_1046 = arith.constant 0 : i32
        %parallel_loop3A_1047 = vector.broadcast %parallel_loop3A_1046 : i32 to vector<16xi32>
        %parallel_loop3A_1048 = arith.cmpi slt, %xor3A_479, %parallel_loop3A_1047 : vector<16xi32>
        %parallel_loop3A_1049 = arith.constant 16 : i32
        %parallel_loop3A_1050 = vector.broadcast %parallel_loop3A_1049 : i32 to vector<16xi32>
        %parallel_loop3A_1051 = arith.addi %xor3A_479, %parallel_loop3A_1050 : vector<16xi32>
        %parallel_loop3A_1052 = arith.select %parallel_loop3A_1048, %parallel_loop3A_1051, %xor3A_479 : vector<16xi1>, vector<16xi32>
        %parallel_loop3A_1053 = vector.shape_cast %parallel_loop3A_1052 : vector<16xi32> to vector<16x1xi32>
        %parallel_loop3A_1054 = vector.shape_cast %parallel_loop3A_1053 : vector<16x1xi32> to vector<16xi32>
        %parallel_loop3A_1055 = tpu.dynamic_gather %parallel_loop3A_1045[%parallel_loop3A_1054] in [0] : vector<16xf32>, vector<16xi32> -> vector<16xf32>
        %parallel_loop3A_1056 = arith.addf %parallel_loop3A_1045, %parallel_loop3A_1055 : vector<16xf32>
        %parallel_loop3A_1057 = arith.constant 0 : i32
        %parallel_loop3A_1058 = vector.broadcast %parallel_loop3A_1057 : i32 to vector<16xi32>
        %parallel_loop3A_1059 = arith.cmpi slt, %xor3A_483, %parallel_loop3A_1058 : vector<16xi32>
        %parallel_loop3A_1060 = arith.constant 16 : i32
        %parallel_loop3A_1061 = vector.broadcast %parallel_loop3A_1060 : i32 to vector<16xi32>
        %parallel_loop3A_1062 = arith.addi %xor3A_483, %parallel_loop3A_1061 : vector<16xi32>
        %parallel_loop3A_1063 = arith.select %parallel_loop3A_1059, %parallel_loop3A_1062, %xor3A_483 : vector<16xi1>, vector<16xi32>
        %parallel_loop3A_1064 = vector.shape_cast %parallel_loop3A_1063 : vector<16xi32> to vector<16x1xi32>
        %parallel_loop3A_1065 = vector.shape_cast %parallel_loop3A_1064 : vector<16x1xi32> to vector<16xi32>
        %parallel_loop3A_1066 = tpu.dynamic_gather %parallel_loop3A_1056[%parallel_loop3A_1065] in [0] : vector<16xf32>, vector<16xi32> -> vector<16xf32>
        %parallel_loop3A_1067 = arith.addf %parallel_loop3A_1056, %parallel_loop3A_1066 : vector<16xf32>
        %parallel_loop3A_1068 = arith.cmpf ogt, %parallel_loop3A_1067, %parallel_loop3A_965 : vector<16xf32>
        %parallel_loop3A_1069 = arith.select %parallel_loop3A_1068, %parallel_loop3A_1067, %parallel_loop3A_965 : vector<16xi1>, vector<16xf32>
        %parallel_loop3A_1070 = arith.constant 4 : i32
        %parallel_loop3A_1071 = vector.broadcast %parallel_loop3A_1070 : i32 to vector<16xi32>
        %parallel_loop3A_1072 = arith.select %parallel_loop3A_1068, %parallel_loop3A_1071, %parallel_loop3A_968 : vector<16xi1>, vector<16xi32>
        %parallel_loop3A_1073 = arith.constant 5 : i32
        %parallel_loop3A_1074 = arith.index_cast %parallel_loop3A_1073 : i32 to index
        %parallel_loop3A_1075 = arith.index_cast %parallel_loop3A_548 : i32 to index
        %parallel_loop3A_1076 = arith.constant 0 : index
        %parallel_loop3A_1077 = tpu.vector_load %arg4[%parallel_loop3A_1074, %parallel_loop3A_1075, %parallel_loop3A_1076] {strides = array<i32>} : memref<8x50x128xf32, #tpu.memory_space<vmem>>, vector<16xf32>,
        %parallel_loop3A_1078 = arith.mulf %parallel_loop3A_1077, %parallel_loop3A_1077 : vector<16xf32>
        %parallel_loop3A_1079 = arith.constant 5 : i32
        %parallel_loop3A_1080 = arith.index_cast %parallel_loop3A_1079 : i32 to index
        %parallel_loop3A_1081 = arith.index_cast %parallel_loop3A_548 : i32 to index
        %parallel_loop3A_1082 = arith.constant 16 : index
        %parallel_loop3A_1083 = tpu.vector_load %arg4[%parallel_loop3A_1080, %parallel_loop3A_1081, %parallel_loop3A_1082] {strides = array<i32>} : memref<8x50x128xf32, #tpu.memory_space<vmem>>, vector<16xf32>,
        %parallel_loop3A_1084 = arith.mulf %parallel_loop3A_1083, %parallel_loop3A_1083 : vector<16xf32>
        %parallel_loop3A_1085 = arith.constant 5 : i32
        %parallel_loop3A_1086 = arith.index_cast %parallel_loop3A_1085 : i32 to index
        %parallel_loop3A_1087 = arith.index_cast %parallel_loop3A_548 : i32 to index
        %parallel_loop3A_1088 = arith.constant 32 : index
        %parallel_loop3A_1089 = tpu.vector_load %arg4[%parallel_loop3A_1086, %parallel_loop3A_1087, %parallel_loop3A_1088] {strides = array<i32>} : memref<8x50x128xf32, #tpu.memory_space<vmem>>, vector<16xf32>,
        %parallel_loop3A_1090 = arith.mulf %parallel_loop3A_1089, %parallel_loop3A_1089 : vector<16xf32>
        %parallel_loop3A_1091 = arith.constant 5 : i32
        %parallel_loop3A_1092 = arith.index_cast %parallel_loop3A_1091 : i32 to index
        %parallel_loop3A_1093 = arith.index_cast %parallel_loop3A_548 : i32 to index
        %parallel_loop3A_1094 = arith.constant 48 : index
        %parallel_loop3A_1095 = tpu.vector_load %arg4[%parallel_loop3A_1092, %parallel_loop3A_1093, %parallel_loop3A_1094] {strides = array<i32>} : memref<8x50x128xf32, #tpu.memory_space<vmem>>, vector<16xf32>,
        %parallel_loop3A_1096 = arith.mulf %parallel_loop3A_1095, %parallel_loop3A_1095 : vector<16xf32>
        %parallel_loop3A_1097 = arith.constant 5 : i32
        %parallel_loop3A_1098 = arith.index_cast %parallel_loop3A_1097 : i32 to index
        %parallel_loop3A_1099 = arith.index_cast %parallel_loop3A_548 : i32 to index
        %parallel_loop3A_1100 = arith.constant 64 : index
        %parallel_loop3A_1101 = tpu.vector_load %arg4[%parallel_loop3A_1098, %parallel_loop3A_1099, %parallel_loop3A_1100] {strides = array<i32>} : memref<8x50x128xf32, #tpu.memory_space<vmem>>, vector<16xf32>,
        %parallel_loop3A_1102 = arith.mulf %parallel_loop3A_1101, %parallel_loop3A_1101 : vector<16xf32>
        %parallel_loop3A_1103 = arith.constant 5 : i32
        %parallel_loop3A_1104 = arith.index_cast %parallel_loop3A_1103 : i32 to index
        %parallel_loop3A_1105 = arith.index_cast %parallel_loop3A_548 : i32 to index
        %parallel_loop3A_1106 = arith.constant 80 : index
        %parallel_loop3A_1107 = tpu.vector_load %arg4[%parallel_loop3A_1104, %parallel_loop3A_1105, %parallel_loop3A_1106] {strides = array<i32>} : memref<8x50x128xf32, #tpu.memory_space<vmem>>, vector<16xf32>,
        %parallel_loop3A_1108 = arith.mulf %parallel_loop3A_1107, %parallel_loop3A_1107 : vector<16xf32>
        %parallel_loop3A_1109 = arith.constant 5 : i32
        %parallel_loop3A_1110 = arith.index_cast %parallel_loop3A_1109 : i32 to index
        %parallel_loop3A_1111 = arith.index_cast %parallel_loop3A_548 : i32 to index
        %parallel_loop3A_1112 = arith.constant 96 : index
        %parallel_loop3A_1113 = tpu.vector_load %arg4[%parallel_loop3A_1110, %parallel_loop3A_1111, %parallel_loop3A_1112] {strides = array<i32>} : memref<8x50x128xf32, #tpu.memory_space<vmem>>, vector<16xf32>,
        %parallel_loop3A_1114 = arith.mulf %parallel_loop3A_1113, %parallel_loop3A_1113 : vector<16xf32>
        %parallel_loop3A_1115 = arith.constant 5 : i32
        %parallel_loop3A_1116 = arith.index_cast %parallel_loop3A_1115 : i32 to index
        %parallel_loop3A_1117 = arith.index_cast %parallel_loop3A_548 : i32 to index
        %parallel_loop3A_1118 = arith.constant 112 : index
        %parallel_loop3A_1119 = tpu.vector_load %arg4[%parallel_loop3A_1116, %parallel_loop3A_1117, %parallel_loop3A_1118] {strides = array<i32>} : memref<8x50x128xf32, #tpu.memory_space<vmem>>, vector<16xf32>,
        %parallel_loop3A_1120 = arith.mulf %parallel_loop3A_1119, %parallel_loop3A_1119 : vector<16xf32>
        %parallel_loop3A_1121 = arith.addf %parallel_loop3A_1078, %parallel_loop3A_1102 : vector<16xf32>
        %parallel_loop3A_1122 = arith.addf %parallel_loop3A_1084, %parallel_loop3A_1108 : vector<16xf32>
        %parallel_loop3A_1123 = arith.addf %parallel_loop3A_1090, %parallel_loop3A_1114 : vector<16xf32>
        %parallel_loop3A_1124 = arith.addf %parallel_loop3A_1096, %parallel_loop3A_1120 : vector<16xf32>
        %parallel_loop3A_1125 = arith.addf %parallel_loop3A_1121, %parallel_loop3A_1123 : vector<16xf32>
        %parallel_loop3A_1126 = arith.addf %parallel_loop3A_1122, %parallel_loop3A_1124 : vector<16xf32>
        %parallel_loop3A_1127 = arith.addf %parallel_loop3A_1125, %parallel_loop3A_1126 : vector<16xf32>
        %parallel_loop3A_1128 = arith.constant 0 : i32
        %parallel_loop3A_1129 = vector.broadcast %parallel_loop3A_1128 : i32 to vector<16xi32>
        %parallel_loop3A_1130 = arith.cmpi slt, %xor3A_471, %parallel_loop3A_1129 : vector<16xi32>
        %parallel_loop3A_1131 = arith.constant 16 : i32
        %parallel_loop3A_1132 = vector.broadcast %parallel_loop3A_1131 : i32 to vector<16xi32>
        %parallel_loop3A_1133 = arith.addi %xor3A_471, %parallel_loop3A_1132 : vector<16xi32>
        %parallel_loop3A_1134 = arith.select %parallel_loop3A_1130, %parallel_loop3A_1133, %xor3A_471 : vector<16xi1>, vector<16xi32>
        %parallel_loop3A_1135 = vector.shape_cast %parallel_loop3A_1134 : vector<16xi32> to vector<16x1xi32>
        %parallel_loop3A_1136 = vector.shape_cast %parallel_loop3A_1135 : vector<16x1xi32> to vector<16xi32>
        %parallel_loop3A_1137 = tpu.dynamic_gather %parallel_loop3A_1127[%parallel_loop3A_1136] in [0] : vector<16xf32>, vector<16xi32> -> vector<16xf32>
        %parallel_loop3A_1138 = arith.addf %parallel_loop3A_1127, %parallel_loop3A_1137 : vector<16xf32>
        %parallel_loop3A_1139 = arith.constant 0 : i32
        %parallel_loop3A_1140 = vector.broadcast %parallel_loop3A_1139 : i32 to vector<16xi32>
        %parallel_loop3A_1141 = arith.cmpi slt, %xor3A_475, %parallel_loop3A_1140 : vector<16xi32>
        %parallel_loop3A_1142 = arith.constant 16 : i32
        %parallel_loop3A_1143 = vector.broadcast %parallel_loop3A_1142 : i32 to vector<16xi32>
        %parallel_loop3A_1144 = arith.addi %xor3A_475, %parallel_loop3A_1143 : vector<16xi32>
        %parallel_loop3A_1145 = arith.select %parallel_loop3A_1141, %parallel_loop3A_1144, %xor3A_475 : vector<16xi1>, vector<16xi32>
        %parallel_loop3A_1146 = vector.shape_cast %parallel_loop3A_1145 : vector<16xi32> to vector<16x1xi32>
        %parallel_loop3A_1147 = vector.shape_cast %parallel_loop3A_1146 : vector<16x1xi32> to vector<16xi32>
        %parallel_loop3A_1148 = tpu.dynamic_gather %parallel_loop3A_1138[%parallel_loop3A_1147] in [0] : vector<16xf32>, vector<16xi32> -> vector<16xf32>
        %parallel_loop3A_1149 = arith.addf %parallel_loop3A_1138, %parallel_loop3A_1148 : vector<16xf32>
        %parallel_loop3A_1150 = arith.constant 0 : i32
        %parallel_loop3A_1151 = vector.broadcast %parallel_loop3A_1150 : i32 to vector<16xi32>
        %parallel_loop3A_1152 = arith.cmpi slt, %xor3A_479, %parallel_loop3A_1151 : vector<16xi32>
        %parallel_loop3A_1153 = arith.constant 16 : i32
        %parallel_loop3A_1154 = vector.broadcast %parallel_loop3A_1153 : i32 to vector<16xi32>
        %parallel_loop3A_1155 = arith.addi %xor3A_479, %parallel_loop3A_1154 : vector<16xi32>
        %parallel_loop3A_1156 = arith.select %parallel_loop3A_1152, %parallel_loop3A_1155, %xor3A_479 : vector<16xi1>, vector<16xi32>
        %parallel_loop3A_1157 = vector.shape_cast %parallel_loop3A_1156 : vector<16xi32> to vector<16x1xi32>
        %parallel_loop3A_1158 = vector.shape_cast %parallel_loop3A_1157 : vector<16x1xi32> to vector<16xi32>
        %parallel_loop3A_1159 = tpu.dynamic_gather %parallel_loop3A_1149[%parallel_loop3A_1158] in [0] : vector<16xf32>, vector<16xi32> -> vector<16xf32>
        %parallel_loop3A_1160 = arith.addf %parallel_loop3A_1149, %parallel_loop3A_1159 : vector<16xf32>
        %parallel_loop3A_1161 = arith.constant 0 : i32
        %parallel_loop3A_1162 = vector.broadcast %parallel_loop3A_1161 : i32 to vector<16xi32>
        %parallel_loop3A_1163 = arith.cmpi slt, %xor3A_483, %parallel_loop3A_1162 : vector<16xi32>
        %parallel_loop3A_1164 = arith.constant 16 : i32
        %parallel_loop3A_1165 = vector.broadcast %parallel_loop3A_1164 : i32 to vector<16xi32>
        %parallel_loop3A_1166 = arith.addi %xor3A_483, %parallel_loop3A_1165 : vector<16xi32>
        %parallel_loop3A_1167 = arith.select %parallel_loop3A_1163, %parallel_loop3A_1166, %xor3A_483 : vector<16xi1>, vector<16xi32>
        %parallel_loop3A_1168 = vector.shape_cast %parallel_loop3A_1167 : vector<16xi32> to vector<16x1xi32>
        %parallel_loop3A_1169 = vector.shape_cast %parallel_loop3A_1168 : vector<16x1xi32> to vector<16xi32>
        %parallel_loop3A_1170 = tpu.dynamic_gather %parallel_loop3A_1160[%parallel_loop3A_1169] in [0] : vector<16xf32>, vector<16xi32> -> vector<16xf32>
        %parallel_loop3A_1171 = arith.addf %parallel_loop3A_1160, %parallel_loop3A_1170 : vector<16xf32>
        %parallel_loop3A_1172 = arith.cmpf ogt, %parallel_loop3A_1171, %parallel_loop3A_1069 : vector<16xf32>
        %parallel_loop3A_1173 = arith.select %parallel_loop3A_1172, %parallel_loop3A_1171, %parallel_loop3A_1069 : vector<16xi1>, vector<16xf32>
        %parallel_loop3A_1174 = arith.constant 5 : i32
        %parallel_loop3A_1175 = vector.broadcast %parallel_loop3A_1174 : i32 to vector<16xi32>
        %parallel_loop3A_1176 = arith.select %parallel_loop3A_1172, %parallel_loop3A_1175, %parallel_loop3A_1072 : vector<16xi1>, vector<16xi32>
        %parallel_loop3A_1177 = arith.constant 6 : i32
        %parallel_loop3A_1178 = arith.index_cast %parallel_loop3A_1177 : i32 to index
        %parallel_loop3A_1179 = arith.index_cast %parallel_loop3A_548 : i32 to index
        %parallel_loop3A_1180 = arith.constant 0 : index
        %parallel_loop3A_1181 = tpu.vector_load %arg4[%parallel_loop3A_1178, %parallel_loop3A_1179, %parallel_loop3A_1180] {strides = array<i32>} : memref<8x50x128xf32, #tpu.memory_space<vmem>>, vector<16xf32>,
        %parallel_loop3A_1182 = arith.mulf %parallel_loop3A_1181, %parallel_loop3A_1181 : vector<16xf32>
        %parallel_loop3A_1183 = arith.constant 6 : i32
        %parallel_loop3A_1184 = arith.index_cast %parallel_loop3A_1183 : i32 to index
        %parallel_loop3A_1185 = arith.index_cast %parallel_loop3A_548 : i32 to index
        %parallel_loop3A_1186 = arith.constant 16 : index
        %parallel_loop3A_1187 = tpu.vector_load %arg4[%parallel_loop3A_1184, %parallel_loop3A_1185, %parallel_loop3A_1186] {strides = array<i32>} : memref<8x50x128xf32, #tpu.memory_space<vmem>>, vector<16xf32>,
        %parallel_loop3A_1188 = arith.mulf %parallel_loop3A_1187, %parallel_loop3A_1187 : vector<16xf32>
        %parallel_loop3A_1189 = arith.constant 6 : i32
        %parallel_loop3A_1190 = arith.index_cast %parallel_loop3A_1189 : i32 to index
        %parallel_loop3A_1191 = arith.index_cast %parallel_loop3A_548 : i32 to index
        %parallel_loop3A_1192 = arith.constant 32 : index
        %parallel_loop3A_1193 = tpu.vector_load %arg4[%parallel_loop3A_1190, %parallel_loop3A_1191, %parallel_loop3A_1192] {strides = array<i32>} : memref<8x50x128xf32, #tpu.memory_space<vmem>>, vector<16xf32>,
        %parallel_loop3A_1194 = arith.mulf %parallel_loop3A_1193, %parallel_loop3A_1193 : vector<16xf32>
        %parallel_loop3A_1195 = arith.constant 6 : i32
        %parallel_loop3A_1196 = arith.index_cast %parallel_loop3A_1195 : i32 to index
        %parallel_loop3A_1197 = arith.index_cast %parallel_loop3A_548 : i32 to index
        %parallel_loop3A_1198 = arith.constant 48 : index
        %parallel_loop3A_1199 = tpu.vector_load %arg4[%parallel_loop3A_1196, %parallel_loop3A_1197, %parallel_loop3A_1198] {strides = array<i32>} : memref<8x50x128xf32, #tpu.memory_space<vmem>>, vector<16xf32>,
        %parallel_loop3A_1200 = arith.mulf %parallel_loop3A_1199, %parallel_loop3A_1199 : vector<16xf32>
        %parallel_loop3A_1201 = arith.constant 6 : i32
        %parallel_loop3A_1202 = arith.index_cast %parallel_loop3A_1201 : i32 to index
        %parallel_loop3A_1203 = arith.index_cast %parallel_loop3A_548 : i32 to index
        %parallel_loop3A_1204 = arith.constant 64 : index
        %parallel_loop3A_1205 = tpu.vector_load %arg4[%parallel_loop3A_1202, %parallel_loop3A_1203, %parallel_loop3A_1204] {strides = array<i32>} : memref<8x50x128xf32, #tpu.memory_space<vmem>>, vector<16xf32>,
        %parallel_loop3A_1206 = arith.mulf %parallel_loop3A_1205, %parallel_loop3A_1205 : vector<16xf32>
        %parallel_loop3A_1207 = arith.constant 6 : i32
        %parallel_loop3A_1208 = arith.index_cast %parallel_loop3A_1207 : i32 to index
        %parallel_loop3A_1209 = arith.index_cast %parallel_loop3A_548 : i32 to index
        %parallel_loop3A_1210 = arith.constant 80 : index
        %parallel_loop3A_1211 = tpu.vector_load %arg4[%parallel_loop3A_1208, %parallel_loop3A_1209, %parallel_loop3A_1210] {strides = array<i32>} : memref<8x50x128xf32, #tpu.memory_space<vmem>>, vector<16xf32>,
        %parallel_loop3A_1212 = arith.mulf %parallel_loop3A_1211, %parallel_loop3A_1211 : vector<16xf32>
        %parallel_loop3A_1213 = arith.constant 6 : i32
        %parallel_loop3A_1214 = arith.index_cast %parallel_loop3A_1213 : i32 to index
        %parallel_loop3A_1215 = arith.index_cast %parallel_loop3A_548 : i32 to index
        %parallel_loop3A_1216 = arith.constant 96 : index
        %parallel_loop3A_1217 = tpu.vector_load %arg4[%parallel_loop3A_1214, %parallel_loop3A_1215, %parallel_loop3A_1216] {strides = array<i32>} : memref<8x50x128xf32, #tpu.memory_space<vmem>>, vector<16xf32>,
        %parallel_loop3A_1218 = arith.mulf %parallel_loop3A_1217, %parallel_loop3A_1217 : vector<16xf32>
        %parallel_loop3A_1219 = arith.constant 6 : i32
        %parallel_loop3A_1220 = arith.index_cast %parallel_loop3A_1219 : i32 to index
        %parallel_loop3A_1221 = arith.index_cast %parallel_loop3A_548 : i32 to index
        %parallel_loop3A_1222 = arith.constant 112 : index
        %parallel_loop3A_1223 = tpu.vector_load %arg4[%parallel_loop3A_1220, %parallel_loop3A_1221, %parallel_loop3A_1222] {strides = array<i32>} : memref<8x50x128xf32, #tpu.memory_space<vmem>>, vector<16xf32>,
        %parallel_loop3A_1224 = arith.mulf %parallel_loop3A_1223, %parallel_loop3A_1223 : vector<16xf32>
        %parallel_loop3A_1225 = arith.addf %parallel_loop3A_1182, %parallel_loop3A_1206 : vector<16xf32>
        %parallel_loop3A_1226 = arith.addf %parallel_loop3A_1188, %parallel_loop3A_1212 : vector<16xf32>
        %parallel_loop3A_1227 = arith.addf %parallel_loop3A_1194, %parallel_loop3A_1218 : vector<16xf32>
        %parallel_loop3A_1228 = arith.addf %parallel_loop3A_1200, %parallel_loop3A_1224 : vector<16xf32>
        %parallel_loop3A_1229 = arith.addf %parallel_loop3A_1225, %parallel_loop3A_1227 : vector<16xf32>
        %parallel_loop3A_1230 = arith.addf %parallel_loop3A_1226, %parallel_loop3A_1228 : vector<16xf32>
        %parallel_loop3A_1231 = arith.addf %parallel_loop3A_1229, %parallel_loop3A_1230 : vector<16xf32>
        %parallel_loop3A_1232 = arith.constant 0 : i32
        %parallel_loop3A_1233 = vector.broadcast %parallel_loop3A_1232 : i32 to vector<16xi32>
        %parallel_loop3A_1234 = arith.cmpi slt, %xor3A_471, %parallel_loop3A_1233 : vector<16xi32>
        %parallel_loop3A_1235 = arith.constant 16 : i32
        %parallel_loop3A_1236 = vector.broadcast %parallel_loop3A_1235 : i32 to vector<16xi32>
        %parallel_loop3A_1237 = arith.addi %xor3A_471, %parallel_loop3A_1236 : vector<16xi32>
        %parallel_loop3A_1238 = arith.select %parallel_loop3A_1234, %parallel_loop3A_1237, %xor3A_471 : vector<16xi1>, vector<16xi32>
        %parallel_loop3A_1239 = vector.shape_cast %parallel_loop3A_1238 : vector<16xi32> to vector<16x1xi32>
        %parallel_loop3A_1240 = vector.shape_cast %parallel_loop3A_1239 : vector<16x1xi32> to vector<16xi32>
        %parallel_loop3A_1241 = tpu.dynamic_gather %parallel_loop3A_1231[%parallel_loop3A_1240] in [0] : vector<16xf32>, vector<16xi32> -> vector<16xf32>
        %parallel_loop3A_1242 = arith.addf %parallel_loop3A_1231, %parallel_loop3A_1241 : vector<16xf32>
        %parallel_loop3A_1243 = arith.constant 0 : i32
        %parallel_loop3A_1244 = vector.broadcast %parallel_loop3A_1243 : i32 to vector<16xi32>
        %parallel_loop3A_1245 = arith.cmpi slt, %xor3A_475, %parallel_loop3A_1244 : vector<16xi32>
        %parallel_loop3A_1246 = arith.constant 16 : i32
        %parallel_loop3A_1247 = vector.broadcast %parallel_loop3A_1246 : i32 to vector<16xi32>
        %parallel_loop3A_1248 = arith.addi %xor3A_475, %parallel_loop3A_1247 : vector<16xi32>
        %parallel_loop3A_1249 = arith.select %parallel_loop3A_1245, %parallel_loop3A_1248, %xor3A_475 : vector<16xi1>, vector<16xi32>
        %parallel_loop3A_1250 = vector.shape_cast %parallel_loop3A_1249 : vector<16xi32> to vector<16x1xi32>
        %parallel_loop3A_1251 = vector.shape_cast %parallel_loop3A_1250 : vector<16x1xi32> to vector<16xi32>
        %parallel_loop3A_1252 = tpu.dynamic_gather %parallel_loop3A_1242[%parallel_loop3A_1251] in [0] : vector<16xf32>, vector<16xi32> -> vector<16xf32>
        %parallel_loop3A_1253 = arith.addf %parallel_loop3A_1242, %parallel_loop3A_1252 : vector<16xf32>
        %parallel_loop3A_1254 = arith.constant 0 : i32
        %parallel_loop3A_1255 = vector.broadcast %parallel_loop3A_1254 : i32 to vector<16xi32>
        %parallel_loop3A_1256 = arith.cmpi slt, %xor3A_479, %parallel_loop3A_1255 : vector<16xi32>
        %parallel_loop3A_1257 = arith.constant 16 : i32
        %parallel_loop3A_1258 = vector.broadcast %parallel_loop3A_1257 : i32 to vector<16xi32>
        %parallel_loop3A_1259 = arith.addi %xor3A_479, %parallel_loop3A_1258 : vector<16xi32>
        %parallel_loop3A_1260 = arith.select %parallel_loop3A_1256, %parallel_loop3A_1259, %xor3A_479 : vector<16xi1>, vector<16xi32>
        %parallel_loop3A_1261 = vector.shape_cast %parallel_loop3A_1260 : vector<16xi32> to vector<16x1xi32>
        %parallel_loop3A_1262 = vector.shape_cast %parallel_loop3A_1261 : vector<16x1xi32> to vector<16xi32>
        %parallel_loop3A_1263 = tpu.dynamic_gather %parallel_loop3A_1253[%parallel_loop3A_1262] in [0] : vector<16xf32>, vector<16xi32> -> vector<16xf32>
        %parallel_loop3A_1264 = arith.addf %parallel_loop3A_1253, %parallel_loop3A_1263 : vector<16xf32>
        %parallel_loop3A_1265 = arith.constant 0 : i32
        %parallel_loop3A_1266 = vector.broadcast %parallel_loop3A_1265 : i32 to vector<16xi32>
        %parallel_loop3A_1267 = arith.cmpi slt, %xor3A_483, %parallel_loop3A_1266 : vector<16xi32>
        %parallel_loop3A_1268 = arith.constant 16 : i32
        %parallel_loop3A_1269 = vector.broadcast %parallel_loop3A_1268 : i32 to vector<16xi32>
        %parallel_loop3A_1270 = arith.addi %xor3A_483, %parallel_loop3A_1269 : vector<16xi32>
        %parallel_loop3A_1271 = arith.select %parallel_loop3A_1267, %parallel_loop3A_1270, %xor3A_483 : vector<16xi1>, vector<16xi32>
        %parallel_loop3A_1272 = vector.shape_cast %parallel_loop3A_1271 : vector<16xi32> to vector<16x1xi32>
        %parallel_loop3A_1273 = vector.shape_cast %parallel_loop3A_1272 : vector<16x1xi32> to vector<16xi32>
        %parallel_loop3A_1274 = tpu.dynamic_gather %parallel_loop3A_1264[%parallel_loop3A_1273] in [0] : vector<16xf32>, vector<16xi32> -> vector<16xf32>
        %parallel_loop3A_1275 = arith.addf %parallel_loop3A_1264, %parallel_loop3A_1274 : vector<16xf32>
        %parallel_loop3A_1276 = arith.cmpf ogt, %parallel_loop3A_1275, %parallel_loop3A_1173 : vector<16xf32>
        %parallel_loop3A_1277 = arith.select %parallel_loop3A_1276, %parallel_loop3A_1275, %parallel_loop3A_1173 : vector<16xi1>, vector<16xf32>
        %parallel_loop3A_1278 = arith.constant 6 : i32
        %parallel_loop3A_1279 = vector.broadcast %parallel_loop3A_1278 : i32 to vector<16xi32>
        %parallel_loop3A_1280 = arith.select %parallel_loop3A_1276, %parallel_loop3A_1279, %parallel_loop3A_1176 : vector<16xi1>, vector<16xi32>
        %parallel_loop3A_1281 = arith.constant 7 : i32
        %parallel_loop3A_1282 = arith.index_cast %parallel_loop3A_1281 : i32 to index
        %parallel_loop3A_1283 = arith.index_cast %parallel_loop3A_548 : i32 to index
        %parallel_loop3A_1284 = arith.constant 0 : index
        %parallel_loop3A_1285 = tpu.vector_load %arg4[%parallel_loop3A_1282, %parallel_loop3A_1283, %parallel_loop3A_1284] {strides = array<i32>} : memref<8x50x128xf32, #tpu.memory_space<vmem>>, vector<16xf32>,
        %parallel_loop3A_1286 = arith.mulf %parallel_loop3A_1285, %parallel_loop3A_1285 : vector<16xf32>
        %parallel_loop3A_1287 = arith.constant 7 : i32
        %parallel_loop3A_1288 = arith.index_cast %parallel_loop3A_1287 : i32 to index
        %parallel_loop3A_1289 = arith.index_cast %parallel_loop3A_548 : i32 to index
        %parallel_loop3A_1290 = arith.constant 16 : index
        %parallel_loop3A_1291 = tpu.vector_load %arg4[%parallel_loop3A_1288, %parallel_loop3A_1289, %parallel_loop3A_1290] {strides = array<i32>} : memref<8x50x128xf32, #tpu.memory_space<vmem>>, vector<16xf32>,
        %parallel_loop3A_1292 = arith.mulf %parallel_loop3A_1291, %parallel_loop3A_1291 : vector<16xf32>
        %parallel_loop3A_1293 = arith.constant 7 : i32
        %parallel_loop3A_1294 = arith.index_cast %parallel_loop3A_1293 : i32 to index
        %parallel_loop3A_1295 = arith.index_cast %parallel_loop3A_548 : i32 to index
        %parallel_loop3A_1296 = arith.constant 32 : index
        %parallel_loop3A_1297 = tpu.vector_load %arg4[%parallel_loop3A_1294, %parallel_loop3A_1295, %parallel_loop3A_1296] {strides = array<i32>} : memref<8x50x128xf32, #tpu.memory_space<vmem>>, vector<16xf32>,
        %parallel_loop3A_1298 = arith.mulf %parallel_loop3A_1297, %parallel_loop3A_1297 : vector<16xf32>
        %parallel_loop3A_1299 = arith.constant 7 : i32
        %parallel_loop3A_1300 = arith.index_cast %parallel_loop3A_1299 : i32 to index
        %parallel_loop3A_1301 = arith.index_cast %parallel_loop3A_548 : i32 to index
        %parallel_loop3A_1302 = arith.constant 48 : index
        %parallel_loop3A_1303 = tpu.vector_load %arg4[%parallel_loop3A_1300, %parallel_loop3A_1301, %parallel_loop3A_1302] {strides = array<i32>} : memref<8x50x128xf32, #tpu.memory_space<vmem>>, vector<16xf32>,
        %parallel_loop3A_1304 = arith.mulf %parallel_loop3A_1303, %parallel_loop3A_1303 : vector<16xf32>
        %parallel_loop3A_1305 = arith.constant 7 : i32
        %parallel_loop3A_1306 = arith.index_cast %parallel_loop3A_1305 : i32 to index
        %parallel_loop3A_1307 = arith.index_cast %parallel_loop3A_548 : i32 to index
        %parallel_loop3A_1308 = arith.constant 64 : index
        %parallel_loop3A_1309 = tpu.vector_load %arg4[%parallel_loop3A_1306, %parallel_loop3A_1307, %parallel_loop3A_1308] {strides = array<i32>} : memref<8x50x128xf32, #tpu.memory_space<vmem>>, vector<16xf32>,
        %parallel_loop3A_1310 = arith.mulf %parallel_loop3A_1309, %parallel_loop3A_1309 : vector<16xf32>
        %parallel_loop3A_1311 = arith.constant 7 : i32
        %parallel_loop3A_1312 = arith.index_cast %parallel_loop3A_1311 : i32 to index
        %parallel_loop3A_1313 = arith.index_cast %parallel_loop3A_548 : i32 to index
        %parallel_loop3A_1314 = arith.constant 80 : index
        %parallel_loop3A_1315 = tpu.vector_load %arg4[%parallel_loop3A_1312, %parallel_loop3A_1313, %parallel_loop3A_1314] {strides = array<i32>} : memref<8x50x128xf32, #tpu.memory_space<vmem>>, vector<16xf32>,
        %parallel_loop3A_1316 = arith.mulf %parallel_loop3A_1315, %parallel_loop3A_1315 : vector<16xf32>
        %parallel_loop3A_1317 = arith.constant 7 : i32
        %parallel_loop3A_1318 = arith.index_cast %parallel_loop3A_1317 : i32 to index
        %parallel_loop3A_1319 = arith.index_cast %parallel_loop3A_548 : i32 to index
        %parallel_loop3A_1320 = arith.constant 96 : index
        %parallel_loop3A_1321 = tpu.vector_load %arg4[%parallel_loop3A_1318, %parallel_loop3A_1319, %parallel_loop3A_1320] {strides = array<i32>} : memref<8x50x128xf32, #tpu.memory_space<vmem>>, vector<16xf32>,
        %parallel_loop3A_1322 = arith.mulf %parallel_loop3A_1321, %parallel_loop3A_1321 : vector<16xf32>
        %parallel_loop3A_1323 = arith.constant 7 : i32
        %parallel_loop3A_1324 = arith.index_cast %parallel_loop3A_1323 : i32 to index
        %parallel_loop3A_1325 = arith.index_cast %parallel_loop3A_548 : i32 to index
        %parallel_loop3A_1326 = arith.constant 112 : index
        %parallel_loop3A_1327 = tpu.vector_load %arg4[%parallel_loop3A_1324, %parallel_loop3A_1325, %parallel_loop3A_1326] {strides = array<i32>} : memref<8x50x128xf32, #tpu.memory_space<vmem>>, vector<16xf32>,
        %parallel_loop3A_1328 = arith.mulf %parallel_loop3A_1327, %parallel_loop3A_1327 : vector<16xf32>
        %parallel_loop3A_1329 = arith.addf %parallel_loop3A_1286, %parallel_loop3A_1310 : vector<16xf32>
        %parallel_loop3A_1330 = arith.addf %parallel_loop3A_1292, %parallel_loop3A_1316 : vector<16xf32>
        %parallel_loop3A_1331 = arith.addf %parallel_loop3A_1298, %parallel_loop3A_1322 : vector<16xf32>
        %parallel_loop3A_1332 = arith.addf %parallel_loop3A_1304, %parallel_loop3A_1328 : vector<16xf32>
        %parallel_loop3A_1333 = arith.addf %parallel_loop3A_1329, %parallel_loop3A_1331 : vector<16xf32>
        %parallel_loop3A_1334 = arith.addf %parallel_loop3A_1330, %parallel_loop3A_1332 : vector<16xf32>
        %parallel_loop3A_1335 = arith.addf %parallel_loop3A_1333, %parallel_loop3A_1334 : vector<16xf32>
        %parallel_loop3A_1336 = arith.constant 0 : i32
        %parallel_loop3A_1337 = vector.broadcast %parallel_loop3A_1336 : i32 to vector<16xi32>
        %parallel_loop3A_1338 = arith.cmpi slt, %xor3A_471, %parallel_loop3A_1337 : vector<16xi32>
        %parallel_loop3A_1339 = arith.constant 16 : i32
        %parallel_loop3A_1340 = vector.broadcast %parallel_loop3A_1339 : i32 to vector<16xi32>
        %parallel_loop3A_1341 = arith.addi %xor3A_471, %parallel_loop3A_1340 : vector<16xi32>
        %parallel_loop3A_1342 = arith.select %parallel_loop3A_1338, %parallel_loop3A_1341, %xor3A_471 : vector<16xi1>, vector<16xi32>
        %parallel_loop3A_1343 = vector.shape_cast %parallel_loop3A_1342 : vector<16xi32> to vector<16x1xi32>
        %parallel_loop3A_1344 = vector.shape_cast %parallel_loop3A_1343 : vector<16x1xi32> to vector<16xi32>
        %parallel_loop3A_1345 = tpu.dynamic_gather %parallel_loop3A_1335[%parallel_loop3A_1344] in [0] : vector<16xf32>, vector<16xi32> -> vector<16xf32>
        %parallel_loop3A_1346 = arith.addf %parallel_loop3A_1335, %parallel_loop3A_1345 : vector<16xf32>
        %parallel_loop3A_1347 = arith.constant 0 : i32
        %parallel_loop3A_1348 = vector.broadcast %parallel_loop3A_1347 : i32 to vector<16xi32>
        %parallel_loop3A_1349 = arith.cmpi slt, %xor3A_475, %parallel_loop3A_1348 : vector<16xi32>
        %parallel_loop3A_1350 = arith.constant 16 : i32
        %parallel_loop3A_1351 = vector.broadcast %parallel_loop3A_1350 : i32 to vector<16xi32>
        %parallel_loop3A_1352 = arith.addi %xor3A_475, %parallel_loop3A_1351 : vector<16xi32>
        %parallel_loop3A_1353 = arith.select %parallel_loop3A_1349, %parallel_loop3A_1352, %xor3A_475 : vector<16xi1>, vector<16xi32>
        %parallel_loop3A_1354 = vector.shape_cast %parallel_loop3A_1353 : vector<16xi32> to vector<16x1xi32>
        %parallel_loop3A_1355 = vector.shape_cast %parallel_loop3A_1354 : vector<16x1xi32> to vector<16xi32>
        %parallel_loop3A_1356 = tpu.dynamic_gather %parallel_loop3A_1346[%parallel_loop3A_1355] in [0] : vector<16xf32>, vector<16xi32> -> vector<16xf32>
        %parallel_loop3A_1357 = arith.addf %parallel_loop3A_1346, %parallel_loop3A_1356 : vector<16xf32>
        %parallel_loop3A_1358 = arith.constant 0 : i32
        %parallel_loop3A_1359 = vector.broadcast %parallel_loop3A_1358 : i32 to vector<16xi32>
        %parallel_loop3A_1360 = arith.cmpi slt, %xor3A_479, %parallel_loop3A_1359 : vector<16xi32>
        %parallel_loop3A_1361 = arith.constant 16 : i32
        %parallel_loop3A_1362 = vector.broadcast %parallel_loop3A_1361 : i32 to vector<16xi32>
        %parallel_loop3A_1363 = arith.addi %xor3A_479, %parallel_loop3A_1362 : vector<16xi32>
        %parallel_loop3A_1364 = arith.select %parallel_loop3A_1360, %parallel_loop3A_1363, %xor3A_479 : vector<16xi1>, vector<16xi32>
        %parallel_loop3A_1365 = vector.shape_cast %parallel_loop3A_1364 : vector<16xi32> to vector<16x1xi32>
        %parallel_loop3A_1366 = vector.shape_cast %parallel_loop3A_1365 : vector<16x1xi32> to vector<16xi32>
        %parallel_loop3A_1367 = tpu.dynamic_gather %parallel_loop3A_1357[%parallel_loop3A_1366] in [0] : vector<16xf32>, vector<16xi32> -> vector<16xf32>
        %parallel_loop3A_1368 = arith.addf %parallel_loop3A_1357, %parallel_loop3A_1367 : vector<16xf32>
        %parallel_loop3A_1369 = arith.constant 0 : i32
        %parallel_loop3A_1370 = vector.broadcast %parallel_loop3A_1369 : i32 to vector<16xi32>
        %parallel_loop3A_1371 = arith.cmpi slt, %xor3A_483, %parallel_loop3A_1370 : vector<16xi32>
        %parallel_loop3A_1372 = arith.constant 16 : i32
        %parallel_loop3A_1373 = vector.broadcast %parallel_loop3A_1372 : i32 to vector<16xi32>
        %parallel_loop3A_1374 = arith.addi %xor3A_483, %parallel_loop3A_1373 : vector<16xi32>
        %parallel_loop3A_1375 = arith.select %parallel_loop3A_1371, %parallel_loop3A_1374, %xor3A_483 : vector<16xi1>, vector<16xi32>
        %parallel_loop3A_1376 = vector.shape_cast %parallel_loop3A_1375 : vector<16xi32> to vector<16x1xi32>
        %parallel_loop3A_1377 = vector.shape_cast %parallel_loop3A_1376 : vector<16x1xi32> to vector<16xi32>
        %parallel_loop3A_1378 = tpu.dynamic_gather %parallel_loop3A_1368[%parallel_loop3A_1377] in [0] : vector<16xf32>, vector<16xi32> -> vector<16xf32>
        %parallel_loop3A_1379 = arith.addf %parallel_loop3A_1368, %parallel_loop3A_1378 : vector<16xf32>
        %parallel_loop3A_1380 = arith.cmpf ogt, %parallel_loop3A_1379, %parallel_loop3A_1277 : vector<16xf32>
        %parallel_loop3A_1381 = arith.select %parallel_loop3A_1380, %parallel_loop3A_1379, %parallel_loop3A_1277 : vector<16xi1>, vector<16xf32>
        %parallel_loop3A_1382 = arith.constant 7 : i32
        %parallel_loop3A_1383 = vector.broadcast %parallel_loop3A_1382 : i32 to vector<16xi32>
        %parallel_loop3A_1384 = arith.select %parallel_loop3A_1380, %parallel_loop3A_1383, %parallel_loop3A_1280 : vector<16xi1>, vector<16xi32>
        %parallel_loop3A_1385 = vector.extract_strided_slice %parallel_loop3A_1384 {offsets = [0], sizes = [1], strides = [1]} : vector<16xi32> to vector<1xi32>
        %parallel_loop3A_1386 = vector.extract %parallel_loop3A_1385[0] : i32 from vector<1xi32>
        %parallel_loop3A_1387 = arith.index_cast %parallel_loop3A_1386 : i32 to index
        %parallel_loop3A_1388 = arith.index_cast %parallel_loop3A_548 : i32 to index
        %parallel_loop3A_1389 = arith.constant 0 : index
        %parallel_loop3A_1390 = tpu.vector_load %arg4[%parallel_loop3A_1387, %parallel_loop3A_1388, %parallel_loop3A_1389] {strides = array<i32>} : memref<8x50x128xf32, #tpu.memory_space<vmem>>, vector<16xf32>,
        %parallel_loop3A_1391 = arith.index_cast %parallel_loop3A_548 : i32 to index
        %parallel_loop3A_1392 = arith.constant 0 : index
        %parallel_loop3A_1393 = tpu.vector_load %arg6[%parallel_loop3A_1391, %parallel_loop3A_1392] {strides = array<i32>} : memref<50x128xf32, #tpu.memory_space<vmem>>, vector<16xf32>,
        tpu.vector_store %arg6[%parallel_loop3A_1391, %parallel_loop3A_1392], %parallel_loop3A_1390 {strides = array<i32>} : memref<50x128xf32, #tpu.memory_space<vmem>>, vector<16xf32>,
        %parallel_loop3A_1394 = arith.index_cast %parallel_loop3A_1386 : i32 to index
        %parallel_loop3A_1395 = arith.index_cast %parallel_loop3A_548 : i32 to index
        %parallel_loop3A_1396 = arith.constant 16 : index
        %parallel_loop3A_1397 = tpu.vector_load %arg4[%parallel_loop3A_1394, %parallel_loop3A_1395, %parallel_loop3A_1396] {strides = array<i32>} : memref<8x50x128xf32, #tpu.memory_space<vmem>>, vector<16xf32>,
        %parallel_loop3A_1398 = arith.index_cast %parallel_loop3A_548 : i32 to index
        %parallel_loop3A_1399 = arith.constant 16 : index
        %parallel_loop3A_1400 = tpu.vector_load %arg6[%parallel_loop3A_1398, %parallel_loop3A_1399] {strides = array<i32>} : memref<50x128xf32, #tpu.memory_space<vmem>>, vector<16xf32>,
        tpu.vector_store %arg6[%parallel_loop3A_1398, %parallel_loop3A_1399], %parallel_loop3A_1397 {strides = array<i32>} : memref<50x128xf32, #tpu.memory_space<vmem>>, vector<16xf32>,
        %parallel_loop3A_1401 = arith.index_cast %parallel_loop3A_1386 : i32 to index
        %parallel_loop3A_1402 = arith.index_cast %parallel_loop3A_548 : i32 to index
        %parallel_loop3A_1403 = arith.constant 32 : index
        %parallel_loop3A_1404 = tpu.vector_load %arg4[%parallel_loop3A_1401, %parallel_loop3A_1402, %parallel_loop3A_1403] {strides = array<i32>} : memref<8x50x128xf32, #tpu.memory_space<vmem>>, vector<16xf32>,
        %parallel_loop3A_1405 = arith.index_cast %parallel_loop3A_548 : i32 to index
        %parallel_loop3A_1406 = arith.constant 32 : index
        %parallel_loop3A_1407 = tpu.vector_load %arg6[%parallel_loop3A_1405, %parallel_loop3A_1406] {strides = array<i32>} : memref<50x128xf32, #tpu.memory_space<vmem>>, vector<16xf32>,
        tpu.vector_store %arg6[%parallel_loop3A_1405, %parallel_loop3A_1406], %parallel_loop3A_1404 {strides = array<i32>} : memref<50x128xf32, #tpu.memory_space<vmem>>, vector<16xf32>,
        %parallel_loop3A_1408 = arith.index_cast %parallel_loop3A_1386 : i32 to index
        %parallel_loop3A_1409 = arith.index_cast %parallel_loop3A_548 : i32 to index
        %parallel_loop3A_1410 = arith.constant 48 : index
        %parallel_loop3A_1411 = tpu.vector_load %arg4[%parallel_loop3A_1408, %parallel_loop3A_1409, %parallel_loop3A_1410] {strides = array<i32>} : memref<8x50x128xf32, #tpu.memory_space<vmem>>, vector<16xf32>,
        %parallel_loop3A_1412 = arith.index_cast %parallel_loop3A_548 : i32 to index
        %parallel_loop3A_1413 = arith.constant 48 : index
        %parallel_loop3A_1414 = tpu.vector_load %arg6[%parallel_loop3A_1412, %parallel_loop3A_1413] {strides = array<i32>} : memref<50x128xf32, #tpu.memory_space<vmem>>, vector<16xf32>,
        tpu.vector_store %arg6[%parallel_loop3A_1412, %parallel_loop3A_1413], %parallel_loop3A_1411 {strides = array<i32>} : memref<50x128xf32, #tpu.memory_space<vmem>>, vector<16xf32>,
        %parallel_loop3A_1415 = arith.index_cast %parallel_loop3A_1386 : i32 to index
        %parallel_loop3A_1416 = arith.index_cast %parallel_loop3A_548 : i32 to index
        %parallel_loop3A_1417 = arith.constant 64 : index
        %parallel_loop3A_1418 = tpu.vector_load %arg4[%parallel_loop3A_1415, %parallel_loop3A_1416, %parallel_loop3A_1417] {strides = array<i32>} : memref<8x50x128xf32, #tpu.memory_space<vmem>>, vector<16xf32>,
        %parallel_loop3A_1419 = arith.index_cast %parallel_loop3A_548 : i32 to index
        %parallel_loop3A_1420 = arith.constant 64 : index
        %parallel_loop3A_1421 = tpu.vector_load %arg6[%parallel_loop3A_1419, %parallel_loop3A_1420] {strides = array<i32>} : memref<50x128xf32, #tpu.memory_space<vmem>>, vector<16xf32>,
        tpu.vector_store %arg6[%parallel_loop3A_1419, %parallel_loop3A_1420], %parallel_loop3A_1418 {strides = array<i32>} : memref<50x128xf32, #tpu.memory_space<vmem>>, vector<16xf32>,
        %parallel_loop3A_1422 = arith.index_cast %parallel_loop3A_1386 : i32 to index
        %parallel_loop3A_1423 = arith.index_cast %parallel_loop3A_548 : i32 to index
        %parallel_loop3A_1424 = arith.constant 80 : index
        %parallel_loop3A_1425 = tpu.vector_load %arg4[%parallel_loop3A_1422, %parallel_loop3A_1423, %parallel_loop3A_1424] {strides = array<i32>} : memref<8x50x128xf32, #tpu.memory_space<vmem>>, vector<16xf32>,
        %parallel_loop3A_1426 = arith.index_cast %parallel_loop3A_548 : i32 to index
        %parallel_loop3A_1427 = arith.constant 80 : index
        %parallel_loop3A_1428 = tpu.vector_load %arg6[%parallel_loop3A_1426, %parallel_loop3A_1427] {strides = array<i32>} : memref<50x128xf32, #tpu.memory_space<vmem>>, vector<16xf32>,
        tpu.vector_store %arg6[%parallel_loop3A_1426, %parallel_loop3A_1427], %parallel_loop3A_1425 {strides = array<i32>} : memref<50x128xf32, #tpu.memory_space<vmem>>, vector<16xf32>,
        %parallel_loop3A_1429 = arith.index_cast %parallel_loop3A_1386 : i32 to index
        %parallel_loop3A_1430 = arith.index_cast %parallel_loop3A_548 : i32 to index
        %parallel_loop3A_1431 = arith.constant 96 : index
        %parallel_loop3A_1432 = tpu.vector_load %arg4[%parallel_loop3A_1429, %parallel_loop3A_1430, %parallel_loop3A_1431] {strides = array<i32>} : memref<8x50x128xf32, #tpu.memory_space<vmem>>, vector<16xf32>,
        %parallel_loop3A_1433 = arith.index_cast %parallel_loop3A_548 : i32 to index
        %parallel_loop3A_1434 = arith.constant 96 : index
        %parallel_loop3A_1435 = tpu.vector_load %arg6[%parallel_loop3A_1433, %parallel_loop3A_1434] {strides = array<i32>} : memref<50x128xf32, #tpu.memory_space<vmem>>, vector<16xf32>,
        tpu.vector_store %arg6[%parallel_loop3A_1433, %parallel_loop3A_1434], %parallel_loop3A_1432 {strides = array<i32>} : memref<50x128xf32, #tpu.memory_space<vmem>>, vector<16xf32>,
        %parallel_loop3A_1436 = arith.index_cast %parallel_loop3A_1386 : i32 to index
        %parallel_loop3A_1437 = arith.index_cast %parallel_loop3A_548 : i32 to index
        %parallel_loop3A_1438 = arith.constant 112 : index
        %parallel_loop3A_1439 = tpu.vector_load %arg4[%parallel_loop3A_1436, %parallel_loop3A_1437, %parallel_loop3A_1438] {strides = array<i32>} : memref<8x50x128xf32, #tpu.memory_space<vmem>>, vector<16xf32>,
        %parallel_loop3A_1440 = arith.index_cast %parallel_loop3A_548 : i32 to index
        %parallel_loop3A_1441 = arith.constant 112 : index
        %parallel_loop3A_1442 = tpu.vector_load %arg6[%parallel_loop3A_1440, %parallel_loop3A_1441] {strides = array<i32>} : memref<50x128xf32, #tpu.memory_space<vmem>>, vector<16xf32>,
        tpu.vector_store %arg6[%parallel_loop3A_1440, %parallel_loop3A_1441], %parallel_loop3A_1439 {strides = array<i32>} : memref<50x128xf32, #tpu.memory_space<vmem>>, vector<16xf32>,
      } {sc.loop_unroll_factor = 1 : i64, sc.parallel_access}
      %jit3A_486 = arith.constant 200 : i32
      %div3A_487 = arith.divsi %add3A_282, %jit3A_486 : i32
      %sign3A_488 = arith.constant 0 : i32
      %sign3A_489 = arith.cmpi sgt, %add3A_282, %sign3A_488 : i32
      %sign3A_490 = arith.extui %sign3A_489 : i1 to i32
      %sign3A_491 = arith.constant 0 : i32
      %sign3A_492 = arith.cmpi slt, %add3A_282, %sign3A_491 : i32
      %sign3A_493 = arith.extui %sign3A_492 : i1 to i32
      %sign3A_494 = arith.subi %sign3A_490, %sign3A_493 : i32
      %sign3A_495 = arith.constant 0 : i32
      %sign3A_496 = arith.cmpi sgt, %jit3A_486, %sign3A_495 : i32
      %sign3A_497 = arith.extui %sign3A_496 : i1 to i32
      %sign3A_498 = arith.constant 0 : i32
      %sign3A_499 = arith.cmpi slt, %jit3A_486, %sign3A_498 : i32
      %sign3A_500 = arith.extui %sign3A_499 : i1 to i32
      %sign3A_501 = arith.subi %sign3A_497, %sign3A_500 : i32
      %ne3A_502 = arith.cmpi ne, %sign3A_494, %sign3A_501 : i32
      %rem3A_503 = arith.remsi %add3A_282, %jit3A_486 : i32
      %ne3A_504 = arith.constant 0 : i32
      %ne3A_505 = arith.cmpi ne, %rem3A_503, %ne3A_504 : i32
      %and3A_506 = arith.andi %ne3A_502, %ne3A_505 : i1
      %sub3A_507 = arith.constant 1 : i32
      %sub3A_508 = arith.subi %div3A_487, %sub3A_507 : i32
      %select_n3A_509 = arith.select %and3A_506, %sub3A_508, %div3A_487 : i32
      %jit3A_510 = arith.constant 200 : i32
      %eq3A_511 = arith.constant 0 : i32
      %eq3A_512 = arith.cmpi eq, %jit3A_510, %eq3A_511 : i32
      %jit3A_513 = arith.constant 1 : i32
      %select_n3A_514 = arith.select %eq3A_512, %jit3A_513, %jit3A_510 : i32
      %rem3A_515 = arith.remsi %add3A_282, %select_n3A_514 : i32
      %ne3A_516 = arith.constant 0 : i32
      %ne3A_517 = arith.cmpi ne, %rem3A_515, %ne3A_516 : i32
      %lt3A_518 = arith.constant 0 : i32
      %lt3A_519 = arith.cmpi slt, %rem3A_515, %lt3A_518 : i32
      %lt3A_520 = arith.constant 0 : i32
      %lt3A_521 = arith.cmpi slt, %select_n3A_514, %lt3A_520 : i32
      %ne3A_522 = arith.xori %lt3A_519, %lt3A_521 : i1
      %and3A_523 = arith.andi %ne3A_522, %ne3A_517 : i1
      %add3A_524 = arith.addi %rem3A_515, %select_n3A_514 : i32
      %select_n3A_525 = arith.select %and3A_523, %add3A_524, %rem3A_515 : i32
      %mul3A_526 = arith.constant 50 : i32
      %mul3A_527 = arith.muli %select_n3A_525, %mul3A_526 : i32
      %dma_start3A_528 = arith.constant 0 : i32
      %dma_start3A_529 = arith.constant 0 : i32
      %dma_start3A_530 = tpu.memref_slice %arg6[%dma_start3A_528, %dma_start3A_529] : memref<50x128xf32, #tpu.memory_space<vmem>> -> memref<50x128xf32, #tpu.memory_space<vmem>>
      %dma_start3A_531 = arith.constant 0 : i32
      %dma_start3A_532 = tpu.memref_slice %arg3[%select_n3A_509, %mul3A_527, %dma_start3A_531] : memref<4x10000x128xf32, #tpu.memory_space<hbm>> -> memref<1x50x128xf32, #tpu.memory_space<hbm>>
      %dma_start3A_533 = tpu.memref_squeeze %dma_start3A_532 : memref<1x50x128xf32, #tpu.memory_space<hbm>> -> memref<50x128xf32, #tpu.memory_space<hbm>>
      %dma_start3A_534 = arith.constant 0 : i32
      %dma_start3A_535 = tpu.memref_slice %arg3[%select_n3A_509, %mul3A_527, %dma_start3A_534] : memref<4x10000x128xf32, #tpu.memory_space<hbm>> -> memref<1x50x128xf32, #tpu.memory_space<hbm>>
      %dma_start3A_536 = tpu.memref_squeeze %dma_start3A_535 : memref<1x50x128xf32, #tpu.memory_space<hbm>> -> memref<50x128xf32, #tpu.memory_space<hbm>>
      %dma_start3A_537 = arith.constant 0 : i32
      %dma_start3A_538 = arith.constant 0 : i32
      %dma_start3A_539 = tpu.memref_slice %arg6[%dma_start3A_537, %dma_start3A_538] : memref<50x128xf32, #tpu.memory_space<vmem>> -> memref<50x128xf32, #tpu.memory_space<vmem>>
      tpu.enqueue_dma source(%dma_start3A_539 : memref<50x128xf32, #tpu.memory_space<vmem>>) target(%dma_start3A_536 : memref<50x128xf32, #tpu.memory_space<hbm>>) target_semaphore(%arg10 : memref<!tpu.dma_semaphore, #tpu.memory_space<semaphore_mem>>)
      %mul3A_540 = arith.constant 2 : i32
      %mul3A_541 = arith.muli %mul3A_540, %scan3A_277 : i32
      %add3A_542 = arith.constant 1 : i32
      %add3A_543 = arith.addi %mul3A_541, %add3A_542 : i32
      %lt3A_544 = arith.cmpi slt, %add3A_543, %select_n3A : i32
      %convert_element_type3A_545 = arith.extui %lt3A_544 : i1 to i32
      %cond3A_546 = arith.constant 0 : i32
      %cond3A_547 = arith.cmpi ne, %convert_element_type3A_545, %cond3A_546 : i32
      scf.if %cond3A_547 {
        %jit3A_548 = arith.constant 200 : i32
        %div3A_549 = arith.divsi %add3A_289, %jit3A_548 : i32
        %sign3A_550 = arith.constant 0 : i32
        %sign3A_551 = arith.cmpi sgt, %add3A_289, %sign3A_550 : i32
        %sign3A_552 = arith.extui %sign3A_551 : i1 to i32
        %sign3A_553 = arith.constant 0 : i32
        %sign3A_554 = arith.cmpi slt, %add3A_289, %sign3A_553 : i32
        %sign3A_555 = arith.extui %sign3A_554 : i1 to i32
        %sign3A_556 = arith.subi %sign3A_552, %sign3A_555 : i32
        %sign3A_557 = arith.constant 0 : i32
        %sign3A_558 = arith.cmpi sgt, %jit3A_548, %sign3A_557 : i32
        %sign3A_559 = arith.extui %sign3A_558 : i1 to i32
        %sign3A_560 = arith.constant 0 : i32
        %sign3A_561 = arith.cmpi slt, %jit3A_548, %sign3A_560 : i32
        %sign3A_562 = arith.extui %sign3A_561 : i1 to i32
        %sign3A_563 = arith.subi %sign3A_559, %sign3A_562 : i32
        %ne3A_564 = arith.cmpi ne, %sign3A_556, %sign3A_563 : i32
        %rem3A_565 = arith.remsi %add3A_289, %jit3A_548 : i32
        %ne3A_566 = arith.constant 0 : i32
        %ne3A_567 = arith.cmpi ne, %rem3A_565, %ne3A_566 : i32
        %and3A_568 = arith.andi %ne3A_564, %ne3A_567 : i1
        %sub3A_569 = arith.constant 1 : i32
        %sub3A_570 = arith.subi %div3A_549, %sub3A_569 : i32
        %select_n3A_571 = arith.select %and3A_568, %sub3A_570, %div3A_549 : i32
        %jit3A_572 = arith.constant 200 : i32
        %eq3A_573 = arith.constant 0 : i32
        %eq3A_574 = arith.cmpi eq, %jit3A_572, %eq3A_573 : i32
        %jit3A_575 = arith.constant 1 : i32
        %select_n3A_576 = arith.select %eq3A_574, %jit3A_575, %jit3A_572 : i32
        %rem3A_577 = arith.remsi %add3A_289, %select_n3A_576 : i32
        %ne3A_578 = arith.constant 0 : i32
        %ne3A_579 = arith.cmpi ne, %rem3A_577, %ne3A_578 : i32
        %lt3A_580 = arith.constant 0 : i32
        %lt3A_581 = arith.cmpi slt, %rem3A_577, %lt3A_580 : i32
        %lt3A_582 = arith.constant 0 : i32
        %lt3A_583 = arith.cmpi slt, %select_n3A_576, %lt3A_582 : i32
        %ne3A_584 = arith.xori %lt3A_581, %lt3A_583 : i1
        %and3A_585 = arith.andi %ne3A_584, %ne3A_579 : i1
        %add3A_586 = arith.addi %rem3A_577, %select_n3A_576 : i32
        %select_n3A_587 = arith.select %and3A_585, %add3A_586, %rem3A_577 : i32
        %mul3A_588 = arith.constant 50 : i32
        %mul3A_589 = arith.muli %select_n3A_587, %mul3A_588 : i32
        %dma_wait3A_590 = arith.constant 0 : i32
        %dma_wait3A_591 = arith.constant 0 : i32
        %dma_wait3A_592 = arith.constant 0 : i32
        %dma_wait3A_593 = arith.constant 0 : i32
        %dma_wait3A_594 = tpu.memref_slice %arg5[%dma_wait3A_591, %dma_wait3A_592, %dma_wait3A_593] : memref<8x50x128xf32, #tpu.memory_space<vmem>> -> memref<1x50x128xf32, #tpu.memory_space<vmem>>
        %dma_wait3A_595 = tpu.memref_squeeze %dma_wait3A_594 : memref<1x50x128xf32, #tpu.memory_space<vmem>> -> memref<50x128xf32, #tpu.memory_space<vmem>>
        %dma_wait3A_596 = arith.constant 0 : i32
        %dma_wait3A_597 = tpu.memref_slice %arg2[%select_n3A_571, %dma_wait3A_590, %mul3A_589, %dma_wait3A_596] : memref<4x8x10000x128xf32, #tpu.memory_space<hbm>> -> memref<1x1x50x128xf32, #tpu.memory_space<hbm>>
        %dma_wait3A_598 = tpu.memref_squeeze %dma_wait3A_597 : memref<1x1x50x128xf32, #tpu.memory_space<hbm>> -> memref<50x128xf32, #tpu.memory_space<hbm>>
        %dma_wait3A_599 = arith.constant 0 : i32
        %dma_wait3A_600 = arith.constant 0 : i32
        %dma_wait3A_601 = tpu.memref_slice %arg5[%dma_wait3A_591, %dma_wait3A_599, %dma_wait3A_600] : memref<8x50x128xf32, #tpu.memory_space<vmem>> -> memref<1x50x128xf32, #tpu.memory_space<vmem>>
        %dma_wait3A_602 = tpu.memref_squeeze %dma_wait3A_601 : memref<1x50x128xf32, #tpu.memory_space<vmem>> -> memref<50x128xf32, #tpu.memory_space<vmem>>
        %dma_wait3A_603 = arith.constant 0 : i32
        %dma_wait3A_604 = tpu.memref_slice %arg2[%select_n3A_571, %dma_wait3A_590, %mul3A_589, %dma_wait3A_603] : memref<4x8x10000x128xf32, #tpu.memory_space<hbm>> -> memref<1x1x50x128xf32, #tpu.memory_space<hbm>>
        %dma_wait3A_605 = tpu.memref_squeeze %dma_wait3A_604 : memref<1x1x50x128xf32, #tpu.memory_space<hbm>> -> memref<50x128xf32, #tpu.memory_space<hbm>>
        tpu.wait_dma2 semaphore(%arg9 : memref<!tpu.dma_semaphore, #tpu.memory_space<semaphore_mem>>) src(%dma_wait3A_605 : memref<50x128xf32, #tpu.memory_space<hbm>>) dst(%dma_wait3A_602 : memref<50x128xf32, #tpu.memory_space<vmem>>)
        %dma_wait3A_606 = arith.constant 1 : i32
        %dma_wait3A_607 = arith.constant 1 : i32
        %dma_wait3A_608 = arith.constant 0 : i32
        %dma_wait3A_609 = arith.constant 0 : i32
        %dma_wait3A_610 = tpu.memref_slice %arg5[%dma_wait3A_607, %dma_wait3A_608, %dma_wait3A_609] : memref<8x50x128xf32, #tpu.memory_space<vmem>> -> memref<1x50x128xf32, #tpu.memory_space<vmem>>
        %dma_wait3A_611 = tpu.memref_squeeze %dma_wait3A_610 : memref<1x50x128xf32, #tpu.memory_space<vmem>> -> memref<50x128xf32, #tpu.memory_space<vmem>>
        %dma_wait3A_612 = arith.constant 0 : i32
        %dma_wait3A_613 = tpu.memref_slice %arg2[%select_n3A_571, %dma_wait3A_606, %mul3A_589, %dma_wait3A_612] : memref<4x8x10000x128xf32, #tpu.memory_space<hbm>> -> memref<1x1x50x128xf32, #tpu.memory_space<hbm>>
        %dma_wait3A_614 = tpu.memref_squeeze %dma_wait3A_613 : memref<1x1x50x128xf32, #tpu.memory_space<hbm>> -> memref<50x128xf32, #tpu.memory_space<hbm>>
        %dma_wait3A_615 = arith.constant 0 : i32
        %dma_wait3A_616 = arith.constant 0 : i32
        %dma_wait3A_617 = tpu.memref_slice %arg5[%dma_wait3A_607, %dma_wait3A_615, %dma_wait3A_616] : memref<8x50x128xf32, #tpu.memory_space<vmem>> -> memref<1x50x128xf32, #tpu.memory_space<vmem>>
        %dma_wait3A_618 = tpu.memref_squeeze %dma_wait3A_617 : memref<1x50x128xf32, #tpu.memory_space<vmem>> -> memref<50x128xf32, #tpu.memory_space<vmem>>
        %dma_wait3A_619 = arith.constant 0 : i32
        %dma_wait3A_620 = tpu.memref_slice %arg2[%select_n3A_571, %dma_wait3A_606, %mul3A_589, %dma_wait3A_619] : memref<4x8x10000x128xf32, #tpu.memory_space<hbm>> -> memref<1x1x50x128xf32, #tpu.memory_space<hbm>>
        %dma_wait3A_621 = tpu.memref_squeeze %dma_wait3A_620 : memref<1x1x50x128xf32, #tpu.memory_space<hbm>> -> memref<50x128xf32, #tpu.memory_space<hbm>>
        tpu.wait_dma2 semaphore(%arg9 : memref<!tpu.dma_semaphore, #tpu.memory_space<semaphore_mem>>) src(%dma_wait3A_621 : memref<50x128xf32, #tpu.memory_space<hbm>>) dst(%dma_wait3A_618 : memref<50x128xf32, #tpu.memory_space<vmem>>)
        %dma_wait3A_622 = arith.constant 2 : i32
        %dma_wait3A_623 = arith.constant 2 : i32
        %dma_wait3A_624 = arith.constant 0 : i32
        %dma_wait3A_625 = arith.constant 0 : i32
        %dma_wait3A_626 = tpu.memref_slice %arg5[%dma_wait3A_623, %dma_wait3A_624, %dma_wait3A_625] : memref<8x50x128xf32, #tpu.memory_space<vmem>> -> memref<1x50x128xf32, #tpu.memory_space<vmem>>
        %dma_wait3A_627 = tpu.memref_squeeze %dma_wait3A_626 : memref<1x50x128xf32, #tpu.memory_space<vmem>> -> memref<50x128xf32, #tpu.memory_space<vmem>>
        %dma_wait3A_628 = arith.constant 0 : i32
        %dma_wait3A_629 = tpu.memref_slice %arg2[%select_n3A_571, %dma_wait3A_622, %mul3A_589, %dma_wait3A_628] : memref<4x8x10000x128xf32, #tpu.memory_space<hbm>> -> memref<1x1x50x128xf32, #tpu.memory_space<hbm>>
        %dma_wait3A_630 = tpu.memref_squeeze %dma_wait3A_629 : memref<1x1x50x128xf32, #tpu.memory_space<hbm>> -> memref<50x128xf32, #tpu.memory_space<hbm>>
        %dma_wait3A_631 = arith.constant 0 : i32
        %dma_wait3A_632 = arith.constant 0 : i32
        %dma_wait3A_633 = tpu.memref_slice %arg5[%dma_wait3A_623, %dma_wait3A_631, %dma_wait3A_632] : memref<8x50x128xf32, #tpu.memory_space<vmem>> -> memref<1x50x128xf32, #tpu.memory_space<vmem>>
        %dma_wait3A_634 = tpu.memref_squeeze %dma_wait3A_633 : memref<1x50x128xf32, #tpu.memory_space<vmem>> -> memref<50x128xf32, #tpu.memory_space<vmem>>
        %dma_wait3A_635 = arith.constant 0 : i32
        %dma_wait3A_636 = tpu.memref_slice %arg2[%select_n3A_571, %dma_wait3A_622, %mul3A_589, %dma_wait3A_635] : memref<4x8x10000x128xf32, #tpu.memory_space<hbm>> -> memref<1x1x50x128xf32, #tpu.memory_space<hbm>>
        %dma_wait3A_637 = tpu.memref_squeeze %dma_wait3A_636 : memref<1x1x50x128xf32, #tpu.memory_space<hbm>> -> memref<50x128xf32, #tpu.memory_space<hbm>>
        tpu.wait_dma2 semaphore(%arg9 : memref<!tpu.dma_semaphore, #tpu.memory_space<semaphore_mem>>) src(%dma_wait3A_637 : memref<50x128xf32, #tpu.memory_space<hbm>>) dst(%dma_wait3A_634 : memref<50x128xf32, #tpu.memory_space<vmem>>)
        %dma_wait3A_638 = arith.constant 3 : i32
        %dma_wait3A_639 = arith.constant 3 : i32
        %dma_wait3A_640 = arith.constant 0 : i32
        %dma_wait3A_641 = arith.constant 0 : i32
        %dma_wait3A_642 = tpu.memref_slice %arg5[%dma_wait3A_639, %dma_wait3A_640, %dma_wait3A_641] : memref<8x50x128xf32, #tpu.memory_space<vmem>> -> memref<1x50x128xf32, #tpu.memory_space<vmem>>
        %dma_wait3A_643 = tpu.memref_squeeze %dma_wait3A_642 : memref<1x50x128xf32, #tpu.memory_space<vmem>> -> memref<50x128xf32, #tpu.memory_space<vmem>>
        %dma_wait3A_644 = arith.constant 0 : i32
        %dma_wait3A_645 = tpu.memref_slice %arg2[%select_n3A_571, %dma_wait3A_638, %mul3A_589, %dma_wait3A_644] : memref<4x8x10000x128xf32, #tpu.memory_space<hbm>> -> memref<1x1x50x128xf32, #tpu.memory_space<hbm>>
        %dma_wait3A_646 = tpu.memref_squeeze %dma_wait3A_645 : memref<1x1x50x128xf32, #tpu.memory_space<hbm>> -> memref<50x128xf32, #tpu.memory_space<hbm>>
        %dma_wait3A_647 = arith.constant 0 : i32
        %dma_wait3A_648 = arith.constant 0 : i32
        %dma_wait3A_649 = tpu.memref_slice %arg5[%dma_wait3A_639, %dma_wait3A_647, %dma_wait3A_648] : memref<8x50x128xf32, #tpu.memory_space<vmem>> -> memref<1x50x128xf32, #tpu.memory_space<vmem>>
        %dma_wait3A_650 = tpu.memref_squeeze %dma_wait3A_649 : memref<1x50x128xf32, #tpu.memory_space<vmem>> -> memref<50x128xf32, #tpu.memory_space<vmem>>
        %dma_wait3A_651 = arith.constant 0 : i32
        %dma_wait3A_652 = tpu.memref_slice %arg2[%select_n3A_571, %dma_wait3A_638, %mul3A_589, %dma_wait3A_651] : memref<4x8x10000x128xf32, #tpu.memory_space<hbm>> -> memref<1x1x50x128xf32, #tpu.memory_space<hbm>>
        %dma_wait3A_653 = tpu.memref_squeeze %dma_wait3A_652 : memref<1x1x50x128xf32, #tpu.memory_space<hbm>> -> memref<50x128xf32, #tpu.memory_space<hbm>>
        tpu.wait_dma2 semaphore(%arg9 : memref<!tpu.dma_semaphore, #tpu.memory_space<semaphore_mem>>) src(%dma_wait3A_653 : memref<50x128xf32, #tpu.memory_space<hbm>>) dst(%dma_wait3A_650 : memref<50x128xf32, #tpu.memory_space<vmem>>)
        %dma_wait3A_654 = arith.constant 4 : i32
        %dma_wait3A_655 = arith.constant 4 : i32
        %dma_wait3A_656 = arith.constant 0 : i32
        %dma_wait3A_657 = arith.constant 0 : i32
        %dma_wait3A_658 = tpu.memref_slice %arg5[%dma_wait3A_655, %dma_wait3A_656, %dma_wait3A_657] : memref<8x50x128xf32, #tpu.memory_space<vmem>> -> memref<1x50x128xf32, #tpu.memory_space<vmem>>
        %dma_wait3A_659 = tpu.memref_squeeze %dma_wait3A_658 : memref<1x50x128xf32, #tpu.memory_space<vmem>> -> memref<50x128xf32, #tpu.memory_space<vmem>>
        %dma_wait3A_660 = arith.constant 0 : i32
        %dma_wait3A_661 = tpu.memref_slice %arg2[%select_n3A_571, %dma_wait3A_654, %mul3A_589, %dma_wait3A_660] : memref<4x8x10000x128xf32, #tpu.memory_space<hbm>> -> memref<1x1x50x128xf32, #tpu.memory_space<hbm>>
        %dma_wait3A_662 = tpu.memref_squeeze %dma_wait3A_661 : memref<1x1x50x128xf32, #tpu.memory_space<hbm>> -> memref<50x128xf32, #tpu.memory_space<hbm>>
        %dma_wait3A_663 = arith.constant 0 : i32
        %dma_wait3A_664 = arith.constant 0 : i32
        %dma_wait3A_665 = tpu.memref_slice %arg5[%dma_wait3A_655, %dma_wait3A_663, %dma_wait3A_664] : memref<8x50x128xf32, #tpu.memory_space<vmem>> -> memref<1x50x128xf32, #tpu.memory_space<vmem>>
        %dma_wait3A_666 = tpu.memref_squeeze %dma_wait3A_665 : memref<1x50x128xf32, #tpu.memory_space<vmem>> -> memref<50x128xf32, #tpu.memory_space<vmem>>
        %dma_wait3A_667 = arith.constant 0 : i32
        %dma_wait3A_668 = tpu.memref_slice %arg2[%select_n3A_571, %dma_wait3A_654, %mul3A_589, %dma_wait3A_667] : memref<4x8x10000x128xf32, #tpu.memory_space<hbm>> -> memref<1x1x50x128xf32, #tpu.memory_space<hbm>>
        %dma_wait3A_669 = tpu.memref_squeeze %dma_wait3A_668 : memref<1x1x50x128xf32, #tpu.memory_space<hbm>> -> memref<50x128xf32, #tpu.memory_space<hbm>>
        tpu.wait_dma2 semaphore(%arg9 : memref<!tpu.dma_semaphore, #tpu.memory_space<semaphore_mem>>) src(%dma_wait3A_669 : memref<50x128xf32, #tpu.memory_space<hbm>>) dst(%dma_wait3A_666 : memref<50x128xf32, #tpu.memory_space<vmem>>)
        %dma_wait3A_670 = arith.constant 5 : i32
        %dma_wait3A_671 = arith.constant 5 : i32
        %dma_wait3A_672 = arith.constant 0 : i32
        %dma_wait3A_673 = arith.constant 0 : i32
        %dma_wait3A_674 = tpu.memref_slice %arg5[%dma_wait3A_671, %dma_wait3A_672, %dma_wait3A_673] : memref<8x50x128xf32, #tpu.memory_space<vmem>> -> memref<1x50x128xf32, #tpu.memory_space<vmem>>
        %dma_wait3A_675 = tpu.memref_squeeze %dma_wait3A_674 : memref<1x50x128xf32, #tpu.memory_space<vmem>> -> memref<50x128xf32, #tpu.memory_space<vmem>>
        %dma_wait3A_676 = arith.constant 0 : i32
        %dma_wait3A_677 = tpu.memref_slice %arg2[%select_n3A_571, %dma_wait3A_670, %mul3A_589, %dma_wait3A_676] : memref<4x8x10000x128xf32, #tpu.memory_space<hbm>> -> memref<1x1x50x128xf32, #tpu.memory_space<hbm>>
        %dma_wait3A_678 = tpu.memref_squeeze %dma_wait3A_677 : memref<1x1x50x128xf32, #tpu.memory_space<hbm>> -> memref<50x128xf32, #tpu.memory_space<hbm>>
        %dma_wait3A_679 = arith.constant 0 : i32
        %dma_wait3A_680 = arith.constant 0 : i32
        %dma_wait3A_681 = tpu.memref_slice %arg5[%dma_wait3A_671, %dma_wait3A_679, %dma_wait3A_680] : memref<8x50x128xf32, #tpu.memory_space<vmem>> -> memref<1x50x128xf32, #tpu.memory_space<vmem>>
        %dma_wait3A_682 = tpu.memref_squeeze %dma_wait3A_681 : memref<1x50x128xf32, #tpu.memory_space<vmem>> -> memref<50x128xf32, #tpu.memory_space<vmem>>
        %dma_wait3A_683 = arith.constant 0 : i32
        %dma_wait3A_684 = tpu.memref_slice %arg2[%select_n3A_571, %dma_wait3A_670, %mul3A_589, %dma_wait3A_683] : memref<4x8x10000x128xf32, #tpu.memory_space<hbm>> -> memref<1x1x50x128xf32, #tpu.memory_space<hbm>>
        %dma_wait3A_685 = tpu.memref_squeeze %dma_wait3A_684 : memref<1x1x50x128xf32, #tpu.memory_space<hbm>> -> memref<50x128xf32, #tpu.memory_space<hbm>>
        tpu.wait_dma2 semaphore(%arg9 : memref<!tpu.dma_semaphore, #tpu.memory_space<semaphore_mem>>) src(%dma_wait3A_685 : memref<50x128xf32, #tpu.memory_space<hbm>>) dst(%dma_wait3A_682 : memref<50x128xf32, #tpu.memory_space<vmem>>)
        %dma_wait3A_686 = arith.constant 6 : i32
        %dma_wait3A_687 = arith.constant 6 : i32
        %dma_wait3A_688 = arith.constant 0 : i32
        %dma_wait3A_689 = arith.constant 0 : i32
        %dma_wait3A_690 = tpu.memref_slice %arg5[%dma_wait3A_687, %dma_wait3A_688, %dma_wait3A_689] : memref<8x50x128xf32, #tpu.memory_space<vmem>> -> memref<1x50x128xf32, #tpu.memory_space<vmem>>
        %dma_wait3A_691 = tpu.memref_squeeze %dma_wait3A_690 : memref<1x50x128xf32, #tpu.memory_space<vmem>> -> memref<50x128xf32, #tpu.memory_space<vmem>>
        %dma_wait3A_692 = arith.constant 0 : i32
        %dma_wait3A_693 = tpu.memref_slice %arg2[%select_n3A_571, %dma_wait3A_686, %mul3A_589, %dma_wait3A_692] : memref<4x8x10000x128xf32, #tpu.memory_space<hbm>> -> memref<1x1x50x128xf32, #tpu.memory_space<hbm>>
        %dma_wait3A_694 = tpu.memref_squeeze %dma_wait3A_693 : memref<1x1x50x128xf32, #tpu.memory_space<hbm>> -> memref<50x128xf32, #tpu.memory_space<hbm>>
        %dma_wait3A_695 = arith.constant 0 : i32
        %dma_wait3A_696 = arith.constant 0 : i32
        %dma_wait3A_697 = tpu.memref_slice %arg5[%dma_wait3A_687, %dma_wait3A_695, %dma_wait3A_696] : memref<8x50x128xf32, #tpu.memory_space<vmem>> -> memref<1x50x128xf32, #tpu.memory_space<vmem>>
        %dma_wait3A_698 = tpu.memref_squeeze %dma_wait3A_697 : memref<1x50x128xf32, #tpu.memory_space<vmem>> -> memref<50x128xf32, #tpu.memory_space<vmem>>
        %dma_wait3A_699 = arith.constant 0 : i32
        %dma_wait3A_700 = tpu.memref_slice %arg2[%select_n3A_571, %dma_wait3A_686, %mul3A_589, %dma_wait3A_699] : memref<4x8x10000x128xf32, #tpu.memory_space<hbm>> -> memref<1x1x50x128xf32, #tpu.memory_space<hbm>>
        %dma_wait3A_701 = tpu.memref_squeeze %dma_wait3A_700 : memref<1x1x50x128xf32, #tpu.memory_space<hbm>> -> memref<50x128xf32, #tpu.memory_space<hbm>>
        tpu.wait_dma2 semaphore(%arg9 : memref<!tpu.dma_semaphore, #tpu.memory_space<semaphore_mem>>) src(%dma_wait3A_701 : memref<50x128xf32, #tpu.memory_space<hbm>>) dst(%dma_wait3A_698 : memref<50x128xf32, #tpu.memory_space<vmem>>)
        %dma_wait3A_702 = arith.constant 7 : i32
        %dma_wait3A_703 = arith.constant 7 : i32
        %dma_wait3A_704 = arith.constant 0 : i32
        %dma_wait3A_705 = arith.constant 0 : i32
        %dma_wait3A_706 = tpu.memref_slice %arg5[%dma_wait3A_703, %dma_wait3A_704, %dma_wait3A_705] : memref<8x50x128xf32, #tpu.memory_space<vmem>> -> memref<1x50x128xf32, #tpu.memory_space<vmem>>
        %dma_wait3A_707 = tpu.memref_squeeze %dma_wait3A_706 : memref<1x50x128xf32, #tpu.memory_space<vmem>> -> memref<50x128xf32, #tpu.memory_space<vmem>>
        %dma_wait3A_708 = arith.constant 0 : i32
        %dma_wait3A_709 = tpu.memref_slice %arg2[%select_n3A_571, %dma_wait3A_702, %mul3A_589, %dma_wait3A_708] : memref<4x8x10000x128xf32, #tpu.memory_space<hbm>> -> memref<1x1x50x128xf32, #tpu.memory_space<hbm>>
        %dma_wait3A_710 = tpu.memref_squeeze %dma_wait3A_709 : memref<1x1x50x128xf32, #tpu.memory_space<hbm>> -> memref<50x128xf32, #tpu.memory_space<hbm>>
        %dma_wait3A_711 = arith.constant 0 : i32
        %dma_wait3A_712 = arith.constant 0 : i32
        %dma_wait3A_713 = tpu.memref_slice %arg5[%dma_wait3A_703, %dma_wait3A_711, %dma_wait3A_712] : memref<8x50x128xf32, #tpu.memory_space<vmem>> -> memref<1x50x128xf32, #tpu.memory_space<vmem>>
        %dma_wait3A_714 = tpu.memref_squeeze %dma_wait3A_713 : memref<1x50x128xf32, #tpu.memory_space<vmem>> -> memref<50x128xf32, #tpu.memory_space<vmem>>
        %dma_wait3A_715 = arith.constant 0 : i32
        %dma_wait3A_716 = tpu.memref_slice %arg2[%select_n3A_571, %dma_wait3A_702, %mul3A_589, %dma_wait3A_715] : memref<4x8x10000x128xf32, #tpu.memory_space<hbm>> -> memref<1x1x50x128xf32, #tpu.memory_space<hbm>>
        %dma_wait3A_717 = tpu.memref_squeeze %dma_wait3A_716 : memref<1x1x50x128xf32, #tpu.memory_space<hbm>> -> memref<50x128xf32, #tpu.memory_space<hbm>>
        tpu.wait_dma2 semaphore(%arg9 : memref<!tpu.dma_semaphore, #tpu.memory_space<semaphore_mem>>) src(%dma_wait3A_717 : memref<50x128xf32, #tpu.memory_space<hbm>>) dst(%dma_wait3A_714 : memref<50x128xf32, #tpu.memory_space<vmem>>)
        %mul3A_718 = arith.constant 2 : i32
        %mul3A_719 = arith.muli %mul3A_718, %scan3A_277 : i32
        %add3A_720 = arith.constant 2 : i32
        %add3A_721 = arith.addi %mul3A_719, %add3A_720 : i32
        %lt3A_722 = arith.cmpi slt, %add3A_721, %select_n3A : i32
        %convert_element_type3A_723 = arith.extui %lt3A_722 : i1 to i32
        %cond3A_724 = arith.constant 0 : i32
        %cond3A_725 = arith.cmpi ne, %convert_element_type3A_723, %cond3A_724 : i32
        scf.if %cond3A_725 {
          %add3A_804 = arith.constant 32 : i32
          %add3A_805 = arith.addi %add3A_289, %add3A_804 : i32
          %jit3A_806 = arith.constant 200 : i32
          %div3A_807 = arith.divsi %add3A_805, %jit3A_806 : i32
          %sign3A_808 = arith.constant 0 : i32
          %sign3A_809 = arith.cmpi sgt, %add3A_805, %sign3A_808 : i32
          %sign3A_810 = arith.extui %sign3A_809 : i1 to i32
          %sign3A_811 = arith.constant 0 : i32
          %sign3A_812 = arith.cmpi slt, %add3A_805, %sign3A_811 : i32
          %sign3A_813 = arith.extui %sign3A_812 : i1 to i32
          %sign3A_814 = arith.subi %sign3A_810, %sign3A_813 : i32
          %sign3A_815 = arith.constant 0 : i32
          %sign3A_816 = arith.cmpi sgt, %jit3A_806, %sign3A_815 : i32
          %sign3A_817 = arith.extui %sign3A_816 : i1 to i32
          %sign3A_818 = arith.constant 0 : i32
          %sign3A_819 = arith.cmpi slt, %jit3A_806, %sign3A_818 : i32
          %sign3A_820 = arith.extui %sign3A_819 : i1 to i32
          %sign3A_821 = arith.subi %sign3A_817, %sign3A_820 : i32
          %ne3A_822 = arith.cmpi ne, %sign3A_814, %sign3A_821 : i32
          %rem3A_823 = arith.remsi %add3A_805, %jit3A_806 : i32
          %ne3A_824 = arith.constant 0 : i32
          %ne3A_825 = arith.cmpi ne, %rem3A_823, %ne3A_824 : i32
          %and3A_826 = arith.andi %ne3A_822, %ne3A_825 : i1
          %sub3A_827 = arith.constant 1 : i32
          %sub3A_828 = arith.subi %div3A_807, %sub3A_827 : i32
          %select_n3A_829 = arith.select %and3A_826, %sub3A_828, %div3A_807 : i32
          %jit3A_830 = arith.constant 200 : i32
          %eq3A_831 = arith.constant 0 : i32
          %eq3A_832 = arith.cmpi eq, %jit3A_830, %eq3A_831 : i32
          %jit3A_833 = arith.constant 1 : i32
          %select_n3A_834 = arith.select %eq3A_832, %jit3A_833, %jit3A_830 : i32
          %rem3A_835 = arith.remsi %add3A_805, %select_n3A_834 : i32
          %ne3A_836 = arith.constant 0 : i32
          %ne3A_837 = arith.cmpi ne, %rem3A_835, %ne3A_836 : i32
          %lt3A_838 = arith.constant 0 : i32
          %lt3A_839 = arith.cmpi slt, %rem3A_835, %lt3A_838 : i32
          %lt3A_840 = arith.constant 0 : i32
          %lt3A_841 = arith.cmpi slt, %select_n3A_834, %lt3A_840 : i32
          %ne3A_842 = arith.xori %lt3A_839, %lt3A_841 : i1
          %and3A_843 = arith.andi %ne3A_842, %ne3A_837 : i1
          %add3A_844 = arith.addi %rem3A_835, %select_n3A_834 : i32
          %select_n3A_845 = arith.select %and3A_843, %add3A_844, %rem3A_835 : i32
          %mul3A_846 = arith.constant 50 : i32
          %mul3A_847 = arith.muli %select_n3A_845, %mul3A_846 : i32
          %dma_start3A_848 = arith.constant 0 : i32
          %dma_start3A_849 = arith.constant 0 : i32
          %dma_start3A_850 = arith.constant 0 : i32
          %dma_start3A_851 = arith.constant 0 : i32
          %dma_start3A_852 = tpu.memref_slice %arg4[%dma_start3A_849, %dma_start3A_850, %dma_start3A_851] : memref<8x50x128xf32, #tpu.memory_space<vmem>> -> memref<1x50x128xf32, #tpu.memory_space<vmem>>
          %dma_start3A_853 = tpu.memref_squeeze %dma_start3A_852 : memref<1x50x128xf32, #tpu.memory_space<vmem>> -> memref<50x128xf32, #tpu.memory_space<vmem>>
          %dma_start3A_854 = arith.constant 0 : i32
          %dma_start3A_855 = tpu.memref_slice %arg2[%select_n3A_829, %dma_start3A_848, %mul3A_847, %dma_start3A_854] : memref<4x8x10000x128xf32, #tpu.memory_space<hbm>> -> memref<1x1x50x128xf32, #tpu.memory_space<hbm>>
          %dma_start3A_856 = tpu.memref_squeeze %dma_start3A_855 : memref<1x1x50x128xf32, #tpu.memory_space<hbm>> -> memref<50x128xf32, #tpu.memory_space<hbm>>
          %dma_start3A_857 = arith.constant 0 : i32
          %dma_start3A_858 = arith.constant 0 : i32
          %dma_start3A_859 = tpu.memref_slice %arg4[%dma_start3A_849, %dma_start3A_857, %dma_start3A_858] : memref<8x50x128xf32, #tpu.memory_space<vmem>> -> memref<1x50x128xf32, #tpu.memory_space<vmem>>
          %dma_start3A_860 = tpu.memref_squeeze %dma_start3A_859 : memref<1x50x128xf32, #tpu.memory_space<vmem>> -> memref<50x128xf32, #tpu.memory_space<vmem>>
          %dma_start3A_861 = arith.constant 0 : i32
          %dma_start3A_862 = tpu.memref_slice %arg2[%select_n3A_829, %dma_start3A_848, %mul3A_847, %dma_start3A_861] : memref<4x8x10000x128xf32, #tpu.memory_space<hbm>> -> memref<1x1x50x128xf32, #tpu.memory_space<hbm>>
          %dma_start3A_863 = tpu.memref_squeeze %dma_start3A_862 : memref<1x1x50x128xf32, #tpu.memory_space<hbm>> -> memref<50x128xf32, #tpu.memory_space<hbm>>
          tpu.enqueue_dma source(%dma_start3A_863 : memref<50x128xf32, #tpu.memory_space<hbm>>) target(%dma_start3A_860 : memref<50x128xf32, #tpu.memory_space<vmem>>) target_semaphore(%arg8 : memref<!tpu.dma_semaphore, #tpu.memory_space<semaphore_mem>>)
          %dma_start3A_864 = arith.constant 1 : i32
          %dma_start3A_865 = arith.constant 1 : i32
          %dma_start3A_866 = arith.constant 0 : i32
          %dma_start3A_867 = arith.constant 0 : i32
          %dma_start3A_868 = tpu.memref_slice %arg4[%dma_start3A_865, %dma_start3A_866, %dma_start3A_867] : memref<8x50x128xf32, #tpu.memory_space<vmem>> -> memref<1x50x128xf32, #tpu.memory_space<vmem>>
          %dma_start3A_869 = tpu.memref_squeeze %dma_start3A_868 : memref<1x50x128xf32, #tpu.memory_space<vmem>> -> memref<50x128xf32, #tpu.memory_space<vmem>>
          %dma_start3A_870 = arith.constant 0 : i32
          %dma_start3A_871 = tpu.memref_slice %arg2[%select_n3A_829, %dma_start3A_864, %mul3A_847, %dma_start3A_870] : memref<4x8x10000x128xf32, #tpu.memory_space<hbm>> -> memref<1x1x50x128xf32, #tpu.memory_space<hbm>>
          %dma_start3A_872 = tpu.memref_squeeze %dma_start3A_871 : memref<1x1x50x128xf32, #tpu.memory_space<hbm>> -> memref<50x128xf32, #tpu.memory_space<hbm>>
          %dma_start3A_873 = arith.constant 0 : i32
          %dma_start3A_874 = arith.constant 0 : i32
          %dma_start3A_875 = tpu.memref_slice %arg4[%dma_start3A_865, %dma_start3A_873, %dma_start3A_874] : memref<8x50x128xf32, #tpu.memory_space<vmem>> -> memref<1x50x128xf32, #tpu.memory_space<vmem>>
          %dma_start3A_876 = tpu.memref_squeeze %dma_start3A_875 : memref<1x50x128xf32, #tpu.memory_space<vmem>> -> memref<50x128xf32, #tpu.memory_space<vmem>>
          %dma_start3A_877 = arith.constant 0 : i32
          %dma_start3A_878 = tpu.memref_slice %arg2[%select_n3A_829, %dma_start3A_864, %mul3A_847, %dma_start3A_877] : memref<4x8x10000x128xf32, #tpu.memory_space<hbm>> -> memref<1x1x50x128xf32, #tpu.memory_space<hbm>>
          %dma_start3A_879 = tpu.memref_squeeze %dma_start3A_878 : memref<1x1x50x128xf32, #tpu.memory_space<hbm>> -> memref<50x128xf32, #tpu.memory_space<hbm>>
          tpu.enqueue_dma source(%dma_start3A_879 : memref<50x128xf32, #tpu.memory_space<hbm>>) target(%dma_start3A_876 : memref<50x128xf32, #tpu.memory_space<vmem>>) target_semaphore(%arg8 : memref<!tpu.dma_semaphore, #tpu.memory_space<semaphore_mem>>)
          %dma_start3A_880 = arith.constant 2 : i32
          %dma_start3A_881 = arith.constant 2 : i32
          %dma_start3A_882 = arith.constant 0 : i32
          %dma_start3A_883 = arith.constant 0 : i32
          %dma_start3A_884 = tpu.memref_slice %arg4[%dma_start3A_881, %dma_start3A_882, %dma_start3A_883] : memref<8x50x128xf32, #tpu.memory_space<vmem>> -> memref<1x50x128xf32, #tpu.memory_space<vmem>>
          %dma_start3A_885 = tpu.memref_squeeze %dma_start3A_884 : memref<1x50x128xf32, #tpu.memory_space<vmem>> -> memref<50x128xf32, #tpu.memory_space<vmem>>
          %dma_start3A_886 = arith.constant 0 : i32
          %dma_start3A_887 = tpu.memref_slice %arg2[%select_n3A_829, %dma_start3A_880, %mul3A_847, %dma_start3A_886] : memref<4x8x10000x128xf32, #tpu.memory_space<hbm>> -> memref<1x1x50x128xf32, #tpu.memory_space<hbm>>
          %dma_start3A_888 = tpu.memref_squeeze %dma_start3A_887 : memref<1x1x50x128xf32, #tpu.memory_space<hbm>> -> memref<50x128xf32, #tpu.memory_space<hbm>>
          %dma_start3A_889 = arith.constant 0 : i32
          %dma_start3A_890 = arith.constant 0 : i32
          %dma_start3A_891 = tpu.memref_slice %arg4[%dma_start3A_881, %dma_start3A_889, %dma_start3A_890] : memref<8x50x128xf32, #tpu.memory_space<vmem>> -> memref<1x50x128xf32, #tpu.memory_space<vmem>>
          %dma_start3A_892 = tpu.memref_squeeze %dma_start3A_891 : memref<1x50x128xf32, #tpu.memory_space<vmem>> -> memref<50x128xf32, #tpu.memory_space<vmem>>
          %dma_start3A_893 = arith.constant 0 : i32
          %dma_start3A_894 = tpu.memref_slice %arg2[%select_n3A_829, %dma_start3A_880, %mul3A_847, %dma_start3A_893] : memref<4x8x10000x128xf32, #tpu.memory_space<hbm>> -> memref<1x1x50x128xf32, #tpu.memory_space<hbm>>
          %dma_start3A_895 = tpu.memref_squeeze %dma_start3A_894 : memref<1x1x50x128xf32, #tpu.memory_space<hbm>> -> memref<50x128xf32, #tpu.memory_space<hbm>>
          tpu.enqueue_dma source(%dma_start3A_895 : memref<50x128xf32, #tpu.memory_space<hbm>>) target(%dma_start3A_892 : memref<50x128xf32, #tpu.memory_space<vmem>>) target_semaphore(%arg8 : memref<!tpu.dma_semaphore, #tpu.memory_space<semaphore_mem>>)
          %dma_start3A_896 = arith.constant 3 : i32
          %dma_start3A_897 = arith.constant 3 : i32
          %dma_start3A_898 = arith.constant 0 : i32
          %dma_start3A_899 = arith.constant 0 : i32
          %dma_start3A_900 = tpu.memref_slice %arg4[%dma_start3A_897, %dma_start3A_898, %dma_start3A_899] : memref<8x50x128xf32, #tpu.memory_space<vmem>> -> memref<1x50x128xf32, #tpu.memory_space<vmem>>
          %dma_start3A_901 = tpu.memref_squeeze %dma_start3A_900 : memref<1x50x128xf32, #tpu.memory_space<vmem>> -> memref<50x128xf32, #tpu.memory_space<vmem>>
          %dma_start3A_902 = arith.constant 0 : i32
          %dma_start3A_903 = tpu.memref_slice %arg2[%select_n3A_829, %dma_start3A_896, %mul3A_847, %dma_start3A_902] : memref<4x8x10000x128xf32, #tpu.memory_space<hbm>> -> memref<1x1x50x128xf32, #tpu.memory_space<hbm>>
          %dma_start3A_904 = tpu.memref_squeeze %dma_start3A_903 : memref<1x1x50x128xf32, #tpu.memory_space<hbm>> -> memref<50x128xf32, #tpu.memory_space<hbm>>
          %dma_start3A_905 = arith.constant 0 : i32
          %dma_start3A_906 = arith.constant 0 : i32
          %dma_start3A_907 = tpu.memref_slice %arg4[%dma_start3A_897, %dma_start3A_905, %dma_start3A_906] : memref<8x50x128xf32, #tpu.memory_space<vmem>> -> memref<1x50x128xf32, #tpu.memory_space<vmem>>
          %dma_start3A_908 = tpu.memref_squeeze %dma_start3A_907 : memref<1x50x128xf32, #tpu.memory_space<vmem>> -> memref<50x128xf32, #tpu.memory_space<vmem>>
          %dma_start3A_909 = arith.constant 0 : i32
          %dma_start3A_910 = tpu.memref_slice %arg2[%select_n3A_829, %dma_start3A_896, %mul3A_847, %dma_start3A_909] : memref<4x8x10000x128xf32, #tpu.memory_space<hbm>> -> memref<1x1x50x128xf32, #tpu.memory_space<hbm>>
          %dma_start3A_911 = tpu.memref_squeeze %dma_start3A_910 : memref<1x1x50x128xf32, #tpu.memory_space<hbm>> -> memref<50x128xf32, #tpu.memory_space<hbm>>
          tpu.enqueue_dma source(%dma_start3A_911 : memref<50x128xf32, #tpu.memory_space<hbm>>) target(%dma_start3A_908 : memref<50x128xf32, #tpu.memory_space<vmem>>) target_semaphore(%arg8 : memref<!tpu.dma_semaphore, #tpu.memory_space<semaphore_mem>>)
          %dma_start3A_912 = arith.constant 4 : i32
          %dma_start3A_913 = arith.constant 4 : i32
          %dma_start3A_914 = arith.constant 0 : i32
          %dma_start3A_915 = arith.constant 0 : i32
          %dma_start3A_916 = tpu.memref_slice %arg4[%dma_start3A_913, %dma_start3A_914, %dma_start3A_915] : memref<8x50x128xf32, #tpu.memory_space<vmem>> -> memref<1x50x128xf32, #tpu.memory_space<vmem>>
          %dma_start3A_917 = tpu.memref_squeeze %dma_start3A_916 : memref<1x50x128xf32, #tpu.memory_space<vmem>> -> memref<50x128xf32, #tpu.memory_space<vmem>>
          %dma_start3A_918 = arith.constant 0 : i32
          %dma_start3A_919 = tpu.memref_slice %arg2[%select_n3A_829, %dma_start3A_912, %mul3A_847, %dma_start3A_918] : memref<4x8x10000x128xf32, #tpu.memory_space<hbm>> -> memref<1x1x50x128xf32, #tpu.memory_space<hbm>>
          %dma_start3A_920 = tpu.memref_squeeze %dma_start3A_919 : memref<1x1x50x128xf32, #tpu.memory_space<hbm>> -> memref<50x128xf32, #tpu.memory_space<hbm>>
          %dma_start3A_921 = arith.constant 0 : i32
          %dma_start3A_922 = arith.constant 0 : i32
          %dma_start3A_923 = tpu.memref_slice %arg4[%dma_start3A_913, %dma_start3A_921, %dma_start3A_922] : memref<8x50x128xf32, #tpu.memory_space<vmem>> -> memref<1x50x128xf32, #tpu.memory_space<vmem>>
          %dma_start3A_924 = tpu.memref_squeeze %dma_start3A_923 : memref<1x50x128xf32, #tpu.memory_space<vmem>> -> memref<50x128xf32, #tpu.memory_space<vmem>>
          %dma_start3A_925 = arith.constant 0 : i32
          %dma_start3A_926 = tpu.memref_slice %arg2[%select_n3A_829, %dma_start3A_912, %mul3A_847, %dma_start3A_925] : memref<4x8x10000x128xf32, #tpu.memory_space<hbm>> -> memref<1x1x50x128xf32, #tpu.memory_space<hbm>>
          %dma_start3A_927 = tpu.memref_squeeze %dma_start3A_926 : memref<1x1x50x128xf32, #tpu.memory_space<hbm>> -> memref<50x128xf32, #tpu.memory_space<hbm>>
          tpu.enqueue_dma source(%dma_start3A_927 : memref<50x128xf32, #tpu.memory_space<hbm>>) target(%dma_start3A_924 : memref<50x128xf32, #tpu.memory_space<vmem>>) target_semaphore(%arg8 : memref<!tpu.dma_semaphore, #tpu.memory_space<semaphore_mem>>)
          %dma_start3A_928 = arith.constant 5 : i32
          %dma_start3A_929 = arith.constant 5 : i32
          %dma_start3A_930 = arith.constant 0 : i32
          %dma_start3A_931 = arith.constant 0 : i32
          %dma_start3A_932 = tpu.memref_slice %arg4[%dma_start3A_929, %dma_start3A_930, %dma_start3A_931] : memref<8x50x128xf32, #tpu.memory_space<vmem>> -> memref<1x50x128xf32, #tpu.memory_space<vmem>>
          %dma_start3A_933 = tpu.memref_squeeze %dma_start3A_932 : memref<1x50x128xf32, #tpu.memory_space<vmem>> -> memref<50x128xf32, #tpu.memory_space<vmem>>
          %dma_start3A_934 = arith.constant 0 : i32
          %dma_start3A_935 = tpu.memref_slice %arg2[%select_n3A_829, %dma_start3A_928, %mul3A_847, %dma_start3A_934] : memref<4x8x10000x128xf32, #tpu.memory_space<hbm>> -> memref<1x1x50x128xf32, #tpu.memory_space<hbm>>
          %dma_start3A_936 = tpu.memref_squeeze %dma_start3A_935 : memref<1x1x50x128xf32, #tpu.memory_space<hbm>> -> memref<50x128xf32, #tpu.memory_space<hbm>>
          %dma_start3A_937 = arith.constant 0 : i32
          %dma_start3A_938 = arith.constant 0 : i32
          %dma_start3A_939 = tpu.memref_slice %arg4[%dma_start3A_929, %dma_start3A_937, %dma_start3A_938] : memref<8x50x128xf32, #tpu.memory_space<vmem>> -> memref<1x50x128xf32, #tpu.memory_space<vmem>>
          %dma_start3A_940 = tpu.memref_squeeze %dma_start3A_939 : memref<1x50x128xf32, #tpu.memory_space<vmem>> -> memref<50x128xf32, #tpu.memory_space<vmem>>
          %dma_start3A_941 = arith.constant 0 : i32
          %dma_start3A_942 = tpu.memref_slice %arg2[%select_n3A_829, %dma_start3A_928, %mul3A_847, %dma_start3A_941] : memref<4x8x10000x128xf32, #tpu.memory_space<hbm>> -> memref<1x1x50x128xf32, #tpu.memory_space<hbm>>
          %dma_start3A_943 = tpu.memref_squeeze %dma_start3A_942 : memref<1x1x50x128xf32, #tpu.memory_space<hbm>> -> memref<50x128xf32, #tpu.memory_space<hbm>>
          tpu.enqueue_dma source(%dma_start3A_943 : memref<50x128xf32, #tpu.memory_space<hbm>>) target(%dma_start3A_940 : memref<50x128xf32, #tpu.memory_space<vmem>>) target_semaphore(%arg8 : memref<!tpu.dma_semaphore, #tpu.memory_space<semaphore_mem>>)
          %dma_start3A_944 = arith.constant 6 : i32
          %dma_start3A_945 = arith.constant 6 : i32
          %dma_start3A_946 = arith.constant 0 : i32
          %dma_start3A_947 = arith.constant 0 : i32
          %dma_start3A_948 = tpu.memref_slice %arg4[%dma_start3A_945, %dma_start3A_946, %dma_start3A_947] : memref<8x50x128xf32, #tpu.memory_space<vmem>> -> memref<1x50x128xf32, #tpu.memory_space<vmem>>
          %dma_start3A_949 = tpu.memref_squeeze %dma_start3A_948 : memref<1x50x128xf32, #tpu.memory_space<vmem>> -> memref<50x128xf32, #tpu.memory_space<vmem>>
          %dma_start3A_950 = arith.constant 0 : i32
          %dma_start3A_951 = tpu.memref_slice %arg2[%select_n3A_829, %dma_start3A_944, %mul3A_847, %dma_start3A_950] : memref<4x8x10000x128xf32, #tpu.memory_space<hbm>> -> memref<1x1x50x128xf32, #tpu.memory_space<hbm>>
          %dma_start3A_952 = tpu.memref_squeeze %dma_start3A_951 : memref<1x1x50x128xf32, #tpu.memory_space<hbm>> -> memref<50x128xf32, #tpu.memory_space<hbm>>
          %dma_start3A_953 = arith.constant 0 : i32
          %dma_start3A_954 = arith.constant 0 : i32
          %dma_start3A_955 = tpu.memref_slice %arg4[%dma_start3A_945, %dma_start3A_953, %dma_start3A_954] : memref<8x50x128xf32, #tpu.memory_space<vmem>> -> memref<1x50x128xf32, #tpu.memory_space<vmem>>
          %dma_start3A_956 = tpu.memref_squeeze %dma_start3A_955 : memref<1x50x128xf32, #tpu.memory_space<vmem>> -> memref<50x128xf32, #tpu.memory_space<vmem>>
          %dma_start3A_957 = arith.constant 0 : i32
          %dma_start3A_958 = tpu.memref_slice %arg2[%select_n3A_829, %dma_start3A_944, %mul3A_847, %dma_start3A_957] : memref<4x8x10000x128xf32, #tpu.memory_space<hbm>> -> memref<1x1x50x128xf32, #tpu.memory_space<hbm>>
          %dma_start3A_959 = tpu.memref_squeeze %dma_start3A_958 : memref<1x1x50x128xf32, #tpu.memory_space<hbm>> -> memref<50x128xf32, #tpu.memory_space<hbm>>
          tpu.enqueue_dma source(%dma_start3A_959 : memref<50x128xf32, #tpu.memory_space<hbm>>) target(%dma_start3A_956 : memref<50x128xf32, #tpu.memory_space<vmem>>) target_semaphore(%arg8 : memref<!tpu.dma_semaphore, #tpu.memory_space<semaphore_mem>>)
          %dma_start3A_960 = arith.constant 7 : i32
          %dma_start3A_961 = arith.constant 7 : i32
          %dma_start3A_962 = arith.constant 0 : i32
          %dma_start3A_963 = arith.constant 0 : i32
          %dma_start3A_964 = tpu.memref_slice %arg4[%dma_start3A_961, %dma_start3A_962, %dma_start3A_963] : memref<8x50x128xf32, #tpu.memory_space<vmem>> -> memref<1x50x128xf32, #tpu.memory_space<vmem>>
          %dma_start3A_965 = tpu.memref_squeeze %dma_start3A_964 : memref<1x50x128xf32, #tpu.memory_space<vmem>> -> memref<50x128xf32, #tpu.memory_space<vmem>>
          %dma_start3A_966 = arith.constant 0 : i32
          %dma_start3A_967 = tpu.memref_slice %arg2[%select_n3A_829, %dma_start3A_960, %mul3A_847, %dma_start3A_966] : memref<4x8x10000x128xf32, #tpu.memory_space<hbm>> -> memref<1x1x50x128xf32, #tpu.memory_space<hbm>>
          %dma_start3A_968 = tpu.memref_squeeze %dma_start3A_967 : memref<1x1x50x128xf32, #tpu.memory_space<hbm>> -> memref<50x128xf32, #tpu.memory_space<hbm>>
          %dma_start3A_969 = arith.constant 0 : i32
          %dma_start3A_970 = arith.constant 0 : i32
          %dma_start3A_971 = tpu.memref_slice %arg4[%dma_start3A_961, %dma_start3A_969, %dma_start3A_970] : memref<8x50x128xf32, #tpu.memory_space<vmem>> -> memref<1x50x128xf32, #tpu.memory_space<vmem>>
          %dma_start3A_972 = tpu.memref_squeeze %dma_start3A_971 : memref<1x50x128xf32, #tpu.memory_space<vmem>> -> memref<50x128xf32, #tpu.memory_space<vmem>>
          %dma_start3A_973 = arith.constant 0 : i32
          %dma_start3A_974 = tpu.memref_slice %arg2[%select_n3A_829, %dma_start3A_960, %mul3A_847, %dma_start3A_973] : memref<4x8x10000x128xf32, #tpu.memory_space<hbm>> -> memref<1x1x50x128xf32, #tpu.memory_space<hbm>>
          %dma_start3A_975 = tpu.memref_squeeze %dma_start3A_974 : memref<1x1x50x128xf32, #tpu.memory_space<hbm>> -> memref<50x128xf32, #tpu.memory_space<hbm>>
          tpu.enqueue_dma source(%dma_start3A_975 : memref<50x128xf32, #tpu.memory_space<hbm>>) target(%dma_start3A_972 : memref<50x128xf32, #tpu.memory_space<vmem>>) target_semaphore(%arg8 : memref<!tpu.dma_semaphore, #tpu.memory_space<semaphore_mem>>)
        } else {
        }
        %ge3A_726 = arith.constant 1 : i32
        %ge3A_727 = arith.cmpi sge, %scan3A_277, %ge3A_726 : i32
        %convert_element_type3A_728 = arith.extui %ge3A_727 : i1 to i32
        %cond3A_729 = arith.constant 0 : i32
        %cond3A_730 = arith.cmpi ne, %convert_element_type3A_728, %cond3A_729 : i32
        scf.if %cond3A_730 {
          %sub3A_804 = arith.constant 64 : i32
          %sub3A_805 = arith.subi %add3A_289, %sub3A_804 : i32
          %jit3A_806 = arith.constant 200 : i32
          %div3A_807 = arith.divsi %sub3A_805, %jit3A_806 : i32
          %sign3A_808 = arith.constant 0 : i32
          %sign3A_809 = arith.cmpi sgt, %sub3A_805, %sign3A_808 : i32
          %sign3A_810 = arith.extui %sign3A_809 : i1 to i32
          %sign3A_811 = arith.constant 0 : i32
          %sign3A_812 = arith.cmpi slt, %sub3A_805, %sign3A_811 : i32
          %sign3A_813 = arith.extui %sign3A_812 : i1 to i32
          %sign3A_814 = arith.subi %sign3A_810, %sign3A_813 : i32
          %sign3A_815 = arith.constant 0 : i32
          %sign3A_816 = arith.cmpi sgt, %jit3A_806, %sign3A_815 : i32
          %sign3A_817 = arith.extui %sign3A_816 : i1 to i32
          %sign3A_818 = arith.constant 0 : i32
          %sign3A_819 = arith.cmpi slt, %jit3A_806, %sign3A_818 : i32
          %sign3A_820 = arith.extui %sign3A_819 : i1 to i32
          %sign3A_821 = arith.subi %sign3A_817, %sign3A_820 : i32
          %ne3A_822 = arith.cmpi ne, %sign3A_814, %sign3A_821 : i32
          %rem3A_823 = arith.remsi %sub3A_805, %jit3A_806 : i32
          %ne3A_824 = arith.constant 0 : i32
          %ne3A_825 = arith.cmpi ne, %rem3A_823, %ne3A_824 : i32
          %and3A_826 = arith.andi %ne3A_822, %ne3A_825 : i1
          %sub3A_827 = arith.constant 1 : i32
          %sub3A_828 = arith.subi %div3A_807, %sub3A_827 : i32
          %select_n3A_829 = arith.select %and3A_826, %sub3A_828, %div3A_807 : i32
          %jit3A_830 = arith.constant 200 : i32
          %eq3A_831 = arith.constant 0 : i32
          %eq3A_832 = arith.cmpi eq, %jit3A_830, %eq3A_831 : i32
          %jit3A_833 = arith.constant 1 : i32
          %select_n3A_834 = arith.select %eq3A_832, %jit3A_833, %jit3A_830 : i32
          %rem3A_835 = arith.remsi %sub3A_805, %select_n3A_834 : i32
          %ne3A_836 = arith.constant 0 : i32
          %ne3A_837 = arith.cmpi ne, %rem3A_835, %ne3A_836 : i32
          %lt3A_838 = arith.constant 0 : i32
          %lt3A_839 = arith.cmpi slt, %rem3A_835, %lt3A_838 : i32
          %lt3A_840 = arith.constant 0 : i32
          %lt3A_841 = arith.cmpi slt, %select_n3A_834, %lt3A_840 : i32
          %ne3A_842 = arith.xori %lt3A_839, %lt3A_841 : i1
          %and3A_843 = arith.andi %ne3A_842, %ne3A_837 : i1
          %add3A_844 = arith.addi %rem3A_835, %select_n3A_834 : i32
          %select_n3A_845 = arith.select %and3A_843, %add3A_844, %rem3A_835 : i32
          %mul3A_846 = arith.constant 50 : i32
          %mul3A_847 = arith.muli %select_n3A_845, %mul3A_846 : i32
          %dma_wait3A_848 = arith.constant 0 : i32
          %dma_wait3A_849 = arith.constant 0 : i32
          %dma_wait3A_850 = tpu.memref_slice %arg7[%dma_wait3A_848, %dma_wait3A_849] : memref<50x128xf32, #tpu.memory_space<vmem>> -> memref<50x128xf32, #tpu.memory_space<vmem>>
          %dma_wait3A_851 = arith.constant 0 : i32
          %dma_wait3A_852 = tpu.memref_slice %arg3[%select_n3A_829, %mul3A_847, %dma_wait3A_851] : memref<4x10000x128xf32, #tpu.memory_space<hbm>> -> memref<1x50x128xf32, #tpu.memory_space<hbm>>
          %dma_wait3A_853 = tpu.memref_squeeze %dma_wait3A_852 : memref<1x50x128xf32, #tpu.memory_space<hbm>> -> memref<50x128xf32, #tpu.memory_space<hbm>>
          %dma_wait3A_854 = arith.constant 0 : i32
          %dma_wait3A_855 = tpu.memref_slice %arg3[%select_n3A_829, %mul3A_847, %dma_wait3A_854] : memref<4x10000x128xf32, #tpu.memory_space<hbm>> -> memref<1x50x128xf32, #tpu.memory_space<hbm>>
          %dma_wait3A_856 = tpu.memref_squeeze %dma_wait3A_855 : memref<1x50x128xf32, #tpu.memory_space<hbm>> -> memref<50x128xf32, #tpu.memory_space<hbm>>
          %dma_wait3A_857 = arith.constant 0 : i32
          %dma_wait3A_858 = arith.constant 0 : i32
          %dma_wait3A_859 = tpu.memref_slice %arg7[%dma_wait3A_857, %dma_wait3A_858] : memref<50x128xf32, #tpu.memory_space<vmem>> -> memref<50x128xf32, #tpu.memory_space<vmem>>
          tpu.wait_dma2 semaphore(%arg11 : memref<!tpu.dma_semaphore, #tpu.memory_space<semaphore_mem>>) src(%dma_wait3A_859 : memref<50x128xf32, #tpu.memory_space<vmem>>) dst(%dma_wait3A_856 : memref<50x128xf32, #tpu.memory_space<hbm>>)
        } else {
        }
        %iota3A_731 = tpu.iota {dimensions = array<i32: 0>} : vector<16xi32>
        %xor3A_732 = arith.constant 8 : i32
        %xor3A_733 = vector.broadcast %xor3A_732 : i32 to vector<16xi32>
        %xor3A_734 = arith.xori %iota3A_731, %xor3A_733 : vector<16xi32>
        %iota3A_735 = tpu.iota {dimensions = array<i32: 0>} : vector<16xi32>
        %xor3A_736 = arith.constant 4 : i32
        %xor3A_737 = vector.broadcast %xor3A_736 : i32 to vector<16xi32>
        %xor3A_738 = arith.xori %iota3A_735, %xor3A_737 : vector<16xi32>
        %iota3A_739 = tpu.iota {dimensions = array<i32: 0>} : vector<16xi32>
        %xor3A_740 = arith.constant 2 : i32
        %xor3A_741 = vector.broadcast %xor3A_740 : i32 to vector<16xi32>
        %xor3A_742 = arith.xori %iota3A_739, %xor3A_741 : vector<16xi32>
        %iota3A_743 = tpu.iota {dimensions = array<i32: 0>} : vector<16xi32>
        %xor3A_744 = arith.constant 1 : i32
        %xor3A_745 = vector.broadcast %xor3A_744 : i32 to vector<16xi32>
        %xor3A_746 = arith.xori %iota3A_743, %xor3A_745 : vector<16xi32>
        %parallel_loop3A_747 = arith.constant 0 : i32
        %parallel_loop3A_748 = arith.constant 50 : i32
        %parallel_loop3A_749 = arith.constant 1 : i32
        scf.for %parallel_loop3A_804 = %parallel_loop3A_747 to %parallel_loop3A_748 step %parallel_loop3A_749  : i32 {
          %parallel_loop3A_805 = arith.constant -1.000000e+00 : f32
          %parallel_loop3A_806 = vector.broadcast %parallel_loop3A_805 : f32 to vector<16xf32>
          %parallel_loop3A_807 = arith.constant 0 : i32
          %parallel_loop3A_808 = vector.broadcast %parallel_loop3A_807 : i32 to vector<16xi32>
          %parallel_loop3A_809 = arith.constant 0 : i32
          %parallel_loop3A_810 = arith.index_cast %parallel_loop3A_809 : i32 to index
          %parallel_loop3A_811 = arith.index_cast %parallel_loop3A_804 : i32 to index
          %parallel_loop3A_812 = arith.constant 0 : index
          %parallel_loop3A_813 = tpu.vector_load %arg5[%parallel_loop3A_810, %parallel_loop3A_811, %parallel_loop3A_812] {strides = array<i32>} : memref<8x50x128xf32, #tpu.memory_space<vmem>>, vector<16xf32>,
          %parallel_loop3A_814 = arith.mulf %parallel_loop3A_813, %parallel_loop3A_813 : vector<16xf32>
          %parallel_loop3A_815 = arith.constant 0 : i32
          %parallel_loop3A_816 = arith.index_cast %parallel_loop3A_815 : i32 to index
          %parallel_loop3A_817 = arith.index_cast %parallel_loop3A_804 : i32 to index
          %parallel_loop3A_818 = arith.constant 16 : index
          %parallel_loop3A_819 = tpu.vector_load %arg5[%parallel_loop3A_816, %parallel_loop3A_817, %parallel_loop3A_818] {strides = array<i32>} : memref<8x50x128xf32, #tpu.memory_space<vmem>>, vector<16xf32>,
          %parallel_loop3A_820 = arith.mulf %parallel_loop3A_819, %parallel_loop3A_819 : vector<16xf32>
          %parallel_loop3A_821 = arith.constant 0 : i32
          %parallel_loop3A_822 = arith.index_cast %parallel_loop3A_821 : i32 to index
          %parallel_loop3A_823 = arith.index_cast %parallel_loop3A_804 : i32 to index
          %parallel_loop3A_824 = arith.constant 32 : index
          %parallel_loop3A_825 = tpu.vector_load %arg5[%parallel_loop3A_822, %parallel_loop3A_823, %parallel_loop3A_824] {strides = array<i32>} : memref<8x50x128xf32, #tpu.memory_space<vmem>>, vector<16xf32>,
          %parallel_loop3A_826 = arith.mulf %parallel_loop3A_825, %parallel_loop3A_825 : vector<16xf32>
          %parallel_loop3A_827 = arith.constant 0 : i32
          %parallel_loop3A_828 = arith.index_cast %parallel_loop3A_827 : i32 to index
          %parallel_loop3A_829 = arith.index_cast %parallel_loop3A_804 : i32 to index
          %parallel_loop3A_830 = arith.constant 48 : index
          %parallel_loop3A_831 = tpu.vector_load %arg5[%parallel_loop3A_828, %parallel_loop3A_829, %parallel_loop3A_830] {strides = array<i32>} : memref<8x50x128xf32, #tpu.memory_space<vmem>>, vector<16xf32>,
          %parallel_loop3A_832 = arith.mulf %parallel_loop3A_831, %parallel_loop3A_831 : vector<16xf32>
          %parallel_loop3A_833 = arith.constant 0 : i32
          %parallel_loop3A_834 = arith.index_cast %parallel_loop3A_833 : i32 to index
          %parallel_loop3A_835 = arith.index_cast %parallel_loop3A_804 : i32 to index
          %parallel_loop3A_836 = arith.constant 64 : index
          %parallel_loop3A_837 = tpu.vector_load %arg5[%parallel_loop3A_834, %parallel_loop3A_835, %parallel_loop3A_836] {strides = array<i32>} : memref<8x50x128xf32, #tpu.memory_space<vmem>>, vector<16xf32>,
          %parallel_loop3A_838 = arith.mulf %parallel_loop3A_837, %parallel_loop3A_837 : vector<16xf32>
          %parallel_loop3A_839 = arith.constant 0 : i32
          %parallel_loop3A_840 = arith.index_cast %parallel_loop3A_839 : i32 to index
          %parallel_loop3A_841 = arith.index_cast %parallel_loop3A_804 : i32 to index
          %parallel_loop3A_842 = arith.constant 80 : index
          %parallel_loop3A_843 = tpu.vector_load %arg5[%parallel_loop3A_840, %parallel_loop3A_841, %parallel_loop3A_842] {strides = array<i32>} : memref<8x50x128xf32, #tpu.memory_space<vmem>>, vector<16xf32>,
          %parallel_loop3A_844 = arith.mulf %parallel_loop3A_843, %parallel_loop3A_843 : vector<16xf32>
          %parallel_loop3A_845 = arith.constant 0 : i32
          %parallel_loop3A_846 = arith.index_cast %parallel_loop3A_845 : i32 to index
          %parallel_loop3A_847 = arith.index_cast %parallel_loop3A_804 : i32 to index
          %parallel_loop3A_848 = arith.constant 96 : index
          %parallel_loop3A_849 = tpu.vector_load %arg5[%parallel_loop3A_846, %parallel_loop3A_847, %parallel_loop3A_848] {strides = array<i32>} : memref<8x50x128xf32, #tpu.memory_space<vmem>>, vector<16xf32>,
          %parallel_loop3A_850 = arith.mulf %parallel_loop3A_849, %parallel_loop3A_849 : vector<16xf32>
          %parallel_loop3A_851 = arith.constant 0 : i32
          %parallel_loop3A_852 = arith.index_cast %parallel_loop3A_851 : i32 to index
          %parallel_loop3A_853 = arith.index_cast %parallel_loop3A_804 : i32 to index
          %parallel_loop3A_854 = arith.constant 112 : index
          %parallel_loop3A_855 = tpu.vector_load %arg5[%parallel_loop3A_852, %parallel_loop3A_853, %parallel_loop3A_854] {strides = array<i32>} : memref<8x50x128xf32, #tpu.memory_space<vmem>>, vector<16xf32>,
          %parallel_loop3A_856 = arith.mulf %parallel_loop3A_855, %parallel_loop3A_855 : vector<16xf32>
          %parallel_loop3A_857 = arith.addf %parallel_loop3A_814, %parallel_loop3A_838 : vector<16xf32>
          %parallel_loop3A_858 = arith.addf %parallel_loop3A_820, %parallel_loop3A_844 : vector<16xf32>
          %parallel_loop3A_859 = arith.addf %parallel_loop3A_826, %parallel_loop3A_850 : vector<16xf32>
          %parallel_loop3A_860 = arith.addf %parallel_loop3A_832, %parallel_loop3A_856 : vector<16xf32>
          %parallel_loop3A_861 = arith.addf %parallel_loop3A_857, %parallel_loop3A_859 : vector<16xf32>
          %parallel_loop3A_862 = arith.addf %parallel_loop3A_858, %parallel_loop3A_860 : vector<16xf32>
          %parallel_loop3A_863 = arith.addf %parallel_loop3A_861, %parallel_loop3A_862 : vector<16xf32>
          %parallel_loop3A_864 = arith.constant 0 : i32
          %parallel_loop3A_865 = vector.broadcast %parallel_loop3A_864 : i32 to vector<16xi32>
          %parallel_loop3A_866 = arith.cmpi slt, %xor3A_734, %parallel_loop3A_865 : vector<16xi32>
          %parallel_loop3A_867 = arith.constant 16 : i32
          %parallel_loop3A_868 = vector.broadcast %parallel_loop3A_867 : i32 to vector<16xi32>
          %parallel_loop3A_869 = arith.addi %xor3A_734, %parallel_loop3A_868 : vector<16xi32>
          %parallel_loop3A_870 = arith.select %parallel_loop3A_866, %parallel_loop3A_869, %xor3A_734 : vector<16xi1>, vector<16xi32>
          %parallel_loop3A_871 = vector.shape_cast %parallel_loop3A_870 : vector<16xi32> to vector<16x1xi32>
          %parallel_loop3A_872 = vector.shape_cast %parallel_loop3A_871 : vector<16x1xi32> to vector<16xi32>
          %parallel_loop3A_873 = tpu.dynamic_gather %parallel_loop3A_863[%parallel_loop3A_872] in [0] : vector<16xf32>, vector<16xi32> -> vector<16xf32>
          %parallel_loop3A_874 = arith.addf %parallel_loop3A_863, %parallel_loop3A_873 : vector<16xf32>
          %parallel_loop3A_875 = arith.constant 0 : i32
          %parallel_loop3A_876 = vector.broadcast %parallel_loop3A_875 : i32 to vector<16xi32>
          %parallel_loop3A_877 = arith.cmpi slt, %xor3A_738, %parallel_loop3A_876 : vector<16xi32>
          %parallel_loop3A_878 = arith.constant 16 : i32
          %parallel_loop3A_879 = vector.broadcast %parallel_loop3A_878 : i32 to vector<16xi32>
          %parallel_loop3A_880 = arith.addi %xor3A_738, %parallel_loop3A_879 : vector<16xi32>
          %parallel_loop3A_881 = arith.select %parallel_loop3A_877, %parallel_loop3A_880, %xor3A_738 : vector<16xi1>, vector<16xi32>
          %parallel_loop3A_882 = vector.shape_cast %parallel_loop3A_881 : vector<16xi32> to vector<16x1xi32>
          %parallel_loop3A_883 = vector.shape_cast %parallel_loop3A_882 : vector<16x1xi32> to vector<16xi32>
          %parallel_loop3A_884 = tpu.dynamic_gather %parallel_loop3A_874[%parallel_loop3A_883] in [0] : vector<16xf32>, vector<16xi32> -> vector<16xf32>
          %parallel_loop3A_885 = arith.addf %parallel_loop3A_874, %parallel_loop3A_884 : vector<16xf32>
          %parallel_loop3A_886 = arith.constant 0 : i32
          %parallel_loop3A_887 = vector.broadcast %parallel_loop3A_886 : i32 to vector<16xi32>
          %parallel_loop3A_888 = arith.cmpi slt, %xor3A_742, %parallel_loop3A_887 : vector<16xi32>
          %parallel_loop3A_889 = arith.constant 16 : i32
          %parallel_loop3A_890 = vector.broadcast %parallel_loop3A_889 : i32 to vector<16xi32>
          %parallel_loop3A_891 = arith.addi %xor3A_742, %parallel_loop3A_890 : vector<16xi32>
          %parallel_loop3A_892 = arith.select %parallel_loop3A_888, %parallel_loop3A_891, %xor3A_742 : vector<16xi1>, vector<16xi32>
          %parallel_loop3A_893 = vector.shape_cast %parallel_loop3A_892 : vector<16xi32> to vector<16x1xi32>
          %parallel_loop3A_894 = vector.shape_cast %parallel_loop3A_893 : vector<16x1xi32> to vector<16xi32>
          %parallel_loop3A_895 = tpu.dynamic_gather %parallel_loop3A_885[%parallel_loop3A_894] in [0] : vector<16xf32>, vector<16xi32> -> vector<16xf32>
          %parallel_loop3A_896 = arith.addf %parallel_loop3A_885, %parallel_loop3A_895 : vector<16xf32>
          %parallel_loop3A_897 = arith.constant 0 : i32
          %parallel_loop3A_898 = vector.broadcast %parallel_loop3A_897 : i32 to vector<16xi32>
          %parallel_loop3A_899 = arith.cmpi slt, %xor3A_746, %parallel_loop3A_898 : vector<16xi32>
          %parallel_loop3A_900 = arith.constant 16 : i32
          %parallel_loop3A_901 = vector.broadcast %parallel_loop3A_900 : i32 to vector<16xi32>
          %parallel_loop3A_902 = arith.addi %xor3A_746, %parallel_loop3A_901 : vector<16xi32>
          %parallel_loop3A_903 = arith.select %parallel_loop3A_899, %parallel_loop3A_902, %xor3A_746 : vector<16xi1>, vector<16xi32>
          %parallel_loop3A_904 = vector.shape_cast %parallel_loop3A_903 : vector<16xi32> to vector<16x1xi32>
          %parallel_loop3A_905 = vector.shape_cast %parallel_loop3A_904 : vector<16x1xi32> to vector<16xi32>
          %parallel_loop3A_906 = tpu.dynamic_gather %parallel_loop3A_896[%parallel_loop3A_905] in [0] : vector<16xf32>, vector<16xi32> -> vector<16xf32>
          %parallel_loop3A_907 = arith.addf %parallel_loop3A_896, %parallel_loop3A_906 : vector<16xf32>
          %parallel_loop3A_908 = arith.cmpf ogt, %parallel_loop3A_907, %parallel_loop3A_806 : vector<16xf32>
          %parallel_loop3A_909 = arith.select %parallel_loop3A_908, %parallel_loop3A_907, %parallel_loop3A_806 : vector<16xi1>, vector<16xf32>
          %parallel_loop3A_910 = arith.constant 0 : i32
          %parallel_loop3A_911 = vector.broadcast %parallel_loop3A_910 : i32 to vector<16xi32>
          %parallel_loop3A_912 = arith.select %parallel_loop3A_908, %parallel_loop3A_911, %parallel_loop3A_808 : vector<16xi1>, vector<16xi32>
          %parallel_loop3A_913 = arith.constant 1 : i32
          %parallel_loop3A_914 = arith.index_cast %parallel_loop3A_913 : i32 to index
          %parallel_loop3A_915 = arith.index_cast %parallel_loop3A_804 : i32 to index
          %parallel_loop3A_916 = arith.constant 0 : index
          %parallel_loop3A_917 = tpu.vector_load %arg5[%parallel_loop3A_914, %parallel_loop3A_915, %parallel_loop3A_916] {strides = array<i32>} : memref<8x50x128xf32, #tpu.memory_space<vmem>>, vector<16xf32>,
          %parallel_loop3A_918 = arith.mulf %parallel_loop3A_917, %parallel_loop3A_917 : vector<16xf32>
          %parallel_loop3A_919 = arith.constant 1 : i32
          %parallel_loop3A_920 = arith.index_cast %parallel_loop3A_919 : i32 to index
          %parallel_loop3A_921 = arith.index_cast %parallel_loop3A_804 : i32 to index
          %parallel_loop3A_922 = arith.constant 16 : index
          %parallel_loop3A_923 = tpu.vector_load %arg5[%parallel_loop3A_920, %parallel_loop3A_921, %parallel_loop3A_922] {strides = array<i32>} : memref<8x50x128xf32, #tpu.memory_space<vmem>>, vector<16xf32>,
          %parallel_loop3A_924 = arith.mulf %parallel_loop3A_923, %parallel_loop3A_923 : vector<16xf32>
          %parallel_loop3A_925 = arith.constant 1 : i32
          %parallel_loop3A_926 = arith.index_cast %parallel_loop3A_925 : i32 to index
          %parallel_loop3A_927 = arith.index_cast %parallel_loop3A_804 : i32 to index
          %parallel_loop3A_928 = arith.constant 32 : index
          %parallel_loop3A_929 = tpu.vector_load %arg5[%parallel_loop3A_926, %parallel_loop3A_927, %parallel_loop3A_928] {strides = array<i32>} : memref<8x50x128xf32, #tpu.memory_space<vmem>>, vector<16xf32>,
          %parallel_loop3A_930 = arith.mulf %parallel_loop3A_929, %parallel_loop3A_929 : vector<16xf32>
          %parallel_loop3A_931 = arith.constant 1 : i32
          %parallel_loop3A_932 = arith.index_cast %parallel_loop3A_931 : i32 to index
          %parallel_loop3A_933 = arith.index_cast %parallel_loop3A_804 : i32 to index
          %parallel_loop3A_934 = arith.constant 48 : index
          %parallel_loop3A_935 = tpu.vector_load %arg5[%parallel_loop3A_932, %parallel_loop3A_933, %parallel_loop3A_934] {strides = array<i32>} : memref<8x50x128xf32, #tpu.memory_space<vmem>>, vector<16xf32>,
          %parallel_loop3A_936 = arith.mulf %parallel_loop3A_935, %parallel_loop3A_935 : vector<16xf32>
          %parallel_loop3A_937 = arith.constant 1 : i32
          %parallel_loop3A_938 = arith.index_cast %parallel_loop3A_937 : i32 to index
          %parallel_loop3A_939 = arith.index_cast %parallel_loop3A_804 : i32 to index
          %parallel_loop3A_940 = arith.constant 64 : index
          %parallel_loop3A_941 = tpu.vector_load %arg5[%parallel_loop3A_938, %parallel_loop3A_939, %parallel_loop3A_940] {strides = array<i32>} : memref<8x50x128xf32, #tpu.memory_space<vmem>>, vector<16xf32>,
          %parallel_loop3A_942 = arith.mulf %parallel_loop3A_941, %parallel_loop3A_941 : vector<16xf32>
          %parallel_loop3A_943 = arith.constant 1 : i32
          %parallel_loop3A_944 = arith.index_cast %parallel_loop3A_943 : i32 to index
          %parallel_loop3A_945 = arith.index_cast %parallel_loop3A_804 : i32 to index
          %parallel_loop3A_946 = arith.constant 80 : index
          %parallel_loop3A_947 = tpu.vector_load %arg5[%parallel_loop3A_944, %parallel_loop3A_945, %parallel_loop3A_946] {strides = array<i32>} : memref<8x50x128xf32, #tpu.memory_space<vmem>>, vector<16xf32>,
          %parallel_loop3A_948 = arith.mulf %parallel_loop3A_947, %parallel_loop3A_947 : vector<16xf32>
          %parallel_loop3A_949 = arith.constant 1 : i32
          %parallel_loop3A_950 = arith.index_cast %parallel_loop3A_949 : i32 to index
          %parallel_loop3A_951 = arith.index_cast %parallel_loop3A_804 : i32 to index
          %parallel_loop3A_952 = arith.constant 96 : index
          %parallel_loop3A_953 = tpu.vector_load %arg5[%parallel_loop3A_950, %parallel_loop3A_951, %parallel_loop3A_952] {strides = array<i32>} : memref<8x50x128xf32, #tpu.memory_space<vmem>>, vector<16xf32>,
          %parallel_loop3A_954 = arith.mulf %parallel_loop3A_953, %parallel_loop3A_953 : vector<16xf32>
          %parallel_loop3A_955 = arith.constant 1 : i32
          %parallel_loop3A_956 = arith.index_cast %parallel_loop3A_955 : i32 to index
          %parallel_loop3A_957 = arith.index_cast %parallel_loop3A_804 : i32 to index
          %parallel_loop3A_958 = arith.constant 112 : index
          %parallel_loop3A_959 = tpu.vector_load %arg5[%parallel_loop3A_956, %parallel_loop3A_957, %parallel_loop3A_958] {strides = array<i32>} : memref<8x50x128xf32, #tpu.memory_space<vmem>>, vector<16xf32>,
          %parallel_loop3A_960 = arith.mulf %parallel_loop3A_959, %parallel_loop3A_959 : vector<16xf32>
          %parallel_loop3A_961 = arith.addf %parallel_loop3A_918, %parallel_loop3A_942 : vector<16xf32>
          %parallel_loop3A_962 = arith.addf %parallel_loop3A_924, %parallel_loop3A_948 : vector<16xf32>
          %parallel_loop3A_963 = arith.addf %parallel_loop3A_930, %parallel_loop3A_954 : vector<16xf32>
          %parallel_loop3A_964 = arith.addf %parallel_loop3A_936, %parallel_loop3A_960 : vector<16xf32>
          %parallel_loop3A_965 = arith.addf %parallel_loop3A_961, %parallel_loop3A_963 : vector<16xf32>
          %parallel_loop3A_966 = arith.addf %parallel_loop3A_962, %parallel_loop3A_964 : vector<16xf32>
          %parallel_loop3A_967 = arith.addf %parallel_loop3A_965, %parallel_loop3A_966 : vector<16xf32>
          %parallel_loop3A_968 = arith.constant 0 : i32
          %parallel_loop3A_969 = vector.broadcast %parallel_loop3A_968 : i32 to vector<16xi32>
          %parallel_loop3A_970 = arith.cmpi slt, %xor3A_734, %parallel_loop3A_969 : vector<16xi32>
          %parallel_loop3A_971 = arith.constant 16 : i32
          %parallel_loop3A_972 = vector.broadcast %parallel_loop3A_971 : i32 to vector<16xi32>
          %parallel_loop3A_973 = arith.addi %xor3A_734, %parallel_loop3A_972 : vector<16xi32>
          %parallel_loop3A_974 = arith.select %parallel_loop3A_970, %parallel_loop3A_973, %xor3A_734 : vector<16xi1>, vector<16xi32>
          %parallel_loop3A_975 = vector.shape_cast %parallel_loop3A_974 : vector<16xi32> to vector<16x1xi32>
          %parallel_loop3A_976 = vector.shape_cast %parallel_loop3A_975 : vector<16x1xi32> to vector<16xi32>
          %parallel_loop3A_977 = tpu.dynamic_gather %parallel_loop3A_967[%parallel_loop3A_976] in [0] : vector<16xf32>, vector<16xi32> -> vector<16xf32>
          %parallel_loop3A_978 = arith.addf %parallel_loop3A_967, %parallel_loop3A_977 : vector<16xf32>
          %parallel_loop3A_979 = arith.constant 0 : i32
          %parallel_loop3A_980 = vector.broadcast %parallel_loop3A_979 : i32 to vector<16xi32>
          %parallel_loop3A_981 = arith.cmpi slt, %xor3A_738, %parallel_loop3A_980 : vector<16xi32>
          %parallel_loop3A_982 = arith.constant 16 : i32
          %parallel_loop3A_983 = vector.broadcast %parallel_loop3A_982 : i32 to vector<16xi32>
          %parallel_loop3A_984 = arith.addi %xor3A_738, %parallel_loop3A_983 : vector<16xi32>
          %parallel_loop3A_985 = arith.select %parallel_loop3A_981, %parallel_loop3A_984, %xor3A_738 : vector<16xi1>, vector<16xi32>
          %parallel_loop3A_986 = vector.shape_cast %parallel_loop3A_985 : vector<16xi32> to vector<16x1xi32>
          %parallel_loop3A_987 = vector.shape_cast %parallel_loop3A_986 : vector<16x1xi32> to vector<16xi32>
          %parallel_loop3A_988 = tpu.dynamic_gather %parallel_loop3A_978[%parallel_loop3A_987] in [0] : vector<16xf32>, vector<16xi32> -> vector<16xf32>
          %parallel_loop3A_989 = arith.addf %parallel_loop3A_978, %parallel_loop3A_988 : vector<16xf32>
          %parallel_loop3A_990 = arith.constant 0 : i32
          %parallel_loop3A_991 = vector.broadcast %parallel_loop3A_990 : i32 to vector<16xi32>
          %parallel_loop3A_992 = arith.cmpi slt, %xor3A_742, %parallel_loop3A_991 : vector<16xi32>
          %parallel_loop3A_993 = arith.constant 16 : i32
          %parallel_loop3A_994 = vector.broadcast %parallel_loop3A_993 : i32 to vector<16xi32>
          %parallel_loop3A_995 = arith.addi %xor3A_742, %parallel_loop3A_994 : vector<16xi32>
          %parallel_loop3A_996 = arith.select %parallel_loop3A_992, %parallel_loop3A_995, %xor3A_742 : vector<16xi1>, vector<16xi32>
          %parallel_loop3A_997 = vector.shape_cast %parallel_loop3A_996 : vector<16xi32> to vector<16x1xi32>
          %parallel_loop3A_998 = vector.shape_cast %parallel_loop3A_997 : vector<16x1xi32> to vector<16xi32>
          %parallel_loop3A_999 = tpu.dynamic_gather %parallel_loop3A_989[%parallel_loop3A_998] in [0] : vector<16xf32>, vector<16xi32> -> vector<16xf32>
          %parallel_loop3A_1000 = arith.addf %parallel_loop3A_989, %parallel_loop3A_999 : vector<16xf32>
          %parallel_loop3A_1001 = arith.constant 0 : i32
          %parallel_loop3A_1002 = vector.broadcast %parallel_loop3A_1001 : i32 to vector<16xi32>
          %parallel_loop3A_1003 = arith.cmpi slt, %xor3A_746, %parallel_loop3A_1002 : vector<16xi32>
          %parallel_loop3A_1004 = arith.constant 16 : i32
          %parallel_loop3A_1005 = vector.broadcast %parallel_loop3A_1004 : i32 to vector<16xi32>
          %parallel_loop3A_1006 = arith.addi %xor3A_746, %parallel_loop3A_1005 : vector<16xi32>
          %parallel_loop3A_1007 = arith.select %parallel_loop3A_1003, %parallel_loop3A_1006, %xor3A_746 : vector<16xi1>, vector<16xi32>
          %parallel_loop3A_1008 = vector.shape_cast %parallel_loop3A_1007 : vector<16xi32> to vector<16x1xi32>
          %parallel_loop3A_1009 = vector.shape_cast %parallel_loop3A_1008 : vector<16x1xi32> to vector<16xi32>
          %parallel_loop3A_1010 = tpu.dynamic_gather %parallel_loop3A_1000[%parallel_loop3A_1009] in [0] : vector<16xf32>, vector<16xi32> -> vector<16xf32>
          %parallel_loop3A_1011 = arith.addf %parallel_loop3A_1000, %parallel_loop3A_1010 : vector<16xf32>
          %parallel_loop3A_1012 = arith.cmpf ogt, %parallel_loop3A_1011, %parallel_loop3A_909 : vector<16xf32>
          %parallel_loop3A_1013 = arith.select %parallel_loop3A_1012, %parallel_loop3A_1011, %parallel_loop3A_909 : vector<16xi1>, vector<16xf32>
          %parallel_loop3A_1014 = arith.constant 1 : i32
          %parallel_loop3A_1015 = vector.broadcast %parallel_loop3A_1014 : i32 to vector<16xi32>
          %parallel_loop3A_1016 = arith.select %parallel_loop3A_1012, %parallel_loop3A_1015, %parallel_loop3A_912 : vector<16xi1>, vector<16xi32>
          %parallel_loop3A_1017 = arith.constant 2 : i32
          %parallel_loop3A_1018 = arith.index_cast %parallel_loop3A_1017 : i32 to index
          %parallel_loop3A_1019 = arith.index_cast %parallel_loop3A_804 : i32 to index
          %parallel_loop3A_1020 = arith.constant 0 : index
          %parallel_loop3A_1021 = tpu.vector_load %arg5[%parallel_loop3A_1018, %parallel_loop3A_1019, %parallel_loop3A_1020] {strides = array<i32>} : memref<8x50x128xf32, #tpu.memory_space<vmem>>, vector<16xf32>,
          %parallel_loop3A_1022 = arith.mulf %parallel_loop3A_1021, %parallel_loop3A_1021 : vector<16xf32>
          %parallel_loop3A_1023 = arith.constant 2 : i32
          %parallel_loop3A_1024 = arith.index_cast %parallel_loop3A_1023 : i32 to index
          %parallel_loop3A_1025 = arith.index_cast %parallel_loop3A_804 : i32 to index
          %parallel_loop3A_1026 = arith.constant 16 : index
          %parallel_loop3A_1027 = tpu.vector_load %arg5[%parallel_loop3A_1024, %parallel_loop3A_1025, %parallel_loop3A_1026] {strides = array<i32>} : memref<8x50x128xf32, #tpu.memory_space<vmem>>, vector<16xf32>,
          %parallel_loop3A_1028 = arith.mulf %parallel_loop3A_1027, %parallel_loop3A_1027 : vector<16xf32>
          %parallel_loop3A_1029 = arith.constant 2 : i32
          %parallel_loop3A_1030 = arith.index_cast %parallel_loop3A_1029 : i32 to index
          %parallel_loop3A_1031 = arith.index_cast %parallel_loop3A_804 : i32 to index
          %parallel_loop3A_1032 = arith.constant 32 : index
          %parallel_loop3A_1033 = tpu.vector_load %arg5[%parallel_loop3A_1030, %parallel_loop3A_1031, %parallel_loop3A_1032] {strides = array<i32>} : memref<8x50x128xf32, #tpu.memory_space<vmem>>, vector<16xf32>,
          %parallel_loop3A_1034 = arith.mulf %parallel_loop3A_1033, %parallel_loop3A_1033 : vector<16xf32>
          %parallel_loop3A_1035 = arith.constant 2 : i32
          %parallel_loop3A_1036 = arith.index_cast %parallel_loop3A_1035 : i32 to index
          %parallel_loop3A_1037 = arith.index_cast %parallel_loop3A_804 : i32 to index
          %parallel_loop3A_1038 = arith.constant 48 : index
          %parallel_loop3A_1039 = tpu.vector_load %arg5[%parallel_loop3A_1036, %parallel_loop3A_1037, %parallel_loop3A_1038] {strides = array<i32>} : memref<8x50x128xf32, #tpu.memory_space<vmem>>, vector<16xf32>,
          %parallel_loop3A_1040 = arith.mulf %parallel_loop3A_1039, %parallel_loop3A_1039 : vector<16xf32>
          %parallel_loop3A_1041 = arith.constant 2 : i32
          %parallel_loop3A_1042 = arith.index_cast %parallel_loop3A_1041 : i32 to index
          %parallel_loop3A_1043 = arith.index_cast %parallel_loop3A_804 : i32 to index
          %parallel_loop3A_1044 = arith.constant 64 : index
          %parallel_loop3A_1045 = tpu.vector_load %arg5[%parallel_loop3A_1042, %parallel_loop3A_1043, %parallel_loop3A_1044] {strides = array<i32>} : memref<8x50x128xf32, #tpu.memory_space<vmem>>, vector<16xf32>,
          %parallel_loop3A_1046 = arith.mulf %parallel_loop3A_1045, %parallel_loop3A_1045 : vector<16xf32>
          %parallel_loop3A_1047 = arith.constant 2 : i32
          %parallel_loop3A_1048 = arith.index_cast %parallel_loop3A_1047 : i32 to index
          %parallel_loop3A_1049 = arith.index_cast %parallel_loop3A_804 : i32 to index
          %parallel_loop3A_1050 = arith.constant 80 : index
          %parallel_loop3A_1051 = tpu.vector_load %arg5[%parallel_loop3A_1048, %parallel_loop3A_1049, %parallel_loop3A_1050] {strides = array<i32>} : memref<8x50x128xf32, #tpu.memory_space<vmem>>, vector<16xf32>,
          %parallel_loop3A_1052 = arith.mulf %parallel_loop3A_1051, %parallel_loop3A_1051 : vector<16xf32>
          %parallel_loop3A_1053 = arith.constant 2 : i32
          %parallel_loop3A_1054 = arith.index_cast %parallel_loop3A_1053 : i32 to index
          %parallel_loop3A_1055 = arith.index_cast %parallel_loop3A_804 : i32 to index
          %parallel_loop3A_1056 = arith.constant 96 : index
          %parallel_loop3A_1057 = tpu.vector_load %arg5[%parallel_loop3A_1054, %parallel_loop3A_1055, %parallel_loop3A_1056] {strides = array<i32>} : memref<8x50x128xf32, #tpu.memory_space<vmem>>, vector<16xf32>,
          %parallel_loop3A_1058 = arith.mulf %parallel_loop3A_1057, %parallel_loop3A_1057 : vector<16xf32>
          %parallel_loop3A_1059 = arith.constant 2 : i32
          %parallel_loop3A_1060 = arith.index_cast %parallel_loop3A_1059 : i32 to index
          %parallel_loop3A_1061 = arith.index_cast %parallel_loop3A_804 : i32 to index
          %parallel_loop3A_1062 = arith.constant 112 : index
          %parallel_loop3A_1063 = tpu.vector_load %arg5[%parallel_loop3A_1060, %parallel_loop3A_1061, %parallel_loop3A_1062] {strides = array<i32>} : memref<8x50x128xf32, #tpu.memory_space<vmem>>, vector<16xf32>,
          %parallel_loop3A_1064 = arith.mulf %parallel_loop3A_1063, %parallel_loop3A_1063 : vector<16xf32>
          %parallel_loop3A_1065 = arith.addf %parallel_loop3A_1022, %parallel_loop3A_1046 : vector<16xf32>
          %parallel_loop3A_1066 = arith.addf %parallel_loop3A_1028, %parallel_loop3A_1052 : vector<16xf32>
          %parallel_loop3A_1067 = arith.addf %parallel_loop3A_1034, %parallel_loop3A_1058 : vector<16xf32>
          %parallel_loop3A_1068 = arith.addf %parallel_loop3A_1040, %parallel_loop3A_1064 : vector<16xf32>
          %parallel_loop3A_1069 = arith.addf %parallel_loop3A_1065, %parallel_loop3A_1067 : vector<16xf32>
          %parallel_loop3A_1070 = arith.addf %parallel_loop3A_1066, %parallel_loop3A_1068 : vector<16xf32>
          %parallel_loop3A_1071 = arith.addf %parallel_loop3A_1069, %parallel_loop3A_1070 : vector<16xf32>
          %parallel_loop3A_1072 = arith.constant 0 : i32
          %parallel_loop3A_1073 = vector.broadcast %parallel_loop3A_1072 : i32 to vector<16xi32>
          %parallel_loop3A_1074 = arith.cmpi slt, %xor3A_734, %parallel_loop3A_1073 : vector<16xi32>
          %parallel_loop3A_1075 = arith.constant 16 : i32
          %parallel_loop3A_1076 = vector.broadcast %parallel_loop3A_1075 : i32 to vector<16xi32>
          %parallel_loop3A_1077 = arith.addi %xor3A_734, %parallel_loop3A_1076 : vector<16xi32>
          %parallel_loop3A_1078 = arith.select %parallel_loop3A_1074, %parallel_loop3A_1077, %xor3A_734 : vector<16xi1>, vector<16xi32>
          %parallel_loop3A_1079 = vector.shape_cast %parallel_loop3A_1078 : vector<16xi32> to vector<16x1xi32>
          %parallel_loop3A_1080 = vector.shape_cast %parallel_loop3A_1079 : vector<16x1xi32> to vector<16xi32>
          %parallel_loop3A_1081 = tpu.dynamic_gather %parallel_loop3A_1071[%parallel_loop3A_1080] in [0] : vector<16xf32>, vector<16xi32> -> vector<16xf32>
          %parallel_loop3A_1082 = arith.addf %parallel_loop3A_1071, %parallel_loop3A_1081 : vector<16xf32>
          %parallel_loop3A_1083 = arith.constant 0 : i32
          %parallel_loop3A_1084 = vector.broadcast %parallel_loop3A_1083 : i32 to vector<16xi32>
          %parallel_loop3A_1085 = arith.cmpi slt, %xor3A_738, %parallel_loop3A_1084 : vector<16xi32>
          %parallel_loop3A_1086 = arith.constant 16 : i32
          %parallel_loop3A_1087 = vector.broadcast %parallel_loop3A_1086 : i32 to vector<16xi32>
          %parallel_loop3A_1088 = arith.addi %xor3A_738, %parallel_loop3A_1087 : vector<16xi32>
          %parallel_loop3A_1089 = arith.select %parallel_loop3A_1085, %parallel_loop3A_1088, %xor3A_738 : vector<16xi1>, vector<16xi32>
          %parallel_loop3A_1090 = vector.shape_cast %parallel_loop3A_1089 : vector<16xi32> to vector<16x1xi32>
          %parallel_loop3A_1091 = vector.shape_cast %parallel_loop3A_1090 : vector<16x1xi32> to vector<16xi32>
          %parallel_loop3A_1092 = tpu.dynamic_gather %parallel_loop3A_1082[%parallel_loop3A_1091] in [0] : vector<16xf32>, vector<16xi32> -> vector<16xf32>
          %parallel_loop3A_1093 = arith.addf %parallel_loop3A_1082, %parallel_loop3A_1092 : vector<16xf32>
          %parallel_loop3A_1094 = arith.constant 0 : i32
          %parallel_loop3A_1095 = vector.broadcast %parallel_loop3A_1094 : i32 to vector<16xi32>
          %parallel_loop3A_1096 = arith.cmpi slt, %xor3A_742, %parallel_loop3A_1095 : vector<16xi32>
          %parallel_loop3A_1097 = arith.constant 16 : i32
          %parallel_loop3A_1098 = vector.broadcast %parallel_loop3A_1097 : i32 to vector<16xi32>
          %parallel_loop3A_1099 = arith.addi %xor3A_742, %parallel_loop3A_1098 : vector<16xi32>
          %parallel_loop3A_1100 = arith.select %parallel_loop3A_1096, %parallel_loop3A_1099, %xor3A_742 : vector<16xi1>, vector<16xi32>
          %parallel_loop3A_1101 = vector.shape_cast %parallel_loop3A_1100 : vector<16xi32> to vector<16x1xi32>
          %parallel_loop3A_1102 = vector.shape_cast %parallel_loop3A_1101 : vector<16x1xi32> to vector<16xi32>
          %parallel_loop3A_1103 = tpu.dynamic_gather %parallel_loop3A_1093[%parallel_loop3A_1102] in [0] : vector<16xf32>, vector<16xi32> -> vector<16xf32>
          %parallel_loop3A_1104 = arith.addf %parallel_loop3A_1093, %parallel_loop3A_1103 : vector<16xf32>
          %parallel_loop3A_1105 = arith.constant 0 : i32
          %parallel_loop3A_1106 = vector.broadcast %parallel_loop3A_1105 : i32 to vector<16xi32>
          %parallel_loop3A_1107 = arith.cmpi slt, %xor3A_746, %parallel_loop3A_1106 : vector<16xi32>
          %parallel_loop3A_1108 = arith.constant 16 : i32
          %parallel_loop3A_1109 = vector.broadcast %parallel_loop3A_1108 : i32 to vector<16xi32>
          %parallel_loop3A_1110 = arith.addi %xor3A_746, %parallel_loop3A_1109 : vector<16xi32>
          %parallel_loop3A_1111 = arith.select %parallel_loop3A_1107, %parallel_loop3A_1110, %xor3A_746 : vector<16xi1>, vector<16xi32>
          %parallel_loop3A_1112 = vector.shape_cast %parallel_loop3A_1111 : vector<16xi32> to vector<16x1xi32>
          %parallel_loop3A_1113 = vector.shape_cast %parallel_loop3A_1112 : vector<16x1xi32> to vector<16xi32>
          %parallel_loop3A_1114 = tpu.dynamic_gather %parallel_loop3A_1104[%parallel_loop3A_1113] in [0] : vector<16xf32>, vector<16xi32> -> vector<16xf32>
          %parallel_loop3A_1115 = arith.addf %parallel_loop3A_1104, %parallel_loop3A_1114 : vector<16xf32>
          %parallel_loop3A_1116 = arith.cmpf ogt, %parallel_loop3A_1115, %parallel_loop3A_1013 : vector<16xf32>
          %parallel_loop3A_1117 = arith.select %parallel_loop3A_1116, %parallel_loop3A_1115, %parallel_loop3A_1013 : vector<16xi1>, vector<16xf32>
          %parallel_loop3A_1118 = arith.constant 2 : i32
          %parallel_loop3A_1119 = vector.broadcast %parallel_loop3A_1118 : i32 to vector<16xi32>
          %parallel_loop3A_1120 = arith.select %parallel_loop3A_1116, %parallel_loop3A_1119, %parallel_loop3A_1016 : vector<16xi1>, vector<16xi32>
          %parallel_loop3A_1121 = arith.constant 3 : i32
          %parallel_loop3A_1122 = arith.index_cast %parallel_loop3A_1121 : i32 to index
          %parallel_loop3A_1123 = arith.index_cast %parallel_loop3A_804 : i32 to index
          %parallel_loop3A_1124 = arith.constant 0 : index
          %parallel_loop3A_1125 = tpu.vector_load %arg5[%parallel_loop3A_1122, %parallel_loop3A_1123, %parallel_loop3A_1124] {strides = array<i32>} : memref<8x50x128xf32, #tpu.memory_space<vmem>>, vector<16xf32>,
          %parallel_loop3A_1126 = arith.mulf %parallel_loop3A_1125, %parallel_loop3A_1125 : vector<16xf32>
          %parallel_loop3A_1127 = arith.constant 3 : i32
          %parallel_loop3A_1128 = arith.index_cast %parallel_loop3A_1127 : i32 to index
          %parallel_loop3A_1129 = arith.index_cast %parallel_loop3A_804 : i32 to index
          %parallel_loop3A_1130 = arith.constant 16 : index
          %parallel_loop3A_1131 = tpu.vector_load %arg5[%parallel_loop3A_1128, %parallel_loop3A_1129, %parallel_loop3A_1130] {strides = array<i32>} : memref<8x50x128xf32, #tpu.memory_space<vmem>>, vector<16xf32>,
          %parallel_loop3A_1132 = arith.mulf %parallel_loop3A_1131, %parallel_loop3A_1131 : vector<16xf32>
          %parallel_loop3A_1133 = arith.constant 3 : i32
          %parallel_loop3A_1134 = arith.index_cast %parallel_loop3A_1133 : i32 to index
          %parallel_loop3A_1135 = arith.index_cast %parallel_loop3A_804 : i32 to index
          %parallel_loop3A_1136 = arith.constant 32 : index
          %parallel_loop3A_1137 = tpu.vector_load %arg5[%parallel_loop3A_1134, %parallel_loop3A_1135, %parallel_loop3A_1136] {strides = array<i32>} : memref<8x50x128xf32, #tpu.memory_space<vmem>>, vector<16xf32>,
          %parallel_loop3A_1138 = arith.mulf %parallel_loop3A_1137, %parallel_loop3A_1137 : vector<16xf32>
          %parallel_loop3A_1139 = arith.constant 3 : i32
          %parallel_loop3A_1140 = arith.index_cast %parallel_loop3A_1139 : i32 to index
          %parallel_loop3A_1141 = arith.index_cast %parallel_loop3A_804 : i32 to index
          %parallel_loop3A_1142 = arith.constant 48 : index
          %parallel_loop3A_1143 = tpu.vector_load %arg5[%parallel_loop3A_1140, %parallel_loop3A_1141, %parallel_loop3A_1142] {strides = array<i32>} : memref<8x50x128xf32, #tpu.memory_space<vmem>>, vector<16xf32>,
          %parallel_loop3A_1144 = arith.mulf %parallel_loop3A_1143, %parallel_loop3A_1143 : vector<16xf32>
          %parallel_loop3A_1145 = arith.constant 3 : i32
          %parallel_loop3A_1146 = arith.index_cast %parallel_loop3A_1145 : i32 to index
          %parallel_loop3A_1147 = arith.index_cast %parallel_loop3A_804 : i32 to index
          %parallel_loop3A_1148 = arith.constant 64 : index
          %parallel_loop3A_1149 = tpu.vector_load %arg5[%parallel_loop3A_1146, %parallel_loop3A_1147, %parallel_loop3A_1148] {strides = array<i32>} : memref<8x50x128xf32, #tpu.memory_space<vmem>>, vector<16xf32>,
          %parallel_loop3A_1150 = arith.mulf %parallel_loop3A_1149, %parallel_loop3A_1149 : vector<16xf32>
          %parallel_loop3A_1151 = arith.constant 3 : i32
          %parallel_loop3A_1152 = arith.index_cast %parallel_loop3A_1151 : i32 to index
          %parallel_loop3A_1153 = arith.index_cast %parallel_loop3A_804 : i32 to index
          %parallel_loop3A_1154 = arith.constant 80 : index
          %parallel_loop3A_1155 = tpu.vector_load %arg5[%parallel_loop3A_1152, %parallel_loop3A_1153, %parallel_loop3A_1154] {strides = array<i32>} : memref<8x50x128xf32, #tpu.memory_space<vmem>>, vector<16xf32>,
          %parallel_loop3A_1156 = arith.mulf %parallel_loop3A_1155, %parallel_loop3A_1155 : vector<16xf32>
          %parallel_loop3A_1157 = arith.constant 3 : i32
          %parallel_loop3A_1158 = arith.index_cast %parallel_loop3A_1157 : i32 to index
          %parallel_loop3A_1159 = arith.index_cast %parallel_loop3A_804 : i32 to index
          %parallel_loop3A_1160 = arith.constant 96 : index
          %parallel_loop3A_1161 = tpu.vector_load %arg5[%parallel_loop3A_1158, %parallel_loop3A_1159, %parallel_loop3A_1160] {strides = array<i32>} : memref<8x50x128xf32, #tpu.memory_space<vmem>>, vector<16xf32>,
          %parallel_loop3A_1162 = arith.mulf %parallel_loop3A_1161, %parallel_loop3A_1161 : vector<16xf32>
          %parallel_loop3A_1163 = arith.constant 3 : i32
          %parallel_loop3A_1164 = arith.index_cast %parallel_loop3A_1163 : i32 to index
          %parallel_loop3A_1165 = arith.index_cast %parallel_loop3A_804 : i32 to index
          %parallel_loop3A_1166 = arith.constant 112 : index
          %parallel_loop3A_1167 = tpu.vector_load %arg5[%parallel_loop3A_1164, %parallel_loop3A_1165, %parallel_loop3A_1166] {strides = array<i32>} : memref<8x50x128xf32, #tpu.memory_space<vmem>>, vector<16xf32>,
          %parallel_loop3A_1168 = arith.mulf %parallel_loop3A_1167, %parallel_loop3A_1167 : vector<16xf32>
          %parallel_loop3A_1169 = arith.addf %parallel_loop3A_1126, %parallel_loop3A_1150 : vector<16xf32>
          %parallel_loop3A_1170 = arith.addf %parallel_loop3A_1132, %parallel_loop3A_1156 : vector<16xf32>
          %parallel_loop3A_1171 = arith.addf %parallel_loop3A_1138, %parallel_loop3A_1162 : vector<16xf32>
          %parallel_loop3A_1172 = arith.addf %parallel_loop3A_1144, %parallel_loop3A_1168 : vector<16xf32>
          %parallel_loop3A_1173 = arith.addf %parallel_loop3A_1169, %parallel_loop3A_1171 : vector<16xf32>
          %parallel_loop3A_1174 = arith.addf %parallel_loop3A_1170, %parallel_loop3A_1172 : vector<16xf32>
          %parallel_loop3A_1175 = arith.addf %parallel_loop3A_1173, %parallel_loop3A_1174 : vector<16xf32>
          %parallel_loop3A_1176 = arith.constant 0 : i32
          %parallel_loop3A_1177 = vector.broadcast %parallel_loop3A_1176 : i32 to vector<16xi32>
          %parallel_loop3A_1178 = arith.cmpi slt, %xor3A_734, %parallel_loop3A_1177 : vector<16xi32>
          %parallel_loop3A_1179 = arith.constant 16 : i32
          %parallel_loop3A_1180 = vector.broadcast %parallel_loop3A_1179 : i32 to vector<16xi32>
          %parallel_loop3A_1181 = arith.addi %xor3A_734, %parallel_loop3A_1180 : vector<16xi32>
          %parallel_loop3A_1182 = arith.select %parallel_loop3A_1178, %parallel_loop3A_1181, %xor3A_734 : vector<16xi1>, vector<16xi32>
          %parallel_loop3A_1183 = vector.shape_cast %parallel_loop3A_1182 : vector<16xi32> to vector<16x1xi32>
          %parallel_loop3A_1184 = vector.shape_cast %parallel_loop3A_1183 : vector<16x1xi32> to vector<16xi32>
          %parallel_loop3A_1185 = tpu.dynamic_gather %parallel_loop3A_1175[%parallel_loop3A_1184] in [0] : vector<16xf32>, vector<16xi32> -> vector<16xf32>
          %parallel_loop3A_1186 = arith.addf %parallel_loop3A_1175, %parallel_loop3A_1185 : vector<16xf32>
          %parallel_loop3A_1187 = arith.constant 0 : i32
          %parallel_loop3A_1188 = vector.broadcast %parallel_loop3A_1187 : i32 to vector<16xi32>
          %parallel_loop3A_1189 = arith.cmpi slt, %xor3A_738, %parallel_loop3A_1188 : vector<16xi32>
          %parallel_loop3A_1190 = arith.constant 16 : i32
          %parallel_loop3A_1191 = vector.broadcast %parallel_loop3A_1190 : i32 to vector<16xi32>
          %parallel_loop3A_1192 = arith.addi %xor3A_738, %parallel_loop3A_1191 : vector<16xi32>
          %parallel_loop3A_1193 = arith.select %parallel_loop3A_1189, %parallel_loop3A_1192, %xor3A_738 : vector<16xi1>, vector<16xi32>
          %parallel_loop3A_1194 = vector.shape_cast %parallel_loop3A_1193 : vector<16xi32> to vector<16x1xi32>
          %parallel_loop3A_1195 = vector.shape_cast %parallel_loop3A_1194 : vector<16x1xi32> to vector<16xi32>
          %parallel_loop3A_1196 = tpu.dynamic_gather %parallel_loop3A_1186[%parallel_loop3A_1195] in [0] : vector<16xf32>, vector<16xi32> -> vector<16xf32>
          %parallel_loop3A_1197 = arith.addf %parallel_loop3A_1186, %parallel_loop3A_1196 : vector<16xf32>
          %parallel_loop3A_1198 = arith.constant 0 : i32
          %parallel_loop3A_1199 = vector.broadcast %parallel_loop3A_1198 : i32 to vector<16xi32>
          %parallel_loop3A_1200 = arith.cmpi slt, %xor3A_742, %parallel_loop3A_1199 : vector<16xi32>
          %parallel_loop3A_1201 = arith.constant 16 : i32
          %parallel_loop3A_1202 = vector.broadcast %parallel_loop3A_1201 : i32 to vector<16xi32>
          %parallel_loop3A_1203 = arith.addi %xor3A_742, %parallel_loop3A_1202 : vector<16xi32>
          %parallel_loop3A_1204 = arith.select %parallel_loop3A_1200, %parallel_loop3A_1203, %xor3A_742 : vector<16xi1>, vector<16xi32>
          %parallel_loop3A_1205 = vector.shape_cast %parallel_loop3A_1204 : vector<16xi32> to vector<16x1xi32>
          %parallel_loop3A_1206 = vector.shape_cast %parallel_loop3A_1205 : vector<16x1xi32> to vector<16xi32>
          %parallel_loop3A_1207 = tpu.dynamic_gather %parallel_loop3A_1197[%parallel_loop3A_1206] in [0] : vector<16xf32>, vector<16xi32> -> vector<16xf32>
          %parallel_loop3A_1208 = arith.addf %parallel_loop3A_1197, %parallel_loop3A_1207 : vector<16xf32>
          %parallel_loop3A_1209 = arith.constant 0 : i32
          %parallel_loop3A_1210 = vector.broadcast %parallel_loop3A_1209 : i32 to vector<16xi32>
          %parallel_loop3A_1211 = arith.cmpi slt, %xor3A_746, %parallel_loop3A_1210 : vector<16xi32>
          %parallel_loop3A_1212 = arith.constant 16 : i32
          %parallel_loop3A_1213 = vector.broadcast %parallel_loop3A_1212 : i32 to vector<16xi32>
          %parallel_loop3A_1214 = arith.addi %xor3A_746, %parallel_loop3A_1213 : vector<16xi32>
          %parallel_loop3A_1215 = arith.select %parallel_loop3A_1211, %parallel_loop3A_1214, %xor3A_746 : vector<16xi1>, vector<16xi32>
          %parallel_loop3A_1216 = vector.shape_cast %parallel_loop3A_1215 : vector<16xi32> to vector<16x1xi32>
          %parallel_loop3A_1217 = vector.shape_cast %parallel_loop3A_1216 : vector<16x1xi32> to vector<16xi32>
          %parallel_loop3A_1218 = tpu.dynamic_gather %parallel_loop3A_1208[%parallel_loop3A_1217] in [0] : vector<16xf32>, vector<16xi32> -> vector<16xf32>
          %parallel_loop3A_1219 = arith.addf %parallel_loop3A_1208, %parallel_loop3A_1218 : vector<16xf32>
          %parallel_loop3A_1220 = arith.cmpf ogt, %parallel_loop3A_1219, %parallel_loop3A_1117 : vector<16xf32>
          %parallel_loop3A_1221 = arith.select %parallel_loop3A_1220, %parallel_loop3A_1219, %parallel_loop3A_1117 : vector<16xi1>, vector<16xf32>
          %parallel_loop3A_1222 = arith.constant 3 : i32
          %parallel_loop3A_1223 = vector.broadcast %parallel_loop3A_1222 : i32 to vector<16xi32>
          %parallel_loop3A_1224 = arith.select %parallel_loop3A_1220, %parallel_loop3A_1223, %parallel_loop3A_1120 : vector<16xi1>, vector<16xi32>
          %parallel_loop3A_1225 = arith.constant 4 : i32
          %parallel_loop3A_1226 = arith.index_cast %parallel_loop3A_1225 : i32 to index
          %parallel_loop3A_1227 = arith.index_cast %parallel_loop3A_804 : i32 to index
          %parallel_loop3A_1228 = arith.constant 0 : index
          %parallel_loop3A_1229 = tpu.vector_load %arg5[%parallel_loop3A_1226, %parallel_loop3A_1227, %parallel_loop3A_1228] {strides = array<i32>} : memref<8x50x128xf32, #tpu.memory_space<vmem>>, vector<16xf32>,
          %parallel_loop3A_1230 = arith.mulf %parallel_loop3A_1229, %parallel_loop3A_1229 : vector<16xf32>
          %parallel_loop3A_1231 = arith.constant 4 : i32
          %parallel_loop3A_1232 = arith.index_cast %parallel_loop3A_1231 : i32 to index
          %parallel_loop3A_1233 = arith.index_cast %parallel_loop3A_804 : i32 to index
          %parallel_loop3A_1234 = arith.constant 16 : index
          %parallel_loop3A_1235 = tpu.vector_load %arg5[%parallel_loop3A_1232, %parallel_loop3A_1233, %parallel_loop3A_1234] {strides = array<i32>} : memref<8x50x128xf32, #tpu.memory_space<vmem>>, vector<16xf32>,
          %parallel_loop3A_1236 = arith.mulf %parallel_loop3A_1235, %parallel_loop3A_1235 : vector<16xf32>
          %parallel_loop3A_1237 = arith.constant 4 : i32
          %parallel_loop3A_1238 = arith.index_cast %parallel_loop3A_1237 : i32 to index
          %parallel_loop3A_1239 = arith.index_cast %parallel_loop3A_804 : i32 to index
          %parallel_loop3A_1240 = arith.constant 32 : index
          %parallel_loop3A_1241 = tpu.vector_load %arg5[%parallel_loop3A_1238, %parallel_loop3A_1239, %parallel_loop3A_1240] {strides = array<i32>} : memref<8x50x128xf32, #tpu.memory_space<vmem>>, vector<16xf32>,
          %parallel_loop3A_1242 = arith.mulf %parallel_loop3A_1241, %parallel_loop3A_1241 : vector<16xf32>
          %parallel_loop3A_1243 = arith.constant 4 : i32
          %parallel_loop3A_1244 = arith.index_cast %parallel_loop3A_1243 : i32 to index
          %parallel_loop3A_1245 = arith.index_cast %parallel_loop3A_804 : i32 to index
          %parallel_loop3A_1246 = arith.constant 48 : index
          %parallel_loop3A_1247 = tpu.vector_load %arg5[%parallel_loop3A_1244, %parallel_loop3A_1245, %parallel_loop3A_1246] {strides = array<i32>} : memref<8x50x128xf32, #tpu.memory_space<vmem>>, vector<16xf32>,
          %parallel_loop3A_1248 = arith.mulf %parallel_loop3A_1247, %parallel_loop3A_1247 : vector<16xf32>
          %parallel_loop3A_1249 = arith.constant 4 : i32
          %parallel_loop3A_1250 = arith.index_cast %parallel_loop3A_1249 : i32 to index
          %parallel_loop3A_1251 = arith.index_cast %parallel_loop3A_804 : i32 to index
          %parallel_loop3A_1252 = arith.constant 64 : index
          %parallel_loop3A_1253 = tpu.vector_load %arg5[%parallel_loop3A_1250, %parallel_loop3A_1251, %parallel_loop3A_1252] {strides = array<i32>} : memref<8x50x128xf32, #tpu.memory_space<vmem>>, vector<16xf32>,
          %parallel_loop3A_1254 = arith.mulf %parallel_loop3A_1253, %parallel_loop3A_1253 : vector<16xf32>
          %parallel_loop3A_1255 = arith.constant 4 : i32
          %parallel_loop3A_1256 = arith.index_cast %parallel_loop3A_1255 : i32 to index
          %parallel_loop3A_1257 = arith.index_cast %parallel_loop3A_804 : i32 to index
          %parallel_loop3A_1258 = arith.constant 80 : index
          %parallel_loop3A_1259 = tpu.vector_load %arg5[%parallel_loop3A_1256, %parallel_loop3A_1257, %parallel_loop3A_1258] {strides = array<i32>} : memref<8x50x128xf32, #tpu.memory_space<vmem>>, vector<16xf32>,
          %parallel_loop3A_1260 = arith.mulf %parallel_loop3A_1259, %parallel_loop3A_1259 : vector<16xf32>
          %parallel_loop3A_1261 = arith.constant 4 : i32
          %parallel_loop3A_1262 = arith.index_cast %parallel_loop3A_1261 : i32 to index
          %parallel_loop3A_1263 = arith.index_cast %parallel_loop3A_804 : i32 to index
          %parallel_loop3A_1264 = arith.constant 96 : index
          %parallel_loop3A_1265 = tpu.vector_load %arg5[%parallel_loop3A_1262, %parallel_loop3A_1263, %parallel_loop3A_1264] {strides = array<i32>} : memref<8x50x128xf32, #tpu.memory_space<vmem>>, vector<16xf32>,
          %parallel_loop3A_1266 = arith.mulf %parallel_loop3A_1265, %parallel_loop3A_1265 : vector<16xf32>
          %parallel_loop3A_1267 = arith.constant 4 : i32
          %parallel_loop3A_1268 = arith.index_cast %parallel_loop3A_1267 : i32 to index
          %parallel_loop3A_1269 = arith.index_cast %parallel_loop3A_804 : i32 to index
          %parallel_loop3A_1270 = arith.constant 112 : index
          %parallel_loop3A_1271 = tpu.vector_load %arg5[%parallel_loop3A_1268, %parallel_loop3A_1269, %parallel_loop3A_1270] {strides = array<i32>} : memref<8x50x128xf32, #tpu.memory_space<vmem>>, vector<16xf32>,
          %parallel_loop3A_1272 = arith.mulf %parallel_loop3A_1271, %parallel_loop3A_1271 : vector<16xf32>
          %parallel_loop3A_1273 = arith.addf %parallel_loop3A_1230, %parallel_loop3A_1254 : vector<16xf32>
          %parallel_loop3A_1274 = arith.addf %parallel_loop3A_1236, %parallel_loop3A_1260 : vector<16xf32>
          %parallel_loop3A_1275 = arith.addf %parallel_loop3A_1242, %parallel_loop3A_1266 : vector<16xf32>
          %parallel_loop3A_1276 = arith.addf %parallel_loop3A_1248, %parallel_loop3A_1272 : vector<16xf32>
          %parallel_loop3A_1277 = arith.addf %parallel_loop3A_1273, %parallel_loop3A_1275 : vector<16xf32>
          %parallel_loop3A_1278 = arith.addf %parallel_loop3A_1274, %parallel_loop3A_1276 : vector<16xf32>
          %parallel_loop3A_1279 = arith.addf %parallel_loop3A_1277, %parallel_loop3A_1278 : vector<16xf32>
          %parallel_loop3A_1280 = arith.constant 0 : i32
          %parallel_loop3A_1281 = vector.broadcast %parallel_loop3A_1280 : i32 to vector<16xi32>
          %parallel_loop3A_1282 = arith.cmpi slt, %xor3A_734, %parallel_loop3A_1281 : vector<16xi32>
          %parallel_loop3A_1283 = arith.constant 16 : i32
          %parallel_loop3A_1284 = vector.broadcast %parallel_loop3A_1283 : i32 to vector<16xi32>
          %parallel_loop3A_1285 = arith.addi %xor3A_734, %parallel_loop3A_1284 : vector<16xi32>
          %parallel_loop3A_1286 = arith.select %parallel_loop3A_1282, %parallel_loop3A_1285, %xor3A_734 : vector<16xi1>, vector<16xi32>
          %parallel_loop3A_1287 = vector.shape_cast %parallel_loop3A_1286 : vector<16xi32> to vector<16x1xi32>
          %parallel_loop3A_1288 = vector.shape_cast %parallel_loop3A_1287 : vector<16x1xi32> to vector<16xi32>
          %parallel_loop3A_1289 = tpu.dynamic_gather %parallel_loop3A_1279[%parallel_loop3A_1288] in [0] : vector<16xf32>, vector<16xi32> -> vector<16xf32>
          %parallel_loop3A_1290 = arith.addf %parallel_loop3A_1279, %parallel_loop3A_1289 : vector<16xf32>
          %parallel_loop3A_1291 = arith.constant 0 : i32
          %parallel_loop3A_1292 = vector.broadcast %parallel_loop3A_1291 : i32 to vector<16xi32>
          %parallel_loop3A_1293 = arith.cmpi slt, %xor3A_738, %parallel_loop3A_1292 : vector<16xi32>
          %parallel_loop3A_1294 = arith.constant 16 : i32
          %parallel_loop3A_1295 = vector.broadcast %parallel_loop3A_1294 : i32 to vector<16xi32>
          %parallel_loop3A_1296 = arith.addi %xor3A_738, %parallel_loop3A_1295 : vector<16xi32>
          %parallel_loop3A_1297 = arith.select %parallel_loop3A_1293, %parallel_loop3A_1296, %xor3A_738 : vector<16xi1>, vector<16xi32>
          %parallel_loop3A_1298 = vector.shape_cast %parallel_loop3A_1297 : vector<16xi32> to vector<16x1xi32>
          %parallel_loop3A_1299 = vector.shape_cast %parallel_loop3A_1298 : vector<16x1xi32> to vector<16xi32>
          %parallel_loop3A_1300 = tpu.dynamic_gather %parallel_loop3A_1290[%parallel_loop3A_1299] in [0] : vector<16xf32>, vector<16xi32> -> vector<16xf32>
          %parallel_loop3A_1301 = arith.addf %parallel_loop3A_1290, %parallel_loop3A_1300 : vector<16xf32>
          %parallel_loop3A_1302 = arith.constant 0 : i32
          %parallel_loop3A_1303 = vector.broadcast %parallel_loop3A_1302 : i32 to vector<16xi32>
          %parallel_loop3A_1304 = arith.cmpi slt, %xor3A_742, %parallel_loop3A_1303 : vector<16xi32>
          %parallel_loop3A_1305 = arith.constant 16 : i32
          %parallel_loop3A_1306 = vector.broadcast %parallel_loop3A_1305 : i32 to vector<16xi32>
          %parallel_loop3A_1307 = arith.addi %xor3A_742, %parallel_loop3A_1306 : vector<16xi32>
          %parallel_loop3A_1308 = arith.select %parallel_loop3A_1304, %parallel_loop3A_1307, %xor3A_742 : vector<16xi1>, vector<16xi32>
          %parallel_loop3A_1309 = vector.shape_cast %parallel_loop3A_1308 : vector<16xi32> to vector<16x1xi32>
          %parallel_loop3A_1310 = vector.shape_cast %parallel_loop3A_1309 : vector<16x1xi32> to vector<16xi32>
          %parallel_loop3A_1311 = tpu.dynamic_gather %parallel_loop3A_1301[%parallel_loop3A_1310] in [0] : vector<16xf32>, vector<16xi32> -> vector<16xf32>
          %parallel_loop3A_1312 = arith.addf %parallel_loop3A_1301, %parallel_loop3A_1311 : vector<16xf32>
          %parallel_loop3A_1313 = arith.constant 0 : i32
          %parallel_loop3A_1314 = vector.broadcast %parallel_loop3A_1313 : i32 to vector<16xi32>
          %parallel_loop3A_1315 = arith.cmpi slt, %xor3A_746, %parallel_loop3A_1314 : vector<16xi32>
          %parallel_loop3A_1316 = arith.constant 16 : i32
          %parallel_loop3A_1317 = vector.broadcast %parallel_loop3A_1316 : i32 to vector<16xi32>
          %parallel_loop3A_1318 = arith.addi %xor3A_746, %parallel_loop3A_1317 : vector<16xi32>
          %parallel_loop3A_1319 = arith.select %parallel_loop3A_1315, %parallel_loop3A_1318, %xor3A_746 : vector<16xi1>, vector<16xi32>
          %parallel_loop3A_1320 = vector.shape_cast %parallel_loop3A_1319 : vector<16xi32> to vector<16x1xi32>
          %parallel_loop3A_1321 = vector.shape_cast %parallel_loop3A_1320 : vector<16x1xi32> to vector<16xi32>
          %parallel_loop3A_1322 = tpu.dynamic_gather %parallel_loop3A_1312[%parallel_loop3A_1321] in [0] : vector<16xf32>, vector<16xi32> -> vector<16xf32>
          %parallel_loop3A_1323 = arith.addf %parallel_loop3A_1312, %parallel_loop3A_1322 : vector<16xf32>
          %parallel_loop3A_1324 = arith.cmpf ogt, %parallel_loop3A_1323, %parallel_loop3A_1221 : vector<16xf32>
          %parallel_loop3A_1325 = arith.select %parallel_loop3A_1324, %parallel_loop3A_1323, %parallel_loop3A_1221 : vector<16xi1>, vector<16xf32>
          %parallel_loop3A_1326 = arith.constant 4 : i32
          %parallel_loop3A_1327 = vector.broadcast %parallel_loop3A_1326 : i32 to vector<16xi32>
          %parallel_loop3A_1328 = arith.select %parallel_loop3A_1324, %parallel_loop3A_1327, %parallel_loop3A_1224 : vector<16xi1>, vector<16xi32>
          %parallel_loop3A_1329 = arith.constant 5 : i32
          %parallel_loop3A_1330 = arith.index_cast %parallel_loop3A_1329 : i32 to index
          %parallel_loop3A_1331 = arith.index_cast %parallel_loop3A_804 : i32 to index
          %parallel_loop3A_1332 = arith.constant 0 : index
          %parallel_loop3A_1333 = tpu.vector_load %arg5[%parallel_loop3A_1330, %parallel_loop3A_1331, %parallel_loop3A_1332] {strides = array<i32>} : memref<8x50x128xf32, #tpu.memory_space<vmem>>, vector<16xf32>,
          %parallel_loop3A_1334 = arith.mulf %parallel_loop3A_1333, %parallel_loop3A_1333 : vector<16xf32>
          %parallel_loop3A_1335 = arith.constant 5 : i32
          %parallel_loop3A_1336 = arith.index_cast %parallel_loop3A_1335 : i32 to index
          %parallel_loop3A_1337 = arith.index_cast %parallel_loop3A_804 : i32 to index
          %parallel_loop3A_1338 = arith.constant 16 : index
          %parallel_loop3A_1339 = tpu.vector_load %arg5[%parallel_loop3A_1336, %parallel_loop3A_1337, %parallel_loop3A_1338] {strides = array<i32>} : memref<8x50x128xf32, #tpu.memory_space<vmem>>, vector<16xf32>,
          %parallel_loop3A_1340 = arith.mulf %parallel_loop3A_1339, %parallel_loop3A_1339 : vector<16xf32>
          %parallel_loop3A_1341 = arith.constant 5 : i32
          %parallel_loop3A_1342 = arith.index_cast %parallel_loop3A_1341 : i32 to index
          %parallel_loop3A_1343 = arith.index_cast %parallel_loop3A_804 : i32 to index
          %parallel_loop3A_1344 = arith.constant 32 : index
          %parallel_loop3A_1345 = tpu.vector_load %arg5[%parallel_loop3A_1342, %parallel_loop3A_1343, %parallel_loop3A_1344] {strides = array<i32>} : memref<8x50x128xf32, #tpu.memory_space<vmem>>, vector<16xf32>,
          %parallel_loop3A_1346 = arith.mulf %parallel_loop3A_1345, %parallel_loop3A_1345 : vector<16xf32>
          %parallel_loop3A_1347 = arith.constant 5 : i32
          %parallel_loop3A_1348 = arith.index_cast %parallel_loop3A_1347 : i32 to index
          %parallel_loop3A_1349 = arith.index_cast %parallel_loop3A_804 : i32 to index
          %parallel_loop3A_1350 = arith.constant 48 : index
          %parallel_loop3A_1351 = tpu.vector_load %arg5[%parallel_loop3A_1348, %parallel_loop3A_1349, %parallel_loop3A_1350] {strides = array<i32>} : memref<8x50x128xf32, #tpu.memory_space<vmem>>, vector<16xf32>,
          %parallel_loop3A_1352 = arith.mulf %parallel_loop3A_1351, %parallel_loop3A_1351 : vector<16xf32>
          %parallel_loop3A_1353 = arith.constant 5 : i32
          %parallel_loop3A_1354 = arith.index_cast %parallel_loop3A_1353 : i32 to index
          %parallel_loop3A_1355 = arith.index_cast %parallel_loop3A_804 : i32 to index
          %parallel_loop3A_1356 = arith.constant 64 : index
          %parallel_loop3A_1357 = tpu.vector_load %arg5[%parallel_loop3A_1354, %parallel_loop3A_1355, %parallel_loop3A_1356] {strides = array<i32>} : memref<8x50x128xf32, #tpu.memory_space<vmem>>, vector<16xf32>,
          %parallel_loop3A_1358 = arith.mulf %parallel_loop3A_1357, %parallel_loop3A_1357 : vector<16xf32>
          %parallel_loop3A_1359 = arith.constant 5 : i32
          %parallel_loop3A_1360 = arith.index_cast %parallel_loop3A_1359 : i32 to index
          %parallel_loop3A_1361 = arith.index_cast %parallel_loop3A_804 : i32 to index
          %parallel_loop3A_1362 = arith.constant 80 : index
          %parallel_loop3A_1363 = tpu.vector_load %arg5[%parallel_loop3A_1360, %parallel_loop3A_1361, %parallel_loop3A_1362] {strides = array<i32>} : memref<8x50x128xf32, #tpu.memory_space<vmem>>, vector<16xf32>,
          %parallel_loop3A_1364 = arith.mulf %parallel_loop3A_1363, %parallel_loop3A_1363 : vector<16xf32>
          %parallel_loop3A_1365 = arith.constant 5 : i32
          %parallel_loop3A_1366 = arith.index_cast %parallel_loop3A_1365 : i32 to index
          %parallel_loop3A_1367 = arith.index_cast %parallel_loop3A_804 : i32 to index
          %parallel_loop3A_1368 = arith.constant 96 : index
          %parallel_loop3A_1369 = tpu.vector_load %arg5[%parallel_loop3A_1366, %parallel_loop3A_1367, %parallel_loop3A_1368] {strides = array<i32>} : memref<8x50x128xf32, #tpu.memory_space<vmem>>, vector<16xf32>,
          %parallel_loop3A_1370 = arith.mulf %parallel_loop3A_1369, %parallel_loop3A_1369 : vector<16xf32>
          %parallel_loop3A_1371 = arith.constant 5 : i32
          %parallel_loop3A_1372 = arith.index_cast %parallel_loop3A_1371 : i32 to index
          %parallel_loop3A_1373 = arith.index_cast %parallel_loop3A_804 : i32 to index
          %parallel_loop3A_1374 = arith.constant 112 : index
          %parallel_loop3A_1375 = tpu.vector_load %arg5[%parallel_loop3A_1372, %parallel_loop3A_1373, %parallel_loop3A_1374] {strides = array<i32>} : memref<8x50x128xf32, #tpu.memory_space<vmem>>, vector<16xf32>,
          %parallel_loop3A_1376 = arith.mulf %parallel_loop3A_1375, %parallel_loop3A_1375 : vector<16xf32>
          %parallel_loop3A_1377 = arith.addf %parallel_loop3A_1334, %parallel_loop3A_1358 : vector<16xf32>
          %parallel_loop3A_1378 = arith.addf %parallel_loop3A_1340, %parallel_loop3A_1364 : vector<16xf32>
          %parallel_loop3A_1379 = arith.addf %parallel_loop3A_1346, %parallel_loop3A_1370 : vector<16xf32>
          %parallel_loop3A_1380 = arith.addf %parallel_loop3A_1352, %parallel_loop3A_1376 : vector<16xf32>
          %parallel_loop3A_1381 = arith.addf %parallel_loop3A_1377, %parallel_loop3A_1379 : vector<16xf32>
          %parallel_loop3A_1382 = arith.addf %parallel_loop3A_1378, %parallel_loop3A_1380 : vector<16xf32>
          %parallel_loop3A_1383 = arith.addf %parallel_loop3A_1381, %parallel_loop3A_1382 : vector<16xf32>
          %parallel_loop3A_1384 = arith.constant 0 : i32
          %parallel_loop3A_1385 = vector.broadcast %parallel_loop3A_1384 : i32 to vector<16xi32>
          %parallel_loop3A_1386 = arith.cmpi slt, %xor3A_734, %parallel_loop3A_1385 : vector<16xi32>
          %parallel_loop3A_1387 = arith.constant 16 : i32
          %parallel_loop3A_1388 = vector.broadcast %parallel_loop3A_1387 : i32 to vector<16xi32>
          %parallel_loop3A_1389 = arith.addi %xor3A_734, %parallel_loop3A_1388 : vector<16xi32>
          %parallel_loop3A_1390 = arith.select %parallel_loop3A_1386, %parallel_loop3A_1389, %xor3A_734 : vector<16xi1>, vector<16xi32>
          %parallel_loop3A_1391 = vector.shape_cast %parallel_loop3A_1390 : vector<16xi32> to vector<16x1xi32>
          %parallel_loop3A_1392 = vector.shape_cast %parallel_loop3A_1391 : vector<16x1xi32> to vector<16xi32>
          %parallel_loop3A_1393 = tpu.dynamic_gather %parallel_loop3A_1383[%parallel_loop3A_1392] in [0] : vector<16xf32>, vector<16xi32> -> vector<16xf32>
          %parallel_loop3A_1394 = arith.addf %parallel_loop3A_1383, %parallel_loop3A_1393 : vector<16xf32>
          %parallel_loop3A_1395 = arith.constant 0 : i32
          %parallel_loop3A_1396 = vector.broadcast %parallel_loop3A_1395 : i32 to vector<16xi32>
          %parallel_loop3A_1397 = arith.cmpi slt, %xor3A_738, %parallel_loop3A_1396 : vector<16xi32>
          %parallel_loop3A_1398 = arith.constant 16 : i32
          %parallel_loop3A_1399 = vector.broadcast %parallel_loop3A_1398 : i32 to vector<16xi32>
          %parallel_loop3A_1400 = arith.addi %xor3A_738, %parallel_loop3A_1399 : vector<16xi32>
          %parallel_loop3A_1401 = arith.select %parallel_loop3A_1397, %parallel_loop3A_1400, %xor3A_738 : vector<16xi1>, vector<16xi32>
          %parallel_loop3A_1402 = vector.shape_cast %parallel_loop3A_1401 : vector<16xi32> to vector<16x1xi32>
          %parallel_loop3A_1403 = vector.shape_cast %parallel_loop3A_1402 : vector<16x1xi32> to vector<16xi32>
          %parallel_loop3A_1404 = tpu.dynamic_gather %parallel_loop3A_1394[%parallel_loop3A_1403] in [0] : vector<16xf32>, vector<16xi32> -> vector<16xf32>
          %parallel_loop3A_1405 = arith.addf %parallel_loop3A_1394, %parallel_loop3A_1404 : vector<16xf32>
          %parallel_loop3A_1406 = arith.constant 0 : i32
          %parallel_loop3A_1407 = vector.broadcast %parallel_loop3A_1406 : i32 to vector<16xi32>
          %parallel_loop3A_1408 = arith.cmpi slt, %xor3A_742, %parallel_loop3A_1407 : vector<16xi32>
          %parallel_loop3A_1409 = arith.constant 16 : i32
          %parallel_loop3A_1410 = vector.broadcast %parallel_loop3A_1409 : i32 to vector<16xi32>
          %parallel_loop3A_1411 = arith.addi %xor3A_742, %parallel_loop3A_1410 : vector<16xi32>
          %parallel_loop3A_1412 = arith.select %parallel_loop3A_1408, %parallel_loop3A_1411, %xor3A_742 : vector<16xi1>, vector<16xi32>
          %parallel_loop3A_1413 = vector.shape_cast %parallel_loop3A_1412 : vector<16xi32> to vector<16x1xi32>
          %parallel_loop3A_1414 = vector.shape_cast %parallel_loop3A_1413 : vector<16x1xi32> to vector<16xi32>
          %parallel_loop3A_1415 = tpu.dynamic_gather %parallel_loop3A_1405[%parallel_loop3A_1414] in [0] : vector<16xf32>, vector<16xi32> -> vector<16xf32>
          %parallel_loop3A_1416 = arith.addf %parallel_loop3A_1405, %parallel_loop3A_1415 : vector<16xf32>
          %parallel_loop3A_1417 = arith.constant 0 : i32
          %parallel_loop3A_1418 = vector.broadcast %parallel_loop3A_1417 : i32 to vector<16xi32>
          %parallel_loop3A_1419 = arith.cmpi slt, %xor3A_746, %parallel_loop3A_1418 : vector<16xi32>
          %parallel_loop3A_1420 = arith.constant 16 : i32
          %parallel_loop3A_1421 = vector.broadcast %parallel_loop3A_1420 : i32 to vector<16xi32>
          %parallel_loop3A_1422 = arith.addi %xor3A_746, %parallel_loop3A_1421 : vector<16xi32>
          %parallel_loop3A_1423 = arith.select %parallel_loop3A_1419, %parallel_loop3A_1422, %xor3A_746 : vector<16xi1>, vector<16xi32>
          %parallel_loop3A_1424 = vector.shape_cast %parallel_loop3A_1423 : vector<16xi32> to vector<16x1xi32>
          %parallel_loop3A_1425 = vector.shape_cast %parallel_loop3A_1424 : vector<16x1xi32> to vector<16xi32>
          %parallel_loop3A_1426 = tpu.dynamic_gather %parallel_loop3A_1416[%parallel_loop3A_1425] in [0] : vector<16xf32>, vector<16xi32> -> vector<16xf32>
          %parallel_loop3A_1427 = arith.addf %parallel_loop3A_1416, %parallel_loop3A_1426 : vector<16xf32>
          %parallel_loop3A_1428 = arith.cmpf ogt, %parallel_loop3A_1427, %parallel_loop3A_1325 : vector<16xf32>
          %parallel_loop3A_1429 = arith.select %parallel_loop3A_1428, %parallel_loop3A_1427, %parallel_loop3A_1325 : vector<16xi1>, vector<16xf32>
          %parallel_loop3A_1430 = arith.constant 5 : i32
          %parallel_loop3A_1431 = vector.broadcast %parallel_loop3A_1430 : i32 to vector<16xi32>
          %parallel_loop3A_1432 = arith.select %parallel_loop3A_1428, %parallel_loop3A_1431, %parallel_loop3A_1328 : vector<16xi1>, vector<16xi32>
          %parallel_loop3A_1433 = arith.constant 6 : i32
          %parallel_loop3A_1434 = arith.index_cast %parallel_loop3A_1433 : i32 to index
          %parallel_loop3A_1435 = arith.index_cast %parallel_loop3A_804 : i32 to index
          %parallel_loop3A_1436 = arith.constant 0 : index
          %parallel_loop3A_1437 = tpu.vector_load %arg5[%parallel_loop3A_1434, %parallel_loop3A_1435, %parallel_loop3A_1436] {strides = array<i32>} : memref<8x50x128xf32, #tpu.memory_space<vmem>>, vector<16xf32>,
          %parallel_loop3A_1438 = arith.mulf %parallel_loop3A_1437, %parallel_loop3A_1437 : vector<16xf32>
          %parallel_loop3A_1439 = arith.constant 6 : i32
          %parallel_loop3A_1440 = arith.index_cast %parallel_loop3A_1439 : i32 to index
          %parallel_loop3A_1441 = arith.index_cast %parallel_loop3A_804 : i32 to index
          %parallel_loop3A_1442 = arith.constant 16 : index
          %parallel_loop3A_1443 = tpu.vector_load %arg5[%parallel_loop3A_1440, %parallel_loop3A_1441, %parallel_loop3A_1442] {strides = array<i32>} : memref<8x50x128xf32, #tpu.memory_space<vmem>>, vector<16xf32>,
          %parallel_loop3A_1444 = arith.mulf %parallel_loop3A_1443, %parallel_loop3A_1443 : vector<16xf32>
          %parallel_loop3A_1445 = arith.constant 6 : i32
          %parallel_loop3A_1446 = arith.index_cast %parallel_loop3A_1445 : i32 to index
          %parallel_loop3A_1447 = arith.index_cast %parallel_loop3A_804 : i32 to index
          %parallel_loop3A_1448 = arith.constant 32 : index
          %parallel_loop3A_1449 = tpu.vector_load %arg5[%parallel_loop3A_1446, %parallel_loop3A_1447, %parallel_loop3A_1448] {strides = array<i32>} : memref<8x50x128xf32, #tpu.memory_space<vmem>>, vector<16xf32>,
          %parallel_loop3A_1450 = arith.mulf %parallel_loop3A_1449, %parallel_loop3A_1449 : vector<16xf32>
          %parallel_loop3A_1451 = arith.constant 6 : i32
          %parallel_loop3A_1452 = arith.index_cast %parallel_loop3A_1451 : i32 to index
          %parallel_loop3A_1453 = arith.index_cast %parallel_loop3A_804 : i32 to index
          %parallel_loop3A_1454 = arith.constant 48 : index
          %parallel_loop3A_1455 = tpu.vector_load %arg5[%parallel_loop3A_1452, %parallel_loop3A_1453, %parallel_loop3A_1454] {strides = array<i32>} : memref<8x50x128xf32, #tpu.memory_space<vmem>>, vector<16xf32>,
          %parallel_loop3A_1456 = arith.mulf %parallel_loop3A_1455, %parallel_loop3A_1455 : vector<16xf32>
          %parallel_loop3A_1457 = arith.constant 6 : i32
          %parallel_loop3A_1458 = arith.index_cast %parallel_loop3A_1457 : i32 to index
          %parallel_loop3A_1459 = arith.index_cast %parallel_loop3A_804 : i32 to index
          %parallel_loop3A_1460 = arith.constant 64 : index
          %parallel_loop3A_1461 = tpu.vector_load %arg5[%parallel_loop3A_1458, %parallel_loop3A_1459, %parallel_loop3A_1460] {strides = array<i32>} : memref<8x50x128xf32, #tpu.memory_space<vmem>>, vector<16xf32>,
          %parallel_loop3A_1462 = arith.mulf %parallel_loop3A_1461, %parallel_loop3A_1461 : vector<16xf32>
          %parallel_loop3A_1463 = arith.constant 6 : i32
          %parallel_loop3A_1464 = arith.index_cast %parallel_loop3A_1463 : i32 to index
          %parallel_loop3A_1465 = arith.index_cast %parallel_loop3A_804 : i32 to index
          %parallel_loop3A_1466 = arith.constant 80 : index
          %parallel_loop3A_1467 = tpu.vector_load %arg5[%parallel_loop3A_1464, %parallel_loop3A_1465, %parallel_loop3A_1466] {strides = array<i32>} : memref<8x50x128xf32, #tpu.memory_space<vmem>>, vector<16xf32>,
          %parallel_loop3A_1468 = arith.mulf %parallel_loop3A_1467, %parallel_loop3A_1467 : vector<16xf32>
          %parallel_loop3A_1469 = arith.constant 6 : i32
          %parallel_loop3A_1470 = arith.index_cast %parallel_loop3A_1469 : i32 to index
          %parallel_loop3A_1471 = arith.index_cast %parallel_loop3A_804 : i32 to index
          %parallel_loop3A_1472 = arith.constant 96 : index
          %parallel_loop3A_1473 = tpu.vector_load %arg5[%parallel_loop3A_1470, %parallel_loop3A_1471, %parallel_loop3A_1472] {strides = array<i32>} : memref<8x50x128xf32, #tpu.memory_space<vmem>>, vector<16xf32>,
          %parallel_loop3A_1474 = arith.mulf %parallel_loop3A_1473, %parallel_loop3A_1473 : vector<16xf32>
          %parallel_loop3A_1475 = arith.constant 6 : i32
          %parallel_loop3A_1476 = arith.index_cast %parallel_loop3A_1475 : i32 to index
          %parallel_loop3A_1477 = arith.index_cast %parallel_loop3A_804 : i32 to index
          %parallel_loop3A_1478 = arith.constant 112 : index
          %parallel_loop3A_1479 = tpu.vector_load %arg5[%parallel_loop3A_1476, %parallel_loop3A_1477, %parallel_loop3A_1478] {strides = array<i32>} : memref<8x50x128xf32, #tpu.memory_space<vmem>>, vector<16xf32>,
          %parallel_loop3A_1480 = arith.mulf %parallel_loop3A_1479, %parallel_loop3A_1479 : vector<16xf32>
          %parallel_loop3A_1481 = arith.addf %parallel_loop3A_1438, %parallel_loop3A_1462 : vector<16xf32>
          %parallel_loop3A_1482 = arith.addf %parallel_loop3A_1444, %parallel_loop3A_1468 : vector<16xf32>
          %parallel_loop3A_1483 = arith.addf %parallel_loop3A_1450, %parallel_loop3A_1474 : vector<16xf32>
          %parallel_loop3A_1484 = arith.addf %parallel_loop3A_1456, %parallel_loop3A_1480 : vector<16xf32>
          %parallel_loop3A_1485 = arith.addf %parallel_loop3A_1481, %parallel_loop3A_1483 : vector<16xf32>
          %parallel_loop3A_1486 = arith.addf %parallel_loop3A_1482, %parallel_loop3A_1484 : vector<16xf32>
          %parallel_loop3A_1487 = arith.addf %parallel_loop3A_1485, %parallel_loop3A_1486 : vector<16xf32>
          %parallel_loop3A_1488 = arith.constant 0 : i32
          %parallel_loop3A_1489 = vector.broadcast %parallel_loop3A_1488 : i32 to vector<16xi32>
          %parallel_loop3A_1490 = arith.cmpi slt, %xor3A_734, %parallel_loop3A_1489 : vector<16xi32>
          %parallel_loop3A_1491 = arith.constant 16 : i32
          %parallel_loop3A_1492 = vector.broadcast %parallel_loop3A_1491 : i32 to vector<16xi32>
          %parallel_loop3A_1493 = arith.addi %xor3A_734, %parallel_loop3A_1492 : vector<16xi32>
          %parallel_loop3A_1494 = arith.select %parallel_loop3A_1490, %parallel_loop3A_1493, %xor3A_734 : vector<16xi1>, vector<16xi32>
          %parallel_loop3A_1495 = vector.shape_cast %parallel_loop3A_1494 : vector<16xi32> to vector<16x1xi32>
          %parallel_loop3A_1496 = vector.shape_cast %parallel_loop3A_1495 : vector<16x1xi32> to vector<16xi32>
          %parallel_loop3A_1497 = tpu.dynamic_gather %parallel_loop3A_1487[%parallel_loop3A_1496] in [0] : vector<16xf32>, vector<16xi32> -> vector<16xf32>
          %parallel_loop3A_1498 = arith.addf %parallel_loop3A_1487, %parallel_loop3A_1497 : vector<16xf32>
          %parallel_loop3A_1499 = arith.constant 0 : i32
          %parallel_loop3A_1500 = vector.broadcast %parallel_loop3A_1499 : i32 to vector<16xi32>
          %parallel_loop3A_1501 = arith.cmpi slt, %xor3A_738, %parallel_loop3A_1500 : vector<16xi32>
          %parallel_loop3A_1502 = arith.constant 16 : i32
          %parallel_loop3A_1503 = vector.broadcast %parallel_loop3A_1502 : i32 to vector<16xi32>
          %parallel_loop3A_1504 = arith.addi %xor3A_738, %parallel_loop3A_1503 : vector<16xi32>
          %parallel_loop3A_1505 = arith.select %parallel_loop3A_1501, %parallel_loop3A_1504, %xor3A_738 : vector<16xi1>, vector<16xi32>
          %parallel_loop3A_1506 = vector.shape_cast %parallel_loop3A_1505 : vector<16xi32> to vector<16x1xi32>
          %parallel_loop3A_1507 = vector.shape_cast %parallel_loop3A_1506 : vector<16x1xi32> to vector<16xi32>
          %parallel_loop3A_1508 = tpu.dynamic_gather %parallel_loop3A_1498[%parallel_loop3A_1507] in [0] : vector<16xf32>, vector<16xi32> -> vector<16xf32>
          %parallel_loop3A_1509 = arith.addf %parallel_loop3A_1498, %parallel_loop3A_1508 : vector<16xf32>
          %parallel_loop3A_1510 = arith.constant 0 : i32
          %parallel_loop3A_1511 = vector.broadcast %parallel_loop3A_1510 : i32 to vector<16xi32>
          %parallel_loop3A_1512 = arith.cmpi slt, %xor3A_742, %parallel_loop3A_1511 : vector<16xi32>
          %parallel_loop3A_1513 = arith.constant 16 : i32
          %parallel_loop3A_1514 = vector.broadcast %parallel_loop3A_1513 : i32 to vector<16xi32>
          %parallel_loop3A_1515 = arith.addi %xor3A_742, %parallel_loop3A_1514 : vector<16xi32>
          %parallel_loop3A_1516 = arith.select %parallel_loop3A_1512, %parallel_loop3A_1515, %xor3A_742 : vector<16xi1>, vector<16xi32>
          %parallel_loop3A_1517 = vector.shape_cast %parallel_loop3A_1516 : vector<16xi32> to vector<16x1xi32>
          %parallel_loop3A_1518 = vector.shape_cast %parallel_loop3A_1517 : vector<16x1xi32> to vector<16xi32>
          %parallel_loop3A_1519 = tpu.dynamic_gather %parallel_loop3A_1509[%parallel_loop3A_1518] in [0] : vector<16xf32>, vector<16xi32> -> vector<16xf32>
          %parallel_loop3A_1520 = arith.addf %parallel_loop3A_1509, %parallel_loop3A_1519 : vector<16xf32>
          %parallel_loop3A_1521 = arith.constant 0 : i32
          %parallel_loop3A_1522 = vector.broadcast %parallel_loop3A_1521 : i32 to vector<16xi32>
          %parallel_loop3A_1523 = arith.cmpi slt, %xor3A_746, %parallel_loop3A_1522 : vector<16xi32>
          %parallel_loop3A_1524 = arith.constant 16 : i32
          %parallel_loop3A_1525 = vector.broadcast %parallel_loop3A_1524 : i32 to vector<16xi32>
          %parallel_loop3A_1526 = arith.addi %xor3A_746, %parallel_loop3A_1525 : vector<16xi32>
          %parallel_loop3A_1527 = arith.select %parallel_loop3A_1523, %parallel_loop3A_1526, %xor3A_746 : vector<16xi1>, vector<16xi32>
          %parallel_loop3A_1528 = vector.shape_cast %parallel_loop3A_1527 : vector<16xi32> to vector<16x1xi32>
          %parallel_loop3A_1529 = vector.shape_cast %parallel_loop3A_1528 : vector<16x1xi32> to vector<16xi32>
          %parallel_loop3A_1530 = tpu.dynamic_gather %parallel_loop3A_1520[%parallel_loop3A_1529] in [0] : vector<16xf32>, vector<16xi32> -> vector<16xf32>
          %parallel_loop3A_1531 = arith.addf %parallel_loop3A_1520, %parallel_loop3A_1530 : vector<16xf32>
          %parallel_loop3A_1532 = arith.cmpf ogt, %parallel_loop3A_1531, %parallel_loop3A_1429 : vector<16xf32>
          %parallel_loop3A_1533 = arith.select %parallel_loop3A_1532, %parallel_loop3A_1531, %parallel_loop3A_1429 : vector<16xi1>, vector<16xf32>
          %parallel_loop3A_1534 = arith.constant 6 : i32
          %parallel_loop3A_1535 = vector.broadcast %parallel_loop3A_1534 : i32 to vector<16xi32>
          %parallel_loop3A_1536 = arith.select %parallel_loop3A_1532, %parallel_loop3A_1535, %parallel_loop3A_1432 : vector<16xi1>, vector<16xi32>
          %parallel_loop3A_1537 = arith.constant 7 : i32
          %parallel_loop3A_1538 = arith.index_cast %parallel_loop3A_1537 : i32 to index
          %parallel_loop3A_1539 = arith.index_cast %parallel_loop3A_804 : i32 to index
          %parallel_loop3A_1540 = arith.constant 0 : index
          %parallel_loop3A_1541 = tpu.vector_load %arg5[%parallel_loop3A_1538, %parallel_loop3A_1539, %parallel_loop3A_1540] {strides = array<i32>} : memref<8x50x128xf32, #tpu.memory_space<vmem>>, vector<16xf32>,
          %parallel_loop3A_1542 = arith.mulf %parallel_loop3A_1541, %parallel_loop3A_1541 : vector<16xf32>
          %parallel_loop3A_1543 = arith.constant 7 : i32
          %parallel_loop3A_1544 = arith.index_cast %parallel_loop3A_1543 : i32 to index
          %parallel_loop3A_1545 = arith.index_cast %parallel_loop3A_804 : i32 to index
          %parallel_loop3A_1546 = arith.constant 16 : index
          %parallel_loop3A_1547 = tpu.vector_load %arg5[%parallel_loop3A_1544, %parallel_loop3A_1545, %parallel_loop3A_1546] {strides = array<i32>} : memref<8x50x128xf32, #tpu.memory_space<vmem>>, vector<16xf32>,
          %parallel_loop3A_1548 = arith.mulf %parallel_loop3A_1547, %parallel_loop3A_1547 : vector<16xf32>
          %parallel_loop3A_1549 = arith.constant 7 : i32
          %parallel_loop3A_1550 = arith.index_cast %parallel_loop3A_1549 : i32 to index
          %parallel_loop3A_1551 = arith.index_cast %parallel_loop3A_804 : i32 to index
          %parallel_loop3A_1552 = arith.constant 32 : index
          %parallel_loop3A_1553 = tpu.vector_load %arg5[%parallel_loop3A_1550, %parallel_loop3A_1551, %parallel_loop3A_1552] {strides = array<i32>} : memref<8x50x128xf32, #tpu.memory_space<vmem>>, vector<16xf32>,
          %parallel_loop3A_1554 = arith.mulf %parallel_loop3A_1553, %parallel_loop3A_1553 : vector<16xf32>
          %parallel_loop3A_1555 = arith.constant 7 : i32
          %parallel_loop3A_1556 = arith.index_cast %parallel_loop3A_1555 : i32 to index
          %parallel_loop3A_1557 = arith.index_cast %parallel_loop3A_804 : i32 to index
          %parallel_loop3A_1558 = arith.constant 48 : index
          %parallel_loop3A_1559 = tpu.vector_load %arg5[%parallel_loop3A_1556, %parallel_loop3A_1557, %parallel_loop3A_1558] {strides = array<i32>} : memref<8x50x128xf32, #tpu.memory_space<vmem>>, vector<16xf32>,
          %parallel_loop3A_1560 = arith.mulf %parallel_loop3A_1559, %parallel_loop3A_1559 : vector<16xf32>
          %parallel_loop3A_1561 = arith.constant 7 : i32
          %parallel_loop3A_1562 = arith.index_cast %parallel_loop3A_1561 : i32 to index
          %parallel_loop3A_1563 = arith.index_cast %parallel_loop3A_804 : i32 to index
          %parallel_loop3A_1564 = arith.constant 64 : index
          %parallel_loop3A_1565 = tpu.vector_load %arg5[%parallel_loop3A_1562, %parallel_loop3A_1563, %parallel_loop3A_1564] {strides = array<i32>} : memref<8x50x128xf32, #tpu.memory_space<vmem>>, vector<16xf32>,
          %parallel_loop3A_1566 = arith.mulf %parallel_loop3A_1565, %parallel_loop3A_1565 : vector<16xf32>
          %parallel_loop3A_1567 = arith.constant 7 : i32
          %parallel_loop3A_1568 = arith.index_cast %parallel_loop3A_1567 : i32 to index
          %parallel_loop3A_1569 = arith.index_cast %parallel_loop3A_804 : i32 to index
          %parallel_loop3A_1570 = arith.constant 80 : index
          %parallel_loop3A_1571 = tpu.vector_load %arg5[%parallel_loop3A_1568, %parallel_loop3A_1569, %parallel_loop3A_1570] {strides = array<i32>} : memref<8x50x128xf32, #tpu.memory_space<vmem>>, vector<16xf32>,
          %parallel_loop3A_1572 = arith.mulf %parallel_loop3A_1571, %parallel_loop3A_1571 : vector<16xf32>
          %parallel_loop3A_1573 = arith.constant 7 : i32
          %parallel_loop3A_1574 = arith.index_cast %parallel_loop3A_1573 : i32 to index
          %parallel_loop3A_1575 = arith.index_cast %parallel_loop3A_804 : i32 to index
          %parallel_loop3A_1576 = arith.constant 96 : index
          %parallel_loop3A_1577 = tpu.vector_load %arg5[%parallel_loop3A_1574, %parallel_loop3A_1575, %parallel_loop3A_1576] {strides = array<i32>} : memref<8x50x128xf32, #tpu.memory_space<vmem>>, vector<16xf32>,
          %parallel_loop3A_1578 = arith.mulf %parallel_loop3A_1577, %parallel_loop3A_1577 : vector<16xf32>
          %parallel_loop3A_1579 = arith.constant 7 : i32
          %parallel_loop3A_1580 = arith.index_cast %parallel_loop3A_1579 : i32 to index
          %parallel_loop3A_1581 = arith.index_cast %parallel_loop3A_804 : i32 to index
          %parallel_loop3A_1582 = arith.constant 112 : index
          %parallel_loop3A_1583 = tpu.vector_load %arg5[%parallel_loop3A_1580, %parallel_loop3A_1581, %parallel_loop3A_1582] {strides = array<i32>} : memref<8x50x128xf32, #tpu.memory_space<vmem>>, vector<16xf32>,
          %parallel_loop3A_1584 = arith.mulf %parallel_loop3A_1583, %parallel_loop3A_1583 : vector<16xf32>
          %parallel_loop3A_1585 = arith.addf %parallel_loop3A_1542, %parallel_loop3A_1566 : vector<16xf32>
          %parallel_loop3A_1586 = arith.addf %parallel_loop3A_1548, %parallel_loop3A_1572 : vector<16xf32>
          %parallel_loop3A_1587 = arith.addf %parallel_loop3A_1554, %parallel_loop3A_1578 : vector<16xf32>
          %parallel_loop3A_1588 = arith.addf %parallel_loop3A_1560, %parallel_loop3A_1584 : vector<16xf32>
          %parallel_loop3A_1589 = arith.addf %parallel_loop3A_1585, %parallel_loop3A_1587 : vector<16xf32>
          %parallel_loop3A_1590 = arith.addf %parallel_loop3A_1586, %parallel_loop3A_1588 : vector<16xf32>
          %parallel_loop3A_1591 = arith.addf %parallel_loop3A_1589, %parallel_loop3A_1590 : vector<16xf32>
          %parallel_loop3A_1592 = arith.constant 0 : i32
          %parallel_loop3A_1593 = vector.broadcast %parallel_loop3A_1592 : i32 to vector<16xi32>
          %parallel_loop3A_1594 = arith.cmpi slt, %xor3A_734, %parallel_loop3A_1593 : vector<16xi32>
          %parallel_loop3A_1595 = arith.constant 16 : i32
          %parallel_loop3A_1596 = vector.broadcast %parallel_loop3A_1595 : i32 to vector<16xi32>
          %parallel_loop3A_1597 = arith.addi %xor3A_734, %parallel_loop3A_1596 : vector<16xi32>
          %parallel_loop3A_1598 = arith.select %parallel_loop3A_1594, %parallel_loop3A_1597, %xor3A_734 : vector<16xi1>, vector<16xi32>
          %parallel_loop3A_1599 = vector.shape_cast %parallel_loop3A_1598 : vector<16xi32> to vector<16x1xi32>
          %parallel_loop3A_1600 = vector.shape_cast %parallel_loop3A_1599 : vector<16x1xi32> to vector<16xi32>
          %parallel_loop3A_1601 = tpu.dynamic_gather %parallel_loop3A_1591[%parallel_loop3A_1600] in [0] : vector<16xf32>, vector<16xi32> -> vector<16xf32>
          %parallel_loop3A_1602 = arith.addf %parallel_loop3A_1591, %parallel_loop3A_1601 : vector<16xf32>
          %parallel_loop3A_1603 = arith.constant 0 : i32
          %parallel_loop3A_1604 = vector.broadcast %parallel_loop3A_1603 : i32 to vector<16xi32>
          %parallel_loop3A_1605 = arith.cmpi slt, %xor3A_738, %parallel_loop3A_1604 : vector<16xi32>
          %parallel_loop3A_1606 = arith.constant 16 : i32
          %parallel_loop3A_1607 = vector.broadcast %parallel_loop3A_1606 : i32 to vector<16xi32>
          %parallel_loop3A_1608 = arith.addi %xor3A_738, %parallel_loop3A_1607 : vector<16xi32>
          %parallel_loop3A_1609 = arith.select %parallel_loop3A_1605, %parallel_loop3A_1608, %xor3A_738 : vector<16xi1>, vector<16xi32>
          %parallel_loop3A_1610 = vector.shape_cast %parallel_loop3A_1609 : vector<16xi32> to vector<16x1xi32>
          %parallel_loop3A_1611 = vector.shape_cast %parallel_loop3A_1610 : vector<16x1xi32> to vector<16xi32>
          %parallel_loop3A_1612 = tpu.dynamic_gather %parallel_loop3A_1602[%parallel_loop3A_1611] in [0] : vector<16xf32>, vector<16xi32> -> vector<16xf32>
          %parallel_loop3A_1613 = arith.addf %parallel_loop3A_1602, %parallel_loop3A_1612 : vector<16xf32>
          %parallel_loop3A_1614 = arith.constant 0 : i32
          %parallel_loop3A_1615 = vector.broadcast %parallel_loop3A_1614 : i32 to vector<16xi32>
          %parallel_loop3A_1616 = arith.cmpi slt, %xor3A_742, %parallel_loop3A_1615 : vector<16xi32>
          %parallel_loop3A_1617 = arith.constant 16 : i32
          %parallel_loop3A_1618 = vector.broadcast %parallel_loop3A_1617 : i32 to vector<16xi32>
          %parallel_loop3A_1619 = arith.addi %xor3A_742, %parallel_loop3A_1618 : vector<16xi32>
          %parallel_loop3A_1620 = arith.select %parallel_loop3A_1616, %parallel_loop3A_1619, %xor3A_742 : vector<16xi1>, vector<16xi32>
          %parallel_loop3A_1621 = vector.shape_cast %parallel_loop3A_1620 : vector<16xi32> to vector<16x1xi32>
          %parallel_loop3A_1622 = vector.shape_cast %parallel_loop3A_1621 : vector<16x1xi32> to vector<16xi32>
          %parallel_loop3A_1623 = tpu.dynamic_gather %parallel_loop3A_1613[%parallel_loop3A_1622] in [0] : vector<16xf32>, vector<16xi32> -> vector<16xf32>
          %parallel_loop3A_1624 = arith.addf %parallel_loop3A_1613, %parallel_loop3A_1623 : vector<16xf32>
          %parallel_loop3A_1625 = arith.constant 0 : i32
          %parallel_loop3A_1626 = vector.broadcast %parallel_loop3A_1625 : i32 to vector<16xi32>
          %parallel_loop3A_1627 = arith.cmpi slt, %xor3A_746, %parallel_loop3A_1626 : vector<16xi32>
          %parallel_loop3A_1628 = arith.constant 16 : i32
          %parallel_loop3A_1629 = vector.broadcast %parallel_loop3A_1628 : i32 to vector<16xi32>
          %parallel_loop3A_1630 = arith.addi %xor3A_746, %parallel_loop3A_1629 : vector<16xi32>
          %parallel_loop3A_1631 = arith.select %parallel_loop3A_1627, %parallel_loop3A_1630, %xor3A_746 : vector<16xi1>, vector<16xi32>
          %parallel_loop3A_1632 = vector.shape_cast %parallel_loop3A_1631 : vector<16xi32> to vector<16x1xi32>
          %parallel_loop3A_1633 = vector.shape_cast %parallel_loop3A_1632 : vector<16x1xi32> to vector<16xi32>
          %parallel_loop3A_1634 = tpu.dynamic_gather %parallel_loop3A_1624[%parallel_loop3A_1633] in [0] : vector<16xf32>, vector<16xi32> -> vector<16xf32>
          %parallel_loop3A_1635 = arith.addf %parallel_loop3A_1624, %parallel_loop3A_1634 : vector<16xf32>
          %parallel_loop3A_1636 = arith.cmpf ogt, %parallel_loop3A_1635, %parallel_loop3A_1533 : vector<16xf32>
          %parallel_loop3A_1637 = arith.select %parallel_loop3A_1636, %parallel_loop3A_1635, %parallel_loop3A_1533 : vector<16xi1>, vector<16xf32>
          %parallel_loop3A_1638 = arith.constant 7 : i32
          %parallel_loop3A_1639 = vector.broadcast %parallel_loop3A_1638 : i32 to vector<16xi32>
          %parallel_loop3A_1640 = arith.select %parallel_loop3A_1636, %parallel_loop3A_1639, %parallel_loop3A_1536 : vector<16xi1>, vector<16xi32>
          %parallel_loop3A_1641 = vector.extract_strided_slice %parallel_loop3A_1640 {offsets = [0], sizes = [1], strides = [1]} : vector<16xi32> to vector<1xi32>
          %parallel_loop3A_1642 = vector.extract %parallel_loop3A_1641[0] : i32 from vector<1xi32>
          %parallel_loop3A_1643 = arith.index_cast %parallel_loop3A_1642 : i32 to index
          %parallel_loop3A_1644 = arith.index_cast %parallel_loop3A_804 : i32 to index
          %parallel_loop3A_1645 = arith.constant 0 : index
          %parallel_loop3A_1646 = tpu.vector_load %arg5[%parallel_loop3A_1643, %parallel_loop3A_1644, %parallel_loop3A_1645] {strides = array<i32>} : memref<8x50x128xf32, #tpu.memory_space<vmem>>, vector<16xf32>,
          %parallel_loop3A_1647 = arith.index_cast %parallel_loop3A_804 : i32 to index
          %parallel_loop3A_1648 = arith.constant 0 : index
          %parallel_loop3A_1649 = tpu.vector_load %arg7[%parallel_loop3A_1647, %parallel_loop3A_1648] {strides = array<i32>} : memref<50x128xf32, #tpu.memory_space<vmem>>, vector<16xf32>,
          tpu.vector_store %arg7[%parallel_loop3A_1647, %parallel_loop3A_1648], %parallel_loop3A_1646 {strides = array<i32>} : memref<50x128xf32, #tpu.memory_space<vmem>>, vector<16xf32>,
          %parallel_loop3A_1650 = arith.index_cast %parallel_loop3A_1642 : i32 to index
          %parallel_loop3A_1651 = arith.index_cast %parallel_loop3A_804 : i32 to index
          %parallel_loop3A_1652 = arith.constant 16 : index
          %parallel_loop3A_1653 = tpu.vector_load %arg5[%parallel_loop3A_1650, %parallel_loop3A_1651, %parallel_loop3A_1652] {strides = array<i32>} : memref<8x50x128xf32, #tpu.memory_space<vmem>>, vector<16xf32>,
          %parallel_loop3A_1654 = arith.index_cast %parallel_loop3A_804 : i32 to index
          %parallel_loop3A_1655 = arith.constant 16 : index
          %parallel_loop3A_1656 = tpu.vector_load %arg7[%parallel_loop3A_1654, %parallel_loop3A_1655] {strides = array<i32>} : memref<50x128xf32, #tpu.memory_space<vmem>>, vector<16xf32>,
          tpu.vector_store %arg7[%parallel_loop3A_1654, %parallel_loop3A_1655], %parallel_loop3A_1653 {strides = array<i32>} : memref<50x128xf32, #tpu.memory_space<vmem>>, vector<16xf32>,
          %parallel_loop3A_1657 = arith.index_cast %parallel_loop3A_1642 : i32 to index
          %parallel_loop3A_1658 = arith.index_cast %parallel_loop3A_804 : i32 to index
          %parallel_loop3A_1659 = arith.constant 32 : index
          %parallel_loop3A_1660 = tpu.vector_load %arg5[%parallel_loop3A_1657, %parallel_loop3A_1658, %parallel_loop3A_1659] {strides = array<i32>} : memref<8x50x128xf32, #tpu.memory_space<vmem>>, vector<16xf32>,
          %parallel_loop3A_1661 = arith.index_cast %parallel_loop3A_804 : i32 to index
          %parallel_loop3A_1662 = arith.constant 32 : index
          %parallel_loop3A_1663 = tpu.vector_load %arg7[%parallel_loop3A_1661, %parallel_loop3A_1662] {strides = array<i32>} : memref<50x128xf32, #tpu.memory_space<vmem>>, vector<16xf32>,
          tpu.vector_store %arg7[%parallel_loop3A_1661, %parallel_loop3A_1662], %parallel_loop3A_1660 {strides = array<i32>} : memref<50x128xf32, #tpu.memory_space<vmem>>, vector<16xf32>,
          %parallel_loop3A_1664 = arith.index_cast %parallel_loop3A_1642 : i32 to index
          %parallel_loop3A_1665 = arith.index_cast %parallel_loop3A_804 : i32 to index
          %parallel_loop3A_1666 = arith.constant 48 : index
          %parallel_loop3A_1667 = tpu.vector_load %arg5[%parallel_loop3A_1664, %parallel_loop3A_1665, %parallel_loop3A_1666] {strides = array<i32>} : memref<8x50x128xf32, #tpu.memory_space<vmem>>, vector<16xf32>,
          %parallel_loop3A_1668 = arith.index_cast %parallel_loop3A_804 : i32 to index
          %parallel_loop3A_1669 = arith.constant 48 : index
          %parallel_loop3A_1670 = tpu.vector_load %arg7[%parallel_loop3A_1668, %parallel_loop3A_1669] {strides = array<i32>} : memref<50x128xf32, #tpu.memory_space<vmem>>, vector<16xf32>,
          tpu.vector_store %arg7[%parallel_loop3A_1668, %parallel_loop3A_1669], %parallel_loop3A_1667 {strides = array<i32>} : memref<50x128xf32, #tpu.memory_space<vmem>>, vector<16xf32>,
          %parallel_loop3A_1671 = arith.index_cast %parallel_loop3A_1642 : i32 to index
          %parallel_loop3A_1672 = arith.index_cast %parallel_loop3A_804 : i32 to index
          %parallel_loop3A_1673 = arith.constant 64 : index
          %parallel_loop3A_1674 = tpu.vector_load %arg5[%parallel_loop3A_1671, %parallel_loop3A_1672, %parallel_loop3A_1673] {strides = array<i32>} : memref<8x50x128xf32, #tpu.memory_space<vmem>>, vector<16xf32>,
          %parallel_loop3A_1675 = arith.index_cast %parallel_loop3A_804 : i32 to index
          %parallel_loop3A_1676 = arith.constant 64 : index
          %parallel_loop3A_1677 = tpu.vector_load %arg7[%parallel_loop3A_1675, %parallel_loop3A_1676] {strides = array<i32>} : memref<50x128xf32, #tpu.memory_space<vmem>>, vector<16xf32>,
          tpu.vector_store %arg7[%parallel_loop3A_1675, %parallel_loop3A_1676], %parallel_loop3A_1674 {strides = array<i32>} : memref<50x128xf32, #tpu.memory_space<vmem>>, vector<16xf32>,
          %parallel_loop3A_1678 = arith.index_cast %parallel_loop3A_1642 : i32 to index
          %parallel_loop3A_1679 = arith.index_cast %parallel_loop3A_804 : i32 to index
          %parallel_loop3A_1680 = arith.constant 80 : index
          %parallel_loop3A_1681 = tpu.vector_load %arg5[%parallel_loop3A_1678, %parallel_loop3A_1679, %parallel_loop3A_1680] {strides = array<i32>} : memref<8x50x128xf32, #tpu.memory_space<vmem>>, vector<16xf32>,
          %parallel_loop3A_1682 = arith.index_cast %parallel_loop3A_804 : i32 to index
          %parallel_loop3A_1683 = arith.constant 80 : index
          %parallel_loop3A_1684 = tpu.vector_load %arg7[%parallel_loop3A_1682, %parallel_loop3A_1683] {strides = array<i32>} : memref<50x128xf32, #tpu.memory_space<vmem>>, vector<16xf32>,
          tpu.vector_store %arg7[%parallel_loop3A_1682, %parallel_loop3A_1683], %parallel_loop3A_1681 {strides = array<i32>} : memref<50x128xf32, #tpu.memory_space<vmem>>, vector<16xf32>,
          %parallel_loop3A_1685 = arith.index_cast %parallel_loop3A_1642 : i32 to index
          %parallel_loop3A_1686 = arith.index_cast %parallel_loop3A_804 : i32 to index
          %parallel_loop3A_1687 = arith.constant 96 : index
          %parallel_loop3A_1688 = tpu.vector_load %arg5[%parallel_loop3A_1685, %parallel_loop3A_1686, %parallel_loop3A_1687] {strides = array<i32>} : memref<8x50x128xf32, #tpu.memory_space<vmem>>, vector<16xf32>,
          %parallel_loop3A_1689 = arith.index_cast %parallel_loop3A_804 : i32 to index
          %parallel_loop3A_1690 = arith.constant 96 : index
          %parallel_loop3A_1691 = tpu.vector_load %arg7[%parallel_loop3A_1689, %parallel_loop3A_1690] {strides = array<i32>} : memref<50x128xf32, #tpu.memory_space<vmem>>, vector<16xf32>,
          tpu.vector_store %arg7[%parallel_loop3A_1689, %parallel_loop3A_1690], %parallel_loop3A_1688 {strides = array<i32>} : memref<50x128xf32, #tpu.memory_space<vmem>>, vector<16xf32>,
          %parallel_loop3A_1692 = arith.index_cast %parallel_loop3A_1642 : i32 to index
          %parallel_loop3A_1693 = arith.index_cast %parallel_loop3A_804 : i32 to index
          %parallel_loop3A_1694 = arith.constant 112 : index
          %parallel_loop3A_1695 = tpu.vector_load %arg5[%parallel_loop3A_1692, %parallel_loop3A_1693, %parallel_loop3A_1694] {strides = array<i32>} : memref<8x50x128xf32, #tpu.memory_space<vmem>>, vector<16xf32>,
          %parallel_loop3A_1696 = arith.index_cast %parallel_loop3A_804 : i32 to index
          %parallel_loop3A_1697 = arith.constant 112 : index
          %parallel_loop3A_1698 = tpu.vector_load %arg7[%parallel_loop3A_1696, %parallel_loop3A_1697] {strides = array<i32>} : memref<50x128xf32, #tpu.memory_space<vmem>>, vector<16xf32>,
          tpu.vector_store %arg7[%parallel_loop3A_1696, %parallel_loop3A_1697], %parallel_loop3A_1695 {strides = array<i32>} : memref<50x128xf32, #tpu.memory_space<vmem>>, vector<16xf32>,
        } {sc.loop_unroll_factor = 1 : i64, sc.parallel_access}
        %jit3A_750 = arith.constant 200 : i32
        %div3A_751 = arith.divsi %add3A_289, %jit3A_750 : i32
        %sign3A_752 = arith.constant 0 : i32
        %sign3A_753 = arith.cmpi sgt, %add3A_289, %sign3A_752 : i32
        %sign3A_754 = arith.extui %sign3A_753 : i1 to i32
        %sign3A_755 = arith.constant 0 : i32
        %sign3A_756 = arith.cmpi slt, %add3A_289, %sign3A_755 : i32
        %sign3A_757 = arith.extui %sign3A_756 : i1 to i32
        %sign3A_758 = arith.subi %sign3A_754, %sign3A_757 : i32
        %sign3A_759 = arith.constant 0 : i32
        %sign3A_760 = arith.cmpi sgt, %jit3A_750, %sign3A_759 : i32
        %sign3A_761 = arith.extui %sign3A_760 : i1 to i32
        %sign3A_762 = arith.constant 0 : i32
        %sign3A_763 = arith.cmpi slt, %jit3A_750, %sign3A_762 : i32
        %sign3A_764 = arith.extui %sign3A_763 : i1 to i32
        %sign3A_765 = arith.subi %sign3A_761, %sign3A_764 : i32
        %ne3A_766 = arith.cmpi ne, %sign3A_758, %sign3A_765 : i32
        %rem3A_767 = arith.remsi %add3A_289, %jit3A_750 : i32
        %ne3A_768 = arith.constant 0 : i32
        %ne3A_769 = arith.cmpi ne, %rem3A_767, %ne3A_768 : i32
        %and3A_770 = arith.andi %ne3A_766, %ne3A_769 : i1
        %sub3A_771 = arith.constant 1 : i32
        %sub3A_772 = arith.subi %div3A_751, %sub3A_771 : i32
        %select_n3A_773 = arith.select %and3A_770, %sub3A_772, %div3A_751 : i32
        %jit3A_774 = arith.constant 200 : i32
        %eq3A_775 = arith.constant 0 : i32
        %eq3A_776 = arith.cmpi eq, %jit3A_774, %eq3A_775 : i32
        %jit3A_777 = arith.constant 1 : i32
        %select_n3A_778 = arith.select %eq3A_776, %jit3A_777, %jit3A_774 : i32
        %rem3A_779 = arith.remsi %add3A_289, %select_n3A_778 : i32
        %ne3A_780 = arith.constant 0 : i32
        %ne3A_781 = arith.cmpi ne, %rem3A_779, %ne3A_780 : i32
        %lt3A_782 = arith.constant 0 : i32
        %lt3A_783 = arith.cmpi slt, %rem3A_779, %lt3A_782 : i32
        %lt3A_784 = arith.constant 0 : i32
        %lt3A_785 = arith.cmpi slt, %select_n3A_778, %lt3A_784 : i32
        %ne3A_786 = arith.xori %lt3A_783, %lt3A_785 : i1
        %and3A_787 = arith.andi %ne3A_786, %ne3A_781 : i1
        %add3A_788 = arith.addi %rem3A_779, %select_n3A_778 : i32
        %select_n3A_789 = arith.select %and3A_787, %add3A_788, %rem3A_779 : i32
        %mul3A_790 = arith.constant 50 : i32
        %mul3A_791 = arith.muli %select_n3A_789, %mul3A_790 : i32
        %dma_start3A_792 = arith.constant 0 : i32
        %dma_start3A_793 = arith.constant 0 : i32
        %dma_start3A_794 = tpu.memref_slice %arg7[%dma_start3A_792, %dma_start3A_793] : memref<50x128xf32, #tpu.memory_space<vmem>> -> memref<50x128xf32, #tpu.memory_space<vmem>>
        %dma_start3A_795 = arith.constant 0 : i32
        %dma_start3A_796 = tpu.memref_slice %arg3[%select_n3A_773, %mul3A_791, %dma_start3A_795] : memref<4x10000x128xf32, #tpu.memory_space<hbm>> -> memref<1x50x128xf32, #tpu.memory_space<hbm>>
        %dma_start3A_797 = tpu.memref_squeeze %dma_start3A_796 : memref<1x50x128xf32, #tpu.memory_space<hbm>> -> memref<50x128xf32, #tpu.memory_space<hbm>>
        %dma_start3A_798 = arith.constant 0 : i32
        %dma_start3A_799 = tpu.memref_slice %arg3[%select_n3A_773, %mul3A_791, %dma_start3A_798] : memref<4x10000x128xf32, #tpu.memory_space<hbm>> -> memref<1x50x128xf32, #tpu.memory_space<hbm>>
        %dma_start3A_800 = tpu.memref_squeeze %dma_start3A_799 : memref<1x50x128xf32, #tpu.memory_space<hbm>> -> memref<50x128xf32, #tpu.memory_space<hbm>>
        %dma_start3A_801 = arith.constant 0 : i32
        %dma_start3A_802 = arith.constant 0 : i32
        %dma_start3A_803 = tpu.memref_slice %arg7[%dma_start3A_801, %dma_start3A_802] : memref<50x128xf32, #tpu.memory_space<vmem>> -> memref<50x128xf32, #tpu.memory_space<vmem>>
        tpu.enqueue_dma source(%dma_start3A_803 : memref<50x128xf32, #tpu.memory_space<vmem>>) target(%dma_start3A_800 : memref<50x128xf32, #tpu.memory_space<hbm>>) target_semaphore(%arg11 : memref<!tpu.dma_semaphore, #tpu.memory_space<semaphore_mem>>)
      } else {
      }
    }
    %scan3A_169 = arith.constant 13 : i32
    %jit3A_170 = arith.constant 200 : i32
    %div3A_171 = arith.divsi %add3A, %jit3A_170 : i32
    %sign3A_172 = arith.constant 0 : i32
    %sign3A_173 = arith.cmpi sgt, %add3A, %sign3A_172 : i32
    %sign3A_174 = arith.extui %sign3A_173 : i1 to i32
    %sign3A_175 = arith.constant 0 : i32
    %sign3A_176 = arith.cmpi slt, %add3A, %sign3A_175 : i32
    %sign3A_177 = arith.extui %sign3A_176 : i1 to i32
    %sign3A_178 = arith.subi %sign3A_174, %sign3A_177 : i32
    %sign3A_179 = arith.constant 0 : i32
    %sign3A_180 = arith.cmpi sgt, %jit3A_170, %sign3A_179 : i32
    %sign3A_181 = arith.extui %sign3A_180 : i1 to i32
    %sign3A_182 = arith.constant 0 : i32
    %sign3A_183 = arith.cmpi slt, %jit3A_170, %sign3A_182 : i32
    %sign3A_184 = arith.extui %sign3A_183 : i1 to i32
    %sign3A_185 = arith.subi %sign3A_181, %sign3A_184 : i32
    %ne3A_186 = arith.cmpi ne, %sign3A_178, %sign3A_185 : i32
    %rem3A_187 = arith.remsi %add3A, %jit3A_170 : i32
    %ne3A_188 = arith.constant 0 : i32
    %ne3A_189 = arith.cmpi ne, %rem3A_187, %ne3A_188 : i32
    %and3A_190 = arith.andi %ne3A_186, %ne3A_189 : i1
    %sub3A_191 = arith.constant 1 : i32
    %sub3A_192 = arith.subi %div3A_171, %sub3A_191 : i32
    %select_n3A_193 = arith.select %and3A_190, %sub3A_192, %div3A_171 : i32
    %jit3A_194 = arith.constant 200 : i32
    %eq3A_195 = arith.constant 0 : i32
    %eq3A_196 = arith.cmpi eq, %jit3A_194, %eq3A_195 : i32
    %jit3A_197 = arith.constant 1 : i32
    %select_n3A_198 = arith.select %eq3A_196, %jit3A_197, %jit3A_194 : i32
    %rem3A_199 = arith.remsi %add3A, %select_n3A_198 : i32
    %ne3A_200 = arith.constant 0 : i32
    %ne3A_201 = arith.cmpi ne, %rem3A_199, %ne3A_200 : i32
    %lt3A_202 = arith.constant 0 : i32
    %lt3A_203 = arith.cmpi slt, %rem3A_199, %lt3A_202 : i32
    %lt3A_204 = arith.constant 0 : i32
    %lt3A_205 = arith.cmpi slt, %select_n3A_198, %lt3A_204 : i32
    %ne3A_206 = arith.xori %lt3A_203, %lt3A_205 : i1
    %and3A_207 = arith.andi %ne3A_206, %ne3A_201 : i1
    %add3A_208 = arith.addi %rem3A_199, %select_n3A_198 : i32
    %select_n3A_209 = arith.select %and3A_207, %add3A_208, %rem3A_199 : i32
    %mul3A_210 = arith.constant 50 : i32
    %mul3A_211 = arith.muli %select_n3A_209, %mul3A_210 : i32
    %dma_wait3A = arith.constant 0 : i32
    %dma_wait3A_212 = arith.constant 0 : i32
    %dma_wait3A_213 = tpu.memref_slice %arg6[%dma_wait3A, %dma_wait3A_212] : memref<50x128xf32, #tpu.memory_space<vmem>> -> memref<50x128xf32, #tpu.memory_space<vmem>>
    %dma_wait3A_214 = arith.constant 0 : i32
    %dma_wait3A_215 = tpu.memref_slice %arg3[%select_n3A_193, %mul3A_211, %dma_wait3A_214] : memref<4x10000x128xf32, #tpu.memory_space<hbm>> -> memref<1x50x128xf32, #tpu.memory_space<hbm>>
    %dma_wait3A_216 = tpu.memref_squeeze %dma_wait3A_215 : memref<1x50x128xf32, #tpu.memory_space<hbm>> -> memref<50x128xf32, #tpu.memory_space<hbm>>
    %dma_wait3A_217 = arith.constant 0 : i32
    %dma_wait3A_218 = tpu.memref_slice %arg3[%select_n3A_193, %mul3A_211, %dma_wait3A_217] : memref<4x10000x128xf32, #tpu.memory_space<hbm>> -> memref<1x50x128xf32, #tpu.memory_space<hbm>>
    %dma_wait3A_219 = tpu.memref_squeeze %dma_wait3A_218 : memref<1x50x128xf32, #tpu.memory_space<hbm>> -> memref<50x128xf32, #tpu.memory_space<hbm>>
    %dma_wait3A_220 = arith.constant 0 : i32
    %dma_wait3A_221 = arith.constant 0 : i32
    %dma_wait3A_222 = tpu.memref_slice %arg6[%dma_wait3A_220, %dma_wait3A_221] : memref<50x128xf32, #tpu.memory_space<vmem>> -> memref<50x128xf32, #tpu.memory_space<vmem>>
    tpu.wait_dma2 semaphore(%arg10 : memref<!tpu.dma_semaphore, #tpu.memory_space<semaphore_mem>>) src(%dma_wait3A_222 : memref<50x128xf32, #tpu.memory_space<vmem>>) dst(%dma_wait3A_219 : memref<50x128xf32, #tpu.memory_space<hbm>>)
    %jit3A_223 = arith.constant 200 : i32
    %div3A_224 = arith.divsi %add3A, %jit3A_223 : i32
    %sign3A_225 = arith.constant 0 : i32
    %sign3A_226 = arith.cmpi sgt, %add3A, %sign3A_225 : i32
    %sign3A_227 = arith.extui %sign3A_226 : i1 to i32
    %sign3A_228 = arith.constant 0 : i32
    %sign3A_229 = arith.cmpi slt, %add3A, %sign3A_228 : i32
    %sign3A_230 = arith.extui %sign3A_229 : i1 to i32
    %sign3A_231 = arith.subi %sign3A_227, %sign3A_230 : i32
    %sign3A_232 = arith.constant 0 : i32
    %sign3A_233 = arith.cmpi sgt, %jit3A_223, %sign3A_232 : i32
    %sign3A_234 = arith.extui %sign3A_233 : i1 to i32
    %sign3A_235 = arith.constant 0 : i32
    %sign3A_236 = arith.cmpi slt, %jit3A_223, %sign3A_235 : i32
    %sign3A_237 = arith.extui %sign3A_236 : i1 to i32
    %sign3A_238 = arith.subi %sign3A_234, %sign3A_237 : i32
    %ne3A_239 = arith.cmpi ne, %sign3A_231, %sign3A_238 : i32
    %rem3A_240 = arith.remsi %add3A, %jit3A_223 : i32
    %ne3A_241 = arith.constant 0 : i32
    %ne3A_242 = arith.cmpi ne, %rem3A_240, %ne3A_241 : i32
    %and3A_243 = arith.andi %ne3A_239, %ne3A_242 : i1
    %sub3A_244 = arith.constant 1 : i32
    %sub3A_245 = arith.subi %div3A_224, %sub3A_244 : i32
    %select_n3A_246 = arith.select %and3A_243, %sub3A_245, %div3A_224 : i32
    %jit3A_247 = arith.constant 200 : i32
    %eq3A_248 = arith.constant 0 : i32
    %eq3A_249 = arith.cmpi eq, %jit3A_247, %eq3A_248 : i32
    %jit3A_250 = arith.constant 1 : i32
    %select_n3A_251 = arith.select %eq3A_249, %jit3A_250, %jit3A_247 : i32
    %rem3A_252 = arith.remsi %add3A, %select_n3A_251 : i32
    %ne3A_253 = arith.constant 0 : i32
    %ne3A_254 = arith.cmpi ne, %rem3A_252, %ne3A_253 : i32
    %lt3A_255 = arith.constant 0 : i32
    %lt3A_256 = arith.cmpi slt, %rem3A_252, %lt3A_255 : i32
    %lt3A_257 = arith.constant 0 : i32
    %lt3A_258 = arith.cmpi slt, %select_n3A_251, %lt3A_257 : i32
    %ne3A_259 = arith.xori %lt3A_256, %lt3A_258 : i1
    %and3A_260 = arith.andi %ne3A_259, %ne3A_254 : i1
    %add3A_261 = arith.addi %rem3A_252, %select_n3A_251 : i32
    %select_n3A_262 = arith.select %and3A_260, %add3A_261, %rem3A_252 : i32
    %mul3A_263 = arith.constant 50 : i32
    %mul3A_264 = arith.muli %select_n3A_262, %mul3A_263 : i32
    %dma_wait3A_265 = arith.constant 0 : i32
    %dma_wait3A_266 = arith.constant 0 : i32
    %dma_wait3A_267 = tpu.memref_slice %arg7[%dma_wait3A_265, %dma_wait3A_266] : memref<50x128xf32, #tpu.memory_space<vmem>> -> memref<50x128xf32, #tpu.memory_space<vmem>>
    %dma_wait3A_268 = arith.constant 0 : i32
    %dma_wait3A_269 = tpu.memref_slice %arg3[%select_n3A_246, %mul3A_264, %dma_wait3A_268] : memref<4x10000x128xf32, #tpu.memory_space<hbm>> -> memref<1x50x128xf32, #tpu.memory_space<hbm>>
    %dma_wait3A_270 = tpu.memref_squeeze %dma_wait3A_269 : memref<1x50x128xf32, #tpu.memory_space<hbm>> -> memref<50x128xf32, #tpu.memory_space<hbm>>
    %dma_wait3A_271 = arith.constant 0 : i32
    %dma_wait3A_272 = tpu.memref_slice %arg3[%select_n3A_246, %mul3A_264, %dma_wait3A_271] : memref<4x10000x128xf32, #tpu.memory_space<hbm>> -> memref<1x50x128xf32, #tpu.memory_space<hbm>>
    %dma_wait3A_273 = tpu.memref_squeeze %dma_wait3A_272 : memref<1x50x128xf32, #tpu.memory_space<hbm>> -> memref<50x128xf32, #tpu.memory_space<hbm>>
    %dma_wait3A_274 = arith.constant 0 : i32
    %dma_wait3A_275 = arith.constant 0 : i32
    %dma_wait3A_276 = tpu.memref_slice %arg7[%dma_wait3A_274, %dma_wait3A_275] : memref<50x128xf32, #tpu.memory_space<vmem>> -> memref<50x128xf32, #tpu.memory_space<vmem>>
    tpu.wait_dma2 semaphore(%arg11 : memref<!tpu.dma_semaphore, #tpu.memory_space<semaphore_mem>>) src(%dma_wait3A_276 : memref<50x128xf32, #tpu.memory_space<vmem>>) dst(%dma_wait3A_273 : memref<50x128xf32, #tpu.memory_space<hbm>>)
    return
  }
}

</mosaic_0001>

<sc_bundles>
// kernel: kernel.3.cloned.1.call-start
scs
__scs_entry_jumppad:
0x0: {  	(pc) =	sbr.rel $0x88, $3  }
0x1: {  	(tag) =	ssettag $0x0;
	lr =	simm.s32 $0x1  }
0x2: {  	[smem:$0x3FA0] =	sst lr;
	_ =	strace $0xD0000000  }
0x3: {  	_ = 	snop  }
0x4: {  	_ = 	snop  }
0x5: {  	_ = 	snop  }
0x6: {  	_ = 	snop  }
0x7: {  	_ = 	snop  }
__scs_overlays_trampoline_lowered:
0x8: {  	[smem:$0x3FAF] =	sst s0  }
0x9: {  	[smem:$0x3FB0] =	sst s1  }
0xa: {  	[smem:$0x3FB1] =	sst s2  }
0xb: {  	[smem:$0x3FB2] =	sst s3  }
0xc: {  	[smem:$0x3FB3] =	sst s4  }
0xd: {  	[smem:$0x3FB4] =	sst s5  }
0xe: {  	[smem:$0x3FB5] =	sst s6  }
0xf: {  	[smem:$0x3FB6] =	sst s7  }
0x10: {  	[smem:$0x3FB7] =	sst s8  }
0x11: {  	[smem:$0x3FB8] =	sst s9;
	s0 =	simm.s32 @!p0 $0x0  }
0x12: {  	s1 =	sld [smem:$0x3F9E];
	s0 =	simm.s32 @p0 $0x1  }
0x13: {  	[smem:$0x3FB9] =	sst s0;
	s0 =	simm.s32 @!p1 $0x0  }
0x14: {  	s2 =	sld [smem:$0x3F9D];
	s0 =	simm.s32 @p1 $0x1  }
0x15: {  	[smem:$0x3FBA] =	sst s0;
	s0 =	simm.s32 @!p2 $0x0  }
0x16: {  	s3 =	sld [smem:$0x3FDB];
	s0 =	simm.s32 @p2 $0x1  }
0x17: {  	s4 =	simm.s32 $0x1BF5;
	[smem:$0x3FBC] =	sst s0  }
0x18: {  	s0 =	sld [smem:$0x3F9F];
	_ =	swait.ge [sflag:s4], $0x0  }
0x19: {  	s7 =	sld [smem:$0x3FA0]  }
0x1a: {  	s8 =	sadd.s32 $0xFFFFE003, lr  }
0x1b: {  	s9 =	sadd.s32 $0xFFFFFEF7, lr;
	s5 =	simm.s32 $0xFFFFFFFF;
	p2 =	slt.u32 s8, $0xFFFFF086  }
0x1c: {  	p1 =	slt.u32 s9, $0xF7A;
	s5 =	simm.s32 @!p2 $0x0  }
0x1d: {  	s5 =	simm.s32 @p1 $0x1;
	p0 =	seq.s32 s7, s2  }
0x1e: {  	s7 =	smul.u32 @!p0 $0xF7A, s2;
	p2 =	seq.s32 @!p0 s5, $0x0  }
0x1f: {  	s9 =	smul.u32 $0xF7A, s1;
	s8 =	simm.s32 @!p0 $0x1BF5;
	p2 =	por !p2, p0  }
0x20: {  	[sflag:s8] =	ssyncset.s32 @!p0 $0xFFFFF086;
	s6 =	sadd.s32 @!p0 s3, s7;
	s7 =	simm.s32 @!p0 $0x108  }
0x21: {  	s3 =	sadd.s32 s3, s9;
	s6 =	sadd.s32 @!p0 $0x88, s6;
	s7 =	simm.s32 @p2 $0x1082  }
0x22: {  	[simem:s7], [sflag:s8] =	dma.local @!p0 [hbm:s6], $0xF7A  }
0x23: {  	s9 =	sor.u32 $0xD0000000, s2;
	s6 =	simm.s32 $0x108;
	_ =	swait.ge @!p0 [sflag:s8], $0x0  }
0x24: {  	s3 =	sadd.s32 $0x88, s3;
	s6 =	simm.s32 @!p1 $0x1082;
	[sflag:s4] =	ssyncset.s32 $0xFFFFF086  }
0x25: {  	[simem:s6], [sflag:s4] =	dma.local [hbm:s3], $0xF7A  }
0x26: {  	[smem:$0x3FA0] =	sst s1;
	(tag) =	ssettag s2;
	_ =	strace s9  }
0x27: {  	s1 =	sld [smem:$0x3FB0]  }
0x28: {  	s2 =	sld [smem:$0x3FB1]  }
0x29: {  	s4 =	sld [smem:$0x3FB3]  }
0x2a: {  	p0 =	seq.s32 s5, $0x0;
	s5 =	sld [smem:$0x3FB4]  }
0x2b: {  	s6 =	sld [smem:$0x3FB5]  }
0x2c: {  	s7 =	sld [smem:$0x3FB6]  }
0x2d: {  	s3 =	simm.s32 $0x108;
	s8 =	sld [smem:$0x3FB7]  }
0x2e: {  	s3 =	simm.s32 @!p0 $0x1082;
	s9 =	sld [smem:$0x3FB8]  }
0x2f: {  	lr =	sadd.s32 s0, s3;
	s0 =	sld [smem:$0x3FAF]  }
0x30: {  	s3 =	sld [smem:$0x3FB2]  }
0x31: {  	[smem:$0x3FBB] =	sst s10  }
0x32: {  	s10 =	sld [smem:$0x3FB9];
	_ =	sdelay $0x3  }
0x33: {  	p0 =	seq.s32 s10, $0x1;
	s10 =	sld [smem:$0x3FBB];
	_ =	sdelay $0x3  }
0x34: {  	[smem:$0x3FBB] =	sst s10  }
0x35: {  	s10 =	sld [smem:$0x3FBA];
	_ =	sdelay $0x3  }
0x36: {  	p1 =	seq.s32 s10, $0x1;
	s10 =	sld [smem:$0x3FBB];
	_ =	sdelay $0x3  }
0x37: {  	[smem:$0x3FBB] =	sst s10  }
0x38: {  	s10 =	sld [smem:$0x3FBC]  }
0x39: {  	_ = 	snop;
	(pc) =	sbr.ind lr, $3  }
0x3a: {  	_ = 	snop  }
0x3b: {  	_ = 	snop  }
0x3c: {  	p2 =	seq.s32 s10, $0x1;
	s10 =	sld [smem:$0x3FBB]  }
0x3d: {  	_ =	shalt  }
0x3e: {  	_ =	shalt  }
0x3f: {  	_ =	shalt  }
0x40: {  	_ =	shalt  }
0x41: {  	_ =	shalt  }
0x42: {  	_ =	shalt  }
0x43: {  	_ =	shalt  }
0x44: {  	_ =	shalt  }
0x45: {  	_ =	shalt  }
0x46: {  	_ =	shalt  }
0x47: {  	_ =	shalt  }
0x48: {  	_ =	shalt  }
0x49: {  	_ =	shalt  }
0x4a: {  	_ =	shalt  }
0x4b: {  	_ =	shalt  }
0x4c: {  	_ =	shalt  }
0x4d: {  	_ =	shalt  }
0x4e: {  	_ =	shalt  }
0x4f: {  	_ =	shalt  }
0x50: {  	_ =	shalt  }
0x51: {  	_ =	shalt  }
0x52: {  	_ =	shalt  }
0x53: {  	_ =	shalt  }
0x54: {  	_ =	shalt  }
0x55: {  	_ =	shalt  }
0x56: {  	_ =	shalt  }
0x57: {  	_ =	shalt  }
0x58: {  	_ =	shalt  }
0x59: {  	_ =	shalt  }
0x5a: {  	_ =	shalt  }
0x5b: {  	_ =	shalt  }
0x5c: {  	_ =	shalt  }
0x5d: {  	_ =	shalt  }
0x5e: {  	_ =	shalt  }
0x5f: {  	_ =	shalt  }
0x60: {  	_ =	shalt  }
0x61: {  	_ =	shalt  }
0x62: {  	_ =	shalt  }
0x63: {  	_ =	shalt  }
0x64: {  	_ =	shalt  }
0x65: {  	_ =	shalt  }
0x66: {  	_ =	shalt  }
0x67: {  	_ =	shalt  }
0x68: {  	_ =	shalt  }
0x69: {  	_ =	shalt  }
0x6a: {  	_ =	shalt  }
0x6b: {  	_ =	shalt  }
0x6c: {  	_ =	shalt  }
0x6d: {  	_ =	shalt  }
0x6e: {  	_ =	shalt  }
0x6f: {  	_ =	shalt  }
0x70: {  	_ =	shalt  }
0x71: {  	_ =	shalt  }
0x72: {  	_ =	shalt  }
0x73: {  	_ =	shalt  }
0x74: {  	_ =	shalt  }
0x75: {  	_ =	shalt  }
0x76: {  	_ =	shalt  }
0x77: {  	_ =	shalt  }
0x78: {  	_ =	shalt  }
0x79: {  	_ =	shalt  }
0x7a: {  	_ =	shalt  }
0x7b: {  	_ =	shalt  }
0x7c: {  	_ =	shalt  }
0x7d: {  	_ =	shalt  }
0x7e: {  	_ =	shalt  }
0x7f: {  	_ =	shalt  }
0x80: {  	_ =	shalt  }
0x81: {  	_ =	shalt  }
0x82: {  	_ =	shalt  }
0x83: {  	_ =	shalt  }
0x84: {  	_ =	shalt  }
0x85: {  	_ =	shalt  }
0x86: {  	_ =	shalt  }
0x87: {  	_ =	shalt  }
.Lfunc_end0:
.L_simem_size_0:
called_computation_lowered:
.L_overlay_start_0:
0x88: {  	s2 =	sld [smem:$0x3FD9]  }
0x89: {  	s3 =	sld [smem:$0x3FFE];
	_ =	sdelay $0x1  }
0x8a: {  	s1 =	srdreg.scid  }
0x8b: {  	s0 =	sand.u32 $0x1, s1  }
0x8c: {  	s18 =	sshll.u32 s0, $0xA;
	s2 =	sadd.s32 s3, s2  }
0x8d: {  	s2 =	sadd.s32 s2, s18  }
0x8e: {  	[smem:$0x3FC7] =	sst s2  }
0x8f: {  	_ = 	snop  }
0x90: {  	s2 =	sld [smem:$0x3FC9]  }
0x91: {  	s19 =	sld [smem:$0x3FD0];
	(tm) =	ssettm $0x1  }
0x92: {  	s4 =	sld [smem:$0x3FFB];
	_ =	sdelay $0x3  }
0x93: {  	_ =	strace s4  }
0x94: {  	s4 =	sld [smem:$0x3FFC];
	_ =	sdelay $0x3  }
0x95: {  	_ =	strace s4  }
0x96: {  	s4 =	sld [smem:$0x3FFD];
	_ =	sdelay $0x3  }
0x97: {  	_ =	strace s4  }
0x98: {  	_ =	strace $0x8FFFFFFF  }
0x99: {  	s20 =	sld [smem:$0x3FDB];
	_ =	sdelay $0x1  }
0x9a: {  	s5 =	simm.s32 $_scs_section_size  }
0x9b: {  	s6 =	simm.s32 $_size__tile_overlayer_lowered;
	s7 =	simm.s32 $_tile_overlayer_lowered  }
0x9c: {  	s23 =	simm.s32 $0x1BFF;
	s22 =	sshll.u32 s7, $0x1;
	s4 =	sadd.s32 s5, s20  }
0x9d: {  	s8 =	simm.s32 $0x0;
	s21 =	sshll.u32 s6, $0x1;
	s6 =	sadd.s32 s22, s4  }
0x9e: {  	[timem:s8], [sflag:s23] =	dma.local [hbm:s6], s21  }
0x9f: {  	_ =	swait.ge [sflag:s23], s21  }
0xa0: {  	s5 =	ssub.s32 $0x0, s21;
	[sflag:s23] =	ssyncset.done $0x0  }
0xa1: {  	[sflag:s23] =	ssyncadd.s32 s5;
	_ =	sdelay $0x1  }
0xa2: {  	s24 =	simm.s32 $0x1B8B  }
0xa3: {  	_ =	swait.ge [sflag:s24], $0x1  }
0xa4: {  	[sflag:s24] =	ssyncset.done $0x0  }
0xa5: {  	s25 =	simm.s32 $0x1B8E;
	[sflag:s24] =	ssyncadd.s32 $0xFFFFFFFF  }
0xa6: {  	s26 =	simm.s32 $execute0_lowered;
	[smem:$0x3FD2] =	sst s25  }
0xa7: {  	s5 =	sshll.u32 s26, $0x1;
	_ =	strace $0x80000046;
	[dreg:$0x1] =	wrdreg $0xFFFFFFFF  }
0xa8: {  	s28 =	simm.s32 $_size_execute0_lowered;
	s4 =	sadd.s32 s4, s5;
	[dreg:$0x0] =	wrdreg $0x0  }
0xa9: {  	s5 =	sshll.u32 s28, $0x1;
	[dreg:$0x2] =	wrdreg s4  }
0xaa: {  	[dreg:$0x3] =	wrdreg s5  }
0xab: {  	[dreg:$0x4] =	wrdreg $0xC0  }
0xac: {  	_ =	task [dreg:s8], $0x5FFFF  }
0xad: {  	[dreg:$0x1] =	wrdreg $0xFFFFFFFF  }
0xae: {  	[dreg:$0x0] =	wrdreg $0x60  }
0xaf: {  	[dreg:$0x2] =	wrdreg s2  }
0xb0: {  	[dreg:$0x3] =	wrdreg s19  }
0xb1: {  	[dreg:$0x4] =	wrdreg $0x9  }
0xb2: {  	_ =	task.clear_ibuf [dreg:s8], $0x5FFFF;
	_ =	strace $0x90000046  }
0xb3: {  	s29 =	simm.s32 $0x9;
	_ =	strace $0x80000048  }
0xb4: {  	_ =	swait.ge [sflag:s29], $0x1  }
0xb5: {  	[sflag:s29] =	ssyncadd.s32 $0xFFFFFFFF  }
0xb6: {  	_ =	strace $0x90000048  }
0xb7: {  	_ =	sfence  }
0xb8: {  	s30 =	sld [smem:$0x0];
	_ =	sdelay $0x2  }
0xb9: {  	s31 =	sshll.u32 s1, $0xD;
	s1 =	sshrl.u32 s1, $0x2  }
0xba: {  	s3 =	sand.u32 $0x4000, s31;
	s1 =	sadd.s32 s1, s30  }
0xbb: {  	s0 =	sor.u32 s3, s0;
	s1 =	sshll.u32 s1, $0x11  }
0xbc: {  	s0 =	sor.u32 s1, s0  }
0xbd: {  	s0 =	sadd.s32 $0x8F2B, s0  }
0xbe: {  	[sflag:s0] =	ssyncadd.remote.s32 $0x1  }
0xbf: {  	_ =	sfence.sel $0xFFFF  }
0xc0: {  	[dreg:$0x0] =	wrdreg $0xFFFFFFFF;
	(pc) =	sbr.abs _section_cstart, $3  }
0xc1: {  	[dreg:$0x1] =	wrdreg $0xFFFFFFFF  }
0xc2: {  	_ =	task.clear_ibuf [dreg:s8], $0x2FFFF;
	_ =	strace $0x9FFFFFFF  }
0xc3: {  	(tm) =	ssettm $0x7FFFFFFF  }
tec
execute0_lowered:
.L_overlay_start_1:
0x0: {  	(tag) =	ssettag $0x1  }
0x1: {  	s0 =	srdreg.scid;
	v0 =	vimm.s32 $0xFEDCBA98;
	s2 =	rddreg [dreg:$0x0];
	v1 =	vimm.s32 $0x76543210  }
0x2: {  	s1 =	stileid.u32;
	s3 =	rddreg [dreg:$0x1];
	s5 =	simm.s32 $0x0;
	v2 =	vimm.s32 $0xBA98FEDC;
	v3 =	vimm.s32 $0x32107654;
	v4 =	vimm.s32 $0xDCFE98BA  }
0x3: {  	v5 =	vimm.s32 $0x54761032;
	s15 =	simm.s32 $0x1900;
	s16 =	simm.s32 $0x3200;
	s17 =	simm.s32 $0x4B00  }
0x4: {  	v6 =	vimm.s32 $0xEFCDAB89;
	v7 =	vimm.s32 $0x67452301;
	s18 =	simm.s32 $0x6400;
	s0 =	sand.u32 $0x1, s0;
	s1 =	sshll.u32 s1, $0x1  }
0x5: {  	s19 =	simm.s32 $0x7D00;
	s20 =	simm.s32 $0x9600;
	v0 =	vunpack.c.l.s4.s8 v0;
	v2 =	vunpack.c.l.s4.s8 v2;
	v3 =	vunpack.c.l.s4.s8 v3;
	s1 =	sor.u32 s0, s1  }
0x6: {  	s21 =	simm.s32 $0xAF00;
	s22 =	simm.s32 $0x1;
	v4 =	vunpack.c.l.s4.s8 v4;
	v5 =	vunpack.c.l.s4.s8 v5;
	v6 =	vunpack.c.l.s4.s8 v6;
	s4 =	smul.u32 $0x1900, s1  }
0x7: {  	s23 =	simm.s32 $0x19000;
	s28 =	simm.s32 $0x4;
	s29 =	simm.s32 $0x0;
	v7 =	vunpack.c.l.s4.s8 v7;
	v2 =	vunpack.c.0.s8.s32 v2;
	v3 =	vunpack.c.0.s8.s32 v3  }
0x8: {  	[smem:$0x7FF] =	sst s5;
	v1 =	vunpack.c.l.s4.s8 v1;
	s0 =	ssub.s32 $0x2, s0;
	v4 =	vunpack.c.0.s8.s32 v4;
	v5 =	vunpack.c.0.s8.s32 v5;
	s4 =	sshrl.u32 s4, $0x3  }
0x9: {  	_ =	strace $0x80000047;
	s24 =	sshrl.u32 s0, $0x1;
	v6 =	vunpack.c.0.s8.s32 v6;
	v7 =	vunpack.c.0.s8.s32 v7;
	v2 =	vcombine.low v3, v2;
	s6 =	sadd.s32 s2, s4  }
0xa: {  	v0 =	vunpack.c.0.s8.s32 v0;
	s0 =	ssub.s32 s0, s24;
	s24 =	simm.s32 $0x2;
	v54 =	vcombine.low v5, v4;
	s7 =	sadd.s32 $0x27100, s6  }
.Ltmp0:
0xb: {  	v1 =	vunpack.c.0.s8.s32 v1;
	v55 =	vcombine.low v7, v6;
	s25 =	sadd.s32 $0x4E200, s6;
	v62 =	vand.u32 $0xF, v2;
	[dreg:$0x3] =	wrdreg s7;
	(pc) =	sbr.rel .LBB2_1-.Ltmp0, $4  }
0xc: {  	s14 =	smax.u32 s0, $0x1;
	v0 =	vand.u32 $0xF, v0;
	s26 =	sadd.s32 $0x75300, s6;
	v57 =	vand.u32 $0xF, v54;
	[dreg:$0x4] =	wrdreg s25;
	[tilespmem:$0x1FFC0] =	vst v62  }
0xd: {  	v63 =	vcombine.low v0, v1;
	s30 =	sadd.s32 $0x9C400, s6;
	s31 =	sadd.s32 $0xC3500, s6;
	v56 =	vand.u32 $0xF, v55;
	[dreg:$0x5] =	wrdreg s26;
	[tilespmem:$0x1FFD0] =	vst v57  }
0xe: {  	s12 =	sadd.s32 $0xEA600, s6;
	s13 =	sadd.s32 $0x111700, s6;
	[dreg:$0x6] =	wrdreg s30;
	[tilespmem:$0x1FFE0] =	vst v56  }
0xf: {  	v61 =	vimm.s32 $0x0;
	[dreg:$0x7] =	wrdreg s31;
	s25 =	simm.s32 $0x1A900;
	s26 =	simm.s32 $0x3;
	[tilespmem:$0x1FFF0] =	vst v63  }
.LBB2_9:
0x10: {  	s29 =	sadd.s32 $0x1, s29  }
0x11: {  	_ =	swait.ge [sflag:s26], $0x1900;
	p0 =	sne.s32 s29, s14  }
.Ltmp1:
0x12: {  	[sflag:s26] =	ssyncset.done $0x0;
	(pc) =	sbr.rel @!p0 .LBB2_10-.Ltmp1, $4  }
0x13: {  	[sflag:s26] =	ssyncadd.s32 $0xFFFFE700  }
0x14: {  	_ =	swait.ge [sflag:s28], $0x1900  }
0x15: {  	[sflag:s28] =	ssyncset.done $0x0  }
0x16: {  	[sflag:s28] =	ssyncadd.s32 $0xFFFFE700  }
.LBB2_1:
0x17: {  	[tilespmem:s5], [sflag:$0x1] =	stream.linear.gather [hbm4b:s6+s5], $0x1900, $0x38;
	[tilespmem:$0x1C200] =	vst v63  }
0x18: {  	s0 =	rddreg [dreg:$0x3]  }
0x19: {  	[tilespmem:s15], [sflag:$0x1] =	stream.linear.gather [hbm4b:s0+s5], $0x1900, $0x38;
	[tilespmem:$0x1C200] =	vst v63  }
0x1a: {  	s9 =	rddreg [dreg:$0x4]  }
0x1b: {  	[tilespmem:s16], [sflag:$0x1] =	stream.linear.gather [hbm4b:s9+s5], $0x1900, $0x38;
	[tilespmem:$0x1C200] =	vst v63  }
0x1c: {  	s10 =	rddreg [dreg:$0x5]  }
0x1d: {  	[tilespmem:s17], [sflag:$0x1] =	stream.linear.gather [hbm4b:s10+s5], $0x1900, $0x38;
	[tilespmem:$0x1C200] =	vst v63  }
0x1e: {  	s11 =	rddreg [dreg:$0x6]  }
0x1f: {  	[tilespmem:s18], [sflag:$0x1] =	stream.linear.gather [hbm4b:s11+s5], $0x1900, $0x38;
	[tilespmem:$0x1C200] =	vst v63  }
0x20: {  	s31 =	rddreg [dreg:$0x7]  }
0x21: {  	[tilespmem:s19], [sflag:$0x1] =	stream.linear.gather [hbm4b:s31+s5], $0x1900, $0x38;
	[tilespmem:$0x1C200] =	vst v63  }
.Ltmp2:
0x22: {  	_ = 	snop;
	(pc) =	sbr.rel .LBB2_2-.Ltmp2, $4  }
0x23: {  	_ = 	snop  }
0x24: {  	[tilespmem:s20], [sflag:$0x1] =	stream.linear.gather [hbm4b:s12+s5], $0x1900, $0x38;
	[tilespmem:$0x1C200] =	vst v63  }
0x25: {  	s30 =	simm.s32 $0x0  }
0x26: {  	[tilespmem:s21], [sflag:$0x1] =	stream.linear.gather [hbm4b:s13+s5], $0x1900, $0x38;
	[tilespmem:$0x1C200] =	vst v63  }
.LBB2_8:
0x27: {  	s30 =	sadd.s32 $0x1, s30  }
0x28: {  	p0 =	sne.s32 s30, $0xD  }
.Ltmp3:
0x29: {  	_ = 	snop;
	(pc) =	sbr.rel @!p0 .LBB2_9-.Ltmp3, $1  }
0x2a: {  	_ =	sdelay $0x3  }
.LBB2_2:
0x2b: {  	_ =	swait.ge [sflag:s22], $0x1900  }
0x2c: {  	[sflag:s22] =	ssyncset.done $0x0  }
0x2d: {  	[sflag:s22] =	ssyncadd.s32 $0xFFFFE700  }
0x2e: {  	_ =	swait.ge [sflag:s22], $0x1900  }
0x2f: {  	[sflag:s22] =	ssyncset.done $0x0  }
0x30: {  	[sflag:s22] =	ssyncadd.s32 $0xFFFFE700  }
0x31: {  	_ =	swait.ge [sflag:s22], $0x1900  }
0x32: {  	[sflag:s22] =	ssyncset.done $0x0  }
0x33: {  	[sflag:s22] =	ssyncadd.s32 $0xFFFFE700  }
0x34: {  	_ =	swait.ge [sflag:s22], $0x1900  }
0x35: {  	s0 =	sshllo.u32 s30, $0x1;
	[sflag:s22] =	ssyncset.done $0x0  }
0x36: {  	s4 =	sshll.u32 s0, $0x5;
	[sflag:s22] =	ssyncadd.s32 $0xFFFFE700  }
0x37: {  	p1 =	sgt.u32 s0, $0x18;
	s31 =	sor.u32 s1, s4;
	_ =	swait.ge [sflag:s22], $0x1900  }
0x38: {  	s0 =	smulhi.u32 @!p1 $0x51EB851F, s31;
	[sflag:s22] =	ssyncset.done $0x0  }
0x39: {  	[sflag:s22] =	ssyncadd.s32 $0xFFFFE700  }
0x3a: {  	s0 =	sshrl.u32 @!p1 s0, $0x6;
	_ =	swait.ge [sflag:s22], $0x1900  }
0x3b: {  	s4 =	smul.u32 @!p1 $0xC8, s0;
	[sflag:s22] =	ssyncset.done $0x0  }
0x3c: {  	[sflag:s22] =	ssyncadd.s32 $0xFFFFE700  }
0x3d: {  	s0 =	smul.u32 @!p1 $0x9C4000, s0;
	s4 =	ssub.s32 @!p1 s31, s4;
	_ =	swait.ge [sflag:s22], $0x1900  }
0x3e: {  	s4 =	smul.u32 @!p1 $0x1900, s4;
	[sflag:s22] =	ssyncset.done $0x0  }
0x3f: {  	[sflag:s22] =	ssyncadd.s32 $0xFFFFE700  }
0x40: {  	s0 =	sadd.s32 @!p1 s4, s0;
	_ =	swait.ge [sflag:s22], $0x1900  }
0x41: {  	s7 =	simm.s32 @!p1 $0xC800;
	s0 =	sshrl.u32 @!p1 s0, $0x3;
	[sflag:s22] =	ssyncset.done $0x0  }
0x42: {  	s4 =	simm.s32 @!p1 $0x0;
	s0 =	sadd.s32 @!p1 s2, s0;
	[sflag:s22] =	ssyncadd.s32 $0xFFFFE700  }
0x43: {  	[tilespmem:s7], [sflag:$0x2] =	stream.linear.gather @!p1 [hbm4b:s0+s4], $0x1900, $0x38;
	[tilespmem:$0x1C200] =	vst v63  }
0x44: {  	s8 =	simm.s32 @!p1 $0xE100;
	s7 =	sadd.s32 @!p1 $0x27100, s0  }
0x45: {  	[tilespmem:s8], [sflag:$0x2] =	stream.linear.gather @!p1 [hbm4b:s7+s4], $0x1900, $0x38;
	[tilespmem:$0x1C200] =	vst v63  }
0x46: {  	s7 =	sadd.s32 @!p1 $0x4E200, s0;
	s8 =	simm.s32 @!p1 $0xFA00  }
0x47: {  	[tilespmem:s8], [sflag:$0x2] =	stream.linear.gather @!p1 [hbm4b:s7+s4], $0x1900, $0x38;
	[tilespmem:$0x1C200] =	vst v63  }
0x48: {  	s7 =	sadd.s32 @!p1 $0x75300, s0;
	s8 =	simm.s32 @!p1 $0x11300  }
0x49: {  	[tilespmem:s8], [sflag:$0x2] =	stream.linear.gather @!p1 [hbm4b:s7+s4], $0x1900, $0x38;
	[tilespmem:$0x1C200] =	vst v63  }
0x4a: {  	s7 =	sadd.s32 @!p1 $0x9C400, s0;
	s8 =	simm.s32 @!p1 $0x12C00  }
0x4b: {  	[tilespmem:s8], [sflag:$0x2] =	stream.linear.gather @!p1 [hbm4b:s7+s4], $0x1900, $0x38;
	[tilespmem:$0x1C200] =	vst v63  }
0x4c: {  	s7 =	sadd.s32 @!p1 $0xC3500, s0;
	s8 =	simm.s32 @!p1 $0x14500  }
0x4d: {  	[tilespmem:s8], [sflag:$0x2] =	stream.linear.gather @!p1 [hbm4b:s7+s4], $0x1900, $0x38;
	[tilespmem:$0x1C200] =	vst v63  }
0x4e: {  	s7 =	sadd.s32 @!p1 $0xEA600, s0;
	s8 =	simm.s32 @!p1 $0x15E00  }
0x4f: {  	[tilespmem:s8], [sflag:$0x2] =	stream.linear.gather @!p1 [hbm4b:s7+s4], $0x1900, $0x38;
	[tilespmem:$0x1C200] =	vst v63  }
0x50: {  	p0 =	seq.s32 s30, $0x0;
	s0 =	sadd.s32 @!p1 $0x111700, s0;
	s7 =	simm.s32 @!p1 $0x17700  }
0x51: {  	[tilespmem:s7], [sflag:$0x2] =	stream.linear.gather @!p1 [hbm4b:s0+s4], $0x1900, $0x38;
	[tilespmem:$0x1C200] =	vst v63  }
0x52: {  	s0 =	simm.s32 @!p0 $0x3  }
0x53: {  	_ =	swait.ge @!p0 [sflag:s0], $0x1900  }
0x54: {  	[sflag:s0] =	ssyncset.done @!p0 $0x0  }
0x55: {  	s4 =	simm.s32 $0x0;
	[sflag:s0] =	ssyncadd.s32 @!p0 $0xFFFFE700  }
0x56: {  	v5 =	vld [tilespmem:s4+$0xAF00]  }
0x57: {  	v6 =	vld [tilespmem:s4+$0xAF10]  }
0x58: {  	v7 =	vld [tilespmem:s4+$0xAF20]  }
0x59: {  	v8 =	vld [tilespmem:s4+$0xAF30]  }
0x5a: {  	v9 =	vld [tilespmem:s4+$0xAF40]  }
0x5b: {  	v10 =	vld [tilespmem:s4+$0xAF50]  }
0x5c: {  	v11 =	vld [tilespmem:s4+$0xAF60]  }
0x5d: {  	v12 =	vld [tilespmem:s4+$0xAF70]  }
0x5e: {  	v13 =	vld [tilespmem:s4+$0x9600]  }
0x5f: {  	v14 =	vld [tilespmem:s4+$0x9610]  }
0x60: {  	v15 =	vld [tilespmem:s4+$0x9620]  }
0x61: {  	v16 =	vld [tilespmem:s4+$0x9630]  }
0x62: {  	v17 =	vld [tilespmem:s4+$0x9640]  }
0x63: {  	v18 =	vld [tilespmem:s4+$0x9650]  }
0x64: {  	v19 =	vld [tilespmem:s4+$0x9660]  }
0x65: {  	v20 =	vld [tilespmem:s4+$0x9670]  }
0x66: {  	v21 =	vld [tilespmem:s4+$0x7D00]  }
0x67: {  	v22 =	vld [tilespmem:s4+$0x7D10]  }
0x68: {  	v23 =	vld [tilespmem:s4+$0x7D20]  }
0x69: {  	v24 =	vld [tilespmem:s4+$0x7D30]  }
0x6a: {  	v25 =	vld [tilespmem:s4+$0x7D40]  }
0x6b: {  	v26 =	vld [tilespmem:s4+$0x7D50]  }
0x6c: {  	v27 =	vld [tilespmem:s4+$0x7D60]  }
0x6d: {  	v28 =	vld [tilespmem:s4+$0x7D70]  }
0x6e: {  	v29 =	vld [tilespmem:s4+$0x6400]  }
0x6f: {  	v30 =	vld [tilespmem:s4+$0x6410]  }
0x70: {  	v31 =	vld [tilespmem:s4+$0x6420]  }
0x71: {  	v32 =	vld [tilespmem:s4+$0x6430];
	v5 =	vmul.f32 v5, v5  }
0x72: {  	v33 =	vld [tilespmem:s4+$0x6440];
	v6 =	vmul.f32 v6, v6;
	v7 =	vmul.f32 v7, v7  }
0x73: {  	v34 =	vld [tilespmem:s4+$0x6450];
	v8 =	vmul.f32 v8, v8;
	v9 =	vmul.f32 v9, v9  }
0x74: {  	v35 =	vld [tilespmem:s4+$0x6460];
	v10 =	vmul.f32 v10, v10;
	v11 =	vmul.f32 v11, v11  }
0x75: {  	v36 =	vld [tilespmem:s4+$0x6470];
	v12 =	vmul.f32 v12, v12;
	v13 =	vmul.f32 v13, v13  }
0x76: {  	v37 =	vld [tilespmem:s4+$0x4B00];
	v14 =	vmul.f32 v14, v14;
	v15 =	vmul.f32 v15, v15  }
0x77: {  	v38 =	vld [tilespmem:s4+$0x4B10];
	v16 =	vmul.f32 v16, v16;
	v17 =	vmul.f32 v17, v17  }
0x78: {  	v39 =	vld [tilespmem:s4+$0x4B20];
	v18 =	vmul.f32 v18, v18;
	v19 =	vmul.f32 v19, v19  }
0x79: {  	v40 =	vld [tilespmem:s4+$0x4B30];
	v20 =	vmul.f32 v20, v20;
	v21 =	vmul.f32 v21, v21  }
0x7a: {  	v41 =	vld [tilespmem:s4+$0x4B40];
	v22 =	vmul.f32 v22, v22;
	v23 =	vmul.f32 v23, v23  }
0x7b: {  	v42 =	vld [tilespmem:s4+$0x4B50];
	v24 =	vmul.f32 v24, v24;
	v25 =	vmul.f32 v25, v25  }
0x7c: {  	v43 =	vld [tilespmem:s4+$0x4B60];
	v26 =	vmul.f32 v26, v26;
	v27 =	vmul.f32 v27, v27  }
0x7d: {  	v44 =	vld [tilespmem:s4+$0x4B70];
	v28 =	vmul.f32 v28, v28;
	v29 =	vmul.f32 v29, v29  }
0x7e: {  	v45 =	vld [tilespmem:s4+$0x3200];
	v30 =	vmul.f32 v30, v30;
	v31 =	vmul.f32 v31, v31  }
0x7f: {  	v46 =	vld [tilespmem:s4+$0x3210];
	v32 =	vmul.f32 v32, v32;
	v33 =	vmul.f32 v33, v33  }
0x80: {  	v47 =	vld [tilespmem:s4+$0x3220];
	v34 =	vmul.f32 v34, v34;
	v35 =	vmul.f32 v35, v35  }
0x81: {  	v48 =	vld [tilespmem:s4+$0x3230];
	v36 =	vmul.f32 v36, v36;
	v37 =	vmul.f32 v37, v37  }
0x82: {  	v49 =	vld [tilespmem:s4+$0x3240];
	v38 =	vmul.f32 v38, v38;
	v39 =	vmul.f32 v39, v39  }
0x83: {  	v50 =	vld [tilespmem:s4+$0x3250];
	v40 =	vmul.f32 v40, v40;
	v41 =	vmul.f32 v41, v41  }
0x84: {  	v51 =	vld [tilespmem:s4+$0x3260];
	v42 =	vmul.f32 v42, v42;
	v43 =	vmul.f32 v43, v43  }
0x85: {  	v52 =	vld [tilespmem:s4+$0x3270];
	v44 =	vmul.f32 v44, v44;
	v45 =	vmul.f32 v45, v45  }
0x86: {  	v53 =	vld [tilespmem:s4+$0x1900];
	v46 =	vmul.f32 v46, v46;
	v47 =	vmul.f32 v47, v47  }
0x87: {  	v54 =	vld [tilespmem:s4+$0x1910];
	v48 =	vmul.f32 v48, v48;
	v49 =	vmul.f32 v49, v49;
	v5 =	vadd.f32 v9, v5  }
0x88: {  	v55 =	vld [tilespmem:s4+$0x1920];
	v50 =	vmul.f32 v50, v50;
	v6 =	vadd.f32 v10, v6;
	v7 =	vadd.f32 v11, v7  }
0x89: {  	v1 =	vmovc v56;
	v56 =	vld [tilespmem:s4+$0x1930];
	v51 =	vmul.f32 v51, v51;
	v8 =	vadd.f32 v12, v8;
	v13 =	vadd.f32 v17, v13  }
0x8a: {  	v59 =	vld [tilespmem:s4+$0x1960];
	v52 =	vmul.f32 v52, v52;
	v14 =	vadd.f32 v18, v14;
	v15 =	vadd.f32 v19, v15  }
0x8b: {  	v60 =	vld [tilespmem:s4+$0x1970];
	v53 =	vmul.f32 v53, v53;
	v16 =	vadd.f32 v20, v16;
	v21 =	vadd.f32 v25, v21  }
0x8c: {  	v2 =	vld [tilespmem:s4+$0x1940];
	v54 =	vmul.f32 v54, v54;
	v22 =	vadd.f32 v26, v22;
	v23 =	vadd.f32 v27, v23  }
0x8d: {  	v58 =	vld [tilespmem:s4+$0x1950];
	v55 =	vmul.f32 v55, v55;
	v24 =	vadd.f32 v28, v24;
	v28 =	vadd.f32 v33, v29  }
0x8e: {  	v10 =	vmul.f32 v56, v56;
	v29 =	vadd.f32 v34, v30;
	v31 =	vadd.f32 v35, v31  }
0x8f: {  	v20 =	vmul.f32 v59, v59;
	v32 =	vadd.f32 v36, v32;
	v34 =	vadd.f32 v41, v37  }
0x90: {  	v26 =	vmul.f32 v60, v60;
	v59 =	vadd.f32 v42, v38;
	v60 =	vadd.f32 v43, v39  }
0x91: {  	v9 =	vld [tilespmem:s4+$0x0];
	v12 =	vmul.f32 v2, v2;
	v44 =	vadd.f32 v44, v40;
	v49 =	vadd.f32 v49, v45  }
0x92: {  	v0 =	vmovc v57;
	v11 =	vld [tilespmem:s4+$0x10];
	v18 =	vmul.f32 v58, v58;
	v56 =	vadd.f32 v50, v46;
	v57 =	vadd.f32 v51, v47  }
0x93: {  	v17 =	vld [tilespmem:s4+$0x20];
	v58 =	vadd.f32 v52, v48;
	v12 =	vadd.f32 v12, v53  }
0x94: {  	v19 =	vld [tilespmem:s4+$0x30];
	v18 =	vadd.f32 v18, v54;
	v20 =	vadd.f32 v20, v55  }
0x95: {  	v25 =	vld [tilespmem:s4+$0x40];
	v10 =	vadd.f32 v26, v10;
	v13 =	vadd.f32 v15, v13  }
0x96: {  	v27 =	vld [tilespmem:s4+$0x50];
	v14 =	vadd.f32 v16, v14;
	v15 =	vadd.f32 v23, v21  }
0x97: {  	v30 =	vld [tilespmem:s4+$0x60];
	v16 =	vadd.f32 v24, v22;
	v22 =	vadd.f32 v31, v28  }
0x98: {  	v2 =	vld [tilespmem:s4+$0x70];
	v23 =	vadd.f32 v32, v29;
	v28 =	vadd.f32 v44, v59  }
0x99: {  	v29 =	vadd.f32 v58, v56;
	v12 =	vadd.f32 v20, v12  }
0x9a: {  	s0 =	simm.s32 $0x80;
	v18 =	vadd.f32 v10, v18;
	v9 =	vmul.f32 v9, v9;
	v11 =	vmul.f32 v11, v11  }
0x9b: {  	v26 =	vld [tilespmem:s0+$0xAF10];
	v15 =	vadd.f32 v16, v15;
	v17 =	vmul.f32 v17, v17;
	v19 =	vmul.f32 v19, v19  }
0x9c: {  	v21 =	vld [tilespmem:s0+$0xAF40];
	v13 =	vadd.f32 v14, v13;
	v25 =	vmul.f32 v25, v25;
	v27 =	vmul.f32 v27, v27  }
0x9d: {  	v30 =	vmul.f32 v30, v30;
	v33 =	vmul.f32 v2, v2;
	v12 =	vadd.f32 v18, v12  }
0x9e: {  	v24 =	vld [tilespmem:s0+$0xAF50];
	v9 =	vadd.f32 v25, v9;
	v11 =	vadd.f32 v27, v11  }
0x9f: {  	v17 =	vadd.f32 v30, v17;
	v19 =	vadd.f32 v33, v19  }
0xa0: {  	v25 =	vld [tilespmem:s0+$0xAF00];
	v27 =	vadd.f32 v7, v5;
	v30 =	vadd.f32 v8, v6;
	v3 =	vmul.f32 v26, v26  }
0xa1: {  	v26 =	vadd.f32 v57, v49;
	v5 =	vmul.f32 v21, v21;
	v21 =	vperm.xlane v13, v63  }
0xa2: {  	v17 =	vadd.f32 v17, v9;
	v11 =	vadd.f32 v19, v11  }
0xa3: {  	v6 =	vmul.f32 v24, v24;
	v20 =	vadd.f32 v29, v26;
	v26 =	vld [tilespmem:s0+$0x9610];
	v13 =	vadd.f32 v13, v21  }
0xa4: {  	v24 =	vperm.xlane v15, v63;
	v21 =	vld [tilespmem:s0+$0x9640];
	v11 =	vadd.f32 v11, v17;
	v17 =	vadd.f32 v30, v27  }
0xa5: {  	v27 =	vperm.xlane v20, v63;
	v2 =	vmul.f32 v25, v25;
	v25 =	vadd.f32 v60, v34  }
0xa6: {  	v37 =	vld [tilespmem:s0+$0x7D30];
	v18 =	vadd.f32 v23, v22;
	v15 =	vadd.f32 v15, v24;
	v16 =	vperm.xlane v11, v63  }
0xa7: {  	v38 =	vld [tilespmem:s0+$0x7D70];
	v22 =	vperm.xlane v17, v63;
	v20 =	vadd.f32 v20, v27;
	v25 =	vadd.f32 v28, v25  }
0xa8: {  	v27 =	vld [tilespmem:s0+$0x9650];
	v28 =	vperm.xlane v18, v63;
	v11 =	vadd.f32 v11, v16;
	v16 =	vperm.xlane v12, v63  }
0xa9: {  	v39 =	vld [tilespmem:s0+$0x6400];
	v10 =	vmul.f32 v26, v26;
	v9 =	vmul.f32 v21, v21;
	v5 =	vadd.f32 v5, v2  }
0xaa: {  	v36 =	vld [tilespmem:s0+$0x3260];
	v18 =	vadd.f32 v18, v28;
	v30 =	vperm.xlane v11, v62;
	v12 =	vadd.f32 v12, v16  }
0xab: {  	v31 =	vld [tilespmem:s0+$0x9660];
	v28 =	vperm.xlane v15, v62;
	v16 =	vadd.f32 v17, v22;
	v22 =	vperm.xlane v25, v63  }
0xac: {  	v32 =	vld [tilespmem:s0+$0x7D50];
	v44 =	vperm.xlane v18, v62;
	v11 =	vadd.f32 v11, v30;
	v24 =	vperm.xlane v12, v62  }
0xad: {  	v53 =	vld [tilespmem:s0+$0x6410];
	v27 =	vmul.f32 v27, v27;
	v22 =	vadd.f32 v25, v22;
	v25 =	vperm.xlane v13, v62  }
0xae: {  	v54 =	vld [tilespmem:s0+$0x6420];
	v59 =	vperm.xlane v11, v0;
	v12 =	vadd.f32 v12, v24;
	v24 =	vperm.xlane v20, v62  }
0xaf: {  	v56 =	vld [tilespmem:s0+$0x6430];
	v15 =	vadd.f32 v15, v28;
	v30 =	vperm.xlane v16, v62;
	v60 =	vperm.xlane v22, v62  }
0xb0: {  	v58 =	vld [tilespmem:s0+$0x6450];
	v11 =	vadd.f32 v11, v59;
	v43 =	vperm.xlane v12, v0;
	v20 =	vadd.f32 v20, v24  }
0xb1: {  	v14 =	vld [tilespmem:s0+$0xAF60];
	v18 =	vadd.f32 v18, v44;
	v51 =	vperm.xlane v15, v0;
	v22 =	vadd.f32 v22, v60  }
0xb2: {  	v23 =	vld [tilespmem:s0+$0x9600];
	v45 =	vperm.xlane v11, v1;
	v12 =	vadd.f32 v12, v43;
	v46 =	vperm.xlane v20, v0  }
0xb3: {  	v7 =	vld [tilespmem:s0+$0xAF20];
	v10 =	vadd.f32 v27, v10;
	v16 =	vadd.f32 v16, v30;
	v47 =	vperm.xlane v22, v0  }
0xb4: {  	v8 =	vld [tilespmem:s0+$0xAF30];
	v11 =	vadd.f32 v11, v45;
	v48 =	vperm.xlane v12, v1;
	v20 =	vadd.f32 v20, v46  }
0xb5: {  	v33 =	vld [tilespmem:s0+$0x9670];
	v13 =	vadd.f32 v13, v25;
	v49 =	vperm.xlane v18, v0;
	v22 =	vadd.f32 v22, v47  }
0xb6: {  	v19 =	vld [tilespmem:s0+$0xAF70];
	vm0 =	vgt.f32 v11, $-1.000000000e+00;
	v12 =	vadd.f32 v12, v48;
	v50 =	vperm.xlane v20, v1  }
0xb7: {  	v29 =	vld [tilespmem:s0+$0x9620];
	v18 =	vadd.f32 v18, v49;
	v43 =	vmul.f32 v14, v14;
	v11 =	vnsel vm0, $0xBF800000, v11  }
0xb8: {  	v21 =	vld [tilespmem:s0+$0x10];
	v52 =	vperm.xlane v22, v1;
	vm0 =	vgt.f32 v12, v11;
	v20 =	vadd.f32 v20, v50  }
0xb9: {  	v2 =	vld [tilespmem:s0+$0x50];
	v11 =	vsel vm0, v12, v11;
	v12 =	vadd.f32 v15, v51;
	v15 =	vperm.xlane v13, v0  }
0xba: {  	v17 =	vld [tilespmem:s0+$0x9630];
	v55 =	vperm.xlane v18, v1;
	v22 =	vadd.f32 v22, v52;
	vm1 =	vgt.f32 v20, v11  }
0xbb: {  	v63 =	vld [tilespmem:s0+$0x7D00];
	v11 =	vsel vm1, v20, v11;
	v13 =	vadd.f32 v13, v15;
	v15 =	vperm.xlane v16, v0  }
0xbc: {  	v28 =	vld [tilespmem:s0+$0x7D60];
	v18 =	vadd.f32 v18, v55;
	v57 =	vperm.xlane v12, v1;
	vm2 =	vgt.f32 v22, v11  }
0xbd: {  	v27 =	vld [tilespmem:s0+$0x30];
	v59 =	vsel vm0, $0x1, v61;
	v11 =	vsel vm2, v22, v11;
	v14 =	vadd.f32 v16, v15  }
0xbe: {  	v30 =	vld [tilespmem:s0+$0x7D20];
	v12 =	vadd.f32 v12, v57;
	v16 =	vperm.xlane v13, v1;
	vm3 =	vgt.f32 v18, v11  }
0xbf: {  	v25 =	vld [tilespmem:s0+$0x7D40];
	v34 =	vsel vm1, $0x2, v59;
	v11 =	vsel vm3, v18, v11  }
0xc0: {  	v24 =	vld [tilespmem:s0+$0x7D10];
	v18 =	vperm.xlane v14, v1;
	v13 =	vadd.f32 v13, v16;
	vm13 =	vgt.f32 v12, v11  }
0xc1: {  	v60 =	vld [tilespmem:s0+$0x4B00];
	v34 =	vsel vm2, $0x3, v34;
	v11 =	vsel vm13, v12, v11  }
0xc2: {  	v62 =	vld [tilespmem:s0+$0x3200];
	v34 =	vsel vm3, $0x4, v34;
	v14 =	vadd.f32 v14, v18;
	vm14 =	vgt.f32 v13, v11  }
0xc3: {  	v35 =	vmul.f32 v63, v63;
	v63 =	vld [tilespmem:s0+$0x3210];
	v34 =	vsel vm13, $0x5, v34;
	v11 =	vsel vm14, v13, v11  }
0xc4: {  	v49 =	vld [tilespmem:s0+$0x3240];
	v34 =	vsel vm14, $0x6, v34;
	vm15 =	vgt.f32 v14, v11  }
0xc5: {  	v47 =	vmul.f32 v30, v30;
	v30 =	vld [tilespmem:s0+$0x3220];
	v14 =	vsel vm15, $0x7, v34  }
0xc6: {  	v26 =	vmul.f32 v24, v24;
	v24 =	vmul.f32 v60, v60;
	v60 =	vld [tilespmem:s0+$0x1950];
	(v2sf) =	vpush v14, $0x0  }
0xc7: {  	v48 =	vmul.f32 v25, v25;
	v25 =	vld [tilespmem:s0+$0x3230]  }
0xc8: {  	v50 =	vld [tilespmem:s0+$0x3250]  }
0xc9: {  	v37 =	vmul.f32 v37, v37;
	v38 =	vmul.f32 v38, v38;
	v52 =	vld [tilespmem:s0+$0x3270]  }
0xca: {  	v39 =	vmul.f32 v39, v39;
	v40 =	vmul.f32 v53, v53;
	v61 =	vld [tilespmem:s0+$0x4B60]  }
0xcb: {  	v41 =	vmul.f32 v56, v56;
	v42 =	vmul.f32 v58, v58;
	v20 =	vld [tilespmem:s0+$0x6440]  }
0xcc: {  	v45 =	vmul.f32 v62, v62;
	v62 =	vmul.f32 v25, v25;
	v25 =	vld [tilespmem:s0+$0x1960]  }
0xcd: {  	v7 =	vmul.f32 v7, v7;
	v4 =	vmul.f32 v8, v8;
	v15 =	vld [tilespmem:s0+$0x6460]  }
0xce: {  	v33 =	vmul.f32 v33, v33;
	v8 =	vmul.f32 v19, v19;
	v22 =	vld [tilespmem:s0+$0x6470]  }
0xcf: {  	v29 =	vmul.f32 v29, v29;
	v19 =	vmul.f32 v31, v31;
	v16 =	vld [tilespmem:s0+$0x4B10]  }
0xd0: {  	v28 =	vmul.f32 v28, v28;
	v46 =	vmul.f32 v63, v63;
	v12 =	vld [tilespmem:s0+$0x4B20]  }
0xd1: {  	v63 =	vmul.f32 v36, v36;
	v49 =	vmul.f32 v49, v49;
	v18 =	vld [tilespmem:s0+$0x4B30]  }
0xd2: {  	v51 =	vmul.f32 v54, v54;
	v53 =	vmul.f32 v15, v15;
	v15 =	vld [tilespmem:s0+$0x1900]  }
0xd3: {  	v60 =	vmul.f32 v60, v60;
	v0 =	vmul.f32 v23, v23;
	v13 =	vld [tilespmem:s0+$0x4B40]  }
0xd4: {  	v50 =	vmul.f32 v50, v50;
	v52 =	vmul.f32 v52, v52;
	v11 =	vld [tilespmem:s0+$0x4B50]  }
0xd5: {  	v1 =	vmul.f32 v17, v17;
	v54 =	vmul.f32 v16, v16;
	v16 =	vld [tilespmem:s0+$0x1910];
	s9 =	spop (v2sf)  }
0xd6: {  	v6 =	vadd.f32 v6, v3;
	v34 =	vmul.f32 v61, v61;
	v61 =	vmul.f32 v30, v30;
	v30 =	vld [tilespmem:s0+$0x1970];
	s7 =	smul.u32 $0x6400, s9  }
0xd7: {  	v8 =	vadd.f32 v8, v4;
	v17 =	vmul.f32 v32, v32;
	v20 =	vmul.f32 v20, v20;
	v14 =	vld [tilespmem:s0+$0x4B70]  }
0xd8: {  	v7 =	vadd.f32 v43, v7;
	v22 =	vmul.f32 v22, v22;
	v55 =	vmul.f32 v12, v12;
	v12 =	vld [tilespmem:s0+$0x1920];
	s7 =	sshra.s32 s7, $0x2  }
0xd9: {  	v9 =	vadd.f32 v9, v0;
	v25 =	vmul.f32 v25, v25;
	v56 =	vmul.f32 v18, v18;
	v18 =	vld [tilespmem:s0+$0x1940];
	s9 =	sadd.s32 $0x0, s7  }
0xda: {  	v22 =	vadd.f32 v22, v41;
	v44 =	vmul.f32 v15, v15;
	v15 =	vadd.f32 v48, v35;
	v43 =	vld [tilespmem:s9+$0x0]  }
0xdb: {  	v23 =	vld [tilespmem:s0+$0x20];
	v35 =	vadd.f32 v52, v62;
	v57 =	vmul.f32 v13, v13;
	v58 =	vmul.f32 v11, v11  }
0xdc: {  	v36 =	vld [tilespmem:s0+$0x0];
	v32 =	vmul.f32 v16, v16;
	v16 =	vadd.f32 v17, v26;
	v17 =	vadd.f32 v28, v47  }
0xdd: {  	v48 =	vld [tilespmem:s0+$0x60];
	v26 =	vadd.f32 v34, v55;
	v28 =	vadd.f32 v49, v45;
	v30 =	vmul.f32 v30, v30  }
0xde: {  	s10 =	sshll.u32 s30, $0x6;
	v13 =	vld [tilespmem:s0+$0x1930];
	v34 =	vadd.f32 v63, v61;
	v59 =	vmul.f32 v14, v14;
	v11 =	vmul.f32 v12, v12  }
0xdf: {  	s11 =	sor.u32 s1, s10;
	v31 =	vmul.f32 v18, v18;
	v12 =	vadd.f32 v19, v29;
	v29 =	vld [tilespmem:s0+$0x40];
	v18 =	vadd.f32 v38, v37;
	[tilespmem:s4+$0x19000] =	vst v43  }
0xe0: {  	v19 =	vadd.f32 v20, v39;
	v20 =	vadd.f32 v42, v40;
	v37 =	vmul.f32 v23, v23;
	s7 =	smulhi.u32 $0x51EB851F, s11;
	v43 =	vld [tilespmem:s9+$0x10]  }
0xe1: {  	v23 =	vadd.f32 v57, v24;
	v24 =	vadd.f32 v58, v54;
	v38 =	vmul.f32 v27, v27  }
0xe2: {  	v40 =	vmul.f32 v2, v2;
	v32 =	vadd.f32 v60, v32;
	v42 =	vmul.f32 v48, v48;
	s7 =	sshrl.u32 s7, $0x6  }
0xe3: {  	v14 =	vmul.f32 v13, v13;
	v13 =	vadd.f32 v33, v1;
	v33 =	vmul.f32 v36, v36;
	s10 =	smul.u32 $0xC8, s7  }
0xe4: {  	v36 =	vmul.f32 v21, v21;
	v21 =	vadd.f32 v53, v51;
	v27 =	vadd.f32 v59, v56  }
0xe5: {  	v41 =	vld [tilespmem:s0+$0x70];
	v31 =	vadd.f32 v31, v44;
	v39 =	vmul.f32 v29, v29;
	v29 =	vadd.f32 v50, v46;
	s8 =	ssub.s32 s11, s10;
	s10 =	simm.s32 $0x400;
	[tilespmem:s4+$0x19010] =	vst v43  }
.LBB2_3:
0xe6: {  	v0 =	vld [tilespmem:$0x1FFF0]  }
0xe7: {  	v11 =	vadd.f32 v25, v11;
	v1 =	vld [tilespmem:$0x1FFC0]  }
0xe8: {  	v2 =	vld [tilespmem:$0x1FFD0];
	v25 =	vadd.f32 v30, v14;
	v33 =	vadd.f32 v39, v33  }
0xe9: {  	s11 =	sshra.s32 s10, $0x2;
	v14 =	vld [tilespmem:s9+$0x20];
	v36 =	vadd.f32 v40, v36;
	v37 =	vadd.f32 v42, v37  }
0xea: {  	v30 =	vld [tilespmem:s11+$0xAF00];
	v52 =	vadd.f32 v7, v5;
	v53 =	vadd.f32 v8, v6  }
0xeb: {  	v50 =	vld [tilespmem:s11+$0xAF10];
	v12 =	vadd.f32 v12, v9;
	v13 =	vadd.f32 v13, v10  }
0xec: {  	v51 =	vld [tilespmem:s11+$0xAF20];
	v15 =	vadd.f32 v17, v15;
	v16 =	vadd.f32 v18, v16  }
0xed: {  	v8 =	vld [tilespmem:s11+$0xAF30];
	v17 =	vadd.f32 v21, v19;
	v19 =	vadd.f32 v22, v20  }
0xee: {  	v9 =	vld [tilespmem:s11+$0xAF40];
	v21 =	vadd.f32 v26, v23;
	v22 =	vadd.f32 v27, v24;
	v41 =	vmul.f32 v41, v41;
	[tilespmem:s4+$0x19020] =	vst v14  }
0xef: {  	v23 =	vadd.f32 v34, v28;
	v24 =	vadd.f32 v35, v29;
	v10 =	vld [tilespmem:s9+$0x30]  }
0xf0: {  	v45 =	vld [tilespmem:$0x1FFE0];
	v28 =	vadd.f32 v11, v31;
	v38 =	vadd.f32 v41, v38  }
0xf1: {  	v26 =	vadd.f32 v37, v33;
	v23 =	vadd.f32 v24, v23;
	v20 =	vld [tilespmem:s11+$0xAF50]  }
0xf2: {  	v25 =	vadd.f32 v25, v32;
	v18 =	vld [tilespmem:s11+$0xAF60];
	v27 =	vadd.f32 v38, v36  }
0xf3: {  	v29 =	vadd.f32 v13, v12;
	v21 =	vadd.f32 v22, v21;
	v55 =	vperm.xlane v23, v0;
	v14 =	vld [tilespmem:s11+$0xAF70]  }
0xf4: {  	v25 =	vadd.f32 v25, v28;
	v11 =	vld [tilespmem:s11+$0x9600];
	v26 =	vadd.f32 v27, v26;
	[tilespmem:s4+$0x19030] =	vst v10  }
0xf5: {  	v28 =	vadd.f32 v19, v17;
	v5 =	vmul.f32 v30, v30;
	v57 =	vadd.f32 v23, v55;
	v30 =	vld [tilespmem:s9+$0x40]  }
0xf6: {  	v10 =	vmul.f32 v20, v20;
	v20 =	vadd.f32 v16, v15;
	v16 =	vperm.xlane v26, v0;
	v12 =	vld [tilespmem:s11+$0x9610]  }
0xf7: {  	v19 =	vperm.xlane v29, v0;
	v7 =	vmul.f32 v51, v51;
	v27 =	vadd.f32 v53, v52;
	v13 =	vld [tilespmem:s11+$0x9620]  }
0xf8: {  	v31 =	vperm.xlane v25, v0;
	v61 =	vperm.xlane v57, v1;
	v15 =	vld [tilespmem:s11+$0x9630];
	v26 =	vadd.f32 v26, v16  }
0xf9: {  	v56 =	vperm.xlane v28, v0;
	v29 =	vadd.f32 v29, v19;
	v24 =	vperm.xlane v27, v0;
	v17 =	vld [tilespmem:s11+$0x9650]  }
0xfa: {  	v25 =	vadd.f32 v25, v31;
	v32 =	vadd.f32 v57, v61;
	v16 =	vld [tilespmem:s11+$0x9640];
	v22 =	vperm.xlane v26, v1;
	[tilespmem:s4+$0x19040] =	vst v30  }
0xfb: {  	v54 =	vperm.xlane v20, v0;
	v24 =	vadd.f32 v27, v24;
	v27 =	vperm.xlane v21, v0;
	v31 =	vld [tilespmem:s9+$0x50]  }
0xfc: {  	v58 =	vperm.xlane v29, v1;
	v26 =	vadd.f32 v26, v22;
	v22 =	vperm.xlane v25, v1;
	v19 =	vld [tilespmem:s11+$0x9660]  }
0xfd: {  	v47 =	vperm.xlane v32, v2;
	v27 =	vadd.f32 v21, v27;
	v30 =	vadd.f32 v20, v54;
	v20 =	vld [tilespmem:s11+$0x9670]  }
0xfe: {  	v28 =	vadd.f32 v28, v56;
	v21 =	vld [tilespmem:s11+$0x7D00];
	v60 =	vperm.xlane v26, v2;
	v25 =	vadd.f32 v25, v22  }
0xff: {  	v32 =	vadd.f32 v32, v47;
	v59 =	vperm.xlane v24, v1;
	v62 =	vperm.xlane v27, v1;
	v23 =	vld [tilespmem:s11+$0x7D20]  }
0x100: {  	v29 =	vadd.f32 v29, v58;
	v22 =	vld [tilespmem:s11+$0x7D10];
	v26 =	vadd.f32 v26, v60;
	v43 =	vperm.xlane v25, v2;
	[tilespmem:s4+$0x19050] =	vst v31  }
0x101: {  	v51 =	vperm.xlane v32, v45;
	v24 =	vadd.f32 v24, v59;
	v27 =	vadd.f32 v27, v62;
	v44 =	vld [tilespmem:s9+$0x60]  }
0x102: {  	v31 =	vperm.xlane v28, v1;
	v46 =	vperm.xlane v26, v45;
	v25 =	vadd.f32 v25, v43;
	v37 =	vld [tilespmem:s11+$0x7D30]  }
0x103: {  	v32 =	vadd.f32 v32, v51;
	v63 =	vperm.xlane v30, v1;
	v48 =	vperm.xlane v27, v2;
	v39 =	vld [tilespmem:s11+$0x7D40]  }
0x104: {  	v36 =	vld [tilespmem:s11+$0x7D60];
	v28 =	vadd.f32 v28, v31;
	v26 =	vadd.f32 v26, v46;
	v49 =	vperm.xlane v25, v45  }
0x105: {  	v6 =	vmul.f32 v50, v50;
	v30 =	vadd.f32 v30, v63;
	v27 =	vadd.f32 v27, v48;
	v34 =	vld [tilespmem:s11+$0x7D70]  }
0x106: {  	v31 =	vld [tilespmem:s11+$0x7D50];
	v50 =	vperm.xlane v28, v2;
	vm0 =	vgt.f32 v26, $-1.000000000e+00;
	v25 =	vadd.f32 v25, v49;
	[tilespmem:s4+$0x19060] =	vst v44  }
0x107: {  	v63 =	vimm.s32 $0x0;
	v52 =	vperm.xlane v30, v2;
	v26 =	vnsel vm0, $0xBF800000, v26;
	v53 =	vld [tilespmem:s9+$0x70]  }
0x108: {  	v55 =	vperm.xlane v27, v45;
	v28 =	vadd.f32 v28, v50;
	vm0 =	vgt.f32 v25, v26;
	v54 =	vld [tilespmem:s11+$0x6400]  }
0x109: {  	v56 =	vld [tilespmem:s11+$0x6410];
	v25 =	vsel vm0, v25, v26;
	v26 =	vadd.f32 v30, v52;
	v30 =	vperm.xlane v29, v2  }
0x10a: {  	v27 =	vadd.f32 v27, v55;
	v57 =	vld [tilespmem:s11+$0x6420];
	vm1 =	vgt.f32 v32, v25;
	v58 =	vperm.xlane v28, v45  }
0x10b: {  	v59 =	vld [tilespmem:s11+$0x6430];
	v25 =	vsel vm1, v32, v25;
	v29 =	vadd.f32 v29, v30;
	v30 =	vperm.xlane v24, v2  }
0x10c: {  	v60 =	vld [tilespmem:s11+$0x6440];
	v61 =	vperm.xlane v26, v45;
	vm2 =	vgt.f32 v27, v25;
	v28 =	vadd.f32 v28, v58;
	[tilespmem:s4+$0x19070] =	vst v53;
	s4 =	smov.u32 s0;
	s0 =	smov.u32 s11  }
0x10d: {  	v43 =	vsel vm0, $0x1, v63;
	v25 =	vsel vm2, v27, v25;
	v24 =	vadd.f32 v24, v30;
	v38 =	vld [tilespmem:s0+$0x6450]  }
0x10e: {  	v26 =	vadd.f32 v26, v61;
	v30 =	vperm.xlane v29, v45;
	vm3 =	vgt.f32 v28, v25;
	v27 =	vld [tilespmem:s0+$0x6460]  }
0x10f: {  	v43 =	vsel vm1, $0x2, v43;
	v62 =	vld [tilespmem:s0+$0x6470];
	v25 =	vsel vm3, v28, v25  }
0x110: {  	v28 =	vperm.xlane v24, v45;
	v44 =	vld [tilespmem:s0+$0x4B00];
	v29 =	vadd.f32 v29, v30;
	vm13 =	vgt.f32 v26, v25  }
0x111: {  	v30 =	vld [tilespmem:s0+$0x4B10];
	v45 =	vmul.f32 v14, v14;
	v14 =	vsel vm2, $0x3, v43;
	v25 =	vsel vm13, v26, v25  }
0x112: {  	v46 =	vld [tilespmem:s0+$0x3210];
	v14 =	vsel vm3, $0x4, v14;
	v24 =	vadd.f32 v24, v28;
	vm14 =	vgt.f32 v29, v25  }
0x113: {  	v43 =	vmul.f32 v11, v11;
	v47 =	vld [tilespmem:s0+$0x3220];
	v11 =	vsel vm13, $0x5, v14;
	v14 =	vsel vm14, v29, v25  }
0x114: {  	v48 =	vld [tilespmem:s0+$0x3230];
	v11 =	vsel vm14, $0x6, v11;
	vm15 =	vgt.f32 v24, v14  }
0x115: {  	v49 =	vld [tilespmem:s0+$0x3240];
	v11 =	vsel vm15, $0x7, v11  }
0x116: {  	v50 =	vld [tilespmem:s0+$0x3250];
	(v2sf) =	vpush v11, $0x0  }
0x117: {  	v8 =	vmul.f32 v8, v8;
	v51 =	vld [tilespmem:s0+$0x3260]  }
0x118: {  	v9 =	vmul.f32 v9, v9;
	v18 =	vmul.f32 v18, v18;
	v52 =	vld [tilespmem:s0+$0x3270]  }
0x119: {  	v12 =	vmul.f32 v12, v12;
	v13 =	vmul.f32 v13, v13;
	v2 =	vld [tilespmem:s0+$0x1900]  }
0x11a: {  	v15 =	vmul.f32 v15, v15;
	v17 =	vmul.f32 v17, v17;
	v55 =	vld [tilespmem:s0+$0x1920]  }
0x11b: {  	v16 =	vmul.f32 v16, v16;
	v32 =	vmul.f32 v60, v60;
	v60 =	vld [tilespmem:s0+$0x1960]  }
0x11c: {  	v19 =	vmul.f32 v19, v19;
	v20 =	vmul.f32 v20, v20;
	v61 =	vld [tilespmem:s0+$0x1970]  }
0x11d: {  	v21 =	vmul.f32 v21, v21;
	v23 =	vmul.f32 v23, v23;
	v0 =	vld [tilespmem:s0+$0x10]  }
0x11e: {  	v22 =	vmul.f32 v22, v22;
	v37 =	vmul.f32 v37, v37;
	v3 =	vld [tilespmem:s0+$0x40]  }
0x11f: {  	v39 =	vmul.f32 v39, v39;
	v36 =	vmul.f32 v36, v36;
	v26 =	vld [tilespmem:s0+$0x4B20]  }
0x120: {  	v5 =	vadd.f32 v9, v5;
	v34 =	vmul.f32 v34, v34;
	v31 =	vmul.f32 v31, v31;
	v28 =	vld [tilespmem:s0+$0x4B30]  }
0x121: {  	v40 =	vmul.f32 v54, v54;
	v41 =	vmul.f32 v56, v56;
	v9 =	vadd.f32 v16, v43;
	v43 =	vld [tilespmem:s0+$0x30]  }
0x122: {  	v35 =	vmul.f32 v57, v57;
	v42 =	vmul.f32 v59, v59;
	v16 =	vadd.f32 v31, v22;
	v31 =	vld [tilespmem:s0+$0x50]  }
0x123: {  	v6 =	vadd.f32 v10, v6;
	v25 =	vld [tilespmem:s0+$0x4B40];
	v38 =	vmul.f32 v38, v38;
	v27 =	vmul.f32 v27, v27  }
0x124: {  	v7 =	vadd.f32 v18, v7;
	v29 =	vld [tilespmem:s0+$0x3200];
	v53 =	vmul.f32 v62, v62;
	v44 =	vmul.f32 v44, v44  }
0x125: {  	v10 =	vadd.f32 v17, v12;
	v14 =	vld [tilespmem:s0+$0x4B50];
	v54 =	vmul.f32 v30, v30;
	v46 =	vmul.f32 v46, v46;
	s11 =	spop (v2sf)  }
0x126: {  	v12 =	vadd.f32 v19, v13;
	v24 =	vld [tilespmem:s0+$0x4B60];
	v47 =	vmul.f32 v47, v47;
	v48 =	vmul.f32 v48, v48;
	s9 =	smul.u32 $0x6400, s11  }
0x127: {  	v13 =	vadd.f32 v20, v15;
	v30 =	vld [tilespmem:s0+$0x1910];
	v49 =	vmul.f32 v49, v49;
	v50 =	vmul.f32 v50, v50  }
0x128: {  	v15 =	vadd.f32 v39, v21;
	v51 =	vmul.f32 v51, v51;
	v52 =	vmul.f32 v52, v52;
	v11 =	vld [tilespmem:s0+$0x4B70];
	s9 =	sshra.s32 s9, $0x2  }
0x129: {  	v17 =	vadd.f32 v36, v23;
	v63 =	vmul.f32 v2, v2;
	v56 =	vmul.f32 v25, v25;
	v25 =	vld [tilespmem:s0+$0x1950];
	s9 =	sadd.s32 s4, s9  }
0x12a: {  	v8 =	vadd.f32 v45, v8;
	v36 =	vmul.f32 v0, v0;
	v39 =	vmul.f32 v3, v3;
	v45 =	vld [tilespmem:s9+$0x0]  }
0x12b: {  	v18 =	vadd.f32 v34, v37;
	v62 =	vld [tilespmem:s0+$0x0];
	v26 =	vmul.f32 v26, v26;
	v28 =	vmul.f32 v28, v28  }
0x12c: {  	v20 =	vadd.f32 v38, v41;
	v38 =	vmul.f32 v43, v43;
	v57 =	vmul.f32 v14, v14;
	v14 =	vld [tilespmem:s0+$0x1930]  }
0x12d: {  	v19 =	vadd.f32 v32, v40;
	v40 =	vmul.f32 v31, v31;
	v58 =	vmul.f32 v24, v24;
	v24 =	vld [tilespmem:s0+$0x1940]  }
0x12e: {  	v21 =	vadd.f32 v27, v35;
	v59 =	vmul.f32 v11, v11;
	v11 =	vmul.f32 v55, v55;
	v55 =	vld [tilespmem:s0+$0x20]  }
0x12f: {  	v22 =	vadd.f32 v53, v42;
	v2 =	vmul.f32 v25, v25;
	v25 =	vmul.f32 v60, v60;
	v60 =	vld [tilespmem:s0+$0x60];
	[tilespmem:s4+$0x19000] =	vst v45  }
0x130: {  	p2 =	sne.s32 s10, $0x6200;
	v34 =	vadd.f32 v51, v47;
	v35 =	vadd.f32 v52, v48;
	v33 =	vmul.f32 v62, v62;
	v62 =	vld [tilespmem:s9+$0x10]  }
.Ltmp4:
0x131: {  	v29 =	vmul.f32 v29, v29;
	v4 =	vmul.f32 v30, v30;
	v23 =	vadd.f32 v56, v44;
	(pc) =	sbr.rel @p2 .LBB2_3-.Ltmp4, $4  }
0x132: {  	v30 =	vmul.f32 v61, v61;
	v26 =	vadd.f32 v58, v26;
	v27 =	vadd.f32 v59, v28  }
0x133: {  	v28 =	vadd.f32 v49, v29;
	v29 =	vadd.f32 v50, v46;
	v1 =	vmul.f32 v24, v24  }
0x134: {  	v14 =	vmul.f32 v14, v14;
	v24 =	vadd.f32 v57, v54;
	v32 =	vadd.f32 v2, v4  }
0x135: {  	s10 =	sadd.s32 $0x200, s10;
	v37 =	vmul.f32 v55, v55;
	v31 =	vadd.f32 v1, v63;
	v42 =	vmul.f32 v60, v60;
	v41 =	vld [tilespmem:s0+$0x70];
	[tilespmem:s4+$0x19010] =	vst v62  }
0x136: {  	v1 =	vadd.f32 v25, v11;
	v2 =	vadd.f32 v30, v14  }
0x137: {  	v3 =	vadd.f32 v39, v33;
	v4 =	vadd.f32 v40, v36  }
0x138: {  	v5 =	vadd.f32 v7, v5;
	v6 =	vadd.f32 v8, v6  }
0x139: {  	v51 =	vadd.f32 v12, v9;
	v52 =	vadd.f32 v13, v10  }
0x13a: {  	v53 =	vadd.f32 v17, v15;
	v54 =	vadd.f32 v18, v16  }
0x13b: {  	v55 =	vadd.f32 v21, v19;
	v56 =	vadd.f32 v22, v20;
	v0 =	vmul.f32 v41, v41  }
0x13c: {  	v57 =	vadd.f32 v26, v23;
	v58 =	vadd.f32 v27, v24  }
0x13d: {  	v50 =	vadd.f32 v42, v37;
	v0 =	vadd.f32 v0, v38  }
0x13e: {  	v59 =	vadd.f32 v34, v28;
	v20 =	vadd.f32 v35, v29;
	v63 =	vld [tilespmem:$0x1FFF0]  }
0x13f: {  	v3 =	vadd.f32 v50, v3;
	v0 =	vadd.f32 v0, v4  }
0x140: {  	v1 =	vadd.f32 v1, v31;
	v2 =	vadd.f32 v2, v32  }
0x141: {  	v21 =	vadd.f32 v6, v5;
	v0 =	vadd.f32 v0, v3  }
0x142: {  	v62 =	vld [tilespmem:$0x1FFC0];
	v23 =	vadd.f32 v52, v51;
	v25 =	vadd.f32 v56, v55  }
0x143: {  	v26 =	vadd.f32 v20, v59;
	v1 =	vadd.f32 v2, v1;
	v24 =	vperm.xlane v0, v63  }
0x144: {  	v30 =	vadd.f32 v58, v57;
	v8 =	vperm.xlane v23, v63;
	v27 =	vperm.xlane v21, v63  }
0x145: {  	v29 =	vperm.xlane v26, v63;
	v28 =	vperm.xlane v1, v63;
	v0 =	vadd.f32 v0, v24  }
0x146: {  	v22 =	vadd.f32 v54, v53;
	v57 =	vld [tilespmem:$0x1FFD0];
	v13 =	vperm.xlane v25, v63;
	v32 =	vperm.xlane v30, v63  }
0x147: {  	v5 =	vadd.f32 v23, v8;
	v1 =	vadd.f32 v1, v28;
	v31 =	vperm.xlane v0, v62  }
0x148: {  	v10 =	vperm.xlane v22, v63;
	v7 =	vadd.f32 v26, v29;
	v6 =	vadd.f32 v30, v32  }
0x149: {  	v2 =	vadd.f32 v25, v13;
	v33 =	vperm.xlane v1, v62;
	v0 =	vadd.f32 v0, v31  }
0x14a: {  	v56 =	vld [tilespmem:$0x1FFE0];
	v4 =	vadd.f32 v22, v10;
	v34 =	vperm.xlane v5, v62;
	v37 =	vperm.xlane v7, v62  }
0x14b: {  	v12 =	vperm.xlane v6, v62;
	v1 =	vadd.f32 v1, v33;
	v36 =	vperm.xlane v0, v57  }
0x14c: {  	v40 =	vperm.xlane v2, v62;
	v3 =	vadd.f32 v21, v27;
	v7 =	vadd.f32 v7, v37  }
0x14d: {  	v6 =	vadd.f32 v6, v12;
	v39 =	vperm.xlane v1, v57;
	v0 =	vadd.f32 v0, v36  }
0x14e: {  	v38 =	vperm.xlane v4, v62;
	v2 =	vadd.f32 v2, v40;
	v5 =	vadd.f32 v5, v34  }
0x14f: {  	v42 =	vperm.xlane v7, v57;
	v1 =	vadd.f32 v1, v39;
	v41 =	vperm.xlane v0, v56  }
0x150: {  	v35 =	vperm.xlane v3, v62;
	v4 =	vadd.f32 v4, v38;
	v12 =	vperm.xlane v6, v57  }
0x151: {  	v7 =	vadd.f32 v7, v42;
	v43 =	vperm.xlane v1, v56;
	v0 =	vadd.f32 v0, v41  }
0x152: {  	v44 =	vperm.xlane v2, v57;
	v49 =	vperm.xlane v5, v57;
	v6 =	vadd.f32 v6, v12  }
0x153: {  	v45 =	vperm.xlane v7, v56;
	v1 =	vadd.f32 v1, v43;
	vm0 =	vgt.f32 v0, $-1.000000000e+00  }
0x154: {  	v46 =	vperm.xlane v4, v57;
	v2 =	vadd.f32 v2, v44;
	v0 =	vnsel vm0, $0xBF800000, v0  }
0x155: {  	v47 =	vperm.xlane v6, v56;
	v7 =	vadd.f32 v7, v45;
	vm0 =	vgt.f32 v1, v0  }
0x156: {  	v3 =	vadd.f32 v3, v35;
	v48 =	vadd.f32 v4, v46;
	v0 =	vsel vm0, v1, v0  }
0x157: {  	v50 =	vperm.xlane v2, v56;
	v6 =	vadd.f32 v6, v47;
	vm1 =	vgt.f32 v7, v0  }
0x158: {  	v4 =	vadd.f32 v5, v49;
	v51 =	vperm.xlane v3, v57;
	v0 =	vsel vm1, v7, v0  }
0x159: {  	v52 =	vperm.xlane v48, v56;
	v2 =	vadd.f32 v2, v50;
	vm2 =	vgt.f32 v6, v0  }
0x15a: {  	v54 =	vimm.s32 $0x0;
	v3 =	vadd.f32 v3, v51;
	v0 =	vsel vm2, v6, v0  }
0x15b: {  	v53 =	vperm.xlane v4, v56;
	v1 =	vadd.f32 v48, v52;
	vm3 =	vgt.f32 v2, v0  }
0x15c: {  	v55 =	vperm.xlane v3, v56;
	v6 =	vsel vm0, $0x1, v54;
	v0 =	vsel vm3, v2, v0  }
0x15d: {  	v4 =	vadd.f32 v4, v53;
	v6 =	vsel vm1, $0x2, v6;
	vm13 =	vgt.f32 v1, v0  }
0x15e: {  	v58 =	vsel vm2, $0x3, v6;
	v0 =	vsel vm13, v1, v0  }
0x15f: {  	v2 =	vadd.f32 v3, v55;
	v59 =	vsel vm3, $0x4, v58;
	vm14 =	vgt.f32 v4, v0  }
0x160: {  	v1 =	vsel vm13, $0x5, v59;
	v0 =	vsel vm14, v4, v0  }
0x161: {  	v1 =	vsel vm14, $0x6, v1;
	vm15 =	vgt.f32 v2, v0  }
0x162: {  	v0 =	vsel vm15, $0x7, v1  }
0x163: {  	(v2sf) =	vpush v0, $0x0;
	_ =	sdelay $0xe  }
0x164: {  	s10 =	spop (v2sf)  }
0x165: {  	s10 =	smul.u32 $0x6400, s10;
	_ =	sdelay $0x1  }
0x166: {  	s10 =	sshra.s32 s10, $0x2  }
0x167: {  	s10 =	sadd.s32 s0, s10  }
0x168: {  	v60 =	vld [tilespmem:s10+$0x0];
	_ =	sdelay $0x4  }
0x169: {  	[tilespmem:s0+$0x19000] =	vst v60  }
0x16a: {  	v0 =	vld [tilespmem:s10+$0x10];
	_ =	sdelay $0x4  }
0x16b: {  	v61 =	vld [tilespmem:s9+$0x20];
	[tilespmem:s0+$0x19010] =	vst v0  }
0x16c: {  	v0 =	vld [tilespmem:s10+$0x20];
	_ =	sdelay $0x3  }
0x16d: {  	[tilespmem:s4+$0x19020] =	vst v61  }
0x16e: {  	v1 =	vld [tilespmem:s9+$0x30];
	[tilespmem:s0+$0x19020] =	vst v0  }
0x16f: {  	v0 =	vld [tilespmem:s10+$0x30];
	_ =	sdelay $0x3  }
0x170: {  	[tilespmem:s4+$0x19030] =	vst v1  }
0x171: {  	v1 =	vld [tilespmem:s9+$0x40];
	[tilespmem:s0+$0x19030] =	vst v0  }
0x172: {  	v0 =	vld [tilespmem:s10+$0x40];
	_ =	sdelay $0x3  }
0x173: {  	[tilespmem:s4+$0x19040] =	vst v1  }
0x174: {  	v1 =	vld [tilespmem:s9+$0x50];
	[tilespmem:s0+$0x19040] =	vst v0  }
0x175: {  	v0 =	vld [tilespmem:s10+$0x50];
	_ =	sdelay $0x3  }
0x176: {  	[tilespmem:s4+$0x19050] =	vst v1  }
0x177: {  	v1 =	vld [tilespmem:s9+$0x60];
	[tilespmem:s0+$0x19050] =	vst v0  }
0x178: {  	v0 =	vld [tilespmem:s10+$0x60];
	_ =	sdelay $0x3  }
0x179: {  	[tilespmem:s4+$0x19060] =	vst v1  }
0x17a: {  	v1 =	vld [tilespmem:s9+$0x70];
	[tilespmem:s0+$0x19060] =	vst v0  }
0x17b: {  	s7 =	smul.u32 $0x138800, s7;
	v0 =	vld [tilespmem:s10+$0x70]  }
0x17c: {  	s8 =	smul.u32 $0x1900, s8  }
.Ltmp5:
0x17d: {  	_ = 	snop;
	(pc) =	sbr.rel @p1 .LBB2_8-.Ltmp5, $4  }
0x17e: {  	s7 =	sadd.s32 s8, s7  }
0x17f: {  	[tilespmem:s4+$0x19070] =	vst v1;
	s10 =	sshrl.u32 s7, $0x3  }
0x180: {  	s11 =	sadd.s32 s3, s10;
	[tilespmem:s0+$0x19070] =	vst v0  }
0x181: {  	v61 =	vimm.s32 $0x0;
	[hbm4b:s11+s5] =	stream.linear.scatter [tilespmem:s23], [sflag:$0x3], $0x1900, $0x38;
	[tilespmem:$0x1C200] =	vst v63  }
0x182: {  	_ =	swait.ge [sflag:s24], $0x1900  }
0x183: {  	[sflag:s24] =	ssyncset.done $0x0  }
0x184: {  	[sflag:s24] =	ssyncadd.s32 $0xFFFFE700  }
0x185: {  	_ =	swait.ge [sflag:s24], $0x1900  }
0x186: {  	[sflag:s24] =	ssyncset.done $0x0  }
0x187: {  	[sflag:s24] =	ssyncadd.s32 $0xFFFFE700  }
0x188: {  	_ =	swait.ge [sflag:s24], $0x1900  }
0x189: {  	[sflag:s24] =	ssyncset.done $0x0  }
0x18a: {  	[sflag:s24] =	ssyncadd.s32 $0xFFFFE700  }
0x18b: {  	_ =	swait.ge [sflag:s24], $0x1900  }
0x18c: {  	[sflag:s24] =	ssyncset.done $0x0  }
0x18d: {  	[sflag:s24] =	ssyncadd.s32 $0xFFFFE700  }
0x18e: {  	s0 =	sadd.s32 $0x20, s31;
	_ =	swait.ge [sflag:s24], $0x1900  }
0x18f: {  	s4 =	smulhi.u32 $0x51EB851F, s0;
	[sflag:s24] =	ssyncset.done $0x0  }
0x190: {  	[sflag:s24] =	ssyncadd.s32 $0xFFFFE700  }
0x191: {  	s4 =	sshrl.u32 s4, $0x6;
	_ =	swait.ge [sflag:s24], $0x1900  }
0x192: {  	s7 =	smul.u32 $0xC8, s4;
	[sflag:s24] =	ssyncset.done $0x0  }
0x193: {  	[sflag:s24] =	ssyncadd.s32 $0xFFFFE700  }
0x194: {  	s4 =	smul.u32 $0x9C4000, s4;
	s0 =	ssub.s32 s0, s7;
	_ =	swait.ge [sflag:s24], $0x1900  }
0x195: {  	s0 =	smul.u32 $0x1900, s0;
	[sflag:s24] =	ssyncset.done $0x0  }
0x196: {  	[sflag:s24] =	ssyncadd.s32 $0xFFFFE700  }
0x197: {  	s0 =	sadd.s32 s0, s4;
	_ =	swait.ge [sflag:s24], $0x1900  }
0x198: {  	s0 =	sshrl.u32 s0, $0x3;
	[sflag:s24] =	ssyncset.done $0x0  }
0x199: {  	s0 =	sadd.s32 s2, s0;
	[sflag:s24] =	ssyncadd.s32 $0xFFFFE700  }
0x19a: {  	[tilespmem:s5], [sflag:$0x1] =	stream.linear.gather [hbm4b:s0+s5], $0x1900, $0x38;
	[tilespmem:$0x1C200] =	vst v63  }
0x19b: {  	s9 =	sadd.s32 $0x27100, s0  }
0x19c: {  	[tilespmem:s15], [sflag:$0x1] =	stream.linear.gather [hbm4b:s9+s5], $0x1900, $0x38;
	[tilespmem:$0x1C200] =	vst v63  }
0x19d: {  	s10 =	sadd.s32 $0x4E200, s0  }
0x19e: {  	[tilespmem:s16], [sflag:$0x1] =	stream.linear.gather [hbm4b:s10+s5], $0x1900, $0x38;
	[tilespmem:$0x1C200] =	vst v63  }
0x19f: {  	s11 =	sadd.s32 $0x75300, s0  }
0x1a0: {  	[tilespmem:s17], [sflag:$0x1] =	stream.linear.gather [hbm4b:s11+s5], $0x1900, $0x38;
	[tilespmem:$0x1C200] =	vst v63  }
0x1a1: {  	s7 =	sadd.s32 $0x9C400, s0  }
0x1a2: {  	[tilespmem:s18], [sflag:$0x1] =	stream.linear.gather [hbm4b:s7+s5], $0x1900, $0x38;
	[tilespmem:$0x1C200] =	vst v63  }
0x1a3: {  	s8 =	sadd.s32 $0xC3500, s0  }
0x1a4: {  	[tilespmem:s19], [sflag:$0x1] =	stream.linear.gather [hbm4b:s8+s5], $0x1900, $0x38;
	[tilespmem:$0x1C200] =	vst v63  }
0x1a5: {  	s9 =	sadd.s32 $0xEA600, s0  }
0x1a6: {  	[tilespmem:s20], [sflag:$0x1] =	stream.linear.gather [hbm4b:s9+s5], $0x1900, $0x38;
	[tilespmem:$0x1C200] =	vst v63  }
0x1a7: {  	s0 =	sadd.s32 $0x111700, s0  }
0x1a8: {  	[tilespmem:s21], [sflag:$0x1] =	stream.linear.gather [hbm4b:s0+s5], $0x1900, $0x38;
	[tilespmem:$0x1C200] =	vst v63  }
0x1a9: {  	s0 =	simm.s32 @!p0 $0x4  }
0x1aa: {  	_ =	swait.ge @!p0 [sflag:s0], $0x1900  }
0x1ab: {  	[sflag:s0] =	ssyncset.done @!p0 $0x0  }
0x1ac: {  	s4 =	simm.s32 $0x0;
	[sflag:s0] =	ssyncadd.s32 @!p0 $0xFFFFE700  }
0x1ad: {  	v0 =	vld [tilespmem:s4+$0x17700]  }
0x1ae: {  	v1 =	vld [tilespmem:s4+$0x17710]  }
0x1af: {  	v2 =	vld [tilespmem:s4+$0x17720]  }
0x1b0: {  	v3 =	vld [tilespmem:s4+$0x17730]  }
0x1b1: {  	v4 =	vld [tilespmem:s4+$0x17740]  }
0x1b2: {  	v5 =	vld [tilespmem:s4+$0x17750]  }
0x1b3: {  	v6 =	vld [tilespmem:s4+$0x17760]  }
0x1b4: {  	v7 =	vld [tilespmem:s4+$0x17770]  }
0x1b5: {  	v8 =	vld [tilespmem:s4+$0x15E00]  }
0x1b6: {  	v9 =	vld [tilespmem:s4+$0x15E10]  }
0x1b7: {  	v10 =	vld [tilespmem:s4+$0x15E20]  }
0x1b8: {  	v11 =	vld [tilespmem:s4+$0x15E30]  }
0x1b9: {  	v12 =	vld [tilespmem:s4+$0x15E40]  }
0x1ba: {  	v13 =	vld [tilespmem:s4+$0x15E50]  }
0x1bb: {  	v14 =	vld [tilespmem:s4+$0x15E60]  }
0x1bc: {  	v15 =	vld [tilespmem:s4+$0x15E70]  }
0x1bd: {  	v16 =	vld [tilespmem:s4+$0x14500]  }
0x1be: {  	v17 =	vld [tilespmem:s4+$0x14510]  }
0x1bf: {  	v18 =	vld [tilespmem:s4+$0x14520]  }
0x1c0: {  	v19 =	vld [tilespmem:s4+$0x14530]  }
0x1c1: {  	v20 =	vld [tilespmem:s4+$0x14540]  }
0x1c2: {  	v21 =	vld [tilespmem:s4+$0x14550]  }
0x1c3: {  	v22 =	vld [tilespmem:s4+$0x14560]  }
0x1c4: {  	v23 =	vld [tilespmem:s4+$0x14570]  }
0x1c5: {  	v24 =	vld [tilespmem:s4+$0x12C00]  }
0x1c6: {  	v25 =	vld [tilespmem:s4+$0x12C10]  }
0x1c7: {  	v26 =	vld [tilespmem:s4+$0x12C20]  }
0x1c8: {  	v27 =	vld [tilespmem:s4+$0x12C30];
	v0 =	vmul.f32 v0, v0;
	v1 =	vmul.f32 v1, v1  }
0x1c9: {  	v28 =	vld [tilespmem:s4+$0x12C40];
	v2 =	vmul.f32 v2, v2;
	v3 =	vmul.f32 v3, v3  }
0x1ca: {  	v29 =	vld [tilespmem:s4+$0x12C50];
	v4 =	vmul.f32 v4, v4;
	v5 =	vmul.f32 v5, v5  }
0x1cb: {  	v30 =	vld [tilespmem:s4+$0x12C60];
	v6 =	vmul.f32 v6, v6;
	v7 =	vmul.f32 v7, v7  }
0x1cc: {  	v31 =	vld [tilespmem:s4+$0x12C70];
	v8 =	vmul.f32 v8, v8;
	v9 =	vmul.f32 v9, v9  }
0x1cd: {  	v32 =	vld [tilespmem:s4+$0x11300];
	v10 =	vmul.f32 v10, v10;
	v11 =	vmul.f32 v11, v11  }
0x1ce: {  	v33 =	vld [tilespmem:s4+$0x11310];
	v12 =	vmul.f32 v12, v12;
	v13 =	vmul.f32 v13, v13  }
0x1cf: {  	v34 =	vld [tilespmem:s4+$0x11320];
	v14 =	vmul.f32 v14, v14;
	v15 =	vmul.f32 v15, v15  }
0x1d0: {  	v35 =	vld [tilespmem:s4+$0x11330];
	v16 =	vmul.f32 v16, v16;
	v17 =	vmul.f32 v17, v17  }
0x1d1: {  	v36 =	vld [tilespmem:s4+$0x11340];
	v18 =	vmul.f32 v18, v18;
	v19 =	vmul.f32 v19, v19  }
0x1d2: {  	v37 =	vld [tilespmem:s4+$0x11350];
	v20 =	vmul.f32 v20, v20;
	v21 =	vmul.f32 v21, v21  }
0x1d3: {  	v38 =	vld [tilespmem:s4+$0x11360];
	v22 =	vmul.f32 v22, v22;
	v23 =	vmul.f32 v23, v23  }
0x1d4: {  	v39 =	vld [tilespmem:s4+$0x11370];
	v24 =	vmul.f32 v24, v24;
	v25 =	vmul.f32 v25, v25  }
0x1d5: {  	v40 =	vld [tilespmem:s4+$0xFA00];
	v26 =	vmul.f32 v26, v26;
	v27 =	vmul.f32 v27, v27  }
0x1d6: {  	v41 =	vld [tilespmem:s4+$0xFA10];
	v28 =	vmul.f32 v28, v28;
	v29 =	vmul.f32 v29, v29  }
0x1d7: {  	v42 =	vld [tilespmem:s4+$0xFA20];
	v30 =	vmul.f32 v30, v30;
	v31 =	vmul.f32 v31, v31  }
0x1d8: {  	v43 =	vld [tilespmem:s4+$0xFA30];
	v32 =	vmul.f32 v32, v32;
	v33 =	vmul.f32 v33, v33  }
0x1d9: {  	v44 =	vld [tilespmem:s4+$0xFA40];
	v34 =	vmul.f32 v34, v34;
	v35 =	vmul.f32 v35, v35  }
0x1da: {  	v45 =	vld [tilespmem:s4+$0xFA50];
	v36 =	vmul.f32 v36, v36;
	v37 =	vmul.f32 v37, v37  }
0x1db: {  	v46 =	vld [tilespmem:s4+$0xFA60];
	v38 =	vmul.f32 v38, v38;
	v39 =	vmul.f32 v39, v39  }
0x1dc: {  	v47 =	vld [tilespmem:s4+$0xFA70];
	v40 =	vmul.f32 v40, v40;
	v41 =	vmul.f32 v41, v41  }
0x1dd: {  	v48 =	vld [tilespmem:s4+$0xE100];
	v42 =	vmul.f32 v42, v42;
	v43 =	vmul.f32 v43, v43;
	v0 =	vadd.f32 v4, v0  }
0x1de: {  	v49 =	vld [tilespmem:s4+$0xE110];
	v44 =	vmul.f32 v44, v44;
	v1 =	vadd.f32 v5, v1;
	v2 =	vadd.f32 v6, v2  }
0x1df: {  	v50 =	vld [tilespmem:s4+$0xE120];
	v45 =	vmul.f32 v45, v45;
	v3 =	vadd.f32 v7, v3;
	v8 =	vadd.f32 v12, v8  }
0x1e0: {  	v51 =	vld [tilespmem:s4+$0xE130];
	v46 =	vmul.f32 v46, v46;
	v9 =	vadd.f32 v13, v9;
	v10 =	vadd.f32 v14, v10  }
0x1e1: {  	v52 =	vld [tilespmem:s4+$0xE140];
	v47 =	vmul.f32 v47, v47;
	v11 =	vadd.f32 v15, v11;
	v16 =	vadd.f32 v20, v16  }
0x1e2: {  	v53 =	vld [tilespmem:s4+$0xE150];
	v48 =	vmul.f32 v48, v48;
	v17 =	vadd.f32 v21, v17;
	v18 =	vadd.f32 v22, v18  }
0x1e3: {  	v54 =	vld [tilespmem:s4+$0xE160];
	v49 =	vmul.f32 v49, v49;
	v19 =	vadd.f32 v23, v19;
	v23 =	vadd.f32 v28, v24  }
0x1e4: {  	v55 =	vld [tilespmem:s4+$0xE170];
	v50 =	vmul.f32 v50, v50;
	v24 =	vadd.f32 v29, v25;
	v26 =	vadd.f32 v30, v26  }
0x1e5: {  	v5 =	vmul.f32 v51, v51;
	v27 =	vadd.f32 v31, v27;
	v29 =	vadd.f32 v36, v32  }
0x1e6: {  	v4 =	vld [tilespmem:s4+$0xC800];
	v7 =	vmul.f32 v52, v52;
	v30 =	vadd.f32 v37, v33;
	v31 =	vadd.f32 v38, v34  }
0x1e7: {  	v6 =	vld [tilespmem:s4+$0xC810];
	v13 =	vmul.f32 v53, v53;
	v58 =	vadd.f32 v39, v35;
	v59 =	vadd.f32 v44, v40  }
0x1e8: {  	v15 =	vmul.f32 v54, v54;
	v20 =	vld [tilespmem:s4+$0xC840];
	v60 =	vadd.f32 v45, v41;
	v40 =	vadd.f32 v46, v42  }
0x1e9: {  	v21 =	vmul.f32 v55, v55;
	v22 =	vld [tilespmem:s4+$0xC850];
	v41 =	vadd.f32 v47, v43;
	v42 =	vadd.f32 v7, v48  }
0x1ea: {  	v12 =	vld [tilespmem:s4+$0xC820];
	v13 =	vadd.f32 v13, v49;
	v15 =	vadd.f32 v15, v50  }
0x1eb: {  	v14 =	vld [tilespmem:s4+$0xC830];
	v21 =	vadd.f32 v21, v5;
	v0 =	vadd.f32 v2, v0  }
0x1ec: {  	v25 =	vld [tilespmem:s4+$0xC860];
	v1 =	vadd.f32 v3, v1;
	v3 =	vadd.f32 v10, v8  }
0x1ed: {  	v28 =	vld [tilespmem:s4+$0xC870];
	v11 =	vadd.f32 v11, v9;
	v4 =	vmul.f32 v4, v4;
	v6 =	vmul.f32 v6, v6  }
0x1ee: {  	v16 =	vadd.f32 v18, v16;
	v20 =	vmul.f32 v20, v20;
	v22 =	vmul.f32 v22, v22  }
0x1ef: {  	s0 =	simm.s32 $0x80;
	v17 =	vadd.f32 v19, v17;
	v18 =	vadd.f32 v26, v23  }
0x1f0: {  	v4 =	vadd.f32 v20, v4;
	v20 =	vadd.f32 v22, v6;
	v6 =	vld [tilespmem:s0+$0x17710]  }
0x1f1: {  	v19 =	vadd.f32 v27, v24;
	v12 =	vmul.f32 v12, v12;
	v14 =	vmul.f32 v14, v14  }
0x1f2: {  	v23 =	vadd.f32 v58, v30;
	v25 =	vmul.f32 v25, v25;
	v7 =	vmul.f32 v28, v28  }
0x1f3: {  	v43 =	vld [tilespmem:s0+$0x17720];
	v24 =	vadd.f32 v40, v59;
	v13 =	vadd.f32 v21, v13  }
0x1f4: {  	v5 =	vld [tilespmem:s0+$0x17700];
	v12 =	vadd.f32 v25, v12;
	v14 =	vadd.f32 v7, v14  }
0x1f5: {  	v8 =	vld [tilespmem:s0+$0x17730];
	v0 =	vadd.f32 v1, v0;
	v45 =	vadd.f32 v17, v16;
	v6 =	vmul.f32 v6, v6  }
0x1f6: {  	v9 =	vld [tilespmem:s0+$0x17740];
	v44 =	vadd.f32 v12, v4;
	v4 =	vadd.f32 v14, v20  }
0x1f7: {  	v10 =	vld [tilespmem:s0+$0x17750];
	v3 =	vadd.f32 v11, v3;
	v25 =	vadd.f32 v41, v60;
	[tilespmem:$0x1FFA0] =	vst v6  }
0x1f8: {  	v12 =	vadd.f32 v15, v42;
	v2 =	vadd.f32 v4, v44;
	v4 =	vld [tilespmem:s0+$0x17760]  }
0x1f9: {  	v17 =	vperm.xlane v0, v63;
	v22 =	vadd.f32 v31, v29;
	v15 =	vadd.f32 v25, v24;
	v14 =	vld [tilespmem:s0+$0x17770]  }
0x1fa: {  	v12 =	vadd.f32 v13, v12;
	v13 =	vadd.f32 v19, v18;
	v11 =	vperm.xlane v2, v63;
	v18 =	vld [tilespmem:s0+$0x15E00]  }
0x1fb: {  	v16 =	vperm.xlane v3, v63;
	v0 =	vadd.f32 v0, v17;
	v22 =	vadd.f32 v23, v22;
	v20 =	vld [tilespmem:s0+$0x15E10]  }
0x1fc: {  	v21 =	vperm.xlane v15, v63;
	v2 =	vadd.f32 v2, v11;
	v11 =	vperm.xlane v12, v63;
	v24 =	vld [tilespmem:s0+$0x15E20]  }
0x1fd: {  	v3 =	vadd.f32 v3, v16;
	v19 =	vperm.xlane v45, v63;
	v17 =	vperm.xlane v22, v63;
	v16 =	vld [tilespmem:s0+$0x15E40]  }
0x1fe: {  	v15 =	vadd.f32 v15, v21;
	v21 =	vld [tilespmem:s0+$0x15E50];
	v25 =	vperm.xlane v2, v62;
	v11 =	vadd.f32 v12, v11  }
0x1ff: {  	v23 =	vperm.xlane v13, v63;
	v17 =	vadd.f32 v22, v17;
	v26 =	vld [tilespmem:s0+$0x15E60]  }
0x200: {  	v1 =	vadd.f32 v45, v19;
	v28 =	vld [tilespmem:s0+$0x15E70];
	v2 =	vadd.f32 v2, v25;
	v19 =	vperm.xlane v11, v62  }
0x201: {  	v22 =	vperm.xlane v3, v62;
	v29 =	vperm.xlane v17, v62;
	v30 =	vld [tilespmem:s0+$0x14500]  }
0x202: {  	v46 =	vld [tilespmem:s0+$0x14510];
	v27 =	vperm.xlane v2, v57;
	v11 =	vadd.f32 v11, v19;
	v19 =	vperm.xlane v15, v62  }
0x203: {  	v13 =	vadd.f32 v13, v23;
	v23 =	vperm.xlane v1, v62;
	v47 =	vld [tilespmem:s0+$0x14530];
	v3 =	vadd.f32 v3, v22  }
0x204: {  	v22 =	vld [tilespmem:s0+$0x14540];
	v2 =	vadd.f32 v2, v27;
	v27 =	vperm.xlane v11, v57;
	v15 =	vadd.f32 v15, v19  }
0x205: {  	v58 =	vld [tilespmem:s0+$0x14570];
	v17 =	vadd.f32 v17, v29;
	v29 =	vperm.xlane v13, v62;
	v1 =	vadd.f32 v1, v23  }
0x206: {  	v59 =	vld [tilespmem:s0+$0x12C00];
	v31 =	vperm.xlane v2, v56;
	v11 =	vadd.f32 v11, v27;
	v27 =	vperm.xlane v15, v57  }
0x207: {  	v48 =	vld [tilespmem:s0+$0x12C10];
	v25 =	vperm.xlane v0, v62;
	v55 =	vperm.xlane v17, v57;
	v13 =	vadd.f32 v13, v29  }
0x208: {  	v49 =	vld [tilespmem:s0+$0x12C30];
	v2 =	vadd.f32 v2, v31;
	v29 =	vperm.xlane v11, v56;
	v15 =	vadd.f32 v15, v27  }
0x209: {  	v50 =	vld [tilespmem:s0+$0x12C50];
	v0 =	vadd.f32 v0, v25;
	v17 =	vadd.f32 v17, v55;
	v31 =	vperm.xlane v13, v57  }
0x20a: {  	v52 =	vld [tilespmem:s0+$0x11300];
	vm0 =	vgt.f32 v2, $-1.000000000e+00;
	v11 =	vadd.f32 v11, v29;
	v29 =	vperm.xlane v15, v56  }
0x20b: {  	v53 =	vld [tilespmem:s0+$0x11320];
	v13 =	vadd.f32 v13, v31;
	v31 =	vperm.xlane v1, v57;
	v2 =	vnsel vm0, $0xBF800000, v2  }
0x20c: {  	v54 =	vld [tilespmem:s0+$0x11350];
	vm0 =	vgt.f32 v11, v2;
	v15 =	vadd.f32 v15, v29;
	v29 =	vperm.xlane v17, v56  }
0x20d: {  	v12 =	vld [tilespmem:s0+$0x15E30];
	v1 =	vadd.f32 v1, v31;
	v2 =	vsel vm0, v11, v2;
	v11 =	vperm.xlane v3, v57  }
0x20e: {  	v23 =	vld [tilespmem:s0+$0x14560];
	vm1 =	vgt.f32 v15, v2;
	v17 =	vadd.f32 v17, v29;
	v29 =	vperm.xlane v13, v56  }
0x20f: {  	v25 =	vld [tilespmem:s0+$0x14520];
	v2 =	vsel vm1, v15, v2;
	v3 =	vadd.f32 v3, v11;
	v11 =	vperm.xlane v0, v57  }
0x210: {  	v27 =	vld [tilespmem:s0+$0x14550];
	vm2 =	vgt.f32 v17, v2;
	v13 =	vadd.f32 v13, v29;
	v29 =	vperm.xlane v1, v56  }
0x211: {  	v31 =	vld [tilespmem:s0+$0x12C20];
	v51 =	vsel vm0, $0x1, v61;
	v2 =	vsel vm2, v17, v2;
	v0 =	vadd.f32 v0, v11  }
0x212: {  	v15 =	vld [tilespmem:s0+$0x12C40];
	v17 =	vperm.xlane v3, v56;
	vm3 =	vgt.f32 v13, v2;
	v1 =	vadd.f32 v1, v29  }
0x213: {  	v40 =	vmul.f32 v14, v14;
	v38 =	vsel vm1, $0x2, v51;
	v11 =	vld [tilespmem:s0+$0x12C60];
	v2 =	vsel vm3, v13, v2  }
0x214: {  	v29 =	vld [tilespmem:s0+$0x12C70];
	v13 =	vperm.xlane v0, v56;
	v3 =	vadd.f32 v3, v17;
	vm13 =	vgt.f32 v1, v2  }
0x215: {  	v55 =	vmul.f32 v12, v12;
	v14 =	vsel vm2, $0x3, v38;
	v17 =	vld [tilespmem:s0+$0x11310];
	v1 =	vsel vm13, v1, v2  }
0x216: {  	v14 =	vsel vm3, $0x4, v14;
	v0 =	vadd.f32 v0, v13;
	v13 =	vld [tilespmem:s0+$0x11330];
	vm14 =	vgt.f32 v3, v1  }
0x217: {  	v14 =	vsel vm13, $0x5, v14;
	v1 =	vsel vm14, v3, v1;
	v3 =	vld [tilespmem:s0+$0x11340];
	[tilespmem:$0x1FFB0] =	vst v55  }
0x218: {  	v14 =	vsel vm14, $0x6, v14;
	vm15 =	vgt.f32 v0, v1;
	v56 =	vld [tilespmem:s0+$0xFA00]  }
0x219: {  	v5 =	vmul.f32 v5, v5;
	v7 =	vmul.f32 v43, v43;
	v41 =	vld [tilespmem:s0+$0xFA10];
	v12 =	vsel vm15, $0x7, v14  }
0x21a: {  	v8 =	vmul.f32 v8, v8;
	v42 =	vmul.f32 v25, v25;
	v25 =	vld [tilespmem:s0+$0xFA20];
	(v2sf) =	vpush v12, $0x0  }
0x21b: {  	v9 =	vmul.f32 v9, v9;
	v6 =	vmul.f32 v10, v10;
	v57 =	vld [tilespmem:s0+$0xFA30]  }
0x21c: {  	v4 =	vmul.f32 v4, v4;
	v33 =	vmul.f32 v58, v58;
	v58 =	vld [tilespmem:s0+$0xFA40]  }
0x21d: {  	v10 =	vmul.f32 v20, v20;
	v34 =	vmul.f32 v59, v59;
	v59 =	vld [tilespmem:s0+$0xFA50]  }
0x21e: {  	v16 =	vmul.f32 v16, v16;
	v20 =	vmul.f32 v46, v46;
	v60 =	vld [tilespmem:s0+$0xFA60]  }
0x21f: {  	v32 =	vmul.f32 v47, v47;
	v47 =	vmul.f32 v15, v15;
	v15 =	vld [tilespmem:s0+$0xFA70]  }
0x220: {  	v35 =	vmul.f32 v48, v48;
	v48 =	vmul.f32 v11, v11;
	v11 =	vld [tilespmem:s0+$0xE100]  }
0x221: {  	v46 =	vmul.f32 v49, v49;
	v49 =	vmul.f32 v17, v17;
	v17 =	vld [tilespmem:s0+$0xE110]  }
0x222: {  	v28 =	vmul.f32 v28, v28;
	v30 =	vmul.f32 v30, v30;
	v51 =	vld [tilespmem:s0+$0xE130]  }
0x223: {  	v22 =	vmul.f32 v22, v22;
	v37 =	vmul.f32 v50, v50;
	v38 =	vld [tilespmem:s0+$0xE150]  }
0x224: {  	v39 =	vmul.f32 v52, v52;
	v62 =	vmul.f32 v18, v18;
	v36 =	vld [tilespmem:s0+$0xC800]  }
0x225: {  	v18 =	vmul.f32 v23, v23;
	v19 =	vmul.f32 v26, v26;
	v2 =	vld [tilespmem:s0+$0xC810]  }
0x226: {  	v5 =	vadd.f32 v9, v5;
	v26 =	vmul.f32 v53, v53;
	v61 =	vmul.f32 v24, v24;
	v0 =	vld [tilespmem:$0x1FFA0]  }
0x227: {  	v8 =	vadd.f32 v40, v8;
	v27 =	vmul.f32 v27, v27;
	v24 =	vmul.f32 v54, v54;
	v40 =	vld [tilespmem:s0+$0xC820]  }
0x228: {  	v9 =	vadd.f32 v16, v62;
	v31 =	vmul.f32 v31, v31;
	v29 =	vmul.f32 v29, v29;
	v62 =	vld [tilespmem:s0+$0xC830]  }
0x229: {  	v7 =	vadd.f32 v4, v7;
	v1 =	vmul.f32 v21, v21;
	v14 =	vld [tilespmem:s0+$0x11360];
	v50 =	vmul.f32 v13, v13;
	s10 =	spop (v2sf)  }
0x22a: {  	v16 =	vadd.f32 v27, v20;
	v12 =	vld [tilespmem:s0+$0x11370];
	v23 =	vmul.f32 v3, v3;
	v54 =	vmul.f32 v56, v56;
	s7 =	smul.u32 $0x6400, s10  }
0x22b: {  	v20 =	vadd.f32 v37, v35;
	v13 =	vld [tilespmem:s0+$0xE120];
	v41 =	vmul.f32 v41, v41;
	v55 =	vmul.f32 v25, v25  }
0x22c: {  	v10 =	vadd.f32 v1, v10;
	v1 =	vld [tilespmem:s0+$0xC840];
	v43 =	vmul.f32 v57, v57;
	v44 =	vmul.f32 v58, v58;
	s7 =	sshra.s32 s7, $0x2  }
0x22d: {  	v21 =	vadd.f32 v48, v31;
	v45 =	vmul.f32 v59, v59;
	v56 =	vld [tilespmem:s0+$0xE170];
	v57 =	vmul.f32 v60, v60;
	s8 =	sadd.s32 $0xC800, s7  }
0x22e: {  	v24 =	vadd.f32 v24, v49;
	v58 =	vmul.f32 v15, v15;
	v59 =	vmul.f32 v11, v11;
	v4 =	vld [tilespmem:s8+$0x0]  }
0x22f: {  	v25 =	vld [tilespmem:s0+$0xE160];
	v60 =	vmul.f32 v17, v17;
	v6 =	vadd.f32 v6, v0;
	v3 =	vmul.f32 v38, v38  }
0x230: {  	v38 =	vld [tilespmem:$0x1FFB0];
	v17 =	vadd.f32 v18, v42;
	v18 =	vadd.f32 v33, v32;
	v33 =	vmul.f32 v36, v36  }
0x231: {  	v15 =	vadd.f32 v22, v30;
	v0 =	vld [tilespmem:s0+$0xC850];
	v36 =	vmul.f32 v2, v2;
	v37 =	vmul.f32 v40, v40  }
0x232: {  	v22 =	vadd.f32 v29, v46;
	v52 =	vmul.f32 v14, v14;
	v53 =	vmul.f32 v12, v12;
	v12 =	vld [tilespmem:s0+$0xE140]  }
0x233: {  	v14 =	vmul.f32 v51, v51;
	v23 =	vadd.f32 v23, v39;
	v30 =	vmul.f32 v56, v56;
	v56 =	vld [tilespmem:s0+$0xC860];
	[tilespmem:s4+$0x1A900] =	vst v4  }
0x234: {  	s11 =	smulhi.u32 $0x51EB851F, s31;
	v11 =	vmul.f32 v13, v13;
	v29 =	vadd.f32 v45, v41;
	v35 =	vadd.f32 v58, v43;
	v4 =	vld [tilespmem:s8+$0x10]  }
0x235: {  	v39 =	vmul.f32 v1, v1;
	v32 =	vadd.f32 v3, v60;
	v26 =	vadd.f32 v52, v26  }
0x236: {  	v27 =	vadd.f32 v53, v50;
	v13 =	vadd.f32 v28, v38;
	v25 =	vmul.f32 v25, v25;
	s7 =	sshrl.u32 s11, $0x6  }
0x237: {  	v41 =	vld [tilespmem:s0+$0xC870];
	v38 =	vmul.f32 v62, v62;
	v28 =	vadd.f32 v44, v54;
	v51 =	vmul.f32 v12, v12;
	s9 =	smul.u32 $0xC8, s7  }
0x238: {  	v40 =	vmul.f32 v0, v0;
	v12 =	vadd.f32 v19, v61;
	v19 =	vadd.f32 v47, v34;
	v62 =	vld [tilespmem:$0x1FFC0]  }
0x239: {  	v34 =	vadd.f32 v57, v55;
	v31 =	vadd.f32 v51, v59;
	v42 =	vmul.f32 v56, v56;
	s31 =	ssub.s32 s31, s9;
	s9 =	simm.s32 $0x400;
	v57 =	vld [tilespmem:$0x1FFD0];
	[tilespmem:s4+$0x1A910] =	vst v4  }
.LBB2_6:
0x23a: {  	v56 =	vadd.f32 v8, v6;
	v12 =	vadd.f32 v12, v9  }
0x23b: {  	s10 =	sshra.s32 s9, $0x2;
	v3 =	vld [tilespmem:s8+$0x20];
	v15 =	vadd.f32 v17, v15;
	v1 =	vadd.f32 v25, v11  }
0x23c: {  	v2 =	vadd.f32 v30, v14;
	v4 =	vld [tilespmem:s10+$0x17700];
	v11 =	vadd.f32 v39, v33  }
0x23d: {  	v14 =	vadd.f32 v40, v36;
	v25 =	vld [tilespmem:s10+$0x17710];
	v30 =	vadd.f32 v42, v37  }
0x23e: {  	v54 =	vld [tilespmem:s10+$0x17720];
	v55 =	vadd.f32 v7, v5;
	v13 =	vadd.f32 v13, v10  }
0x23f: {  	v8 =	vld [tilespmem:s10+$0x17730];
	v16 =	vadd.f32 v18, v16;
	v17 =	vadd.f32 v22, v20  }
0x240: {  	v9 =	vld [tilespmem:s10+$0x17740];
	v20 =	vadd.f32 v27, v24;
	v22 =	vadd.f32 v35, v29;
	v0 =	vmul.f32 v41, v41;
	[tilespmem:s4+$0x1A920] =	vst v3  }
0x241: {  	v1 =	vadd.f32 v1, v31;
	v2 =	vadd.f32 v2, v32;
	v10 =	vld [tilespmem:s8+$0x30]  }
0x242: {  	v44 =	vld [tilespmem:$0x1FFE0];
	v24 =	vadd.f32 v13, v12;
	v0 =	vadd.f32 v0, v38  }
0x243: {  	v3 =	vadd.f32 v21, v19;
	v19 =	vadd.f32 v26, v23;
	v5 =	vmul.f32 v4, v4;
	v4 =	vld [tilespmem:s10+$0x17750]  }
0x244: {  	v23 =	vadd.f32 v30, v11;
	v18 =	vld [tilespmem:s10+$0x17760];
	v0 =	vadd.f32 v0, v14  }
0x245: {  	v21 =	vadd.f32 v34, v28;
	v1 =	vadd.f32 v2, v1;
	v11 =	vld [tilespmem:s10+$0x15E00]  }
0x246: {  	v6 =	vmul.f32 v25, v25;
	v7 =	vmul.f32 v54, v54;
	v14 =	vld [tilespmem:s10+$0x17770];
	v0 =	vadd.f32 v0, v23;
	[tilespmem:s4+$0x1A930] =	vst v10  }
0x247: {  	v58 =	vadd.f32 v17, v3;
	v3 =	vadd.f32 v22, v21;
	v21 =	vperm.xlane v24, v63;
	v25 =	vld [tilespmem:s8+$0x40]  }
0x248: {  	v10 =	vmul.f32 v4, v4;
	v4 =	vadd.f32 v16, v15;
	v12 =	vld [tilespmem:s10+$0x15E10];
	v16 =	vperm.xlane v0, v63  }
0x249: {  	v26 =	vperm.xlane v1, v63;
	v29 =	vadd.f32 v20, v19;
	v23 =	vadd.f32 v56, v55;
	v13 =	vld [tilespmem:s10+$0x15E20]  }
0x24a: {  	v28 =	vperm.xlane v3, v63;
	v24 =	vadd.f32 v24, v21;
	v15 =	vld [tilespmem:s10+$0x15E30];
	v0 =	vadd.f32 v0, v16  }
0x24b: {  	v30 =	vperm.xlane v58, v63;
	v1 =	vadd.f32 v1, v26;
	v22 =	vperm.xlane v23, v63;
	v17 =	vld [tilespmem:s10+$0x15E50]  }
0x24c: {  	v3 =	vadd.f32 v3, v28;
	v28 =	vperm.xlane v24, v62;
	v16 =	vld [tilespmem:s10+$0x15E40];
	v20 =	vperm.xlane v0, v62;
	[tilespmem:s4+$0x1A940] =	vst v25  }
0x24d: {  	v27 =	vperm.xlane v4, v63;
	v26 =	vadd.f32 v23, v22;
	v22 =	vperm.xlane v29, v63;
	v25 =	vld [tilespmem:s8+$0x50]  }
0x24e: {  	v2 =	vadd.f32 v58, v30;
	v23 =	vperm.xlane v1, v62;
	v19 =	vld [tilespmem:s10+$0x15E60];
	v0 =	vadd.f32 v0, v20  }
0x24f: {  	v59 =	vperm.xlane v3, v62;
	v4 =	vadd.f32 v4, v27;
	v27 =	vadd.f32 v29, v22;
	v20 =	vld [tilespmem:s10+$0x15E70]  }
0x250: {  	v24 =	vadd.f32 v24, v28;
	v1 =	vadd.f32 v1, v23;
	v21 =	vld [tilespmem:s10+$0x14500];
	v31 =	vperm.xlane v0, v57  }
0x251: {  	v3 =	vadd.f32 v3, v59;
	v29 =	vperm.xlane v26, v62;
	v22 =	vld [tilespmem:s10+$0x14510];
	v60 =	vperm.xlane v27, v62  }
0x252: {  	v30 =	vperm.xlane v4, v62;
	v23 =	vld [tilespmem:s10+$0x14520];
	v0 =	vadd.f32 v0, v31;
	v31 =	vperm.xlane v1, v57;
	[tilespmem:s4+$0x1A950] =	vst v25  }
0x253: {  	v26 =	vadd.f32 v26, v29;
	v25 =	vadd.f32 v27, v60;
	v27 =	vperm.xlane v2, v62;
	v29 =	vld [tilespmem:s8+$0x60]  }
0x254: {  	v61 =	vld [tilespmem:s10+$0x14530];
	v45 =	vperm.xlane v0, v44;
	v1 =	vadd.f32 v1, v31;
	v31 =	vperm.xlane v3, v57  }
0x255: {  	v4 =	vadd.f32 v4, v30;
	v46 =	vld [tilespmem:s10+$0x14540];
	v47 =	vperm.xlane v25, v57;
	v2 =	vadd.f32 v2, v27  }
0x256: {  	v30 =	vld [tilespmem:s10+$0x14570];
	v0 =	vadd.f32 v0, v45;
	v28 =	vperm.xlane v1, v44;
	v3 =	vadd.f32 v3, v31  }
0x257: {  	v54 =	vimm.s32 $0x0;
	v27 =	vld [tilespmem:s10+$0x14550];
	v25 =	vadd.f32 v25, v47;
	v48 =	vperm.xlane v2, v57  }
0x258: {  	v31 =	vld [tilespmem:s10+$0x14560];
	vm0 =	vgt.f32 v0, $-1.000000000e+00;
	v1 =	vadd.f32 v1, v28;
	v28 =	vperm.xlane v3, v44;
	[tilespmem:s4+$0x1A960] =	vst v29  }
0x259: {  	v0 =	vnsel vm0, $0xBF800000, v0;
	v2 =	vadd.f32 v2, v48;
	v29 =	vperm.xlane v4, v57;
	v49 =	vld [tilespmem:s8+$0x70]  }
0x25a: {  	v50 =	vld [tilespmem:s10+$0x12C00];
	vm0 =	vgt.f32 v1, v0;
	v3 =	vadd.f32 v3, v28;
	v28 =	vperm.xlane v25, v44  }
0x25b: {  	v51 =	vld [tilespmem:s10+$0x12C10];
	v0 =	vsel vm0, v1, v0;
	v52 =	vadd.f32 v4, v29;
	v4 =	vperm.xlane v24, v57  }
0x25c: {  	v53 =	vld [tilespmem:s10+$0x12C30];
	vm1 =	vgt.f32 v3, v0;
	v25 =	vadd.f32 v25, v28;
	v28 =	vperm.xlane v2, v44  }
0x25d: {  	v29 =	vld [tilespmem:s10+$0x12C20];
	v0 =	vsel vm1, v3, v0;
	v3 =	vadd.f32 v24, v4;
	v4 =	vperm.xlane v26, v57  }
0x25e: {  	v24 =	vld [tilespmem:s10+$0x12C40];
	vm2 =	vgt.f32 v25, v0;
	v2 =	vadd.f32 v2, v28;
	v28 =	vperm.xlane v52, v44;
	[tilespmem:s4+$0x1A970] =	vst v49;
	s4 =	smov.u32 s0;
	s0 =	smov.u32 s10  }
0x25f: {  	v38 =	vsel vm0, $0x1, v54;
	v0 =	vsel vm2, v25, v0;
	v4 =	vadd.f32 v26, v4;
	v33 =	vld [tilespmem:s0+$0x12C50]  }
0x260: {  	v26 =	vperm.xlane v3, v44;
	v25 =	vld [tilespmem:s0+$0x12C60];
	vm3 =	vgt.f32 v2, v0;
	v1 =	vadd.f32 v52, v28  }
0x261: {  	v38 =	vsel vm1, $0x2, v38;
	v28 =	vld [tilespmem:s0+$0x12C70];
	v0 =	vsel vm3, v2, v0  }
0x262: {  	v56 =	vld [tilespmem:s0+$0x11300];
	v55 =	vperm.xlane v4, v44;
	v3 =	vadd.f32 v3, v26;
	vm13 =	vgt.f32 v1, v0  }
0x263: {  	v40 =	vmul.f32 v14, v14;
	v14 =	vsel vm2, $0x3, v38;
	v58 =	vld [tilespmem:s0+$0x11320];
	v0 =	vsel vm13, v1, v0  }
0x264: {  	v59 =	vld [tilespmem:s0+$0x11350];
	v14 =	vsel vm3, $0x4, v14;
	v2 =	vadd.f32 v4, v55;
	vm14 =	vgt.f32 v3, v0  }
0x265: {  	v38 =	vmul.f32 v11, v11;
	v60 =	vld [tilespmem:s0+$0xFA10];
	v11 =	vsel vm13, $0x5, v14;
	v0 =	vsel vm14, v3, v0  }
0x266: {  	v32 =	vmul.f32 v61, v61;
	v61 =	vld [tilespmem:s0+$0xFA20];
	v11 =	vsel vm14, $0x6, v11;
	vm15 =	vgt.f32 v2, v0  }
0x267: {  	v43 =	vld [tilespmem:s0+$0xFA30];
	v11 =	vsel vm15, $0x7, v11  }
0x268: {  	v8 =	vmul.f32 v8, v8;
	v45 =	vld [tilespmem:s0+$0xFA50];
	(v2sf) =	vpush v11, $0x0  }
0x269: {  	v9 =	vmul.f32 v9, v9;
	v34 =	vmul.f32 v46, v46;
	v46 =	vld [tilespmem:s0+$0xFA60]  }
0x26a: {  	v18 =	vmul.f32 v18, v18;
	v12 =	vmul.f32 v12, v12;
	v49 =	vld [tilespmem:s0+$0xE110]  }
0x26b: {  	v21 =	vmul.f32 v21, v21;
	v35 =	vmul.f32 v50, v50;
	v50 =	vld [tilespmem:s0+$0xE120]  }
0x26c: {  	v22 =	vmul.f32 v22, v22;
	v36 =	vmul.f32 v51, v51;
	v51 =	vld [tilespmem:s0+$0xE130]  }
0x26d: {  	v23 =	vmul.f32 v23, v23;
	v27 =	vmul.f32 v27, v27;
	v54 =	vld [tilespmem:s0+$0xE140]  }
0x26e: {  	v31 =	vmul.f32 v31, v31;
	v37 =	vmul.f32 v53, v53;
	v41 =	vld [tilespmem:s0+$0xE160]  }
0x26f: {  	v29 =	vmul.f32 v29, v29;
	v26 =	vld [tilespmem:s0+$0x11310];
	v44 =	vmul.f32 v30, v30  }
0x270: {  	v30 =	vld [tilespmem:s0+$0xFA40];
	v24 =	vmul.f32 v24, v24;
	v47 =	vmul.f32 v33, v33  }
0x271: {  	v4 =	vld [tilespmem:s0+$0x11330];
	v48 =	vmul.f32 v25, v25;
	v28 =	vmul.f32 v28, v28  }
0x272: {  	v14 =	vld [tilespmem:s0+$0x11360];
	v39 =	vmul.f32 v56, v56;
	v1 =	vmul.f32 v58, v58  }
0x273: {  	v3 =	vld [tilespmem:s0+$0x11340];
	v56 =	vmul.f32 v60, v60;
	v42 =	vmul.f32 v61, v61  }
0x274: {  	v5 =	vadd.f32 v9, v5;
	v33 =	vld [tilespmem:s0+$0xFA70];
	v43 =	vmul.f32 v43, v43;
	v45 =	vmul.f32 v45, v45  }
0x275: {  	v6 =	vadd.f32 v10, v6;
	v25 =	vld [tilespmem:s0+$0xE100];
	v2 =	vmul.f32 v13, v13;
	v13 =	vmul.f32 v15, v15  }
0x276: {  	v7 =	vadd.f32 v18, v7;
	v60 =	vld [tilespmem:s0+$0xC810];
	v15 =	vmul.f32 v16, v16;
	v16 =	vmul.f32 v17, v17  }
0x277: {  	v8 =	vadd.f32 v40, v8;
	v17 =	vmul.f32 v19, v19;
	v19 =	vmul.f32 v20, v20;
	v20 =	vld [tilespmem:s0+$0xFA00];
	s10 =	spop (v2sf)  }
0x278: {  	v61 =	vmovc v62;
	v62 =	vmov v57;
	v46 =	vmul.f32 v46, v46;
	v57 =	vmul.f32 v30, v30;
	v30 =	vld [tilespmem:s0+$0xE170];
	s8 =	smul.u32 $0x6400, s10  }
0x279: {  	v18 =	vadd.f32 v44, v32;
	v49 =	vmul.f32 v49, v49;
	v26 =	vmul.f32 v26, v26;
	v11 =	vld [tilespmem:s0+$0x11370]  }
0x27a: {  	s11 =	sadd.s32 $0xC800, s4;
	v0 =	vmul.f32 v59, v59;
	v4 =	vmul.f32 v4, v4;
	v9 =	vadd.f32 v15, v38;
	v38 =	vld [tilespmem:s0+$0xC830];
	s8 =	sshra.s32 s8, $0x2  }
0x27b: {  	v52 =	vmul.f32 v14, v14;
	v10 =	vadd.f32 v16, v12;
	v12 =	vadd.f32 v17, v2;
	v2 =	vld [tilespmem:s0+$0xC840];
	s8 =	sadd.s32 s8, s11  }
0x27c: {  	v14 =	vmul.f32 v51, v51;
	v13 =	vadd.f32 v19, v13;
	v15 =	vadd.f32 v34, v21;
	v40 =	vld [tilespmem:s8+$0x0]  }
0x27d: {  	v51 =	vmul.f32 v54, v54;
	v16 =	vadd.f32 v27, v22;
	v34 =	vld [tilespmem:s0+$0xC850];
	v17 =	vadd.f32 v31, v23  }
0x27e: {  	v19 =	vadd.f32 v24, v35;
	v21 =	vadd.f32 v48, v29;
	v58 =	vmul.f32 v33, v33;
	v33 =	vld [tilespmem:s0+$0xC800]  }
0x27f: {  	v22 =	vadd.f32 v28, v37;
	v3 =	vmul.f32 v3, v3;
	v55 =	vmul.f32 v20, v20;
	v20 =	vld [tilespmem:s0+$0xE150]  }
0x280: {  	v31 =	vld [tilespmem:s0+$0xC860];
	v24 =	vadd.f32 v0, v26;
	v59 =	vmul.f32 v25, v25;
	v25 =	vmul.f32 v41, v41  }
0x281: {  	v29 =	vadd.f32 v45, v56;
	v53 =	vmul.f32 v11, v11;
	v11 =	vmul.f32 v50, v50;
	v50 =	vld [tilespmem:s0+$0xC820];
	[tilespmem:s4+$0x1A900] =	vst v40  }
0x282: {  	p0 =	sne.s32 s9, $0x6200;
	v26 =	vadd.f32 v52, v1;
	v30 =	vmul.f32 v30, v30;
	v23 =	vadd.f32 v3, v39;
	v48 =	vld [tilespmem:s8+$0x10]  }
.Ltmp6:
0x283: {  	v35 =	vadd.f32 v58, v43;
	v38 =	vmul.f32 v38, v38;
	v39 =	vmul.f32 v2, v2;
	(pc) =	sbr.rel @p0 .LBB2_6-.Ltmp6, $4  }
0x284: {  	v28 =	vadd.f32 v57, v55;
	v33 =	vmul.f32 v33, v33;
	v54 =	vmul.f32 v20, v20  }
0x285: {  	v57 =	vmovc v62;
	v27 =	vadd.f32 v53, v4;
	v20 =	vadd.f32 v47, v36;
	v36 =	vmul.f32 v60, v60  }
0x286: {  	v62 =	vmovc v61;
	v37 =	vmul.f32 v50, v50;
	v32 =	vadd.f32 v54, v49;
	v40 =	vmul.f32 v34, v34  }
0x287: {  	s9 =	sadd.s32 $0x200, s9;
	v34 =	vadd.f32 v46, v42;
	v42 =	vmul.f32 v31, v31;
	v31 =	vadd.f32 v51, v59;
	v41 =	vld [tilespmem:s0+$0xC870];
	[tilespmem:s4+$0x1A910] =	vst v48  }
0x288: {  	v1 =	vadd.f32 v25, v11;
	v2 =	vadd.f32 v30, v14  }
0x289: {  	v3 =	vadd.f32 v39, v33;
	v4 =	vadd.f32 v40, v36  }
0x28a: {  	v5 =	vadd.f32 v7, v5;
	v6 =	vadd.f32 v8, v6  }
0x28b: {  	v52 =	vadd.f32 v12, v9;
	v53 =	vadd.f32 v13, v10  }
0x28c: {  	v54 =	vadd.f32 v17, v15;
	v55 =	vadd.f32 v18, v16  }
0x28d: {  	v56 =	vadd.f32 v21, v19;
	v58 =	vadd.f32 v22, v20;
	v0 =	vmul.f32 v41, v41  }
0x28e: {  	v59 =	vadd.f32 v26, v23;
	v60 =	vadd.f32 v27, v24  }
0x28f: {  	v51 =	vadd.f32 v42, v37;
	v0 =	vadd.f32 v0, v38  }
0x290: {  	v20 =	vadd.f32 v35, v29;
	v61 =	vadd.f32 v34, v28  }
0x291: {  	v3 =	vadd.f32 v51, v3;
	v0 =	vadd.f32 v0, v4  }
0x292: {  	v1 =	vadd.f32 v1, v31;
	v2 =	vadd.f32 v2, v32  }
0x293: {  	v21 =	vadd.f32 v6, v5;
	v0 =	vadd.f32 v0, v3  }
0x294: {  	v23 =	vadd.f32 v53, v52;
	v25 =	vadd.f32 v58, v56  }
0x295: {  	v30 =	vadd.f32 v60, v59;
	v1 =	vadd.f32 v2, v1;
	v24 =	vperm.xlane v0, v63  }
0x296: {  	v26 =	vadd.f32 v20, v61;
	v8 =	vperm.xlane v23, v63;
	v27 =	vperm.xlane v21, v63  }
0x297: {  	v13 =	vperm.xlane v25, v63;
	v28 =	vperm.xlane v1, v63;
	v0 =	vadd.f32 v0, v24  }
0x298: {  	v22 =	vadd.f32 v55, v54;
	v32 =	vperm.xlane v30, v63;
	v29 =	vperm.xlane v26, v63  }
0x299: {  	v5 =	vadd.f32 v23, v8;
	v1 =	vadd.f32 v1, v28;
	v31 =	vperm.xlane v0, v62  }
0x29a: {  	v10 =	vperm.xlane v22, v63;
	v6 =	vadd.f32 v30, v32;
	v2 =	vadd.f32 v25, v13  }
0x29b: {  	v7 =	vadd.f32 v26, v29;
	v33 =	vperm.xlane v1, v62;
	v0 =	vadd.f32 v0, v31  }
0x29c: {  	v56 =	vld [tilespmem:$0x1FFE0];
	v4 =	vadd.f32 v22, v10;
	v34 =	vperm.xlane v5, v62;
	v12 =	vperm.xlane v6, v62  }
0x29d: {  	v37 =	vperm.xlane v7, v62;
	v1 =	vadd.f32 v1, v33;
	v36 =	vperm.xlane v0, v57  }
0x29e: {  	v40 =	vperm.xlane v2, v62;
	v3 =	vadd.f32 v21, v27;
	v38 =	vperm.xlane v4, v62  }
0x29f: {  	v7 =	vadd.f32 v7, v37;
	v39 =	vperm.xlane v1, v57;
	v0 =	vadd.f32 v0, v36  }
0x2a0: {  	v6 =	vadd.f32 v6, v12;
	v2 =	vadd.f32 v2, v40;
	v35 =	vperm.xlane v3, v62  }
0x2a1: {  	v42 =	vperm.xlane v7, v57;
	v1 =	vadd.f32 v1, v39;
	v41 =	vperm.xlane v0, v56  }
0x2a2: {  	v5 =	vadd.f32 v5, v34;
	v12 =	vperm.xlane v6, v57;
	v44 =	vperm.xlane v2, v57  }
0x2a3: {  	v7 =	vadd.f32 v7, v42;
	v43 =	vperm.xlane v1, v56;
	v0 =	vadd.f32 v0, v41  }
0x2a4: {  	v4 =	vadd.f32 v4, v38;
	v49 =	vperm.xlane v5, v57;
	v6 =	vadd.f32 v6, v12  }
0x2a5: {  	v45 =	vperm.xlane v7, v56;
	v1 =	vadd.f32 v1, v43;
	vm0 =	vgt.f32 v0, $-1.000000000e+00  }
0x2a6: {  	v2 =	vadd.f32 v2, v44;
	v46 =	vperm.xlane v4, v57;
	v0 =	vnsel vm0, $0xBF800000, v0  }
0x2a7: {  	v47 =	vperm.xlane v6, v56;
	v7 =	vadd.f32 v7, v45;
	vm0 =	vgt.f32 v1, v0  }
0x2a8: {  	v3 =	vadd.f32 v3, v35;
	v48 =	vadd.f32 v4, v46;
	v0 =	vsel vm0, v1, v0  }
0x2a9: {  	v50 =	vperm.xlane v2, v56;
	v6 =	vadd.f32 v6, v47;
	vm1 =	vgt.f32 v7, v0  }
0x2aa: {  	v4 =	vadd.f32 v5, v49;
	v51 =	vperm.xlane v3, v57;
	v0 =	vsel vm1, v7, v0  }
0x2ab: {  	v2 =	vadd.f32 v2, v50;
	v52 =	vperm.xlane v48, v56;
	vm2 =	vgt.f32 v6, v0  }
0x2ac: {  	v54 =	vimm.s32 $0x0;
	v3 =	vadd.f32 v3, v51;
	v0 =	vsel vm2, v6, v0  }
0x2ad: {  	v53 =	vperm.xlane v4, v56;
	v1 =	vadd.f32 v48, v52;
	vm3 =	vgt.f32 v2, v0  }
0x2ae: {  	v55 =	vperm.xlane v3, v56;
	v6 =	vsel vm0, $0x1, v54;
	v0 =	vsel vm3, v2, v0  }
0x2af: {  	v4 =	vadd.f32 v4, v53;
	v6 =	vsel vm1, $0x2, v6;
	vm13 =	vgt.f32 v1, v0  }
0x2b0: {  	v58 =	vsel vm2, $0x3, v6;
	v0 =	vsel vm13, v1, v0  }
0x2b1: {  	v2 =	vadd.f32 v3, v55;
	v59 =	vsel vm3, $0x4, v58;
	vm14 =	vgt.f32 v4, v0  }
0x2b2: {  	v1 =	vsel vm13, $0x5, v59;
	v0 =	vsel vm14, v4, v0  }
0x2b3: {  	v1 =	vsel vm14, $0x6, v1;
	vm15 =	vgt.f32 v2, v0  }
0x2b4: {  	v0 =	vsel vm15, $0x7, v1  }
0x2b5: {  	(v2sf) =	vpush v0, $0x0;
	_ =	sdelay $0xe  }
0x2b6: {  	s9 =	spop (v2sf)  }
0x2b7: {  	s9 =	smul.u32 $0x6400, s9;
	_ =	sdelay $0x1  }
0x2b8: {  	s10 =	sadd.s32 $0xC800, s0;
	s9 =	sshra.s32 s9, $0x2  }
0x2b9: {  	s9 =	sadd.s32 s9, s10  }
0x2ba: {  	v60 =	vld [tilespmem:s9+$0x0];
	_ =	sdelay $0x4  }
0x2bb: {  	[tilespmem:s0+$0x1A900] =	vst v60  }
0x2bc: {  	v0 =	vld [tilespmem:s9+$0x10];
	_ =	sdelay $0x4  }
0x2bd: {  	v61 =	vld [tilespmem:s8+$0x20];
	[tilespmem:s0+$0x1A910] =	vst v0  }
0x2be: {  	v0 =	vld [tilespmem:s9+$0x20];
	_ =	sdelay $0x3  }
0x2bf: {  	[tilespmem:s4+$0x1A920] =	vst v61  }
0x2c0: {  	v1 =	vld [tilespmem:s8+$0x30];
	[tilespmem:s0+$0x1A920] =	vst v0  }
0x2c1: {  	v0 =	vld [tilespmem:s9+$0x30];
	_ =	sdelay $0x3  }
0x2c2: {  	[tilespmem:s4+$0x1A930] =	vst v1  }
0x2c3: {  	v1 =	vld [tilespmem:s8+$0x40];
	[tilespmem:s0+$0x1A930] =	vst v0  }
0x2c4: {  	v0 =	vld [tilespmem:s9+$0x40];
	_ =	sdelay $0x3  }
0x2c5: {  	[tilespmem:s4+$0x1A940] =	vst v1  }
0x2c6: {  	v1 =	vld [tilespmem:s8+$0x50];
	[tilespmem:s0+$0x1A940] =	vst v0  }
0x2c7: {  	v0 =	vld [tilespmem:s9+$0x50];
	_ =	sdelay $0x3  }
0x2c8: {  	[tilespmem:s4+$0x1A950] =	vst v1  }
0x2c9: {  	v1 =	vld [tilespmem:s8+$0x60];
	[tilespmem:s0+$0x1A950] =	vst v0  }
0x2ca: {  	v0 =	vld [tilespmem:s9+$0x60];
	_ =	sdelay $0x3  }
0x2cb: {  	[tilespmem:s4+$0x1A960] =	vst v1  }
0x2cc: {  	v1 =	vld [tilespmem:s8+$0x70];
	[tilespmem:s0+$0x1A960] =	vst v0  }
0x2cd: {  	s7 =	smul.u32 $0x138800, s7;
	v0 =	vld [tilespmem:s9+$0x70]  }
0x2ce: {  	s10 =	smul.u32 $0x1900, s31  }
.Ltmp7:
0x2cf: {  	_ = 	snop;
	(pc) =	sbr.rel .LBB2_8-.Ltmp7, $4  }
0x2d0: {  	s7 =	sadd.s32 s10, s7  }
0x2d1: {  	s11 =	sshrl.u32 s7, $0x3;
	[tilespmem:s4+$0x1A970] =	vst v1  }
0x2d2: {  	s31 =	sadd.s32 s3, s11;
	[tilespmem:s0+$0x1A970] =	vst v0  }
0x2d3: {  	v61 =	vimm.s32 $0x0;
	[hbm4b:s31+s5] =	stream.linear.scatter [tilespmem:s25], [sflag:$0x4], $0x1900, $0x38;
	[tilespmem:$0x1C200] =	vst v63  }
.LBB2_10:
0x2d4: {  	_ =	sfence.sel $0x180000  }
0x2d5: {  	[bflag:$0x0] =	sbarrier.arrive $0xFFFF  }
0x2d6: {  	_ =	strace $0x90000047  }
0x2d7: {  	s0 =	stileid.u32;
	[bflag:$0x2] =	sbarrier.arrive $0xFFFF  }
0x2d8: {  	p0 =	sne.s32 s0, $0x0;
	s0 =	rddreg [dreg:$0x2]  }
0x2d9: {  	s0 =	sadd.s32 @!p0 $0x100000, s0  }
0x2da: {  	[sflag:s0] =	ssyncadd.tile.s32 @!p0 $0x1;
	_ =	shalt  }
.Lfunc_end2:
_tile_overlayer_lowered:
.L_overlay_start_2:
0x2db: {  	(tag) =	ssettag $0x2  }
0x2dc: {  	s0 =	rddreg [dreg:$0x0];
	s2 =	stileid.u32  }
0x2dd: {  	s1 =	rddreg [dreg:$0x1];
	p0 =	sne.s32 s2, $0x0  }
0x2de: {  	s3 =	rddreg [dreg:$0x2];
	[bflag:$0x3] =	sbarrier.arrive $0xFFFF;
	s2 =	simm.s32 @!p0 $0x1C05  }
0x2df: {  	[timem:s3], [sflag:s2] =	dma.local @!p0 [hbm:s0], s1  }
0x2e0: {  	s0 =	simm.s32 @!p0 $0x5  }
0x2e1: {  	_ =	swait.ge @!p0 [sflag:s0], s1  }
0x2e2: {  	s1 =	ssub.s32 @!p0 $0x0, s1;
	[sflag:s0] =	ssyncset.done @!p0 $0x0  }
0x2e3: {  	[sflag:s0] =	ssyncadd.s32 @!p0 s1  }
0x2e4: {  	[bflag:$0x3] =	sbarrier.arrive $0xFFFF  }
0x2e5: {  	_ =	shalt  }

</sc_bundles>
